<compile_context>
chip_gen: v7x
topology: tpu7x:2x2x1
jax: 0.10.2.dev20260603
libtpu: 0.0.44.dev20260713+nightly
codegen_flags: <defaults>
</compile_context>

<pallas_src>
import functools

import jax
import jax.numpy as jnp
from jax import lax
from jax.experimental import pallas as pl
from jax.experimental.pallas import tpu as pltpu
from jax.experimental.pallas import tpu_sc as plsc

_LAYERS = 32
_HID = 2048
_TOK = 32768
_LANES = 16
_NW = 32
_TPW = _TOK // _NW
_CHUNK = 8
_NBUF = 3
_NCH = _TPW // _CHUNK


def _sc_body(z_hbm, ids_hbm, delta_hbm, out_hbm, delta_v, ids_v, zbuf,
             sem_in, sem_out):
    cid = lax.axis_index("c")
    sid = lax.axis_index("s")
    wid = sid * 2 + cid
    base = wid * _TPW

    pltpu.sync_copy(delta_hbm, delta_v)
    pltpu.sync_copy(ids_hbm.at[pl.ds(base, _TPW)], ids_v.at[pl.ds(0, _TPW)])

    def start_in(c, b):
        pltpu.async_copy(
            z_hbm.at[pl.ds(base + c * _CHUNK, _CHUNK)], zbuf.at[b],
            sem_in.at[b])

    def wait_in(c, b):
        pltpu.make_async_copy(
            z_hbm.at[pl.ds(base + c * _CHUNK, _CHUNK)], zbuf.at[b],
            sem_in.at[b]).wait()

    def start_out(c, b):
        pltpu.async_copy(
            zbuf.at[b], out_hbm.at[pl.ds(base + c * _CHUNK, _CHUNK)],
            sem_out.at[b])

    def wait_out(c, b):
        pltpu.make_async_copy(
            zbuf.at[b], out_hbm.at[pl.ds(base + c * _CHUNK, _CHUNK)],
            sem_out.at[b]).wait()

    def compute(c, b):
        ids16 = ids_v[pl.ds(c * _CHUNK, _LANES)]
        offs = [ids16[t] * _HID for t in range(_CHUNK)]

        @plsc.parallel_loop(0, _HID, step=_LANES, unroll=8)
        def jbody(col):
            for t in range(_CHUNK):
                dv = delta_v[pl.ds(offs[t] + col, _LANES)]
                plsc.addupdate(zbuf.at[b, t, pl.ds(col, _LANES)], dv)

    def step(c, s, do_wait_out=True, do_start_in=True):
        s1 = (s + 1) % _NBUF
        if do_wait_out:
            wait_out(c - 2, s1)
        if do_start_in:
            start_in(c + 1, s1)
        wait_in(c, s)
        compute(c, s)
        start_out(c, s)

    start_in(0, 0)
    step(0, 0, do_wait_out=False)
    step(1, 1, do_wait_out=False)

    def group(g, carry):
        for b in range(_NBUF):
            c = 2 + g * _NBUF + b
            step(c, (2 + b) % _NBUF)
        return carry

    lax.fori_loop(0, (_NCH - 5) // _NBUF, group, 0)

    step(_NCH - 3, (_NCH - 3) % _NBUF)
    step(_NCH - 2, (_NCH - 2) % _NBUF)
    step(_NCH - 1, (_NCH - 1) % _NBUF, do_start_in=False)
    wait_out(_NCH - 2, (_NCH - 2) % _NBUF)
    wait_out(_NCH - 1, (_NCH - 1) % _NBUF)


@jax.jit
def kernel(z, layer_ids, delta):
    run = functools.partial(
        pl.kernel,
        out_type=jax.ShapeDtypeStruct((_TOK, _HID), jnp.float32),
        mesh=plsc.VectorSubcoreMesh(core_axis_name="c", subcore_axis_name="s"),
        compiler_params=pltpu.CompilerParams(needs_layout_passes=False),
        scratch_types=[
            pltpu.VMEM((_LAYERS * _HID,), jnp.float32),
            pltpu.VMEM((_TPW + _LANES,), jnp.int32),
            pltpu.VMEM((_NBUF, _CHUNK, _HID), jnp.float32),
            pltpu.SemaphoreType.DMA((_NBUF,)),
            pltpu.SemaphoreType.DMA((_NBUF,)),
        ],
    )(_sc_body)
    return run(z, layer_ids.astype(jnp.int32), delta.reshape(-1))

# --- scband reference (transcript-rebuilt; emitter-appended) ---
"""Pipeline reference for scband-layerwise-mean-delta-uplift-65773129171673 (READ-ONLY COPY).

The authoritative reference and input builder live on the scoring server;
editing this copy changes nothing except your own understanding.
"""

import jax, jax.numpy as jnp
import numpy as np

NUM_LAYERS = 32
HIDDEN_DIM = 2048
N_TOKENS = 32768


def setup_inputs(seed: int = 0) -> dict:
    key = jax.random.key(seed)
    k1, k2, k3 = jax.random.split(key, 3)
    z = jax.random.normal(k1, (N_TOKENS, HIDDEN_DIM), dtype=jnp.float32)
    layer_ids = jax.random.randint(k2, (N_TOKENS,), 0, NUM_LAYERS, dtype=jnp.int64 if jax.config.jax_enable_x64 else jnp.int32)
    delta = 0.02 * jax.random.normal(k3, (NUM_LAYERS, HIDDEN_DIM), dtype=jnp.float32)
    return {"z": z, "layer_ids": layer_ids, "delta": delta}


def reference(z, layer_ids, delta):
    # z_hat = z + delta[layer_ids]  (per-layer additive baseline)
    return z + jnp.take(delta, layer_ids, axis=0)

if __name__ == "__main__":
    import jax
    _d = setup_inputs()
    print(jax.jit(kernel)(*tuple(_d.values())))

</pallas_src>

<mosaic_0001>
#map = affine_map<(d0, d1) -> (0, 0)>
#map1 = affine_map<(d0, d1) -> (0)>
module attributes {stable_mosaic.version = 14 : i64} {
  func.func @_sc_body(%arg0: i32, %arg1: i32, %arg2: memref<32768x2048xf32, #tpu.memory_space<hbm>>, %arg3: memref<32768xi32, #tpu.memory_space<hbm>>, %arg4: memref<65536xf32, #tpu.memory_space<hbm>>, %arg5: memref<32768x2048xf32, #tpu.memory_space<hbm>>, %arg6: memref<65536xf32, #tpu.memory_space<vmem>>, %arg7: memref<1040xi32, #tpu.memory_space<vmem>>, %arg8: memref<3x8x2048xf32, #tpu.memory_space<vmem>>, %arg9: memref<3x!tpu.dma_semaphore, #tpu.memory_space<semaphore_mem>>, %arg10: memref<3x!tpu.dma_semaphore, #tpu.memory_space<semaphore_mem>>) attributes {dimension_semantics = [#tpu.dimension_semantics<core_parallel>, #tpu.dimension_semantics<subcore_parallel>], iteration_bounds = array<i64: 2, 16>, scalar_prefetch = 0 : i64, scratch_operands = 5 : i64, tpu.core_type = #tpu.core_type<sc_vector_subcore>, window_params = [{transform_indices = #map}, {transform_indices = #map1}, {transform_indices = #map1}, {transform_indices = #map}]} {
    %mul3A = arith.constant 2 : i32
    %mul3A_0 = arith.muli %arg1, %mul3A : i32
    %add3A = arith.addi %mul3A_0, %arg0 : i32
    %mul3A_1 = arith.constant 1024 : i32
    %mul3A_2 = arith.muli %add3A, %mul3A_1 : i32
    "tpu.region"() ({
      %run_scoped3A = tpu.sem_alloc : memref<!tpu.dma_semaphore, #tpu.memory_space<semaphore_mem>>
      tpu.enqueue_dma source(%arg4 : memref<65536xf32, #tpu.memory_space<hbm>>) target(%arg6 : memref<65536xf32, #tpu.memory_space<vmem>>) target_semaphore(%run_scoped3A : memref<!tpu.dma_semaphore, #tpu.memory_space<semaphore_mem>>)
      tpu.wait_dma2 semaphore(%run_scoped3A : memref<!tpu.dma_semaphore, #tpu.memory_space<semaphore_mem>>) src(%arg4 : memref<65536xf32, #tpu.memory_space<hbm>>) dst(%arg6 : memref<65536xf32, #tpu.memory_space<vmem>>)
      tpu.yield
    }) : () -> ()
    "tpu.region"() ({
      %run_scoped3A = tpu.sem_alloc : memref<!tpu.dma_semaphore, #tpu.memory_space<semaphore_mem>>
      %dma_start3A_547 = arith.constant 0 : i32
      %dma_start3A_548 = tpu.memref_slice %arg7[%dma_start3A_547] : memref<1040xi32, #tpu.memory_space<vmem>> -> memref<1024xi32, #tpu.memory_space<vmem>>
      %dma_start3A_549 = tpu.memref_slice %arg3[%mul3A_2] : memref<32768xi32, #tpu.memory_space<hbm>> -> memref<1024xi32, #tpu.memory_space<hbm>>
      %dma_start3A_550 = arith.constant 0 : i32
      %dma_start3A_551 = tpu.memref_slice %arg7[%dma_start3A_550] : memref<1040xi32, #tpu.memory_space<vmem>> -> memref<1024xi32, #tpu.memory_space<vmem>>
      %dma_start3A_552 = tpu.memref_slice %arg3[%mul3A_2] : memref<32768xi32, #tpu.memory_space<hbm>> -> memref<1024xi32, #tpu.memory_space<hbm>>
      tpu.enqueue_dma source(%dma_start3A_552 : memref<1024xi32, #tpu.memory_space<hbm>>) target(%dma_start3A_551 : memref<1024xi32, #tpu.memory_space<vmem>>) target_semaphore(%run_scoped3A : memref<!tpu.dma_semaphore, #tpu.memory_space<semaphore_mem>>)
      %dma_wait3A_553 = arith.constant 0 : i32
      %dma_wait3A_554 = tpu.memref_slice %arg7[%dma_wait3A_553] : memref<1040xi32, #tpu.memory_space<vmem>> -> memref<1024xi32, #tpu.memory_space<vmem>>
      %dma_wait3A_555 = tpu.memref_slice %arg3[%mul3A_2] : memref<32768xi32, #tpu.memory_space<hbm>> -> memref<1024xi32, #tpu.memory_space<hbm>>
      %dma_wait3A_556 = arith.constant 0 : i32
      %dma_wait3A_557 = tpu.memref_slice %arg7[%dma_wait3A_556] : memref<1040xi32, #tpu.memory_space<vmem>> -> memref<1024xi32, #tpu.memory_space<vmem>>
      %dma_wait3A_558 = tpu.memref_slice %arg3[%mul3A_2] : memref<32768xi32, #tpu.memory_space<hbm>> -> memref<1024xi32, #tpu.memory_space<hbm>>
      tpu.wait_dma2 semaphore(%run_scoped3A : memref<!tpu.dma_semaphore, #tpu.memory_space<semaphore_mem>>) src(%dma_wait3A_558 : memref<1024xi32, #tpu.memory_space<hbm>>) dst(%dma_wait3A_557 : memref<1024xi32, #tpu.memory_space<vmem>>)
      tpu.yield
    }) : () -> ()
    %add3A_3 = arith.constant 0 : i32
    %add3A_4 = arith.addi %mul3A_2, %add3A_3 : i32
    %dma_start3A = arith.constant 0 : i32
    %dma_start3A_5 = arith.constant 0 : i32
    %dma_start3A_6 = arith.constant 0 : i32
    %dma_start3A_7 = arith.constant 0 : i32
    %dma_start3A_8 = tpu.memref_slice %arg8[%dma_start3A, %dma_start3A_6, %dma_start3A_7] : memref<3x8x2048xf32, #tpu.memory_space<vmem>> -> memref<1x8x2048xf32, #tpu.memory_space<vmem>>
    %dma_start3A_9 = tpu.memref_squeeze %dma_start3A_8 : memref<1x8x2048xf32, #tpu.memory_space<vmem>> -> memref<8x2048xf32, #tpu.memory_space<vmem>>
    %dma_start3A_10 = arith.constant 0 : i32
    %dma_start3A_11 = tpu.memref_slice %arg2[%add3A_4, %dma_start3A_10] : memref<32768x2048xf32, #tpu.memory_space<hbm>> -> memref<8x2048xf32, #tpu.memory_space<hbm>>
    %dma_start3A_12 = tpu.memref_slice %arg9[%dma_start3A_5] : memref<3x!tpu.dma_semaphore, #tpu.memory_space<semaphore_mem>> -> memref<1x!tpu.dma_semaphore, #tpu.memory_space<semaphore_mem>>
    %dma_start3A_13 = tpu.memref_squeeze %dma_start3A_12 : memref<1x!tpu.dma_semaphore, #tpu.memory_space<semaphore_mem>> -> memref<!tpu.dma_semaphore, #tpu.memory_space<semaphore_mem>>
    %dma_start3A_14 = arith.constant 0 : i32
    %dma_start3A_15 = arith.constant 0 : i32
    %dma_start3A_16 = tpu.memref_slice %arg8[%dma_start3A, %dma_start3A_14, %dma_start3A_15] : memref<3x8x2048xf32, #tpu.memory_space<vmem>> -> memref<1x8x2048xf32, #tpu.memory_space<vmem>>
    %dma_start3A_17 = tpu.memref_squeeze %dma_start3A_16 : memref<1x8x2048xf32, #tpu.memory_space<vmem>> -> memref<8x2048xf32, #tpu.memory_space<vmem>>
    %dma_start3A_18 = arith.constant 0 : i32
    %dma_start3A_19 = tpu.memref_slice %arg2[%add3A_4, %dma_start3A_18] : memref<32768x2048xf32, #tpu.memory_space<hbm>> -> memref<8x2048xf32, #tpu.memory_space<hbm>>
    tpu.enqueue_dma source(%dma_start3A_19 : memref<8x2048xf32, #tpu.memory_space<hbm>>) target(%dma_start3A_17 : memref<8x2048xf32, #tpu.memory_space<vmem>>) target_semaphore(%dma_start3A_13 : memref<!tpu.dma_semaphore, #tpu.memory_space<semaphore_mem>>)
    %add3A_20 = arith.constant 8 : i32
    %add3A_21 = arith.addi %mul3A_2, %add3A_20 : i32
    %dma_start3A_22 = arith.constant 1 : i32
    %dma_start3A_23 = arith.constant 1 : i32
    %dma_start3A_24 = arith.constant 0 : i32
    %dma_start3A_25 = arith.constant 0 : i32
    %dma_start3A_26 = tpu.memref_slice %arg8[%dma_start3A_22, %dma_start3A_24, %dma_start3A_25] : memref<3x8x2048xf32, #tpu.memory_space<vmem>> -> memref<1x8x2048xf32, #tpu.memory_space<vmem>>
    %dma_start3A_27 = tpu.memref_squeeze %dma_start3A_26 : memref<1x8x2048xf32, #tpu.memory_space<vmem>> -> memref<8x2048xf32, #tpu.memory_space<vmem>>
    %dma_start3A_28 = arith.constant 0 : i32
    %dma_start3A_29 = tpu.memref_slice %arg2[%add3A_21, %dma_start3A_28] : memref<32768x2048xf32, #tpu.memory_space<hbm>> -> memref<8x2048xf32, #tpu.memory_space<hbm>>
    %dma_start3A_30 = tpu.memref_slice %arg9[%dma_start3A_23] : memref<3x!tpu.dma_semaphore, #tpu.memory_space<semaphore_mem>> -> memref<1x!tpu.dma_semaphore, #tpu.memory_space<semaphore_mem>>
    %dma_start3A_31 = tpu.memref_squeeze %dma_start3A_30 : memref<1x!tpu.dma_semaphore, #tpu.memory_space<semaphore_mem>> -> memref<!tpu.dma_semaphore, #tpu.memory_space<semaphore_mem>>
    %dma_start3A_32 = arith.constant 0 : i32
    %dma_start3A_33 = arith.constant 0 : i32
    %dma_start3A_34 = tpu.memref_slice %arg8[%dma_start3A_22, %dma_start3A_32, %dma_start3A_33] : memref<3x8x2048xf32, #tpu.memory_space<vmem>> -> memref<1x8x2048xf32, #tpu.memory_space<vmem>>
    %dma_start3A_35 = tpu.memref_squeeze %dma_start3A_34 : memref<1x8x2048xf32, #tpu.memory_space<vmem>> -> memref<8x2048xf32, #tpu.memory_space<vmem>>
    %dma_start3A_36 = arith.constant 0 : i32
    %dma_start3A_37 = tpu.memref_slice %arg2[%add3A_21, %dma_start3A_36] : memref<32768x2048xf32, #tpu.memory_space<hbm>> -> memref<8x2048xf32, #tpu.memory_space<hbm>>
    tpu.enqueue_dma source(%dma_start3A_37 : memref<8x2048xf32, #tpu.memory_space<hbm>>) target(%dma_start3A_35 : memref<8x2048xf32, #tpu.memory_space<vmem>>) target_semaphore(%dma_start3A_31 : memref<!tpu.dma_semaphore, #tpu.memory_space<semaphore_mem>>)
    %add3A_38 = arith.constant 0 : i32
    %add3A_39 = arith.addi %mul3A_2, %add3A_38 : i32
    %dma_wait3A = arith.constant 0 : i32
    %dma_wait3A_40 = arith.constant 0 : i32
    %dma_wait3A_41 = arith.constant 0 : i32
    %dma_wait3A_42 = arith.constant 0 : i32
    %dma_wait3A_43 = tpu.memref_slice %arg8[%dma_wait3A, %dma_wait3A_41, %dma_wait3A_42] : memref<3x8x2048xf32, #tpu.memory_space<vmem>> -> memref<1x8x2048xf32, #tpu.memory_space<vmem>>
    %dma_wait3A_44 = tpu.memref_squeeze %dma_wait3A_43 : memref<1x8x2048xf32, #tpu.memory_space<vmem>> -> memref<8x2048xf32, #tpu.memory_space<vmem>>
    %dma_wait3A_45 = arith.constant 0 : i32
    %dma_wait3A_46 = tpu.memref_slice %arg2[%add3A_39, %dma_wait3A_45] : memref<32768x2048xf32, #tpu.memory_space<hbm>> -> memref<8x2048xf32, #tpu.memory_space<hbm>>
    %dma_wait3A_47 = tpu.memref_slice %arg9[%dma_wait3A_40] : memref<3x!tpu.dma_semaphore, #tpu.memory_space<semaphore_mem>> -> memref<1x!tpu.dma_semaphore, #tpu.memory_space<semaphore_mem>>
    %dma_wait3A_48 = tpu.memref_squeeze %dma_wait3A_47 : memref<1x!tpu.dma_semaphore, #tpu.memory_space<semaphore_mem>> -> memref<!tpu.dma_semaphore, #tpu.memory_space<semaphore_mem>>
    %dma_wait3A_49 = arith.constant 0 : i32
    %dma_wait3A_50 = arith.constant 0 : i32
    %dma_wait3A_51 = tpu.memref_slice %arg8[%dma_wait3A, %dma_wait3A_49, %dma_wait3A_50] : memref<3x8x2048xf32, #tpu.memory_space<vmem>> -> memref<1x8x2048xf32, #tpu.memory_space<vmem>>
    %dma_wait3A_52 = tpu.memref_squeeze %dma_wait3A_51 : memref<1x8x2048xf32, #tpu.memory_space<vmem>> -> memref<8x2048xf32, #tpu.memory_space<vmem>>
    %dma_wait3A_53 = arith.constant 0 : i32
    %dma_wait3A_54 = tpu.memref_slice %arg2[%add3A_39, %dma_wait3A_53] : memref<32768x2048xf32, #tpu.memory_space<hbm>> -> memref<8x2048xf32, #tpu.memory_space<hbm>>
    tpu.wait_dma2 semaphore(%dma_wait3A_48 : memref<!tpu.dma_semaphore, #tpu.memory_space<semaphore_mem>>) src(%dma_wait3A_54 : memref<8x2048xf32, #tpu.memory_space<hbm>>) dst(%dma_wait3A_52 : memref<8x2048xf32, #tpu.memory_space<vmem>>)
    %get3A = arith.constant 0 : index
    %get3A_55 = tpu.vector_load %arg7[%get3A] {strides = array<i32>} : memref<1040xi32, #tpu.memory_space<vmem>>, vector<16xi32>,
    %slice3A = vector.extract_strided_slice %get3A_55 {offsets = [0], sizes = [1], strides = [1]} : vector<16xi32> to vector<1xi32>
    %squeeze3A = vector.extract %slice3A[0] : i32 from vector<1xi32>
    %mul3A_56 = arith.constant 2048 : i32
    %mul3A_57 = arith.muli %squeeze3A, %mul3A_56 : i32
    %slice3A_58 = vector.extract_strided_slice %get3A_55 {offsets = [1], sizes = [1], strides = [1]} : vector<16xi32> to vector<1xi32>
    %squeeze3A_59 = vector.extract %slice3A_58[0] : i32 from vector<1xi32>
    %mul3A_60 = arith.constant 2048 : i32
    %mul3A_61 = arith.muli %squeeze3A_59, %mul3A_60 : i32
    %slice3A_62 = vector.extract_strided_slice %get3A_55 {offsets = [2], sizes = [1], strides = [1]} : vector<16xi32> to vector<1xi32>
    %squeeze3A_63 = vector.extract %slice3A_62[0] : i32 from vector<1xi32>
    %mul3A_64 = arith.constant 2048 : i32
    %mul3A_65 = arith.muli %squeeze3A_63, %mul3A_64 : i32
    %slice3A_66 = vector.extract_strided_slice %get3A_55 {offsets = [3], sizes = [1], strides = [1]} : vector<16xi32> to vector<1xi32>
    %squeeze3A_67 = vector.extract %slice3A_66[0] : i32 from vector<1xi32>
    %mul3A_68 = arith.constant 2048 : i32
    %mul3A_69 = arith.muli %squeeze3A_67, %mul3A_68 : i32
    %slice3A_70 = vector.extract_strided_slice %get3A_55 {offsets = [4], sizes = [1], strides = [1]} : vector<16xi32> to vector<1xi32>
    %squeeze3A_71 = vector.extract %slice3A_70[0] : i32 from vector<1xi32>
    %mul3A_72 = arith.constant 2048 : i32
    %mul3A_73 = arith.muli %squeeze3A_71, %mul3A_72 : i32
    %slice3A_74 = vector.extract_strided_slice %get3A_55 {offsets = [5], sizes = [1], strides = [1]} : vector<16xi32> to vector<1xi32>
    %squeeze3A_75 = vector.extract %slice3A_74[0] : i32 from vector<1xi32>
    %mul3A_76 = arith.constant 2048 : i32
    %mul3A_77 = arith.muli %squeeze3A_75, %mul3A_76 : i32
    %slice3A_78 = vector.extract_strided_slice %get3A_55 {offsets = [6], sizes = [1], strides = [1]} : vector<16xi32> to vector<1xi32>
    %squeeze3A_79 = vector.extract %slice3A_78[0] : i32 from vector<1xi32>
    %mul3A_80 = arith.constant 2048 : i32
    %mul3A_81 = arith.muli %squeeze3A_79, %mul3A_80 : i32
    %slice3A_82 = vector.extract_strided_slice %get3A_55 {offsets = [7], sizes = [1], strides = [1]} : vector<16xi32> to vector<1xi32>
    %squeeze3A_83 = vector.extract %slice3A_82[0] : i32 from vector<1xi32>
    %mul3A_84 = arith.constant 2048 : i32
    %mul3A_85 = arith.muli %squeeze3A_83, %mul3A_84 : i32
    %parallel_loop3A = arith.constant 0 : i32
    %parallel_loop3A_86 = arith.constant 2048 : i32
    %parallel_loop3A_87 = arith.constant 16 : i32
    scf.for %parallel_loop3A_547 = %parallel_loop3A to %parallel_loop3A_86 step %parallel_loop3A_87  : i32 {
      %parallel_loop3A_548 = arith.addi %mul3A_57, %parallel_loop3A_547 : i32
      %parallel_loop3A_549 = arith.index_cast %parallel_loop3A_548 : i32 to index
      %parallel_loop3A_550 = tpu.vector_load %arg6[%parallel_loop3A_549] {strides = array<i32>} : memref<65536xf32, #tpu.memory_space<vmem>>, vector<16xf32>,
      %parallel_loop3A_551 = arith.constant 0 : i32
      %parallel_loop3A_552 = arith.constant 0 : i32
      %parallel_loop3A_553 = arith.index_cast %parallel_loop3A_551 : i32 to index
      %parallel_loop3A_554 = arith.index_cast %parallel_loop3A_552 : i32 to index
      %parallel_loop3A_555 = arith.index_cast %parallel_loop3A_547 : i32 to index
      %parallel_loop3A_556 = tpu.vector_load %arg8[%parallel_loop3A_553, %parallel_loop3A_554, %parallel_loop3A_555] {strides = array<i32>} : memref<3x8x2048xf32, #tpu.memory_space<vmem>>, vector<16xf32>,
      tpu.vector_store %arg8[%parallel_loop3A_553, %parallel_loop3A_554, %parallel_loop3A_555], %parallel_loop3A_550 {add = true, strides = array<i32>} : memref<3x8x2048xf32, #tpu.memory_space<vmem>>, vector<16xf32>,
      %parallel_loop3A_557 = arith.addi %mul3A_61, %parallel_loop3A_547 : i32
      %parallel_loop3A_558 = arith.index_cast %parallel_loop3A_557 : i32 to index
      %parallel_loop3A_559 = tpu.vector_load %arg6[%parallel_loop3A_558] {strides = array<i32>} : memref<65536xf32, #tpu.memory_space<vmem>>, vector<16xf32>,
      %parallel_loop3A_560 = arith.constant 0 : i32
      %parallel_loop3A_561 = arith.constant 1 : i32
      %parallel_loop3A_562 = arith.index_cast %parallel_loop3A_560 : i32 to index
      %parallel_loop3A_563 = arith.index_cast %parallel_loop3A_561 : i32 to index
      %parallel_loop3A_564 = arith.index_cast %parallel_loop3A_547 : i32 to index
      %parallel_loop3A_565 = tpu.vector_load %arg8[%parallel_loop3A_562, %parallel_loop3A_563, %parallel_loop3A_564] {strides = array<i32>} : memref<3x8x2048xf32, #tpu.memory_space<vmem>>, vector<16xf32>,
      tpu.vector_store %arg8[%parallel_loop3A_562, %parallel_loop3A_563, %parallel_loop3A_564], %parallel_loop3A_559 {add = true, strides = array<i32>} : memref<3x8x2048xf32, #tpu.memory_space<vmem>>, vector<16xf32>,
      %parallel_loop3A_566 = arith.addi %mul3A_65, %parallel_loop3A_547 : i32
      %parallel_loop3A_567 = arith.index_cast %parallel_loop3A_566 : i32 to index
      %parallel_loop3A_568 = tpu.vector_load %arg6[%parallel_loop3A_567] {strides = array<i32>} : memref<65536xf32, #tpu.memory_space<vmem>>, vector<16xf32>,
      %parallel_loop3A_569 = arith.constant 0 : i32
      %parallel_loop3A_570 = arith.constant 2 : i32
      %parallel_loop3A_571 = arith.index_cast %parallel_loop3A_569 : i32 to index
      %parallel_loop3A_572 = arith.index_cast %parallel_loop3A_570 : i32 to index
      %parallel_loop3A_573 = arith.index_cast %parallel_loop3A_547 : i32 to index
      %parallel_loop3A_574 = tpu.vector_load %arg8[%parallel_loop3A_571, %parallel_loop3A_572, %parallel_loop3A_573] {strides = array<i32>} : memref<3x8x2048xf32, #tpu.memory_space<vmem>>, vector<16xf32>,
      tpu.vector_store %arg8[%parallel_loop3A_571, %parallel_loop3A_572, %parallel_loop3A_573], %parallel_loop3A_568 {add = true, strides = array<i32>} : memref<3x8x2048xf32, #tpu.memory_space<vmem>>, vector<16xf32>,
      %parallel_loop3A_575 = arith.addi %mul3A_69, %parallel_loop3A_547 : i32
      %parallel_loop3A_576 = arith.index_cast %parallel_loop3A_575 : i32 to index
      %parallel_loop3A_577 = tpu.vector_load %arg6[%parallel_loop3A_576] {strides = array<i32>} : memref<65536xf32, #tpu.memory_space<vmem>>, vector<16xf32>,
      %parallel_loop3A_578 = arith.constant 0 : i32
      %parallel_loop3A_579 = arith.constant 3 : i32
      %parallel_loop3A_580 = arith.index_cast %parallel_loop3A_578 : i32 to index
      %parallel_loop3A_581 = arith.index_cast %parallel_loop3A_579 : i32 to index
      %parallel_loop3A_582 = arith.index_cast %parallel_loop3A_547 : i32 to index
      %parallel_loop3A_583 = tpu.vector_load %arg8[%parallel_loop3A_580, %parallel_loop3A_581, %parallel_loop3A_582] {strides = array<i32>} : memref<3x8x2048xf32, #tpu.memory_space<vmem>>, vector<16xf32>,
      tpu.vector_store %arg8[%parallel_loop3A_580, %parallel_loop3A_581, %parallel_loop3A_582], %parallel_loop3A_577 {add = true, strides = array<i32>} : memref<3x8x2048xf32, #tpu.memory_space<vmem>>, vector<16xf32>,
      %parallel_loop3A_584 = arith.addi %mul3A_73, %parallel_loop3A_547 : i32
      %parallel_loop3A_585 = arith.index_cast %parallel_loop3A_584 : i32 to index
      %parallel_loop3A_586 = tpu.vector_load %arg6[%parallel_loop3A_585] {strides = array<i32>} : memref<65536xf32, #tpu.memory_space<vmem>>, vector<16xf32>,
      %parallel_loop3A_587 = arith.constant 0 : i32
      %parallel_loop3A_588 = arith.constant 4 : i32
      %parallel_loop3A_589 = arith.index_cast %parallel_loop3A_587 : i32 to index
      %parallel_loop3A_590 = arith.index_cast %parallel_loop3A_588 : i32 to index
      %parallel_loop3A_591 = arith.index_cast %parallel_loop3A_547 : i32 to index
      %parallel_loop3A_592 = tpu.vector_load %arg8[%parallel_loop3A_589, %parallel_loop3A_590, %parallel_loop3A_591] {strides = array<i32>} : memref<3x8x2048xf32, #tpu.memory_space<vmem>>, vector<16xf32>,
      tpu.vector_store %arg8[%parallel_loop3A_589, %parallel_loop3A_590, %parallel_loop3A_591], %parallel_loop3A_586 {add = true, strides = array<i32>} : memref<3x8x2048xf32, #tpu.memory_space<vmem>>, vector<16xf32>,
      %parallel_loop3A_593 = arith.addi %mul3A_77, %parallel_loop3A_547 : i32
      %parallel_loop3A_594 = arith.index_cast %parallel_loop3A_593 : i32 to index
      %parallel_loop3A_595 = tpu.vector_load %arg6[%parallel_loop3A_594] {strides = array<i32>} : memref<65536xf32, #tpu.memory_space<vmem>>, vector<16xf32>,
      %parallel_loop3A_596 = arith.constant 0 : i32
      %parallel_loop3A_597 = arith.constant 5 : i32
      %parallel_loop3A_598 = arith.index_cast %parallel_loop3A_596 : i32 to index
      %parallel_loop3A_599 = arith.index_cast %parallel_loop3A_597 : i32 to index
      %parallel_loop3A_600 = arith.index_cast %parallel_loop3A_547 : i32 to index
      %parallel_loop3A_601 = tpu.vector_load %arg8[%parallel_loop3A_598, %parallel_loop3A_599, %parallel_loop3A_600] {strides = array<i32>} : memref<3x8x2048xf32, #tpu.memory_space<vmem>>, vector<16xf32>,
      tpu.vector_store %arg8[%parallel_loop3A_598, %parallel_loop3A_599, %parallel_loop3A_600], %parallel_loop3A_595 {add = true, strides = array<i32>} : memref<3x8x2048xf32, #tpu.memory_space<vmem>>, vector<16xf32>,
      %parallel_loop3A_602 = arith.addi %mul3A_81, %parallel_loop3A_547 : i32
      %parallel_loop3A_603 = arith.index_cast %parallel_loop3A_602 : i32 to index
      %parallel_loop3A_604 = tpu.vector_load %arg6[%parallel_loop3A_603] {strides = array<i32>} : memref<65536xf32, #tpu.memory_space<vmem>>, vector<16xf32>,
      %parallel_loop3A_605 = arith.constant 0 : i32
      %parallel_loop3A_606 = arith.constant 6 : i32
      %parallel_loop3A_607 = arith.index_cast %parallel_loop3A_605 : i32 to index
      %parallel_loop3A_608 = arith.index_cast %parallel_loop3A_606 : i32 to index
      %parallel_loop3A_609 = arith.index_cast %parallel_loop3A_547 : i32 to index
      %parallel_loop3A_610 = tpu.vector_load %arg8[%parallel_loop3A_607, %parallel_loop3A_608, %parallel_loop3A_609] {strides = array<i32>} : memref<3x8x2048xf32, #tpu.memory_space<vmem>>, vector<16xf32>,
      tpu.vector_store %arg8[%parallel_loop3A_607, %parallel_loop3A_608, %parallel_loop3A_609], %parallel_loop3A_604 {add = true, strides = array<i32>} : memref<3x8x2048xf32, #tpu.memory_space<vmem>>, vector<16xf32>,
      %parallel_loop3A_611 = arith.addi %mul3A_85, %parallel_loop3A_547 : i32
      %parallel_loop3A_612 = arith.index_cast %parallel_loop3A_611 : i32 to index
      %parallel_loop3A_613 = tpu.vector_load %arg6[%parallel_loop3A_612] {strides = array<i32>} : memref<65536xf32, #tpu.memory_space<vmem>>, vector<16xf32>,
      %parallel_loop3A_614 = arith.constant 0 : i32
      %parallel_loop3A_615 = arith.constant 7 : i32
      %parallel_loop3A_616 = arith.index_cast %parallel_loop3A_614 : i32 to index
      %parallel_loop3A_617 = arith.index_cast %parallel_loop3A_615 : i32 to index
      %parallel_loop3A_618 = arith.index_cast %parallel_loop3A_547 : i32 to index
      %parallel_loop3A_619 = tpu.vector_load %arg8[%parallel_loop3A_616, %parallel_loop3A_617, %parallel_loop3A_618] {strides = array<i32>} : memref<3x8x2048xf32, #tpu.memory_space<vmem>>, vector<16xf32>,
      tpu.vector_store %arg8[%parallel_loop3A_616, %parallel_loop3A_617, %parallel_loop3A_618], %parallel_loop3A_613 {add = true, strides = array<i32>} : memref<3x8x2048xf32, #tpu.memory_space<vmem>>, vector<16xf32>,
    } {sc.loop_unroll_factor = 8 : i64, sc.parallel_access}
    %add3A_88 = arith.constant 0 : i32
    %add3A_89 = arith.addi %mul3A_2, %add3A_88 : i32
    %dma_start3A_90 = arith.constant 0 : i32
    %dma_start3A_91 = arith.constant 0 : i32
    %dma_start3A_92 = arith.constant 0 : i32
    %dma_start3A_93 = arith.constant 0 : i32
    %dma_start3A_94 = tpu.memref_slice %arg8[%dma_start3A_90, %dma_start3A_92, %dma_start3A_93] : memref<3x8x2048xf32, #tpu.memory_space<vmem>> -> memref<1x8x2048xf32, #tpu.memory_space<vmem>>
    %dma_start3A_95 = tpu.memref_squeeze %dma_start3A_94 : memref<1x8x2048xf32, #tpu.memory_space<vmem>> -> memref<8x2048xf32, #tpu.memory_space<vmem>>
    %dma_start3A_96 = arith.constant 0 : i32
    %dma_start3A_97 = tpu.memref_slice %arg5[%add3A_89, %dma_start3A_96] : memref<32768x2048xf32, #tpu.memory_space<hbm>> -> memref<8x2048xf32, #tpu.memory_space<hbm>>
    %dma_start3A_98 = tpu.memref_slice %arg10[%dma_start3A_91] : memref<3x!tpu.dma_semaphore, #tpu.memory_space<semaphore_mem>> -> memref<1x!tpu.dma_semaphore, #tpu.memory_space<semaphore_mem>>
    %dma_start3A_99 = tpu.memref_squeeze %dma_start3A_98 : memref<1x!tpu.dma_semaphore, #tpu.memory_space<semaphore_mem>> -> memref<!tpu.dma_semaphore, #tpu.memory_space<semaphore_mem>>
    %dma_start3A_100 = arith.constant 0 : i32
    %dma_start3A_101 = tpu.memref_slice %arg5[%add3A_89, %dma_start3A_100] : memref<32768x2048xf32, #tpu.memory_space<hbm>> -> memref<8x2048xf32, #tpu.memory_space<hbm>>
    %dma_start3A_102 = arith.constant 0 : i32
    %dma_start3A_103 = arith.constant 0 : i32
    %dma_start3A_104 = tpu.memref_slice %arg8[%dma_start3A_90, %dma_start3A_102, %dma_start3A_103] : memref<3x8x2048xf32, #tpu.memory_space<vmem>> -> memref<1x8x2048xf32, #tpu.memory_space<vmem>>
    %dma_start3A_105 = tpu.memref_squeeze %dma_start3A_104 : memref<1x8x2048xf32, #tpu.memory_space<vmem>> -> memref<8x2048xf32, #tpu.memory_space<vmem>>
    tpu.enqueue_dma source(%dma_start3A_105 : memref<8x2048xf32, #tpu.memory_space<vmem>>) target(%dma_start3A_101 : memref<8x2048xf32, #tpu.memory_space<hbm>>) target_semaphore(%dma_start3A_99 : memref<!tpu.dma_semaphore, #tpu.memory_space<semaphore_mem>>)
    %add3A_106 = arith.constant 16 : i32
    %add3A_107 = arith.addi %mul3A_2, %add3A_106 : i32
    %dma_start3A_108 = arith.constant 2 : i32
    %dma_start3A_109 = arith.constant 2 : i32
    %dma_start3A_110 = arith.constant 0 : i32
    %dma_start3A_111 = arith.constant 0 : i32
    %dma_start3A_112 = tpu.memref_slice %arg8[%dma_start3A_108, %dma_start3A_110, %dma_start3A_111] : memref<3x8x2048xf32, #tpu.memory_space<vmem>> -> memref<1x8x2048xf32, #tpu.memory_space<vmem>>
    %dma_start3A_113 = tpu.memref_squeeze %dma_start3A_112 : memref<1x8x2048xf32, #tpu.memory_space<vmem>> -> memref<8x2048xf32, #tpu.memory_space<vmem>>
    %dma_start3A_114 = arith.constant 0 : i32
    %dma_start3A_115 = tpu.memref_slice %arg2[%add3A_107, %dma_start3A_114] : memref<32768x2048xf32, #tpu.memory_space<hbm>> -> memref<8x2048xf32, #tpu.memory_space<hbm>>
    %dma_start3A_116 = tpu.memref_slice %arg9[%dma_start3A_109] : memref<3x!tpu.dma_semaphore, #tpu.memory_space<semaphore_mem>> -> memref<1x!tpu.dma_semaphore, #tpu.memory_space<semaphore_mem>>
    %dma_start3A_117 = tpu.memref_squeeze %dma_start3A_116 : memref<1x!tpu.dma_semaphore, #tpu.memory_space<semaphore_mem>> -> memref<!tpu.dma_semaphore, #tpu.memory_space<semaphore_mem>>
    %dma_start3A_118 = arith.constant 0 : i32
    %dma_start3A_119 = arith.constant 0 : i32
    %dma_start3A_120 = tpu.memref_slice %arg8[%dma_start3A_108, %dma_start3A_118, %dma_start3A_119] : memref<3x8x2048xf32, #tpu.memory_space<vmem>> -> memref<1x8x2048xf32, #tpu.memory_space<vmem>>
    %dma_start3A_121 = tpu.memref_squeeze %dma_start3A_120 : memref<1x8x2048xf32, #tpu.memory_space<vmem>> -> memref<8x2048xf32, #tpu.memory_space<vmem>>
    %dma_start3A_122 = arith.constant 0 : i32
    %dma_start3A_123 = tpu.memref_slice %arg2[%add3A_107, %dma_start3A_122] : memref<32768x2048xf32, #tpu.memory_space<hbm>> -> memref<8x2048xf32, #tpu.memory_space<hbm>>
    tpu.enqueue_dma source(%dma_start3A_123 : memref<8x2048xf32, #tpu.memory_space<hbm>>) target(%dma_start3A_121 : memref<8x2048xf32, #tpu.memory_space<vmem>>) target_semaphore(%dma_start3A_117 : memref<!tpu.dma_semaphore, #tpu.memory_space<semaphore_mem>>)
    %add3A_124 = arith.constant 8 : i32
    %add3A_125 = arith.addi %mul3A_2, %add3A_124 : i32
    %dma_wait3A_126 = arith.constant 1 : i32
    %dma_wait3A_127 = arith.constant 1 : i32
    %dma_wait3A_128 = arith.constant 0 : i32
    %dma_wait3A_129 = arith.constant 0 : i32
    %dma_wait3A_130 = tpu.memref_slice %arg8[%dma_wait3A_126, %dma_wait3A_128, %dma_wait3A_129] : memref<3x8x2048xf32, #tpu.memory_space<vmem>> -> memref<1x8x2048xf32, #tpu.memory_space<vmem>>
    %dma_wait3A_131 = tpu.memref_squeeze %dma_wait3A_130 : memref<1x8x2048xf32, #tpu.memory_space<vmem>> -> memref<8x2048xf32, #tpu.memory_space<vmem>>
    %dma_wait3A_132 = arith.constant 0 : i32
    %dma_wait3A_133 = tpu.memref_slice %arg2[%add3A_125, %dma_wait3A_132] : memref<32768x2048xf32, #tpu.memory_space<hbm>> -> memref<8x2048xf32, #tpu.memory_space<hbm>>
    %dma_wait3A_134 = tpu.memref_slice %arg9[%dma_wait3A_127] : memref<3x!tpu.dma_semaphore, #tpu.memory_space<semaphore_mem>> -> memref<1x!tpu.dma_semaphore, #tpu.memory_space<semaphore_mem>>
    %dma_wait3A_135 = tpu.memref_squeeze %dma_wait3A_134 : memref<1x!tpu.dma_semaphore, #tpu.memory_space<semaphore_mem>> -> memref<!tpu.dma_semaphore, #tpu.memory_space<semaphore_mem>>
    %dma_wait3A_136 = arith.constant 0 : i32
    %dma_wait3A_137 = arith.constant 0 : i32
    %dma_wait3A_138 = tpu.memref_slice %arg8[%dma_wait3A_126, %dma_wait3A_136, %dma_wait3A_137] : memref<3x8x2048xf32, #tpu.memory_space<vmem>> -> memref<1x8x2048xf32, #tpu.memory_space<vmem>>
    %dma_wait3A_139 = tpu.memref_squeeze %dma_wait3A_138 : memref<1x8x2048xf32, #tpu.memory_space<vmem>> -> memref<8x2048xf32, #tpu.memory_space<vmem>>
    %dma_wait3A_140 = arith.constant 0 : i32
    %dma_wait3A_141 = tpu.memref_slice %arg2[%add3A_125, %dma_wait3A_140] : memref<32768x2048xf32, #tpu.memory_space<hbm>> -> memref<8x2048xf32, #tpu.memory_space<hbm>>
    tpu.wait_dma2 semaphore(%dma_wait3A_135 : memref<!tpu.dma_semaphore, #tpu.memory_space<semaphore_mem>>) src(%dma_wait3A_141 : memref<8x2048xf32, #tpu.memory_space<hbm>>) dst(%dma_wait3A_139 : memref<8x2048xf32, #tpu.memory_space<vmem>>)
    %get3A_142 = arith.constant 8 : index
    %get3A_143 = tpu.vector_load %arg7[%get3A_142] {strides = array<i32>} : memref<1040xi32, #tpu.memory_space<vmem>>, vector<16xi32>,
    %slice3A_144 = vector.extract_strided_slice %get3A_143 {offsets = [0], sizes = [1], strides = [1]} : vector<16xi32> to vector<1xi32>
    %squeeze3A_145 = vector.extract %slice3A_144[0] : i32 from vector<1xi32>
    %mul3A_146 = arith.constant 2048 : i32
    %mul3A_147 = arith.muli %squeeze3A_145, %mul3A_146 : i32
    %slice3A_148 = vector.extract_strided_slice %get3A_143 {offsets = [1], sizes = [1], strides = [1]} : vector<16xi32> to vector<1xi32>
    %squeeze3A_149 = vector.extract %slice3A_148[0] : i32 from vector<1xi32>
    %mul3A_150 = arith.constant 2048 : i32
    %mul3A_151 = arith.muli %squeeze3A_149, %mul3A_150 : i32
    %slice3A_152 = vector.extract_strided_slice %get3A_143 {offsets = [2], sizes = [1], strides = [1]} : vector<16xi32> to vector<1xi32>
    %squeeze3A_153 = vector.extract %slice3A_152[0] : i32 from vector<1xi32>
    %mul3A_154 = arith.constant 2048 : i32
    %mul3A_155 = arith.muli %squeeze3A_153, %mul3A_154 : i32
    %slice3A_156 = vector.extract_strided_slice %get3A_143 {offsets = [3], sizes = [1], strides = [1]} : vector<16xi32> to vector<1xi32>
    %squeeze3A_157 = vector.extract %slice3A_156[0] : i32 from vector<1xi32>
    %mul3A_158 = arith.constant 2048 : i32
    %mul3A_159 = arith.muli %squeeze3A_157, %mul3A_158 : i32
    %slice3A_160 = vector.extract_strided_slice %get3A_143 {offsets = [4], sizes = [1], strides = [1]} : vector<16xi32> to vector<1xi32>
    %squeeze3A_161 = vector.extract %slice3A_160[0] : i32 from vector<1xi32>
    %mul3A_162 = arith.constant 2048 : i32
    %mul3A_163 = arith.muli %squeeze3A_161, %mul3A_162 : i32
    %slice3A_164 = vector.extract_strided_slice %get3A_143 {offsets = [5], sizes = [1], strides = [1]} : vector<16xi32> to vector<1xi32>
    %squeeze3A_165 = vector.extract %slice3A_164[0] : i32 from vector<1xi32>
    %mul3A_166 = arith.constant 2048 : i32
    %mul3A_167 = arith.muli %squeeze3A_165, %mul3A_166 : i32
    %slice3A_168 = vector.extract_strided_slice %get3A_143 {offsets = [6], sizes = [1], strides = [1]} : vector<16xi32> to vector<1xi32>
    %squeeze3A_169 = vector.extract %slice3A_168[0] : i32 from vector<1xi32>
    %mul3A_170 = arith.constant 2048 : i32
    %mul3A_171 = arith.muli %squeeze3A_169, %mul3A_170 : i32
    %slice3A_172 = vector.extract_strided_slice %get3A_143 {offsets = [7], sizes = [1], strides = [1]} : vector<16xi32> to vector<1xi32>
    %squeeze3A_173 = vector.extract %slice3A_172[0] : i32 from vector<1xi32>
    %mul3A_174 = arith.constant 2048 : i32
    %mul3A_175 = arith.muli %squeeze3A_173, %mul3A_174 : i32
    %parallel_loop3A_176 = arith.constant 0 : i32
    %parallel_loop3A_177 = arith.constant 2048 : i32
    %parallel_loop3A_178 = arith.constant 16 : i32
    scf.for %parallel_loop3A_547 = %parallel_loop3A_176 to %parallel_loop3A_177 step %parallel_loop3A_178  : i32 {
      %parallel_loop3A_548 = arith.addi %mul3A_147, %parallel_loop3A_547 : i32
      %parallel_loop3A_549 = arith.index_cast %parallel_loop3A_548 : i32 to index
      %parallel_loop3A_550 = tpu.vector_load %arg6[%parallel_loop3A_549] {strides = array<i32>} : memref<65536xf32, #tpu.memory_space<vmem>>, vector<16xf32>,
      %parallel_loop3A_551 = arith.constant 1 : i32
      %parallel_loop3A_552 = arith.constant 0 : i32
      %parallel_loop3A_553 = arith.index_cast %parallel_loop3A_551 : i32 to index
      %parallel_loop3A_554 = arith.index_cast %parallel_loop3A_552 : i32 to index
      %parallel_loop3A_555 = arith.index_cast %parallel_loop3A_547 : i32 to index
      %parallel_loop3A_556 = tpu.vector_load %arg8[%parallel_loop3A_553, %parallel_loop3A_554, %parallel_loop3A_555] {strides = array<i32>} : memref<3x8x2048xf32, #tpu.memory_space<vmem>>, vector<16xf32>,
      tpu.vector_store %arg8[%parallel_loop3A_553, %parallel_loop3A_554, %parallel_loop3A_555], %parallel_loop3A_550 {add = true, strides = array<i32>} : memref<3x8x2048xf32, #tpu.memory_space<vmem>>, vector<16xf32>,
      %parallel_loop3A_557 = arith.addi %mul3A_151, %parallel_loop3A_547 : i32
      %parallel_loop3A_558 = arith.index_cast %parallel_loop3A_557 : i32 to index
      %parallel_loop3A_559 = tpu.vector_load %arg6[%parallel_loop3A_558] {strides = array<i32>} : memref<65536xf32, #tpu.memory_space<vmem>>, vector<16xf32>,
      %parallel_loop3A_560 = arith.constant 1 : i32
      %parallel_loop3A_561 = arith.constant 1 : i32
      %parallel_loop3A_562 = arith.index_cast %parallel_loop3A_560 : i32 to index
      %parallel_loop3A_563 = arith.index_cast %parallel_loop3A_561 : i32 to index
      %parallel_loop3A_564 = arith.index_cast %parallel_loop3A_547 : i32 to index
      %parallel_loop3A_565 = tpu.vector_load %arg8[%parallel_loop3A_562, %parallel_loop3A_563, %parallel_loop3A_564] {strides = array<i32>} : memref<3x8x2048xf32, #tpu.memory_space<vmem>>, vector<16xf32>,
      tpu.vector_store %arg8[%parallel_loop3A_562, %parallel_loop3A_563, %parallel_loop3A_564], %parallel_loop3A_559 {add = true, strides = array<i32>} : memref<3x8x2048xf32, #tpu.memory_space<vmem>>, vector<16xf32>,
      %parallel_loop3A_566 = arith.addi %mul3A_155, %parallel_loop3A_547 : i32
      %parallel_loop3A_567 = arith.index_cast %parallel_loop3A_566 : i32 to index
      %parallel_loop3A_568 = tpu.vector_load %arg6[%parallel_loop3A_567] {strides = array<i32>} : memref<65536xf32, #tpu.memory_space<vmem>>, vector<16xf32>,
      %parallel_loop3A_569 = arith.constant 1 : i32
      %parallel_loop3A_570 = arith.constant 2 : i32
      %parallel_loop3A_571 = arith.index_cast %parallel_loop3A_569 : i32 to index
      %parallel_loop3A_572 = arith.index_cast %parallel_loop3A_570 : i32 to index
      %parallel_loop3A_573 = arith.index_cast %parallel_loop3A_547 : i32 to index
      %parallel_loop3A_574 = tpu.vector_load %arg8[%parallel_loop3A_571, %parallel_loop3A_572, %parallel_loop3A_573] {strides = array<i32>} : memref<3x8x2048xf32, #tpu.memory_space<vmem>>, vector<16xf32>,
      tpu.vector_store %arg8[%parallel_loop3A_571, %parallel_loop3A_572, %parallel_loop3A_573], %parallel_loop3A_568 {add = true, strides = array<i32>} : memref<3x8x2048xf32, #tpu.memory_space<vmem>>, vector<16xf32>,
      %parallel_loop3A_575 = arith.addi %mul3A_159, %parallel_loop3A_547 : i32
      %parallel_loop3A_576 = arith.index_cast %parallel_loop3A_575 : i32 to index
      %parallel_loop3A_577 = tpu.vector_load %arg6[%parallel_loop3A_576] {strides = array<i32>} : memref<65536xf32, #tpu.memory_space<vmem>>, vector<16xf32>,
      %parallel_loop3A_578 = arith.constant 1 : i32
      %parallel_loop3A_579 = arith.constant 3 : i32
      %parallel_loop3A_580 = arith.index_cast %parallel_loop3A_578 : i32 to index
      %parallel_loop3A_581 = arith.index_cast %parallel_loop3A_579 : i32 to index
      %parallel_loop3A_582 = arith.index_cast %parallel_loop3A_547 : i32 to index
      %parallel_loop3A_583 = tpu.vector_load %arg8[%parallel_loop3A_580, %parallel_loop3A_581, %parallel_loop3A_582] {strides = array<i32>} : memref<3x8x2048xf32, #tpu.memory_space<vmem>>, vector<16xf32>,
      tpu.vector_store %arg8[%parallel_loop3A_580, %parallel_loop3A_581, %parallel_loop3A_582], %parallel_loop3A_577 {add = true, strides = array<i32>} : memref<3x8x2048xf32, #tpu.memory_space<vmem>>, vector<16xf32>,
      %parallel_loop3A_584 = arith.addi %mul3A_163, %parallel_loop3A_547 : i32
      %parallel_loop3A_585 = arith.index_cast %parallel_loop3A_584 : i32 to index
      %parallel_loop3A_586 = tpu.vector_load %arg6[%parallel_loop3A_585] {strides = array<i32>} : memref<65536xf32, #tpu.memory_space<vmem>>, vector<16xf32>,
      %parallel_loop3A_587 = arith.constant 1 : i32
      %parallel_loop3A_588 = arith.constant 4 : i32
      %parallel_loop3A_589 = arith.index_cast %parallel_loop3A_587 : i32 to index
      %parallel_loop3A_590 = arith.index_cast %parallel_loop3A_588 : i32 to index
      %parallel_loop3A_591 = arith.index_cast %parallel_loop3A_547 : i32 to index
      %parallel_loop3A_592 = tpu.vector_load %arg8[%parallel_loop3A_589, %parallel_loop3A_590, %parallel_loop3A_591] {strides = array<i32>} : memref<3x8x2048xf32, #tpu.memory_space<vmem>>, vector<16xf32>,
      tpu.vector_store %arg8[%parallel_loop3A_589, %parallel_loop3A_590, %parallel_loop3A_591], %parallel_loop3A_586 {add = true, strides = array<i32>} : memref<3x8x2048xf32, #tpu.memory_space<vmem>>, vector<16xf32>,
      %parallel_loop3A_593 = arith.addi %mul3A_167, %parallel_loop3A_547 : i32
      %parallel_loop3A_594 = arith.index_cast %parallel_loop3A_593 : i32 to index
      %parallel_loop3A_595 = tpu.vector_load %arg6[%parallel_loop3A_594] {strides = array<i32>} : memref<65536xf32, #tpu.memory_space<vmem>>, vector<16xf32>,
      %parallel_loop3A_596 = arith.constant 1 : i32
      %parallel_loop3A_597 = arith.constant 5 : i32
      %parallel_loop3A_598 = arith.index_cast %parallel_loop3A_596 : i32 to index
      %parallel_loop3A_599 = arith.index_cast %parallel_loop3A_597 : i32 to index
      %parallel_loop3A_600 = arith.index_cast %parallel_loop3A_547 : i32 to index
      %parallel_loop3A_601 = tpu.vector_load %arg8[%parallel_loop3A_598, %parallel_loop3A_599, %parallel_loop3A_600] {strides = array<i32>} : memref<3x8x2048xf32, #tpu.memory_space<vmem>>, vector<16xf32>,
      tpu.vector_store %arg8[%parallel_loop3A_598, %parallel_loop3A_599, %parallel_loop3A_600], %parallel_loop3A_595 {add = true, strides = array<i32>} : memref<3x8x2048xf32, #tpu.memory_space<vmem>>, vector<16xf32>,
      %parallel_loop3A_602 = arith.addi %mul3A_171, %parallel_loop3A_547 : i32
      %parallel_loop3A_603 = arith.index_cast %parallel_loop3A_602 : i32 to index
      %parallel_loop3A_604 = tpu.vector_load %arg6[%parallel_loop3A_603] {strides = array<i32>} : memref<65536xf32, #tpu.memory_space<vmem>>, vector<16xf32>,
      %parallel_loop3A_605 = arith.constant 1 : i32
      %parallel_loop3A_606 = arith.constant 6 : i32
      %parallel_loop3A_607 = arith.index_cast %parallel_loop3A_605 : i32 to index
      %parallel_loop3A_608 = arith.index_cast %parallel_loop3A_606 : i32 to index
      %parallel_loop3A_609 = arith.index_cast %parallel_loop3A_547 : i32 to index
      %parallel_loop3A_610 = tpu.vector_load %arg8[%parallel_loop3A_607, %parallel_loop3A_608, %parallel_loop3A_609] {strides = array<i32>} : memref<3x8x2048xf32, #tpu.memory_space<vmem>>, vector<16xf32>,
      tpu.vector_store %arg8[%parallel_loop3A_607, %parallel_loop3A_608, %parallel_loop3A_609], %parallel_loop3A_604 {add = true, strides = array<i32>} : memref<3x8x2048xf32, #tpu.memory_space<vmem>>, vector<16xf32>,
      %parallel_loop3A_611 = arith.addi %mul3A_175, %parallel_loop3A_547 : i32
      %parallel_loop3A_612 = arith.index_cast %parallel_loop3A_611 : i32 to index
      %parallel_loop3A_613 = tpu.vector_load %arg6[%parallel_loop3A_612] {strides = array<i32>} : memref<65536xf32, #tpu.memory_space<vmem>>, vector<16xf32>,
      %parallel_loop3A_614 = arith.constant 1 : i32
      %parallel_loop3A_615 = arith.constant 7 : i32
      %parallel_loop3A_616 = arith.index_cast %parallel_loop3A_614 : i32 to index
      %parallel_loop3A_617 = arith.index_cast %parallel_loop3A_615 : i32 to index
      %parallel_loop3A_618 = arith.index_cast %parallel_loop3A_547 : i32 to index
      %parallel_loop3A_619 = tpu.vector_load %arg8[%parallel_loop3A_616, %parallel_loop3A_617, %parallel_loop3A_618] {strides = array<i32>} : memref<3x8x2048xf32, #tpu.memory_space<vmem>>, vector<16xf32>,
      tpu.vector_store %arg8[%parallel_loop3A_616, %parallel_loop3A_617, %parallel_loop3A_618], %parallel_loop3A_613 {add = true, strides = array<i32>} : memref<3x8x2048xf32, #tpu.memory_space<vmem>>, vector<16xf32>,
    } {sc.loop_unroll_factor = 8 : i64, sc.parallel_access}
    %add3A_179 = arith.constant 8 : i32
    %add3A_180 = arith.addi %mul3A_2, %add3A_179 : i32
    %dma_start3A_181 = arith.constant 1 : i32
    %dma_start3A_182 = arith.constant 1 : i32
    %dma_start3A_183 = arith.constant 0 : i32
    %dma_start3A_184 = arith.constant 0 : i32
    %dma_start3A_185 = tpu.memref_slice %arg8[%dma_start3A_181, %dma_start3A_183, %dma_start3A_184] : memref<3x8x2048xf32, #tpu.memory_space<vmem>> -> memref<1x8x2048xf32, #tpu.memory_space<vmem>>
    %dma_start3A_186 = tpu.memref_squeeze %dma_start3A_185 : memref<1x8x2048xf32, #tpu.memory_space<vmem>> -> memref<8x2048xf32, #tpu.memory_space<vmem>>
    %dma_start3A_187 = arith.constant 0 : i32
    %dma_start3A_188 = tpu.memref_slice %arg5[%add3A_180, %dma_start3A_187] : memref<32768x2048xf32, #tpu.memory_space<hbm>> -> memref<8x2048xf32, #tpu.memory_space<hbm>>
    %dma_start3A_189 = tpu.memref_slice %arg10[%dma_start3A_182] : memref<3x!tpu.dma_semaphore, #tpu.memory_space<semaphore_mem>> -> memref<1x!tpu.dma_semaphore, #tpu.memory_space<semaphore_mem>>
    %dma_start3A_190 = tpu.memref_squeeze %dma_start3A_189 : memref<1x!tpu.dma_semaphore, #tpu.memory_space<semaphore_mem>> -> memref<!tpu.dma_semaphore, #tpu.memory_space<semaphore_mem>>
    %dma_start3A_191 = arith.constant 0 : i32
    %dma_start3A_192 = tpu.memref_slice %arg5[%add3A_180, %dma_start3A_191] : memref<32768x2048xf32, #tpu.memory_space<hbm>> -> memref<8x2048xf32, #tpu.memory_space<hbm>>
    %dma_start3A_193 = arith.constant 0 : i32
    %dma_start3A_194 = arith.constant 0 : i32
    %dma_start3A_195 = tpu.memref_slice %arg8[%dma_start3A_181, %dma_start3A_193, %dma_start3A_194] : memref<3x8x2048xf32, #tpu.memory_space<vmem>> -> memref<1x8x2048xf32, #tpu.memory_space<vmem>>
    %dma_start3A_196 = tpu.memref_squeeze %dma_start3A_195 : memref<1x8x2048xf32, #tpu.memory_space<vmem>> -> memref<8x2048xf32, #tpu.memory_space<vmem>>
    tpu.enqueue_dma source(%dma_start3A_196 : memref<8x2048xf32, #tpu.memory_space<vmem>>) target(%dma_start3A_192 : memref<8x2048xf32, #tpu.memory_space<hbm>>) target_semaphore(%dma_start3A_190 : memref<!tpu.dma_semaphore, #tpu.memory_space<semaphore_mem>>)
    %scan3A = arith.constant 0 : i32
    %scan3A_197 = arith.constant 0 : i32
    %scan3A_198 = arith.constant 41 : i32
    %scan3A_199 = arith.addi %scan3A_197, %scan3A_198 : i32
    %scan3A_200 = arith.constant 1 : i32
    scf.for %scan3A_547 = %scan3A_197 to %scan3A_199 step %scan3A_200  : i32 {
      %mul3A_548 = arith.constant 3 : i32
      %mul3A_549 = arith.muli %scan3A_547, %mul3A_548 : i32
      %add3A_550 = arith.constant 2 : i32
      %add3A_551 = arith.addi %add3A_550, %mul3A_549 : i32
      %add3A_552 = arith.constant 0 : i32
      %add3A_553 = arith.addi %add3A_551, %add3A_552 : i32
      %sub3A = arith.constant 2 : i32
      %sub3A_554 = arith.subi %add3A_553, %sub3A : i32
      %mul3A_555 = arith.constant 8 : i32
      %mul3A_556 = arith.muli %sub3A_554, %mul3A_555 : i32
      %add3A_557 = arith.addi %mul3A_2, %mul3A_556 : i32
      %dma_wait3A_558 = arith.constant 0 : i32
      %dma_wait3A_559 = arith.constant 0 : i32
      %dma_wait3A_560 = arith.constant 0 : i32
      %dma_wait3A_561 = arith.constant 0 : i32
      %dma_wait3A_562 = tpu.memref_slice %arg8[%dma_wait3A_558, %dma_wait3A_560, %dma_wait3A_561] : memref<3x8x2048xf32, #tpu.memory_space<vmem>> -> memref<1x8x2048xf32, #tpu.memory_space<vmem>>
      %dma_wait3A_563 = tpu.memref_squeeze %dma_wait3A_562 : memref<1x8x2048xf32, #tpu.memory_space<vmem>> -> memref<8x2048xf32, #tpu.memory_space<vmem>>
      %dma_wait3A_564 = arith.constant 0 : i32
      %dma_wait3A_565 = tpu.memref_slice %arg5[%add3A_557, %dma_wait3A_564] : memref<32768x2048xf32, #tpu.memory_space<hbm>> -> memref<8x2048xf32, #tpu.memory_space<hbm>>
      %dma_wait3A_566 = tpu.memref_slice %arg10[%dma_wait3A_559] : memref<3x!tpu.dma_semaphore, #tpu.memory_space<semaphore_mem>> -> memref<1x!tpu.dma_semaphore, #tpu.memory_space<semaphore_mem>>
      %dma_wait3A_567 = tpu.memref_squeeze %dma_wait3A_566 : memref<1x!tpu.dma_semaphore, #tpu.memory_space<semaphore_mem>> -> memref<!tpu.dma_semaphore, #tpu.memory_space<semaphore_mem>>
      %dma_wait3A_568 = arith.constant 0 : i32
      %dma_wait3A_569 = tpu.memref_slice %arg5[%add3A_557, %dma_wait3A_568] : memref<32768x2048xf32, #tpu.memory_space<hbm>> -> memref<8x2048xf32, #tpu.memory_space<hbm>>
      %dma_wait3A_570 = arith.constant 0 : i32
      %dma_wait3A_571 = arith.constant 0 : i32
      %dma_wait3A_572 = tpu.memref_slice %arg8[%dma_wait3A_558, %dma_wait3A_570, %dma_wait3A_571] : memref<3x8x2048xf32, #tpu.memory_space<vmem>> -> memref<1x8x2048xf32, #tpu.memory_space<vmem>>
      %dma_wait3A_573 = tpu.memref_squeeze %dma_wait3A_572 : memref<1x8x2048xf32, #tpu.memory_space<vmem>> -> memref<8x2048xf32, #tpu.memory_space<vmem>>
      tpu.wait_dma2 semaphore(%dma_wait3A_567 : memref<!tpu.dma_semaphore, #tpu.memory_space<semaphore_mem>>) src(%dma_wait3A_573 : memref<8x2048xf32, #tpu.memory_space<vmem>>) dst(%dma_wait3A_569 : memref<8x2048xf32, #tpu.memory_space<hbm>>)
      %add3A_574 = arith.constant 1 : i32
      %add3A_575 = arith.addi %add3A_553, %add3A_574 : i32
      %mul3A_576 = arith.constant 8 : i32
      %mul3A_577 = arith.muli %add3A_575, %mul3A_576 : i32
      %add3A_578 = arith.addi %mul3A_2, %mul3A_577 : i32
      %dma_start3A_579 = arith.constant 0 : i32
      %dma_start3A_580 = arith.constant 0 : i32
      %dma_start3A_581 = arith.constant 0 : i32
      %dma_start3A_582 = arith.constant 0 : i32
      %dma_start3A_583 = tpu.memref_slice %arg8[%dma_start3A_579, %dma_start3A_581, %dma_start3A_582] : memref<3x8x2048xf32, #tpu.memory_space<vmem>> -> memref<1x8x2048xf32, #tpu.memory_space<vmem>>
      %dma_start3A_584 = tpu.memref_squeeze %dma_start3A_583 : memref<1x8x2048xf32, #tpu.memory_space<vmem>> -> memref<8x2048xf32, #tpu.memory_space<vmem>>
      %dma_start3A_585 = arith.constant 0 : i32
      %dma_start3A_586 = tpu.memref_slice %arg2[%add3A_578, %dma_start3A_585] : memref<32768x2048xf32, #tpu.memory_space<hbm>> -> memref<8x2048xf32, #tpu.memory_space<hbm>>
      %dma_start3A_587 = tpu.memref_slice %arg9[%dma_start3A_580] : memref<3x!tpu.dma_semaphore, #tpu.memory_space<semaphore_mem>> -> memref<1x!tpu.dma_semaphore, #tpu.memory_space<semaphore_mem>>
      %dma_start3A_588 = tpu.memref_squeeze %dma_start3A_587 : memref<1x!tpu.dma_semaphore, #tpu.memory_space<semaphore_mem>> -> memref<!tpu.dma_semaphore, #tpu.memory_space<semaphore_mem>>
      %dma_start3A_589 = arith.constant 0 : i32
      %dma_start3A_590 = arith.constant 0 : i32
      %dma_start3A_591 = tpu.memref_slice %arg8[%dma_start3A_579, %dma_start3A_589, %dma_start3A_590] : memref<3x8x2048xf32, #tpu.memory_space<vmem>> -> memref<1x8x2048xf32, #tpu.memory_space<vmem>>
      %dma_start3A_592 = tpu.memref_squeeze %dma_start3A_591 : memref<1x8x2048xf32, #tpu.memory_space<vmem>> -> memref<8x2048xf32, #tpu.memory_space<vmem>>
      %dma_start3A_593 = arith.constant 0 : i32
      %dma_start3A_594 = tpu.memref_slice %arg2[%add3A_578, %dma_start3A_593] : memref<32768x2048xf32, #tpu.memory_space<hbm>> -> memref<8x2048xf32, #tpu.memory_space<hbm>>
      tpu.enqueue_dma source(%dma_start3A_594 : memref<8x2048xf32, #tpu.memory_space<hbm>>) target(%dma_start3A_592 : memref<8x2048xf32, #tpu.memory_space<vmem>>) target_semaphore(%dma_start3A_588 : memref<!tpu.dma_semaphore, #tpu.memory_space<semaphore_mem>>)
      %mul3A_595 = arith.constant 8 : i32
      %mul3A_596 = arith.muli %add3A_553, %mul3A_595 : i32
      %add3A_597 = arith.addi %mul3A_2, %mul3A_596 : i32
      %dma_wait3A_598 = arith.constant 2 : i32
      %dma_wait3A_599 = arith.constant 2 : i32
      %dma_wait3A_600 = arith.constant 0 : i32
      %dma_wait3A_601 = arith.constant 0 : i32
      %dma_wait3A_602 = tpu.memref_slice %arg8[%dma_wait3A_598, %dma_wait3A_600, %dma_wait3A_601] : memref<3x8x2048xf32, #tpu.memory_space<vmem>> -> memref<1x8x2048xf32, #tpu.memory_space<vmem>>
      %dma_wait3A_603 = tpu.memref_squeeze %dma_wait3A_602 : memref<1x8x2048xf32, #tpu.memory_space<vmem>> -> memref<8x2048xf32, #tpu.memory_space<vmem>>
      %dma_wait3A_604 = arith.constant 0 : i32
      %dma_wait3A_605 = tpu.memref_slice %arg2[%add3A_597, %dma_wait3A_604] : memref<32768x2048xf32, #tpu.memory_space<hbm>> -> memref<8x2048xf32, #tpu.memory_space<hbm>>
      %dma_wait3A_606 = tpu.memref_slice %arg9[%dma_wait3A_599] : memref<3x!tpu.dma_semaphore, #tpu.memory_space<semaphore_mem>> -> memref<1x!tpu.dma_semaphore, #tpu.memory_space<semaphore_mem>>
      %dma_wait3A_607 = tpu.memref_squeeze %dma_wait3A_606 : memref<1x!tpu.dma_semaphore, #tpu.memory_space<semaphore_mem>> -> memref<!tpu.dma_semaphore, #tpu.memory_space<semaphore_mem>>
      %dma_wait3A_608 = arith.constant 0 : i32
      %dma_wait3A_609 = arith.constant 0 : i32
      %dma_wait3A_610 = tpu.memref_slice %arg8[%dma_wait3A_598, %dma_wait3A_608, %dma_wait3A_609] : memref<3x8x2048xf32, #tpu.memory_space<vmem>> -> memref<1x8x2048xf32, #tpu.memory_space<vmem>>
      %dma_wait3A_611 = tpu.memref_squeeze %dma_wait3A_610 : memref<1x8x2048xf32, #tpu.memory_space<vmem>> -> memref<8x2048xf32, #tpu.memory_space<vmem>>
      %dma_wait3A_612 = arith.constant 0 : i32
      %dma_wait3A_613 = tpu.memref_slice %arg2[%add3A_597, %dma_wait3A_612] : memref<32768x2048xf32, #tpu.memory_space<hbm>> -> memref<8x2048xf32, #tpu.memory_space<hbm>>
      tpu.wait_dma2 semaphore(%dma_wait3A_607 : memref<!tpu.dma_semaphore, #tpu.memory_space<semaphore_mem>>) src(%dma_wait3A_613 : memref<8x2048xf32, #tpu.memory_space<hbm>>) dst(%dma_wait3A_611 : memref<8x2048xf32, #tpu.memory_space<vmem>>)
      %mul3A_614 = arith.constant 8 : i32
      %mul3A_615 = arith.muli %add3A_553, %mul3A_614 : i32
      %get3A_616 = arith.index_cast %mul3A_615 : i32 to index
      %get3A_617 = tpu.vector_load %arg7[%get3A_616] {strides = array<i32>} : memref<1040xi32, #tpu.memory_space<vmem>>, vector<16xi32>,
      %slice3A_618 = vector.extract_strided_slice %get3A_617 {offsets = [0], sizes = [1], strides = [1]} : vector<16xi32> to vector<1xi32>
      %squeeze3A_619 = vector.extract %slice3A_618[0] : i32 from vector<1xi32>
      %mul3A_620 = arith.constant 2048 : i32
      %mul3A_621 = arith.muli %squeeze3A_619, %mul3A_620 : i32
      %slice3A_622 = vector.extract_strided_slice %get3A_617 {offsets = [1], sizes = [1], strides = [1]} : vector<16xi32> to vector<1xi32>
      %squeeze3A_623 = vector.extract %slice3A_622[0] : i32 from vector<1xi32>
      %mul3A_624 = arith.constant 2048 : i32
      %mul3A_625 = arith.muli %squeeze3A_623, %mul3A_624 : i32
      %slice3A_626 = vector.extract_strided_slice %get3A_617 {offsets = [2], sizes = [1], strides = [1]} : vector<16xi32> to vector<1xi32>
      %squeeze3A_627 = vector.extract %slice3A_626[0] : i32 from vector<1xi32>
      %mul3A_628 = arith.constant 2048 : i32
      %mul3A_629 = arith.muli %squeeze3A_627, %mul3A_628 : i32
      %slice3A_630 = vector.extract_strided_slice %get3A_617 {offsets = [3], sizes = [1], strides = [1]} : vector<16xi32> to vector<1xi32>
      %squeeze3A_631 = vector.extract %slice3A_630[0] : i32 from vector<1xi32>
      %mul3A_632 = arith.constant 2048 : i32
      %mul3A_633 = arith.muli %squeeze3A_631, %mul3A_632 : i32
      %slice3A_634 = vector.extract_strided_slice %get3A_617 {offsets = [4], sizes = [1], strides = [1]} : vector<16xi32> to vector<1xi32>
      %squeeze3A_635 = vector.extract %slice3A_634[0] : i32 from vector<1xi32>
      %mul3A_636 = arith.constant 2048 : i32
      %mul3A_637 = arith.muli %squeeze3A_635, %mul3A_636 : i32
      %slice3A_638 = vector.extract_strided_slice %get3A_617 {offsets = [5], sizes = [1], strides = [1]} : vector<16xi32> to vector<1xi32>
      %squeeze3A_639 = vector.extract %slice3A_638[0] : i32 from vector<1xi32>
      %mul3A_640 = arith.constant 2048 : i32
      %mul3A_641 = arith.muli %squeeze3A_639, %mul3A_640 : i32
      %slice3A_642 = vector.extract_strided_slice %get3A_617 {offsets = [6], sizes = [1], strides = [1]} : vector<16xi32> to vector<1xi32>
      %squeeze3A_643 = vector.extract %slice3A_642[0] : i32 from vector<1xi32>
      %mul3A_644 = arith.constant 2048 : i32
      %mul3A_645 = arith.muli %squeeze3A_643, %mul3A_644 : i32
      %slice3A_646 = vector.extract_strided_slice %get3A_617 {offsets = [7], sizes = [1], strides = [1]} : vector<16xi32> to vector<1xi32>
      %squeeze3A_647 = vector.extract %slice3A_646[0] : i32 from vector<1xi32>
      %mul3A_648 = arith.constant 2048 : i32
      %mul3A_649 = arith.muli %squeeze3A_647, %mul3A_648 : i32
      %parallel_loop3A_650 = arith.constant 0 : i32
      %parallel_loop3A_651 = arith.constant 2048 : i32
      %parallel_loop3A_652 = arith.constant 16 : i32
      scf.for %parallel_loop3A_922 = %parallel_loop3A_650 to %parallel_loop3A_651 step %parallel_loop3A_652  : i32 {
        %parallel_loop3A_923 = arith.addi %mul3A_621, %parallel_loop3A_922 : i32
        %parallel_loop3A_924 = arith.index_cast %parallel_loop3A_923 : i32 to index
        %parallel_loop3A_925 = tpu.vector_load %arg6[%parallel_loop3A_924] {strides = array<i32>} : memref<65536xf32, #tpu.memory_space<vmem>>, vector<16xf32>,
        %parallel_loop3A_926 = arith.constant 2 : i32
        %parallel_loop3A_927 = arith.constant 0 : i32
        %parallel_loop3A_928 = arith.index_cast %parallel_loop3A_926 : i32 to index
        %parallel_loop3A_929 = arith.index_cast %parallel_loop3A_927 : i32 to index
        %parallel_loop3A_930 = arith.index_cast %parallel_loop3A_922 : i32 to index
        %parallel_loop3A_931 = tpu.vector_load %arg8[%parallel_loop3A_928, %parallel_loop3A_929, %parallel_loop3A_930] {strides = array<i32>} : memref<3x8x2048xf32, #tpu.memory_space<vmem>>, vector<16xf32>,
        tpu.vector_store %arg8[%parallel_loop3A_928, %parallel_loop3A_929, %parallel_loop3A_930], %parallel_loop3A_925 {add = true, strides = array<i32>} : memref<3x8x2048xf32, #tpu.memory_space<vmem>>, vector<16xf32>,
        %parallel_loop3A_932 = arith.addi %mul3A_625, %parallel_loop3A_922 : i32
        %parallel_loop3A_933 = arith.index_cast %parallel_loop3A_932 : i32 to index
        %parallel_loop3A_934 = tpu.vector_load %arg6[%parallel_loop3A_933] {strides = array<i32>} : memref<65536xf32, #tpu.memory_space<vmem>>, vector<16xf32>,
        %parallel_loop3A_935 = arith.constant 2 : i32
        %parallel_loop3A_936 = arith.constant 1 : i32
        %parallel_loop3A_937 = arith.index_cast %parallel_loop3A_935 : i32 to index
        %parallel_loop3A_938 = arith.index_cast %parallel_loop3A_936 : i32 to index
        %parallel_loop3A_939 = arith.index_cast %parallel_loop3A_922 : i32 to index
        %parallel_loop3A_940 = tpu.vector_load %arg8[%parallel_loop3A_937, %parallel_loop3A_938, %parallel_loop3A_939] {strides = array<i32>} : memref<3x8x2048xf32, #tpu.memory_space<vmem>>, vector<16xf32>,
        tpu.vector_store %arg8[%parallel_loop3A_937, %parallel_loop3A_938, %parallel_loop3A_939], %parallel_loop3A_934 {add = true, strides = array<i32>} : memref<3x8x2048xf32, #tpu.memory_space<vmem>>, vector<16xf32>,
        %parallel_loop3A_941 = arith.addi %mul3A_629, %parallel_loop3A_922 : i32
        %parallel_loop3A_942 = arith.index_cast %parallel_loop3A_941 : i32 to index
        %parallel_loop3A_943 = tpu.vector_load %arg6[%parallel_loop3A_942] {strides = array<i32>} : memref<65536xf32, #tpu.memory_space<vmem>>, vector<16xf32>,
        %parallel_loop3A_944 = arith.constant 2 : i32
        %parallel_loop3A_945 = arith.constant 2 : i32
        %parallel_loop3A_946 = arith.index_cast %parallel_loop3A_944 : i32 to index
        %parallel_loop3A_947 = arith.index_cast %parallel_loop3A_945 : i32 to index
        %parallel_loop3A_948 = arith.index_cast %parallel_loop3A_922 : i32 to index
        %parallel_loop3A_949 = tpu.vector_load %arg8[%parallel_loop3A_946, %parallel_loop3A_947, %parallel_loop3A_948] {strides = array<i32>} : memref<3x8x2048xf32, #tpu.memory_space<vmem>>, vector<16xf32>,
        tpu.vector_store %arg8[%parallel_loop3A_946, %parallel_loop3A_947, %parallel_loop3A_948], %parallel_loop3A_943 {add = true, strides = array<i32>} : memref<3x8x2048xf32, #tpu.memory_space<vmem>>, vector<16xf32>,
        %parallel_loop3A_950 = arith.addi %mul3A_633, %parallel_loop3A_922 : i32
        %parallel_loop3A_951 = arith.index_cast %parallel_loop3A_950 : i32 to index
        %parallel_loop3A_952 = tpu.vector_load %arg6[%parallel_loop3A_951] {strides = array<i32>} : memref<65536xf32, #tpu.memory_space<vmem>>, vector<16xf32>,
        %parallel_loop3A_953 = arith.constant 2 : i32
        %parallel_loop3A_954 = arith.constant 3 : i32
        %parallel_loop3A_955 = arith.index_cast %parallel_loop3A_953 : i32 to index
        %parallel_loop3A_956 = arith.index_cast %parallel_loop3A_954 : i32 to index
        %parallel_loop3A_957 = arith.index_cast %parallel_loop3A_922 : i32 to index
        %parallel_loop3A_958 = tpu.vector_load %arg8[%parallel_loop3A_955, %parallel_loop3A_956, %parallel_loop3A_957] {strides = array<i32>} : memref<3x8x2048xf32, #tpu.memory_space<vmem>>, vector<16xf32>,
        tpu.vector_store %arg8[%parallel_loop3A_955, %parallel_loop3A_956, %parallel_loop3A_957], %parallel_loop3A_952 {add = true, strides = array<i32>} : memref<3x8x2048xf32, #tpu.memory_space<vmem>>, vector<16xf32>,
        %parallel_loop3A_959 = arith.addi %mul3A_637, %parallel_loop3A_922 : i32
        %parallel_loop3A_960 = arith.index_cast %parallel_loop3A_959 : i32 to index
        %parallel_loop3A_961 = tpu.vector_load %arg6[%parallel_loop3A_960] {strides = array<i32>} : memref<65536xf32, #tpu.memory_space<vmem>>, vector<16xf32>,
        %parallel_loop3A_962 = arith.constant 2 : i32
        %parallel_loop3A_963 = arith.constant 4 : i32
        %parallel_loop3A_964 = arith.index_cast %parallel_loop3A_962 : i32 to index
        %parallel_loop3A_965 = arith.index_cast %parallel_loop3A_963 : i32 to index
        %parallel_loop3A_966 = arith.index_cast %parallel_loop3A_922 : i32 to index
        %parallel_loop3A_967 = tpu.vector_load %arg8[%parallel_loop3A_964, %parallel_loop3A_965, %parallel_loop3A_966] {strides = array<i32>} : memref<3x8x2048xf32, #tpu.memory_space<vmem>>, vector<16xf32>,
        tpu.vector_store %arg8[%parallel_loop3A_964, %parallel_loop3A_965, %parallel_loop3A_966], %parallel_loop3A_961 {add = true, strides = array<i32>} : memref<3x8x2048xf32, #tpu.memory_space<vmem>>, vector<16xf32>,
        %parallel_loop3A_968 = arith.addi %mul3A_641, %parallel_loop3A_922 : i32
        %parallel_loop3A_969 = arith.index_cast %parallel_loop3A_968 : i32 to index
        %parallel_loop3A_970 = tpu.vector_load %arg6[%parallel_loop3A_969] {strides = array<i32>} : memref<65536xf32, #tpu.memory_space<vmem>>, vector<16xf32>,
        %parallel_loop3A_971 = arith.constant 2 : i32
        %parallel_loop3A_972 = arith.constant 5 : i32
        %parallel_loop3A_973 = arith.index_cast %parallel_loop3A_971 : i32 to index
        %parallel_loop3A_974 = arith.index_cast %parallel_loop3A_972 : i32 to index
        %parallel_loop3A_975 = arith.index_cast %parallel_loop3A_922 : i32 to index
        %parallel_loop3A_976 = tpu.vector_load %arg8[%parallel_loop3A_973, %parallel_loop3A_974, %parallel_loop3A_975] {strides = array<i32>} : memref<3x8x2048xf32, #tpu.memory_space<vmem>>, vector<16xf32>,
        tpu.vector_store %arg8[%parallel_loop3A_973, %parallel_loop3A_974, %parallel_loop3A_975], %parallel_loop3A_970 {add = true, strides = array<i32>} : memref<3x8x2048xf32, #tpu.memory_space<vmem>>, vector<16xf32>,
        %parallel_loop3A_977 = arith.addi %mul3A_645, %parallel_loop3A_922 : i32
        %parallel_loop3A_978 = arith.index_cast %parallel_loop3A_977 : i32 to index
        %parallel_loop3A_979 = tpu.vector_load %arg6[%parallel_loop3A_978] {strides = array<i32>} : memref<65536xf32, #tpu.memory_space<vmem>>, vector<16xf32>,
        %parallel_loop3A_980 = arith.constant 2 : i32
        %parallel_loop3A_981 = arith.constant 6 : i32
        %parallel_loop3A_982 = arith.index_cast %parallel_loop3A_980 : i32 to index
        %parallel_loop3A_983 = arith.index_cast %parallel_loop3A_981 : i32 to index
        %parallel_loop3A_984 = arith.index_cast %parallel_loop3A_922 : i32 to index
        %parallel_loop3A_985 = tpu.vector_load %arg8[%parallel_loop3A_982, %parallel_loop3A_983, %parallel_loop3A_984] {strides = array<i32>} : memref<3x8x2048xf32, #tpu.memory_space<vmem>>, vector<16xf32>,
        tpu.vector_store %arg8[%parallel_loop3A_982, %parallel_loop3A_983, %parallel_loop3A_984], %parallel_loop3A_979 {add = true, strides = array<i32>} : memref<3x8x2048xf32, #tpu.memory_space<vmem>>, vector<16xf32>,
        %parallel_loop3A_986 = arith.addi %mul3A_649, %parallel_loop3A_922 : i32
        %parallel_loop3A_987 = arith.index_cast %parallel_loop3A_986 : i32 to index
        %parallel_loop3A_988 = tpu.vector_load %arg6[%parallel_loop3A_987] {strides = array<i32>} : memref<65536xf32, #tpu.memory_space<vmem>>, vector<16xf32>,
        %parallel_loop3A_989 = arith.constant 2 : i32
        %parallel_loop3A_990 = arith.constant 7 : i32
        %parallel_loop3A_991 = arith.index_cast %parallel_loop3A_989 : i32 to index
        %parallel_loop3A_992 = arith.index_cast %parallel_loop3A_990 : i32 to index
        %parallel_loop3A_993 = arith.index_cast %parallel_loop3A_922 : i32 to index
        %parallel_loop3A_994 = tpu.vector_load %arg8[%parallel_loop3A_991, %parallel_loop3A_992, %parallel_loop3A_993] {strides = array<i32>} : memref<3x8x2048xf32, #tpu.memory_space<vmem>>, vector<16xf32>,
        tpu.vector_store %arg8[%parallel_loop3A_991, %parallel_loop3A_992, %parallel_loop3A_993], %parallel_loop3A_988 {add = true, strides = array<i32>} : memref<3x8x2048xf32, #tpu.memory_space<vmem>>, vector<16xf32>,
      } {sc.loop_unroll_factor = 8 : i64, sc.parallel_access}
      %mul3A_653 = arith.constant 8 : i32
      %mul3A_654 = arith.muli %add3A_553, %mul3A_653 : i32
      %add3A_655 = arith.addi %mul3A_2, %mul3A_654 : i32
      %dma_start3A_656 = arith.constant 2 : i32
      %dma_start3A_657 = arith.constant 2 : i32
      %dma_start3A_658 = arith.constant 0 : i32
      %dma_start3A_659 = arith.constant 0 : i32
      %dma_start3A_660 = tpu.memref_slice %arg8[%dma_start3A_656, %dma_start3A_658, %dma_start3A_659] : memref<3x8x2048xf32, #tpu.memory_space<vmem>> -> memref<1x8x2048xf32, #tpu.memory_space<vmem>>
      %dma_start3A_661 = tpu.memref_squeeze %dma_start3A_660 : memref<1x8x2048xf32, #tpu.memory_space<vmem>> -> memref<8x2048xf32, #tpu.memory_space<vmem>>
      %dma_start3A_662 = arith.constant 0 : i32
      %dma_start3A_663 = tpu.memref_slice %arg5[%add3A_655, %dma_start3A_662] : memref<32768x2048xf32, #tpu.memory_space<hbm>> -> memref<8x2048xf32, #tpu.memory_space<hbm>>
      %dma_start3A_664 = tpu.memref_slice %arg10[%dma_start3A_657] : memref<3x!tpu.dma_semaphore, #tpu.memory_space<semaphore_mem>> -> memref<1x!tpu.dma_semaphore, #tpu.memory_space<semaphore_mem>>
      %dma_start3A_665 = tpu.memref_squeeze %dma_start3A_664 : memref<1x!tpu.dma_semaphore, #tpu.memory_space<semaphore_mem>> -> memref<!tpu.dma_semaphore, #tpu.memory_space<semaphore_mem>>
      %dma_start3A_666 = arith.constant 0 : i32
      %dma_start3A_667 = tpu.memref_slice %arg5[%add3A_655, %dma_start3A_666] : memref<32768x2048xf32, #tpu.memory_space<hbm>> -> memref<8x2048xf32, #tpu.memory_space<hbm>>
      %dma_start3A_668 = arith.constant 0 : i32
      %dma_start3A_669 = arith.constant 0 : i32
      %dma_start3A_670 = tpu.memref_slice %arg8[%dma_start3A_656, %dma_start3A_668, %dma_start3A_669] : memref<3x8x2048xf32, #tpu.memory_space<vmem>> -> memref<1x8x2048xf32, #tpu.memory_space<vmem>>
      %dma_start3A_671 = tpu.memref_squeeze %dma_start3A_670 : memref<1x8x2048xf32, #tpu.memory_space<vmem>> -> memref<8x2048xf32, #tpu.memory_space<vmem>>
      tpu.enqueue_dma source(%dma_start3A_671 : memref<8x2048xf32, #tpu.memory_space<vmem>>) target(%dma_start3A_667 : memref<8x2048xf32, #tpu.memory_space<hbm>>) target_semaphore(%dma_start3A_665 : memref<!tpu.dma_semaphore, #tpu.memory_space<semaphore_mem>>)
      %mul3A_672 = arith.constant 3 : i32
      %mul3A_673 = arith.muli %scan3A_547, %mul3A_672 : i32
      %add3A_674 = arith.constant 2 : i32
      %add3A_675 = arith.addi %add3A_674, %mul3A_673 : i32
      %add3A_676 = arith.constant 1 : i32
      %add3A_677 = arith.addi %add3A_675, %add3A_676 : i32
      %sub3A_678 = arith.constant 2 : i32
      %sub3A_679 = arith.subi %add3A_677, %sub3A_678 : i32
      %mul3A_680 = arith.constant 8 : i32
      %mul3A_681 = arith.muli %sub3A_679, %mul3A_680 : i32
      %add3A_682 = arith.addi %mul3A_2, %mul3A_681 : i32
      %dma_wait3A_683 = arith.constant 1 : i32
      %dma_wait3A_684 = arith.constant 1 : i32
      %dma_wait3A_685 = arith.constant 0 : i32
      %dma_wait3A_686 = arith.constant 0 : i32
      %dma_wait3A_687 = tpu.memref_slice %arg8[%dma_wait3A_683, %dma_wait3A_685, %dma_wait3A_686] : memref<3x8x2048xf32, #tpu.memory_space<vmem>> -> memref<1x8x2048xf32, #tpu.memory_space<vmem>>
      %dma_wait3A_688 = tpu.memref_squeeze %dma_wait3A_687 : memref<1x8x2048xf32, #tpu.memory_space<vmem>> -> memref<8x2048xf32, #tpu.memory_space<vmem>>
      %dma_wait3A_689 = arith.constant 0 : i32
      %dma_wait3A_690 = tpu.memref_slice %arg5[%add3A_682, %dma_wait3A_689] : memref<32768x2048xf32, #tpu.memory_space<hbm>> -> memref<8x2048xf32, #tpu.memory_space<hbm>>
      %dma_wait3A_691 = tpu.memref_slice %arg10[%dma_wait3A_684] : memref<3x!tpu.dma_semaphore, #tpu.memory_space<semaphore_mem>> -> memref<1x!tpu.dma_semaphore, #tpu.memory_space<semaphore_mem>>
      %dma_wait3A_692 = tpu.memref_squeeze %dma_wait3A_691 : memref<1x!tpu.dma_semaphore, #tpu.memory_space<semaphore_mem>> -> memref<!tpu.dma_semaphore, #tpu.memory_space<semaphore_mem>>
      %dma_wait3A_693 = arith.constant 0 : i32
      %dma_wait3A_694 = tpu.memref_slice %arg5[%add3A_682, %dma_wait3A_693] : memref<32768x2048xf32, #tpu.memory_space<hbm>> -> memref<8x2048xf32, #tpu.memory_space<hbm>>
      %dma_wait3A_695 = arith.constant 0 : i32
      %dma_wait3A_696 = arith.constant 0 : i32
      %dma_wait3A_697 = tpu.memref_slice %arg8[%dma_wait3A_683, %dma_wait3A_695, %dma_wait3A_696] : memref<3x8x2048xf32, #tpu.memory_space<vmem>> -> memref<1x8x2048xf32, #tpu.memory_space<vmem>>
      %dma_wait3A_698 = tpu.memref_squeeze %dma_wait3A_697 : memref<1x8x2048xf32, #tpu.memory_space<vmem>> -> memref<8x2048xf32, #tpu.memory_space<vmem>>
      tpu.wait_dma2 semaphore(%dma_wait3A_692 : memref<!tpu.dma_semaphore, #tpu.memory_space<semaphore_mem>>) src(%dma_wait3A_698 : memref<8x2048xf32, #tpu.memory_space<vmem>>) dst(%dma_wait3A_694 : memref<8x2048xf32, #tpu.memory_space<hbm>>)
      %add3A_699 = arith.constant 1 : i32
      %add3A_700 = arith.addi %add3A_677, %add3A_699 : i32
      %mul3A_701 = arith.constant 8 : i32
      %mul3A_702 = arith.muli %add3A_700, %mul3A_701 : i32
      %add3A_703 = arith.addi %mul3A_2, %mul3A_702 : i32
      %dma_start3A_704 = arith.constant 1 : i32
      %dma_start3A_705 = arith.constant 1 : i32
      %dma_start3A_706 = arith.constant 0 : i32
      %dma_start3A_707 = arith.constant 0 : i32
      %dma_start3A_708 = tpu.memref_slice %arg8[%dma_start3A_704, %dma_start3A_706, %dma_start3A_707] : memref<3x8x2048xf32, #tpu.memory_space<vmem>> -> memref<1x8x2048xf32, #tpu.memory_space<vmem>>
      %dma_start3A_709 = tpu.memref_squeeze %dma_start3A_708 : memref<1x8x2048xf32, #tpu.memory_space<vmem>> -> memref<8x2048xf32, #tpu.memory_space<vmem>>
      %dma_start3A_710 = arith.constant 0 : i32
      %dma_start3A_711 = tpu.memref_slice %arg2[%add3A_703, %dma_start3A_710] : memref<32768x2048xf32, #tpu.memory_space<hbm>> -> memref<8x2048xf32, #tpu.memory_space<hbm>>
      %dma_start3A_712 = tpu.memref_slice %arg9[%dma_start3A_705] : memref<3x!tpu.dma_semaphore, #tpu.memory_space<semaphore_mem>> -> memref<1x!tpu.dma_semaphore, #tpu.memory_space<semaphore_mem>>
      %dma_start3A_713 = tpu.memref_squeeze %dma_start3A_712 : memref<1x!tpu.dma_semaphore, #tpu.memory_space<semaphore_mem>> -> memref<!tpu.dma_semaphore, #tpu.memory_space<semaphore_mem>>
      %dma_start3A_714 = arith.constant 0 : i32
      %dma_start3A_715 = arith.constant 0 : i32
      %dma_start3A_716 = tpu.memref_slice %arg8[%dma_start3A_704, %dma_start3A_714, %dma_start3A_715] : memref<3x8x2048xf32, #tpu.memory_space<vmem>> -> memref<1x8x2048xf32, #tpu.memory_space<vmem>>
      %dma_start3A_717 = tpu.memref_squeeze %dma_start3A_716 : memref<1x8x2048xf32, #tpu.memory_space<vmem>> -> memref<8x2048xf32, #tpu.memory_space<vmem>>
      %dma_start3A_718 = arith.constant 0 : i32
      %dma_start3A_719 = tpu.memref_slice %arg2[%add3A_703, %dma_start3A_718] : memref<32768x2048xf32, #tpu.memory_space<hbm>> -> memref<8x2048xf32, #tpu.memory_space<hbm>>
      tpu.enqueue_dma source(%dma_start3A_719 : memref<8x2048xf32, #tpu.memory_space<hbm>>) target(%dma_start3A_717 : memref<8x2048xf32, #tpu.memory_space<vmem>>) target_semaphore(%dma_start3A_713 : memref<!tpu.dma_semaphore, #tpu.memory_space<semaphore_mem>>)
      %mul3A_720 = arith.constant 8 : i32
      %mul3A_721 = arith.muli %add3A_677, %mul3A_720 : i32
      %add3A_722 = arith.addi %mul3A_2, %mul3A_721 : i32
      %dma_wait3A_723 = arith.constant 0 : i32
      %dma_wait3A_724 = arith.constant 0 : i32
      %dma_wait3A_725 = arith.constant 0 : i32
      %dma_wait3A_726 = arith.constant 0 : i32
      %dma_wait3A_727 = tpu.memref_slice %arg8[%dma_wait3A_723, %dma_wait3A_725, %dma_wait3A_726] : memref<3x8x2048xf32, #tpu.memory_space<vmem>> -> memref<1x8x2048xf32, #tpu.memory_space<vmem>>
      %dma_wait3A_728 = tpu.memref_squeeze %dma_wait3A_727 : memref<1x8x2048xf32, #tpu.memory_space<vmem>> -> memref<8x2048xf32, #tpu.memory_space<vmem>>
      %dma_wait3A_729 = arith.constant 0 : i32
      %dma_wait3A_730 = tpu.memref_slice %arg2[%add3A_722, %dma_wait3A_729] : memref<32768x2048xf32, #tpu.memory_space<hbm>> -> memref<8x2048xf32, #tpu.memory_space<hbm>>
      %dma_wait3A_731 = tpu.memref_slice %arg9[%dma_wait3A_724] : memref<3x!tpu.dma_semaphore, #tpu.memory_space<semaphore_mem>> -> memref<1x!tpu.dma_semaphore, #tpu.memory_space<semaphore_mem>>
      %dma_wait3A_732 = tpu.memref_squeeze %dma_wait3A_731 : memref<1x!tpu.dma_semaphore, #tpu.memory_space<semaphore_mem>> -> memref<!tpu.dma_semaphore, #tpu.memory_space<semaphore_mem>>
      %dma_wait3A_733 = arith.constant 0 : i32
      %dma_wait3A_734 = arith.constant 0 : i32
      %dma_wait3A_735 = tpu.memref_slice %arg8[%dma_wait3A_723, %dma_wait3A_733, %dma_wait3A_734] : memref<3x8x2048xf32, #tpu.memory_space<vmem>> -> memref<1x8x2048xf32, #tpu.memory_space<vmem>>
      %dma_wait3A_736 = tpu.memref_squeeze %dma_wait3A_735 : memref<1x8x2048xf32, #tpu.memory_space<vmem>> -> memref<8x2048xf32, #tpu.memory_space<vmem>>
      %dma_wait3A_737 = arith.constant 0 : i32
      %dma_wait3A_738 = tpu.memref_slice %arg2[%add3A_722, %dma_wait3A_737] : memref<32768x2048xf32, #tpu.memory_space<hbm>> -> memref<8x2048xf32, #tpu.memory_space<hbm>>
      tpu.wait_dma2 semaphore(%dma_wait3A_732 : memref<!tpu.dma_semaphore, #tpu.memory_space<semaphore_mem>>) src(%dma_wait3A_738 : memref<8x2048xf32, #tpu.memory_space<hbm>>) dst(%dma_wait3A_736 : memref<8x2048xf32, #tpu.memory_space<vmem>>)
      %mul3A_739 = arith.constant 8 : i32
      %mul3A_740 = arith.muli %add3A_677, %mul3A_739 : i32
      %get3A_741 = arith.index_cast %mul3A_740 : i32 to index
      %get3A_742 = tpu.vector_load %arg7[%get3A_741] {strides = array<i32>} : memref<1040xi32, #tpu.memory_space<vmem>>, vector<16xi32>,
      %slice3A_743 = vector.extract_strided_slice %get3A_742 {offsets = [0], sizes = [1], strides = [1]} : vector<16xi32> to vector<1xi32>
      %squeeze3A_744 = vector.extract %slice3A_743[0] : i32 from vector<1xi32>
      %mul3A_745 = arith.constant 2048 : i32
      %mul3A_746 = arith.muli %squeeze3A_744, %mul3A_745 : i32
      %slice3A_747 = vector.extract_strided_slice %get3A_742 {offsets = [1], sizes = [1], strides = [1]} : vector<16xi32> to vector<1xi32>
      %squeeze3A_748 = vector.extract %slice3A_747[0] : i32 from vector<1xi32>
      %mul3A_749 = arith.constant 2048 : i32
      %mul3A_750 = arith.muli %squeeze3A_748, %mul3A_749 : i32
      %slice3A_751 = vector.extract_strided_slice %get3A_742 {offsets = [2], sizes = [1], strides = [1]} : vector<16xi32> to vector<1xi32>
      %squeeze3A_752 = vector.extract %slice3A_751[0] : i32 from vector<1xi32>
      %mul3A_753 = arith.constant 2048 : i32
      %mul3A_754 = arith.muli %squeeze3A_752, %mul3A_753 : i32
      %slice3A_755 = vector.extract_strided_slice %get3A_742 {offsets = [3], sizes = [1], strides = [1]} : vector<16xi32> to vector<1xi32>
      %squeeze3A_756 = vector.extract %slice3A_755[0] : i32 from vector<1xi32>
      %mul3A_757 = arith.constant 2048 : i32
      %mul3A_758 = arith.muli %squeeze3A_756, %mul3A_757 : i32
      %slice3A_759 = vector.extract_strided_slice %get3A_742 {offsets = [4], sizes = [1], strides = [1]} : vector<16xi32> to vector<1xi32>
      %squeeze3A_760 = vector.extract %slice3A_759[0] : i32 from vector<1xi32>
      %mul3A_761 = arith.constant 2048 : i32
      %mul3A_762 = arith.muli %squeeze3A_760, %mul3A_761 : i32
      %slice3A_763 = vector.extract_strided_slice %get3A_742 {offsets = [5], sizes = [1], strides = [1]} : vector<16xi32> to vector<1xi32>
      %squeeze3A_764 = vector.extract %slice3A_763[0] : i32 from vector<1xi32>
      %mul3A_765 = arith.constant 2048 : i32
      %mul3A_766 = arith.muli %squeeze3A_764, %mul3A_765 : i32
      %slice3A_767 = vector.extract_strided_slice %get3A_742 {offsets = [6], sizes = [1], strides = [1]} : vector<16xi32> to vector<1xi32>
      %squeeze3A_768 = vector.extract %slice3A_767[0] : i32 from vector<1xi32>
      %mul3A_769 = arith.constant 2048 : i32
      %mul3A_770 = arith.muli %squeeze3A_768, %mul3A_769 : i32
      %slice3A_771 = vector.extract_strided_slice %get3A_742 {offsets = [7], sizes = [1], strides = [1]} : vector<16xi32> to vector<1xi32>
      %squeeze3A_772 = vector.extract %slice3A_771[0] : i32 from vector<1xi32>
      %mul3A_773 = arith.constant 2048 : i32
      %mul3A_774 = arith.muli %squeeze3A_772, %mul3A_773 : i32
      %parallel_loop3A_775 = arith.constant 0 : i32
      %parallel_loop3A_776 = arith.constant 2048 : i32
      %parallel_loop3A_777 = arith.constant 16 : i32
      scf.for %parallel_loop3A_922 = %parallel_loop3A_775 to %parallel_loop3A_776 step %parallel_loop3A_777  : i32 {
        %parallel_loop3A_923 = arith.addi %mul3A_746, %parallel_loop3A_922 : i32
        %parallel_loop3A_924 = arith.index_cast %parallel_loop3A_923 : i32 to index
        %parallel_loop3A_925 = tpu.vector_load %arg6[%parallel_loop3A_924] {strides = array<i32>} : memref<65536xf32, #tpu.memory_space<vmem>>, vector<16xf32>,
        %parallel_loop3A_926 = arith.constant 0 : i32
        %parallel_loop3A_927 = arith.constant 0 : i32
        %parallel_loop3A_928 = arith.index_cast %parallel_loop3A_926 : i32 to index
        %parallel_loop3A_929 = arith.index_cast %parallel_loop3A_927 : i32 to index
        %parallel_loop3A_930 = arith.index_cast %parallel_loop3A_922 : i32 to index
        %parallel_loop3A_931 = tpu.vector_load %arg8[%parallel_loop3A_928, %parallel_loop3A_929, %parallel_loop3A_930] {strides = array<i32>} : memref<3x8x2048xf32, #tpu.memory_space<vmem>>, vector<16xf32>,
        tpu.vector_store %arg8[%parallel_loop3A_928, %parallel_loop3A_929, %parallel_loop3A_930], %parallel_loop3A_925 {add = true, strides = array<i32>} : memref<3x8x2048xf32, #tpu.memory_space<vmem>>, vector<16xf32>,
        %parallel_loop3A_932 = arith.addi %mul3A_750, %parallel_loop3A_922 : i32
        %parallel_loop3A_933 = arith.index_cast %parallel_loop3A_932 : i32 to index
        %parallel_loop3A_934 = tpu.vector_load %arg6[%parallel_loop3A_933] {strides = array<i32>} : memref<65536xf32, #tpu.memory_space<vmem>>, vector<16xf32>,
        %parallel_loop3A_935 = arith.constant 0 : i32
        %parallel_loop3A_936 = arith.constant 1 : i32
        %parallel_loop3A_937 = arith.index_cast %parallel_loop3A_935 : i32 to index
        %parallel_loop3A_938 = arith.index_cast %parallel_loop3A_936 : i32 to index
        %parallel_loop3A_939 = arith.index_cast %parallel_loop3A_922 : i32 to index
        %parallel_loop3A_940 = tpu.vector_load %arg8[%parallel_loop3A_937, %parallel_loop3A_938, %parallel_loop3A_939] {strides = array<i32>} : memref<3x8x2048xf32, #tpu.memory_space<vmem>>, vector<16xf32>,
        tpu.vector_store %arg8[%parallel_loop3A_937, %parallel_loop3A_938, %parallel_loop3A_939], %parallel_loop3A_934 {add = true, strides = array<i32>} : memref<3x8x2048xf32, #tpu.memory_space<vmem>>, vector<16xf32>,
        %parallel_loop3A_941 = arith.addi %mul3A_754, %parallel_loop3A_922 : i32
        %parallel_loop3A_942 = arith.index_cast %parallel_loop3A_941 : i32 to index
        %parallel_loop3A_943 = tpu.vector_load %arg6[%parallel_loop3A_942] {strides = array<i32>} : memref<65536xf32, #tpu.memory_space<vmem>>, vector<16xf32>,
        %parallel_loop3A_944 = arith.constant 0 : i32
        %parallel_loop3A_945 = arith.constant 2 : i32
        %parallel_loop3A_946 = arith.index_cast %parallel_loop3A_944 : i32 to index
        %parallel_loop3A_947 = arith.index_cast %parallel_loop3A_945 : i32 to index
        %parallel_loop3A_948 = arith.index_cast %parallel_loop3A_922 : i32 to index
        %parallel_loop3A_949 = tpu.vector_load %arg8[%parallel_loop3A_946, %parallel_loop3A_947, %parallel_loop3A_948] {strides = array<i32>} : memref<3x8x2048xf32, #tpu.memory_space<vmem>>, vector<16xf32>,
        tpu.vector_store %arg8[%parallel_loop3A_946, %parallel_loop3A_947, %parallel_loop3A_948], %parallel_loop3A_943 {add = true, strides = array<i32>} : memref<3x8x2048xf32, #tpu.memory_space<vmem>>, vector<16xf32>,
        %parallel_loop3A_950 = arith.addi %mul3A_758, %parallel_loop3A_922 : i32
        %parallel_loop3A_951 = arith.index_cast %parallel_loop3A_950 : i32 to index
        %parallel_loop3A_952 = tpu.vector_load %arg6[%parallel_loop3A_951] {strides = array<i32>} : memref<65536xf32, #tpu.memory_space<vmem>>, vector<16xf32>,
        %parallel_loop3A_953 = arith.constant 0 : i32
        %parallel_loop3A_954 = arith.constant 3 : i32
        %parallel_loop3A_955 = arith.index_cast %parallel_loop3A_953 : i32 to index
        %parallel_loop3A_956 = arith.index_cast %parallel_loop3A_954 : i32 to index
        %parallel_loop3A_957 = arith.index_cast %parallel_loop3A_922 : i32 to index
        %parallel_loop3A_958 = tpu.vector_load %arg8[%parallel_loop3A_955, %parallel_loop3A_956, %parallel_loop3A_957] {strides = array<i32>} : memref<3x8x2048xf32, #tpu.memory_space<vmem>>, vector<16xf32>,
        tpu.vector_store %arg8[%parallel_loop3A_955, %parallel_loop3A_956, %parallel_loop3A_957], %parallel_loop3A_952 {add = true, strides = array<i32>} : memref<3x8x2048xf32, #tpu.memory_space<vmem>>, vector<16xf32>,
        %parallel_loop3A_959 = arith.addi %mul3A_762, %parallel_loop3A_922 : i32
        %parallel_loop3A_960 = arith.index_cast %parallel_loop3A_959 : i32 to index
        %parallel_loop3A_961 = tpu.vector_load %arg6[%parallel_loop3A_960] {strides = array<i32>} : memref<65536xf32, #tpu.memory_space<vmem>>, vector<16xf32>,
        %parallel_loop3A_962 = arith.constant 0 : i32
        %parallel_loop3A_963 = arith.constant 4 : i32
        %parallel_loop3A_964 = arith.index_cast %parallel_loop3A_962 : i32 to index
        %parallel_loop3A_965 = arith.index_cast %parallel_loop3A_963 : i32 to index
        %parallel_loop3A_966 = arith.index_cast %parallel_loop3A_922 : i32 to index
        %parallel_loop3A_967 = tpu.vector_load %arg8[%parallel_loop3A_964, %parallel_loop3A_965, %parallel_loop3A_966] {strides = array<i32>} : memref<3x8x2048xf32, #tpu.memory_space<vmem>>, vector<16xf32>,
        tpu.vector_store %arg8[%parallel_loop3A_964, %parallel_loop3A_965, %parallel_loop3A_966], %parallel_loop3A_961 {add = true, strides = array<i32>} : memref<3x8x2048xf32, #tpu.memory_space<vmem>>, vector<16xf32>,
        %parallel_loop3A_968 = arith.addi %mul3A_766, %parallel_loop3A_922 : i32
        %parallel_loop3A_969 = arith.index_cast %parallel_loop3A_968 : i32 to index
        %parallel_loop3A_970 = tpu.vector_load %arg6[%parallel_loop3A_969] {strides = array<i32>} : memref<65536xf32, #tpu.memory_space<vmem>>, vector<16xf32>,
        %parallel_loop3A_971 = arith.constant 0 : i32
        %parallel_loop3A_972 = arith.constant 5 : i32
        %parallel_loop3A_973 = arith.index_cast %parallel_loop3A_971 : i32 to index
        %parallel_loop3A_974 = arith.index_cast %parallel_loop3A_972 : i32 to index
        %parallel_loop3A_975 = arith.index_cast %parallel_loop3A_922 : i32 to index
        %parallel_loop3A_976 = tpu.vector_load %arg8[%parallel_loop3A_973, %parallel_loop3A_974, %parallel_loop3A_975] {strides = array<i32>} : memref<3x8x2048xf32, #tpu.memory_space<vmem>>, vector<16xf32>,
        tpu.vector_store %arg8[%parallel_loop3A_973, %parallel_loop3A_974, %parallel_loop3A_975], %parallel_loop3A_970 {add = true, strides = array<i32>} : memref<3x8x2048xf32, #tpu.memory_space<vmem>>, vector<16xf32>,
        %parallel_loop3A_977 = arith.addi %mul3A_770, %parallel_loop3A_922 : i32
        %parallel_loop3A_978 = arith.index_cast %parallel_loop3A_977 : i32 to index
        %parallel_loop3A_979 = tpu.vector_load %arg6[%parallel_loop3A_978] {strides = array<i32>} : memref<65536xf32, #tpu.memory_space<vmem>>, vector<16xf32>,
        %parallel_loop3A_980 = arith.constant 0 : i32
        %parallel_loop3A_981 = arith.constant 6 : i32
        %parallel_loop3A_982 = arith.index_cast %parallel_loop3A_980 : i32 to index
        %parallel_loop3A_983 = arith.index_cast %parallel_loop3A_981 : i32 to index
        %parallel_loop3A_984 = arith.index_cast %parallel_loop3A_922 : i32 to index
        %parallel_loop3A_985 = tpu.vector_load %arg8[%parallel_loop3A_982, %parallel_loop3A_983, %parallel_loop3A_984] {strides = array<i32>} : memref<3x8x2048xf32, #tpu.memory_space<vmem>>, vector<16xf32>,
        tpu.vector_store %arg8[%parallel_loop3A_982, %parallel_loop3A_983, %parallel_loop3A_984], %parallel_loop3A_979 {add = true, strides = array<i32>} : memref<3x8x2048xf32, #tpu.memory_space<vmem>>, vector<16xf32>,
        %parallel_loop3A_986 = arith.addi %mul3A_774, %parallel_loop3A_922 : i32
        %parallel_loop3A_987 = arith.index_cast %parallel_loop3A_986 : i32 to index
        %parallel_loop3A_988 = tpu.vector_load %arg6[%parallel_loop3A_987] {strides = array<i32>} : memref<65536xf32, #tpu.memory_space<vmem>>, vector<16xf32>,
        %parallel_loop3A_989 = arith.constant 0 : i32
        %parallel_loop3A_990 = arith.constant 7 : i32
        %parallel_loop3A_991 = arith.index_cast %parallel_loop3A_989 : i32 to index
        %parallel_loop3A_992 = arith.index_cast %parallel_loop3A_990 : i32 to index
        %parallel_loop3A_993 = arith.index_cast %parallel_loop3A_922 : i32 to index
        %parallel_loop3A_994 = tpu.vector_load %arg8[%parallel_loop3A_991, %parallel_loop3A_992, %parallel_loop3A_993] {strides = array<i32>} : memref<3x8x2048xf32, #tpu.memory_space<vmem>>, vector<16xf32>,
        tpu.vector_store %arg8[%parallel_loop3A_991, %parallel_loop3A_992, %parallel_loop3A_993], %parallel_loop3A_988 {add = true, strides = array<i32>} : memref<3x8x2048xf32, #tpu.memory_space<vmem>>, vector<16xf32>,
      } {sc.loop_unroll_factor = 8 : i64, sc.parallel_access}
      %mul3A_778 = arith.constant 8 : i32
      %mul3A_779 = arith.muli %add3A_677, %mul3A_778 : i32
      %add3A_780 = arith.addi %mul3A_2, %mul3A_779 : i32
      %dma_start3A_781 = arith.constant 0 : i32
      %dma_start3A_782 = arith.constant 0 : i32
      %dma_start3A_783 = arith.constant 0 : i32
      %dma_start3A_784 = arith.constant 0 : i32
      %dma_start3A_785 = tpu.memref_slice %arg8[%dma_start3A_781, %dma_start3A_783, %dma_start3A_784] : memref<3x8x2048xf32, #tpu.memory_space<vmem>> -> memref<1x8x2048xf32, #tpu.memory_space<vmem>>
      %dma_start3A_786 = tpu.memref_squeeze %dma_start3A_785 : memref<1x8x2048xf32, #tpu.memory_space<vmem>> -> memref<8x2048xf32, #tpu.memory_space<vmem>>
      %dma_start3A_787 = arith.constant 0 : i32
      %dma_start3A_788 = tpu.memref_slice %arg5[%add3A_780, %dma_start3A_787] : memref<32768x2048xf32, #tpu.memory_space<hbm>> -> memref<8x2048xf32, #tpu.memory_space<hbm>>
      %dma_start3A_789 = tpu.memref_slice %arg10[%dma_start3A_782] : memref<3x!tpu.dma_semaphore, #tpu.memory_space<semaphore_mem>> -> memref<1x!tpu.dma_semaphore, #tpu.memory_space<semaphore_mem>>
      %dma_start3A_790 = tpu.memref_squeeze %dma_start3A_789 : memref<1x!tpu.dma_semaphore, #tpu.memory_space<semaphore_mem>> -> memref<!tpu.dma_semaphore, #tpu.memory_space<semaphore_mem>>
      %dma_start3A_791 = arith.constant 0 : i32
      %dma_start3A_792 = tpu.memref_slice %arg5[%add3A_780, %dma_start3A_791] : memref<32768x2048xf32, #tpu.memory_space<hbm>> -> memref<8x2048xf32, #tpu.memory_space<hbm>>
      %dma_start3A_793 = arith.constant 0 : i32
      %dma_start3A_794 = arith.constant 0 : i32
      %dma_start3A_795 = tpu.memref_slice %arg8[%dma_start3A_781, %dma_start3A_793, %dma_start3A_794] : memref<3x8x2048xf32, #tpu.memory_space<vmem>> -> memref<1x8x2048xf32, #tpu.memory_space<vmem>>
      %dma_start3A_796 = tpu.memref_squeeze %dma_start3A_795 : memref<1x8x2048xf32, #tpu.memory_space<vmem>> -> memref<8x2048xf32, #tpu.memory_space<vmem>>
      tpu.enqueue_dma source(%dma_start3A_796 : memref<8x2048xf32, #tpu.memory_space<vmem>>) target(%dma_start3A_792 : memref<8x2048xf32, #tpu.memory_space<hbm>>) target_semaphore(%dma_start3A_790 : memref<!tpu.dma_semaphore, #tpu.memory_space<semaphore_mem>>)
      %mul3A_797 = arith.constant 3 : i32
      %mul3A_798 = arith.muli %scan3A_547, %mul3A_797 : i32
      %add3A_799 = arith.constant 2 : i32
      %add3A_800 = arith.addi %add3A_799, %mul3A_798 : i32
      %add3A_801 = arith.constant 2 : i32
      %add3A_802 = arith.addi %add3A_800, %add3A_801 : i32
      %sub3A_803 = arith.constant 2 : i32
      %sub3A_804 = arith.subi %add3A_802, %sub3A_803 : i32
      %mul3A_805 = arith.constant 8 : i32
      %mul3A_806 = arith.muli %sub3A_804, %mul3A_805 : i32
      %add3A_807 = arith.addi %mul3A_2, %mul3A_806 : i32
      %dma_wait3A_808 = arith.constant 2 : i32
      %dma_wait3A_809 = arith.constant 2 : i32
      %dma_wait3A_810 = arith.constant 0 : i32
      %dma_wait3A_811 = arith.constant 0 : i32
      %dma_wait3A_812 = tpu.memref_slice %arg8[%dma_wait3A_808, %dma_wait3A_810, %dma_wait3A_811] : memref<3x8x2048xf32, #tpu.memory_space<vmem>> -> memref<1x8x2048xf32, #tpu.memory_space<vmem>>
      %dma_wait3A_813 = tpu.memref_squeeze %dma_wait3A_812 : memref<1x8x2048xf32, #tpu.memory_space<vmem>> -> memref<8x2048xf32, #tpu.memory_space<vmem>>
      %dma_wait3A_814 = arith.constant 0 : i32
      %dma_wait3A_815 = tpu.memref_slice %arg5[%add3A_807, %dma_wait3A_814] : memref<32768x2048xf32, #tpu.memory_space<hbm>> -> memref<8x2048xf32, #tpu.memory_space<hbm>>
      %dma_wait3A_816 = tpu.memref_slice %arg10[%dma_wait3A_809] : memref<3x!tpu.dma_semaphore, #tpu.memory_space<semaphore_mem>> -> memref<1x!tpu.dma_semaphore, #tpu.memory_space<semaphore_mem>>
      %dma_wait3A_817 = tpu.memref_squeeze %dma_wait3A_816 : memref<1x!tpu.dma_semaphore, #tpu.memory_space<semaphore_mem>> -> memref<!tpu.dma_semaphore, #tpu.memory_space<semaphore_mem>>
      %dma_wait3A_818 = arith.constant 0 : i32
      %dma_wait3A_819 = tpu.memref_slice %arg5[%add3A_807, %dma_wait3A_818] : memref<32768x2048xf32, #tpu.memory_space<hbm>> -> memref<8x2048xf32, #tpu.memory_space<hbm>>
      %dma_wait3A_820 = arith.constant 0 : i32
      %dma_wait3A_821 = arith.constant 0 : i32
      %dma_wait3A_822 = tpu.memref_slice %arg8[%dma_wait3A_808, %dma_wait3A_820, %dma_wait3A_821] : memref<3x8x2048xf32, #tpu.memory_space<vmem>> -> memref<1x8x2048xf32, #tpu.memory_space<vmem>>
      %dma_wait3A_823 = tpu.memref_squeeze %dma_wait3A_822 : memref<1x8x2048xf32, #tpu.memory_space<vmem>> -> memref<8x2048xf32, #tpu.memory_space<vmem>>
      tpu.wait_dma2 semaphore(%dma_wait3A_817 : memref<!tpu.dma_semaphore, #tpu.memory_space<semaphore_mem>>) src(%dma_wait3A_823 : memref<8x2048xf32, #tpu.memory_space<vmem>>) dst(%dma_wait3A_819 : memref<8x2048xf32, #tpu.memory_space<hbm>>)
      %add3A_824 = arith.constant 1 : i32
      %add3A_825 = arith.addi %add3A_802, %add3A_824 : i32
      %mul3A_826 = arith.constant 8 : i32
      %mul3A_827 = arith.muli %add3A_825, %mul3A_826 : i32
      %add3A_828 = arith.addi %mul3A_2, %mul3A_827 : i32
      %dma_start3A_829 = arith.constant 2 : i32
      %dma_start3A_830 = arith.constant 2 : i32
      %dma_start3A_831 = arith.constant 0 : i32
      %dma_start3A_832 = arith.constant 0 : i32
      %dma_start3A_833 = tpu.memref_slice %arg8[%dma_start3A_829, %dma_start3A_831, %dma_start3A_832] : memref<3x8x2048xf32, #tpu.memory_space<vmem>> -> memref<1x8x2048xf32, #tpu.memory_space<vmem>>
      %dma_start3A_834 = tpu.memref_squeeze %dma_start3A_833 : memref<1x8x2048xf32, #tpu.memory_space<vmem>> -> memref<8x2048xf32, #tpu.memory_space<vmem>>
      %dma_start3A_835 = arith.constant 0 : i32
      %dma_start3A_836 = tpu.memref_slice %arg2[%add3A_828, %dma_start3A_835] : memref<32768x2048xf32, #tpu.memory_space<hbm>> -> memref<8x2048xf32, #tpu.memory_space<hbm>>
      %dma_start3A_837 = tpu.memref_slice %arg9[%dma_start3A_830] : memref<3x!tpu.dma_semaphore, #tpu.memory_space<semaphore_mem>> -> memref<1x!tpu.dma_semaphore, #tpu.memory_space<semaphore_mem>>
      %dma_start3A_838 = tpu.memref_squeeze %dma_start3A_837 : memref<1x!tpu.dma_semaphore, #tpu.memory_space<semaphore_mem>> -> memref<!tpu.dma_semaphore, #tpu.memory_space<semaphore_mem>>
      %dma_start3A_839 = arith.constant 0 : i32
      %dma_start3A_840 = arith.constant 0 : i32
      %dma_start3A_841 = tpu.memref_slice %arg8[%dma_start3A_829, %dma_start3A_839, %dma_start3A_840] : memref<3x8x2048xf32, #tpu.memory_space<vmem>> -> memref<1x8x2048xf32, #tpu.memory_space<vmem>>
      %dma_start3A_842 = tpu.memref_squeeze %dma_start3A_841 : memref<1x8x2048xf32, #tpu.memory_space<vmem>> -> memref<8x2048xf32, #tpu.memory_space<vmem>>
      %dma_start3A_843 = arith.constant 0 : i32
      %dma_start3A_844 = tpu.memref_slice %arg2[%add3A_828, %dma_start3A_843] : memref<32768x2048xf32, #tpu.memory_space<hbm>> -> memref<8x2048xf32, #tpu.memory_space<hbm>>
      tpu.enqueue_dma source(%dma_start3A_844 : memref<8x2048xf32, #tpu.memory_space<hbm>>) target(%dma_start3A_842 : memref<8x2048xf32, #tpu.memory_space<vmem>>) target_semaphore(%dma_start3A_838 : memref<!tpu.dma_semaphore, #tpu.memory_space<semaphore_mem>>)
      %mul3A_845 = arith.constant 8 : i32
      %mul3A_846 = arith.muli %add3A_802, %mul3A_845 : i32
      %add3A_847 = arith.addi %mul3A_2, %mul3A_846 : i32
      %dma_wait3A_848 = arith.constant 1 : i32
      %dma_wait3A_849 = arith.constant 1 : i32
      %dma_wait3A_850 = arith.constant 0 : i32
      %dma_wait3A_851 = arith.constant 0 : i32
      %dma_wait3A_852 = tpu.memref_slice %arg8[%dma_wait3A_848, %dma_wait3A_850, %dma_wait3A_851] : memref<3x8x2048xf32, #tpu.memory_space<vmem>> -> memref<1x8x2048xf32, #tpu.memory_space<vmem>>
      %dma_wait3A_853 = tpu.memref_squeeze %dma_wait3A_852 : memref<1x8x2048xf32, #tpu.memory_space<vmem>> -> memref<8x2048xf32, #tpu.memory_space<vmem>>
      %dma_wait3A_854 = arith.constant 0 : i32
      %dma_wait3A_855 = tpu.memref_slice %arg2[%add3A_847, %dma_wait3A_854] : memref<32768x2048xf32, #tpu.memory_space<hbm>> -> memref<8x2048xf32, #tpu.memory_space<hbm>>
      %dma_wait3A_856 = tpu.memref_slice %arg9[%dma_wait3A_849] : memref<3x!tpu.dma_semaphore, #tpu.memory_space<semaphore_mem>> -> memref<1x!tpu.dma_semaphore, #tpu.memory_space<semaphore_mem>>
      %dma_wait3A_857 = tpu.memref_squeeze %dma_wait3A_856 : memref<1x!tpu.dma_semaphore, #tpu.memory_space<semaphore_mem>> -> memref<!tpu.dma_semaphore, #tpu.memory_space<semaphore_mem>>
      %dma_wait3A_858 = arith.constant 0 : i32
      %dma_wait3A_859 = arith.constant 0 : i32
      %dma_wait3A_860 = tpu.memref_slice %arg8[%dma_wait3A_848, %dma_wait3A_858, %dma_wait3A_859] : memref<3x8x2048xf32, #tpu.memory_space<vmem>> -> memref<1x8x2048xf32, #tpu.memory_space<vmem>>
      %dma_wait3A_861 = tpu.memref_squeeze %dma_wait3A_860 : memref<1x8x2048xf32, #tpu.memory_space<vmem>> -> memref<8x2048xf32, #tpu.memory_space<vmem>>
      %dma_wait3A_862 = arith.constant 0 : i32
      %dma_wait3A_863 = tpu.memref_slice %arg2[%add3A_847, %dma_wait3A_862] : memref<32768x2048xf32, #tpu.memory_space<hbm>> -> memref<8x2048xf32, #tpu.memory_space<hbm>>
      tpu.wait_dma2 semaphore(%dma_wait3A_857 : memref<!tpu.dma_semaphore, #tpu.memory_space<semaphore_mem>>) src(%dma_wait3A_863 : memref<8x2048xf32, #tpu.memory_space<hbm>>) dst(%dma_wait3A_861 : memref<8x2048xf32, #tpu.memory_space<vmem>>)
      %mul3A_864 = arith.constant 8 : i32
      %mul3A_865 = arith.muli %add3A_802, %mul3A_864 : i32
      %get3A_866 = arith.index_cast %mul3A_865 : i32 to index
      %get3A_867 = tpu.vector_load %arg7[%get3A_866] {strides = array<i32>} : memref<1040xi32, #tpu.memory_space<vmem>>, vector<16xi32>,
      %slice3A_868 = vector.extract_strided_slice %get3A_867 {offsets = [0], sizes = [1], strides = [1]} : vector<16xi32> to vector<1xi32>
      %squeeze3A_869 = vector.extract %slice3A_868[0] : i32 from vector<1xi32>
      %mul3A_870 = arith.constant 2048 : i32
      %mul3A_871 = arith.muli %squeeze3A_869, %mul3A_870 : i32
      %slice3A_872 = vector.extract_strided_slice %get3A_867 {offsets = [1], sizes = [1], strides = [1]} : vector<16xi32> to vector<1xi32>
      %squeeze3A_873 = vector.extract %slice3A_872[0] : i32 from vector<1xi32>
      %mul3A_874 = arith.constant 2048 : i32
      %mul3A_875 = arith.muli %squeeze3A_873, %mul3A_874 : i32
      %slice3A_876 = vector.extract_strided_slice %get3A_867 {offsets = [2], sizes = [1], strides = [1]} : vector<16xi32> to vector<1xi32>
      %squeeze3A_877 = vector.extract %slice3A_876[0] : i32 from vector<1xi32>
      %mul3A_878 = arith.constant 2048 : i32
      %mul3A_879 = arith.muli %squeeze3A_877, %mul3A_878 : i32
      %slice3A_880 = vector.extract_strided_slice %get3A_867 {offsets = [3], sizes = [1], strides = [1]} : vector<16xi32> to vector<1xi32>
      %squeeze3A_881 = vector.extract %slice3A_880[0] : i32 from vector<1xi32>
      %mul3A_882 = arith.constant 2048 : i32
      %mul3A_883 = arith.muli %squeeze3A_881, %mul3A_882 : i32
      %slice3A_884 = vector.extract_strided_slice %get3A_867 {offsets = [4], sizes = [1], strides = [1]} : vector<16xi32> to vector<1xi32>
      %squeeze3A_885 = vector.extract %slice3A_884[0] : i32 from vector<1xi32>
      %mul3A_886 = arith.constant 2048 : i32
      %mul3A_887 = arith.muli %squeeze3A_885, %mul3A_886 : i32
      %slice3A_888 = vector.extract_strided_slice %get3A_867 {offsets = [5], sizes = [1], strides = [1]} : vector<16xi32> to vector<1xi32>
      %squeeze3A_889 = vector.extract %slice3A_888[0] : i32 from vector<1xi32>
      %mul3A_890 = arith.constant 2048 : i32
      %mul3A_891 = arith.muli %squeeze3A_889, %mul3A_890 : i32
      %slice3A_892 = vector.extract_strided_slice %get3A_867 {offsets = [6], sizes = [1], strides = [1]} : vector<16xi32> to vector<1xi32>
      %squeeze3A_893 = vector.extract %slice3A_892[0] : i32 from vector<1xi32>
      %mul3A_894 = arith.constant 2048 : i32
      %mul3A_895 = arith.muli %squeeze3A_893, %mul3A_894 : i32
      %slice3A_896 = vector.extract_strided_slice %get3A_867 {offsets = [7], sizes = [1], strides = [1]} : vector<16xi32> to vector<1xi32>
      %squeeze3A_897 = vector.extract %slice3A_896[0] : i32 from vector<1xi32>
      %mul3A_898 = arith.constant 2048 : i32
      %mul3A_899 = arith.muli %squeeze3A_897, %mul3A_898 : i32
      %parallel_loop3A_900 = arith.constant 0 : i32
      %parallel_loop3A_901 = arith.constant 2048 : i32
      %parallel_loop3A_902 = arith.constant 16 : i32
      scf.for %parallel_loop3A_922 = %parallel_loop3A_900 to %parallel_loop3A_901 step %parallel_loop3A_902  : i32 {
        %parallel_loop3A_923 = arith.addi %mul3A_871, %parallel_loop3A_922 : i32
        %parallel_loop3A_924 = arith.index_cast %parallel_loop3A_923 : i32 to index
        %parallel_loop3A_925 = tpu.vector_load %arg6[%parallel_loop3A_924] {strides = array<i32>} : memref<65536xf32, #tpu.memory_space<vmem>>, vector<16xf32>,
        %parallel_loop3A_926 = arith.constant 1 : i32
        %parallel_loop3A_927 = arith.constant 0 : i32
        %parallel_loop3A_928 = arith.index_cast %parallel_loop3A_926 : i32 to index
        %parallel_loop3A_929 = arith.index_cast %parallel_loop3A_927 : i32 to index
        %parallel_loop3A_930 = arith.index_cast %parallel_loop3A_922 : i32 to index
        %parallel_loop3A_931 = tpu.vector_load %arg8[%parallel_loop3A_928, %parallel_loop3A_929, %parallel_loop3A_930] {strides = array<i32>} : memref<3x8x2048xf32, #tpu.memory_space<vmem>>, vector<16xf32>,
        tpu.vector_store %arg8[%parallel_loop3A_928, %parallel_loop3A_929, %parallel_loop3A_930], %parallel_loop3A_925 {add = true, strides = array<i32>} : memref<3x8x2048xf32, #tpu.memory_space<vmem>>, vector<16xf32>,
        %parallel_loop3A_932 = arith.addi %mul3A_875, %parallel_loop3A_922 : i32
        %parallel_loop3A_933 = arith.index_cast %parallel_loop3A_932 : i32 to index
        %parallel_loop3A_934 = tpu.vector_load %arg6[%parallel_loop3A_933] {strides = array<i32>} : memref<65536xf32, #tpu.memory_space<vmem>>, vector<16xf32>,
        %parallel_loop3A_935 = arith.constant 1 : i32
        %parallel_loop3A_936 = arith.constant 1 : i32
        %parallel_loop3A_937 = arith.index_cast %parallel_loop3A_935 : i32 to index
        %parallel_loop3A_938 = arith.index_cast %parallel_loop3A_936 : i32 to index
        %parallel_loop3A_939 = arith.index_cast %parallel_loop3A_922 : i32 to index
        %parallel_loop3A_940 = tpu.vector_load %arg8[%parallel_loop3A_937, %parallel_loop3A_938, %parallel_loop3A_939] {strides = array<i32>} : memref<3x8x2048xf32, #tpu.memory_space<vmem>>, vector<16xf32>,
        tpu.vector_store %arg8[%parallel_loop3A_937, %parallel_loop3A_938, %parallel_loop3A_939], %parallel_loop3A_934 {add = true, strides = array<i32>} : memref<3x8x2048xf32, #tpu.memory_space<vmem>>, vector<16xf32>,
        %parallel_loop3A_941 = arith.addi %mul3A_879, %parallel_loop3A_922 : i32
        %parallel_loop3A_942 = arith.index_cast %parallel_loop3A_941 : i32 to index
        %parallel_loop3A_943 = tpu.vector_load %arg6[%parallel_loop3A_942] {strides = array<i32>} : memref<65536xf32, #tpu.memory_space<vmem>>, vector<16xf32>,
        %parallel_loop3A_944 = arith.constant 1 : i32
        %parallel_loop3A_945 = arith.constant 2 : i32
        %parallel_loop3A_946 = arith.index_cast %parallel_loop3A_944 : i32 to index
        %parallel_loop3A_947 = arith.index_cast %parallel_loop3A_945 : i32 to index
        %parallel_loop3A_948 = arith.index_cast %parallel_loop3A_922 : i32 to index
        %parallel_loop3A_949 = tpu.vector_load %arg8[%parallel_loop3A_946, %parallel_loop3A_947, %parallel_loop3A_948] {strides = array<i32>} : memref<3x8x2048xf32, #tpu.memory_space<vmem>>, vector<16xf32>,
        tpu.vector_store %arg8[%parallel_loop3A_946, %parallel_loop3A_947, %parallel_loop3A_948], %parallel_loop3A_943 {add = true, strides = array<i32>} : memref<3x8x2048xf32, #tpu.memory_space<vmem>>, vector<16xf32>,
        %parallel_loop3A_950 = arith.addi %mul3A_883, %parallel_loop3A_922 : i32
        %parallel_loop3A_951 = arith.index_cast %parallel_loop3A_950 : i32 to index
        %parallel_loop3A_952 = tpu.vector_load %arg6[%parallel_loop3A_951] {strides = array<i32>} : memref<65536xf32, #tpu.memory_space<vmem>>, vector<16xf32>,
        %parallel_loop3A_953 = arith.constant 1 : i32
        %parallel_loop3A_954 = arith.constant 3 : i32
        %parallel_loop3A_955 = arith.index_cast %parallel_loop3A_953 : i32 to index
        %parallel_loop3A_956 = arith.index_cast %parallel_loop3A_954 : i32 to index
        %parallel_loop3A_957 = arith.index_cast %parallel_loop3A_922 : i32 to index
        %parallel_loop3A_958 = tpu.vector_load %arg8[%parallel_loop3A_955, %parallel_loop3A_956, %parallel_loop3A_957] {strides = array<i32>} : memref<3x8x2048xf32, #tpu.memory_space<vmem>>, vector<16xf32>,
        tpu.vector_store %arg8[%parallel_loop3A_955, %parallel_loop3A_956, %parallel_loop3A_957], %parallel_loop3A_952 {add = true, strides = array<i32>} : memref<3x8x2048xf32, #tpu.memory_space<vmem>>, vector<16xf32>,
        %parallel_loop3A_959 = arith.addi %mul3A_887, %parallel_loop3A_922 : i32
        %parallel_loop3A_960 = arith.index_cast %parallel_loop3A_959 : i32 to index
        %parallel_loop3A_961 = tpu.vector_load %arg6[%parallel_loop3A_960] {strides = array<i32>} : memref<65536xf32, #tpu.memory_space<vmem>>, vector<16xf32>,
        %parallel_loop3A_962 = arith.constant 1 : i32
        %parallel_loop3A_963 = arith.constant 4 : i32
        %parallel_loop3A_964 = arith.index_cast %parallel_loop3A_962 : i32 to index
        %parallel_loop3A_965 = arith.index_cast %parallel_loop3A_963 : i32 to index
        %parallel_loop3A_966 = arith.index_cast %parallel_loop3A_922 : i32 to index
        %parallel_loop3A_967 = tpu.vector_load %arg8[%parallel_loop3A_964, %parallel_loop3A_965, %parallel_loop3A_966] {strides = array<i32>} : memref<3x8x2048xf32, #tpu.memory_space<vmem>>, vector<16xf32>,
        tpu.vector_store %arg8[%parallel_loop3A_964, %parallel_loop3A_965, %parallel_loop3A_966], %parallel_loop3A_961 {add = true, strides = array<i32>} : memref<3x8x2048xf32, #tpu.memory_space<vmem>>, vector<16xf32>,
        %parallel_loop3A_968 = arith.addi %mul3A_891, %parallel_loop3A_922 : i32
        %parallel_loop3A_969 = arith.index_cast %parallel_loop3A_968 : i32 to index
        %parallel_loop3A_970 = tpu.vector_load %arg6[%parallel_loop3A_969] {strides = array<i32>} : memref<65536xf32, #tpu.memory_space<vmem>>, vector<16xf32>,
        %parallel_loop3A_971 = arith.constant 1 : i32
        %parallel_loop3A_972 = arith.constant 5 : i32
        %parallel_loop3A_973 = arith.index_cast %parallel_loop3A_971 : i32 to index
        %parallel_loop3A_974 = arith.index_cast %parallel_loop3A_972 : i32 to index
        %parallel_loop3A_975 = arith.index_cast %parallel_loop3A_922 : i32 to index
        %parallel_loop3A_976 = tpu.vector_load %arg8[%parallel_loop3A_973, %parallel_loop3A_974, %parallel_loop3A_975] {strides = array<i32>} : memref<3x8x2048xf32, #tpu.memory_space<vmem>>, vector<16xf32>,
        tpu.vector_store %arg8[%parallel_loop3A_973, %parallel_loop3A_974, %parallel_loop3A_975], %parallel_loop3A_970 {add = true, strides = array<i32>} : memref<3x8x2048xf32, #tpu.memory_space<vmem>>, vector<16xf32>,
        %parallel_loop3A_977 = arith.addi %mul3A_895, %parallel_loop3A_922 : i32
        %parallel_loop3A_978 = arith.index_cast %parallel_loop3A_977 : i32 to index
        %parallel_loop3A_979 = tpu.vector_load %arg6[%parallel_loop3A_978] {strides = array<i32>} : memref<65536xf32, #tpu.memory_space<vmem>>, vector<16xf32>,
        %parallel_loop3A_980 = arith.constant 1 : i32
        %parallel_loop3A_981 = arith.constant 6 : i32
        %parallel_loop3A_982 = arith.index_cast %parallel_loop3A_980 : i32 to index
        %parallel_loop3A_983 = arith.index_cast %parallel_loop3A_981 : i32 to index
        %parallel_loop3A_984 = arith.index_cast %parallel_loop3A_922 : i32 to index
        %parallel_loop3A_985 = tpu.vector_load %arg8[%parallel_loop3A_982, %parallel_loop3A_983, %parallel_loop3A_984] {strides = array<i32>} : memref<3x8x2048xf32, #tpu.memory_space<vmem>>, vector<16xf32>,
        tpu.vector_store %arg8[%parallel_loop3A_982, %parallel_loop3A_983, %parallel_loop3A_984], %parallel_loop3A_979 {add = true, strides = array<i32>} : memref<3x8x2048xf32, #tpu.memory_space<vmem>>, vector<16xf32>,
        %parallel_loop3A_986 = arith.addi %mul3A_899, %parallel_loop3A_922 : i32
        %parallel_loop3A_987 = arith.index_cast %parallel_loop3A_986 : i32 to index
        %parallel_loop3A_988 = tpu.vector_load %arg6[%parallel_loop3A_987] {strides = array<i32>} : memref<65536xf32, #tpu.memory_space<vmem>>, vector<16xf32>,
        %parallel_loop3A_989 = arith.constant 1 : i32
        %parallel_loop3A_990 = arith.constant 7 : i32
        %parallel_loop3A_991 = arith.index_cast %parallel_loop3A_989 : i32 to index
        %parallel_loop3A_992 = arith.index_cast %parallel_loop3A_990 : i32 to index
        %parallel_loop3A_993 = arith.index_cast %parallel_loop3A_922 : i32 to index
        %parallel_loop3A_994 = tpu.vector_load %arg8[%parallel_loop3A_991, %parallel_loop3A_992, %parallel_loop3A_993] {strides = array<i32>} : memref<3x8x2048xf32, #tpu.memory_space<vmem>>, vector<16xf32>,
        tpu.vector_store %arg8[%parallel_loop3A_991, %parallel_loop3A_992, %parallel_loop3A_993], %parallel_loop3A_988 {add = true, strides = array<i32>} : memref<3x8x2048xf32, #tpu.memory_space<vmem>>, vector<16xf32>,
      } {sc.loop_unroll_factor = 8 : i64, sc.parallel_access}
      %mul3A_903 = arith.constant 8 : i32
      %mul3A_904 = arith.muli %add3A_802, %mul3A_903 : i32
      %add3A_905 = arith.addi %mul3A_2, %mul3A_904 : i32
      %dma_start3A_906 = arith.constant 1 : i32
      %dma_start3A_907 = arith.constant 1 : i32
      %dma_start3A_908 = arith.constant 0 : i32
      %dma_start3A_909 = arith.constant 0 : i32
      %dma_start3A_910 = tpu.memref_slice %arg8[%dma_start3A_906, %dma_start3A_908, %dma_start3A_909] : memref<3x8x2048xf32, #tpu.memory_space<vmem>> -> memref<1x8x2048xf32, #tpu.memory_space<vmem>>
      %dma_start3A_911 = tpu.memref_squeeze %dma_start3A_910 : memref<1x8x2048xf32, #tpu.memory_space<vmem>> -> memref<8x2048xf32, #tpu.memory_space<vmem>>
      %dma_start3A_912 = arith.constant 0 : i32
      %dma_start3A_913 = tpu.memref_slice %arg5[%add3A_905, %dma_start3A_912] : memref<32768x2048xf32, #tpu.memory_space<hbm>> -> memref<8x2048xf32, #tpu.memory_space<hbm>>
      %dma_start3A_914 = tpu.memref_slice %arg10[%dma_start3A_907] : memref<3x!tpu.dma_semaphore, #tpu.memory_space<semaphore_mem>> -> memref<1x!tpu.dma_semaphore, #tpu.memory_space<semaphore_mem>>
      %dma_start3A_915 = tpu.memref_squeeze %dma_start3A_914 : memref<1x!tpu.dma_semaphore, #tpu.memory_space<semaphore_mem>> -> memref<!tpu.dma_semaphore, #tpu.memory_space<semaphore_mem>>
      %dma_start3A_916 = arith.constant 0 : i32
      %dma_start3A_917 = tpu.memref_slice %arg5[%add3A_905, %dma_start3A_916] : memref<32768x2048xf32, #tpu.memory_space<hbm>> -> memref<8x2048xf32, #tpu.memory_space<hbm>>
      %dma_start3A_918 = arith.constant 0 : i32
      %dma_start3A_919 = arith.constant 0 : i32
      %dma_start3A_920 = tpu.memref_slice %arg8[%dma_start3A_906, %dma_start3A_918, %dma_start3A_919] : memref<3x8x2048xf32, #tpu.memory_space<vmem>> -> memref<1x8x2048xf32, #tpu.memory_space<vmem>>
      %dma_start3A_921 = tpu.memref_squeeze %dma_start3A_920 : memref<1x8x2048xf32, #tpu.memory_space<vmem>> -> memref<8x2048xf32, #tpu.memory_space<vmem>>
      tpu.enqueue_dma source(%dma_start3A_921 : memref<8x2048xf32, #tpu.memory_space<vmem>>) target(%dma_start3A_917 : memref<8x2048xf32, #tpu.memory_space<hbm>>) target_semaphore(%dma_start3A_915 : memref<!tpu.dma_semaphore, #tpu.memory_space<semaphore_mem>>)
    }
    %scan3A_201 = arith.constant 41 : i32
    %add3A_202 = arith.constant 984 : i32
    %add3A_203 = arith.addi %mul3A_2, %add3A_202 : i32
    %dma_wait3A_204 = arith.constant 0 : i32
    %dma_wait3A_205 = arith.constant 0 : i32
    %dma_wait3A_206 = arith.constant 0 : i32
    %dma_wait3A_207 = arith.constant 0 : i32
    %dma_wait3A_208 = tpu.memref_slice %arg8[%dma_wait3A_204, %dma_wait3A_206, %dma_wait3A_207] : memref<3x8x2048xf32, #tpu.memory_space<vmem>> -> memref<1x8x2048xf32, #tpu.memory_space<vmem>>
    %dma_wait3A_209 = tpu.memref_squeeze %dma_wait3A_208 : memref<1x8x2048xf32, #tpu.memory_space<vmem>> -> memref<8x2048xf32, #tpu.memory_space<vmem>>
    %dma_wait3A_210 = arith.constant 0 : i32
    %dma_wait3A_211 = tpu.memref_slice %arg5[%add3A_203, %dma_wait3A_210] : memref<32768x2048xf32, #tpu.memory_space<hbm>> -> memref<8x2048xf32, #tpu.memory_space<hbm>>
    %dma_wait3A_212 = tpu.memref_slice %arg10[%dma_wait3A_205] : memref<3x!tpu.dma_semaphore, #tpu.memory_space<semaphore_mem>> -> memref<1x!tpu.dma_semaphore, #tpu.memory_space<semaphore_mem>>
    %dma_wait3A_213 = tpu.memref_squeeze %dma_wait3A_212 : memref<1x!tpu.dma_semaphore, #tpu.memory_space<semaphore_mem>> -> memref<!tpu.dma_semaphore, #tpu.memory_space<semaphore_mem>>
    %dma_wait3A_214 = arith.constant 0 : i32
    %dma_wait3A_215 = tpu.memref_slice %arg5[%add3A_203, %dma_wait3A_214] : memref<32768x2048xf32, #tpu.memory_space<hbm>> -> memref<8x2048xf32, #tpu.memory_space<hbm>>
    %dma_wait3A_216 = arith.constant 0 : i32
    %dma_wait3A_217 = arith.constant 0 : i32
    %dma_wait3A_218 = tpu.memref_slice %arg8[%dma_wait3A_204, %dma_wait3A_216, %dma_wait3A_217] : memref<3x8x2048xf32, #tpu.memory_space<vmem>> -> memref<1x8x2048xf32, #tpu.memory_space<vmem>>
    %dma_wait3A_219 = tpu.memref_squeeze %dma_wait3A_218 : memref<1x8x2048xf32, #tpu.memory_space<vmem>> -> memref<8x2048xf32, #tpu.memory_space<vmem>>
    tpu.wait_dma2 semaphore(%dma_wait3A_213 : memref<!tpu.dma_semaphore, #tpu.memory_space<semaphore_mem>>) src(%dma_wait3A_219 : memref<8x2048xf32, #tpu.memory_space<vmem>>) dst(%dma_wait3A_215 : memref<8x2048xf32, #tpu.memory_space<hbm>>)
    %add3A_220 = arith.constant 1008 : i32
    %add3A_221 = arith.addi %mul3A_2, %add3A_220 : i32
    %dma_start3A_222 = arith.constant 0 : i32
    %dma_start3A_223 = arith.constant 0 : i32
    %dma_start3A_224 = arith.constant 0 : i32
    %dma_start3A_225 = arith.constant 0 : i32
    %dma_start3A_226 = tpu.memref_slice %arg8[%dma_start3A_222, %dma_start3A_224, %dma_start3A_225] : memref<3x8x2048xf32, #tpu.memory_space<vmem>> -> memref<1x8x2048xf32, #tpu.memory_space<vmem>>
    %dma_start3A_227 = tpu.memref_squeeze %dma_start3A_226 : memref<1x8x2048xf32, #tpu.memory_space<vmem>> -> memref<8x2048xf32, #tpu.memory_space<vmem>>
    %dma_start3A_228 = arith.constant 0 : i32
    %dma_start3A_229 = tpu.memref_slice %arg2[%add3A_221, %dma_start3A_228] : memref<32768x2048xf32, #tpu.memory_space<hbm>> -> memref<8x2048xf32, #tpu.memory_space<hbm>>
    %dma_start3A_230 = tpu.memref_slice %arg9[%dma_start3A_223] : memref<3x!tpu.dma_semaphore, #tpu.memory_space<semaphore_mem>> -> memref<1x!tpu.dma_semaphore, #tpu.memory_space<semaphore_mem>>
    %dma_start3A_231 = tpu.memref_squeeze %dma_start3A_230 : memref<1x!tpu.dma_semaphore, #tpu.memory_space<semaphore_mem>> -> memref<!tpu.dma_semaphore, #tpu.memory_space<semaphore_mem>>
    %dma_start3A_232 = arith.constant 0 : i32
    %dma_start3A_233 = arith.constant 0 : i32
    %dma_start3A_234 = tpu.memref_slice %arg8[%dma_start3A_222, %dma_start3A_232, %dma_start3A_233] : memref<3x8x2048xf32, #tpu.memory_space<vmem>> -> memref<1x8x2048xf32, #tpu.memory_space<vmem>>
    %dma_start3A_235 = tpu.memref_squeeze %dma_start3A_234 : memref<1x8x2048xf32, #tpu.memory_space<vmem>> -> memref<8x2048xf32, #tpu.memory_space<vmem>>
    %dma_start3A_236 = arith.constant 0 : i32
    %dma_start3A_237 = tpu.memref_slice %arg2[%add3A_221, %dma_start3A_236] : memref<32768x2048xf32, #tpu.memory_space<hbm>> -> memref<8x2048xf32, #tpu.memory_space<hbm>>
    tpu.enqueue_dma source(%dma_start3A_237 : memref<8x2048xf32, #tpu.memory_space<hbm>>) target(%dma_start3A_235 : memref<8x2048xf32, #tpu.memory_space<vmem>>) target_semaphore(%dma_start3A_231 : memref<!tpu.dma_semaphore, #tpu.memory_space<semaphore_mem>>)
    %add3A_238 = arith.constant 1000 : i32
    %add3A_239 = arith.addi %mul3A_2, %add3A_238 : i32
    %dma_wait3A_240 = arith.constant 2 : i32
    %dma_wait3A_241 = arith.constant 2 : i32
    %dma_wait3A_242 = arith.constant 0 : i32
    %dma_wait3A_243 = arith.constant 0 : i32
    %dma_wait3A_244 = tpu.memref_slice %arg8[%dma_wait3A_240, %dma_wait3A_242, %dma_wait3A_243] : memref<3x8x2048xf32, #tpu.memory_space<vmem>> -> memref<1x8x2048xf32, #tpu.memory_space<vmem>>
    %dma_wait3A_245 = tpu.memref_squeeze %dma_wait3A_244 : memref<1x8x2048xf32, #tpu.memory_space<vmem>> -> memref<8x2048xf32, #tpu.memory_space<vmem>>
    %dma_wait3A_246 = arith.constant 0 : i32
    %dma_wait3A_247 = tpu.memref_slice %arg2[%add3A_239, %dma_wait3A_246] : memref<32768x2048xf32, #tpu.memory_space<hbm>> -> memref<8x2048xf32, #tpu.memory_space<hbm>>
    %dma_wait3A_248 = tpu.memref_slice %arg9[%dma_wait3A_241] : memref<3x!tpu.dma_semaphore, #tpu.memory_space<semaphore_mem>> -> memref<1x!tpu.dma_semaphore, #tpu.memory_space<semaphore_mem>>
    %dma_wait3A_249 = tpu.memref_squeeze %dma_wait3A_248 : memref<1x!tpu.dma_semaphore, #tpu.memory_space<semaphore_mem>> -> memref<!tpu.dma_semaphore, #tpu.memory_space<semaphore_mem>>
    %dma_wait3A_250 = arith.constant 0 : i32
    %dma_wait3A_251 = arith.constant 0 : i32
    %dma_wait3A_252 = tpu.memref_slice %arg8[%dma_wait3A_240, %dma_wait3A_250, %dma_wait3A_251] : memref<3x8x2048xf32, #tpu.memory_space<vmem>> -> memref<1x8x2048xf32, #tpu.memory_space<vmem>>
    %dma_wait3A_253 = tpu.memref_squeeze %dma_wait3A_252 : memref<1x8x2048xf32, #tpu.memory_space<vmem>> -> memref<8x2048xf32, #tpu.memory_space<vmem>>
    %dma_wait3A_254 = arith.constant 0 : i32
    %dma_wait3A_255 = tpu.memref_slice %arg2[%add3A_239, %dma_wait3A_254] : memref<32768x2048xf32, #tpu.memory_space<hbm>> -> memref<8x2048xf32, #tpu.memory_space<hbm>>
    tpu.wait_dma2 semaphore(%dma_wait3A_249 : memref<!tpu.dma_semaphore, #tpu.memory_space<semaphore_mem>>) src(%dma_wait3A_255 : memref<8x2048xf32, #tpu.memory_space<hbm>>) dst(%dma_wait3A_253 : memref<8x2048xf32, #tpu.memory_space<vmem>>)
    %get3A_256 = arith.constant 1000 : index
    %get3A_257 = tpu.vector_load %arg7[%get3A_256] {strides = array<i32>} : memref<1040xi32, #tpu.memory_space<vmem>>, vector<16xi32>,
    %slice3A_258 = vector.extract_strided_slice %get3A_257 {offsets = [0], sizes = [1], strides = [1]} : vector<16xi32> to vector<1xi32>
    %squeeze3A_259 = vector.extract %slice3A_258[0] : i32 from vector<1xi32>
    %mul3A_260 = arith.constant 2048 : i32
    %mul3A_261 = arith.muli %squeeze3A_259, %mul3A_260 : i32
    %slice3A_262 = vector.extract_strided_slice %get3A_257 {offsets = [1], sizes = [1], strides = [1]} : vector<16xi32> to vector<1xi32>
    %squeeze3A_263 = vector.extract %slice3A_262[0] : i32 from vector<1xi32>
    %mul3A_264 = arith.constant 2048 : i32
    %mul3A_265 = arith.muli %squeeze3A_263, %mul3A_264 : i32
    %slice3A_266 = vector.extract_strided_slice %get3A_257 {offsets = [2], sizes = [1], strides = [1]} : vector<16xi32> to vector<1xi32>
    %squeeze3A_267 = vector.extract %slice3A_266[0] : i32 from vector<1xi32>
    %mul3A_268 = arith.constant 2048 : i32
    %mul3A_269 = arith.muli %squeeze3A_267, %mul3A_268 : i32
    %slice3A_270 = vector.extract_strided_slice %get3A_257 {offsets = [3], sizes = [1], strides = [1]} : vector<16xi32> to vector<1xi32>
    %squeeze3A_271 = vector.extract %slice3A_270[0] : i32 from vector<1xi32>
    %mul3A_272 = arith.constant 2048 : i32
    %mul3A_273 = arith.muli %squeeze3A_271, %mul3A_272 : i32
    %slice3A_274 = vector.extract_strided_slice %get3A_257 {offsets = [4], sizes = [1], strides = [1]} : vector<16xi32> to vector<1xi32>
    %squeeze3A_275 = vector.extract %slice3A_274[0] : i32 from vector<1xi32>
    %mul3A_276 = arith.constant 2048 : i32
    %mul3A_277 = arith.muli %squeeze3A_275, %mul3A_276 : i32
    %slice3A_278 = vector.extract_strided_slice %get3A_257 {offsets = [5], sizes = [1], strides = [1]} : vector<16xi32> to vector<1xi32>
    %squeeze3A_279 = vector.extract %slice3A_278[0] : i32 from vector<1xi32>
    %mul3A_280 = arith.constant 2048 : i32
    %mul3A_281 = arith.muli %squeeze3A_279, %mul3A_280 : i32
    %slice3A_282 = vector.extract_strided_slice %get3A_257 {offsets = [6], sizes = [1], strides = [1]} : vector<16xi32> to vector<1xi32>
    %squeeze3A_283 = vector.extract %slice3A_282[0] : i32 from vector<1xi32>
    %mul3A_284 = arith.constant 2048 : i32
    %mul3A_285 = arith.muli %squeeze3A_283, %mul3A_284 : i32
    %slice3A_286 = vector.extract_strided_slice %get3A_257 {offsets = [7], sizes = [1], strides = [1]} : vector<16xi32> to vector<1xi32>
    %squeeze3A_287 = vector.extract %slice3A_286[0] : i32 from vector<1xi32>
    %mul3A_288 = arith.constant 2048 : i32
    %mul3A_289 = arith.muli %squeeze3A_287, %mul3A_288 : i32
    %parallel_loop3A_290 = arith.constant 0 : i32
    %parallel_loop3A_291 = arith.constant 2048 : i32
    %parallel_loop3A_292 = arith.constant 16 : i32
    scf.for %parallel_loop3A_547 = %parallel_loop3A_290 to %parallel_loop3A_291 step %parallel_loop3A_292  : i32 {
      %parallel_loop3A_548 = arith.addi %mul3A_261, %parallel_loop3A_547 : i32
      %parallel_loop3A_549 = arith.index_cast %parallel_loop3A_548 : i32 to index
      %parallel_loop3A_550 = tpu.vector_load %arg6[%parallel_loop3A_549] {strides = array<i32>} : memref<65536xf32, #tpu.memory_space<vmem>>, vector<16xf32>,
      %parallel_loop3A_551 = arith.constant 2 : i32
      %parallel_loop3A_552 = arith.constant 0 : i32
      %parallel_loop3A_553 = arith.index_cast %parallel_loop3A_551 : i32 to index
      %parallel_loop3A_554 = arith.index_cast %parallel_loop3A_552 : i32 to index
      %parallel_loop3A_555 = arith.index_cast %parallel_loop3A_547 : i32 to index
      %parallel_loop3A_556 = tpu.vector_load %arg8[%parallel_loop3A_553, %parallel_loop3A_554, %parallel_loop3A_555] {strides = array<i32>} : memref<3x8x2048xf32, #tpu.memory_space<vmem>>, vector<16xf32>,
      tpu.vector_store %arg8[%parallel_loop3A_553, %parallel_loop3A_554, %parallel_loop3A_555], %parallel_loop3A_550 {add = true, strides = array<i32>} : memref<3x8x2048xf32, #tpu.memory_space<vmem>>, vector<16xf32>,
      %parallel_loop3A_557 = arith.addi %mul3A_265, %parallel_loop3A_547 : i32
      %parallel_loop3A_558 = arith.index_cast %parallel_loop3A_557 : i32 to index
      %parallel_loop3A_559 = tpu.vector_load %arg6[%parallel_loop3A_558] {strides = array<i32>} : memref<65536xf32, #tpu.memory_space<vmem>>, vector<16xf32>,
      %parallel_loop3A_560 = arith.constant 2 : i32
      %parallel_loop3A_561 = arith.constant 1 : i32
      %parallel_loop3A_562 = arith.index_cast %parallel_loop3A_560 : i32 to index
      %parallel_loop3A_563 = arith.index_cast %parallel_loop3A_561 : i32 to index
      %parallel_loop3A_564 = arith.index_cast %parallel_loop3A_547 : i32 to index
      %parallel_loop3A_565 = tpu.vector_load %arg8[%parallel_loop3A_562, %parallel_loop3A_563, %parallel_loop3A_564] {strides = array<i32>} : memref<3x8x2048xf32, #tpu.memory_space<vmem>>, vector<16xf32>,
      tpu.vector_store %arg8[%parallel_loop3A_562, %parallel_loop3A_563, %parallel_loop3A_564], %parallel_loop3A_559 {add = true, strides = array<i32>} : memref<3x8x2048xf32, #tpu.memory_space<vmem>>, vector<16xf32>,
      %parallel_loop3A_566 = arith.addi %mul3A_269, %parallel_loop3A_547 : i32
      %parallel_loop3A_567 = arith.index_cast %parallel_loop3A_566 : i32 to index
      %parallel_loop3A_568 = tpu.vector_load %arg6[%parallel_loop3A_567] {strides = array<i32>} : memref<65536xf32, #tpu.memory_space<vmem>>, vector<16xf32>,
      %parallel_loop3A_569 = arith.constant 2 : i32
      %parallel_loop3A_570 = arith.constant 2 : i32
      %parallel_loop3A_571 = arith.index_cast %parallel_loop3A_569 : i32 to index
      %parallel_loop3A_572 = arith.index_cast %parallel_loop3A_570 : i32 to index
      %parallel_loop3A_573 = arith.index_cast %parallel_loop3A_547 : i32 to index
      %parallel_loop3A_574 = tpu.vector_load %arg8[%parallel_loop3A_571, %parallel_loop3A_572, %parallel_loop3A_573] {strides = array<i32>} : memref<3x8x2048xf32, #tpu.memory_space<vmem>>, vector<16xf32>,
      tpu.vector_store %arg8[%parallel_loop3A_571, %parallel_loop3A_572, %parallel_loop3A_573], %parallel_loop3A_568 {add = true, strides = array<i32>} : memref<3x8x2048xf32, #tpu.memory_space<vmem>>, vector<16xf32>,
      %parallel_loop3A_575 = arith.addi %mul3A_273, %parallel_loop3A_547 : i32
      %parallel_loop3A_576 = arith.index_cast %parallel_loop3A_575 : i32 to index
      %parallel_loop3A_577 = tpu.vector_load %arg6[%parallel_loop3A_576] {strides = array<i32>} : memref<65536xf32, #tpu.memory_space<vmem>>, vector<16xf32>,
      %parallel_loop3A_578 = arith.constant 2 : i32
      %parallel_loop3A_579 = arith.constant 3 : i32
      %parallel_loop3A_580 = arith.index_cast %parallel_loop3A_578 : i32 to index
      %parallel_loop3A_581 = arith.index_cast %parallel_loop3A_579 : i32 to index
      %parallel_loop3A_582 = arith.index_cast %parallel_loop3A_547 : i32 to index
      %parallel_loop3A_583 = tpu.vector_load %arg8[%parallel_loop3A_580, %parallel_loop3A_581, %parallel_loop3A_582] {strides = array<i32>} : memref<3x8x2048xf32, #tpu.memory_space<vmem>>, vector<16xf32>,
      tpu.vector_store %arg8[%parallel_loop3A_580, %parallel_loop3A_581, %parallel_loop3A_582], %parallel_loop3A_577 {add = true, strides = array<i32>} : memref<3x8x2048xf32, #tpu.memory_space<vmem>>, vector<16xf32>,
      %parallel_loop3A_584 = arith.addi %mul3A_277, %parallel_loop3A_547 : i32
      %parallel_loop3A_585 = arith.index_cast %parallel_loop3A_584 : i32 to index
      %parallel_loop3A_586 = tpu.vector_load %arg6[%parallel_loop3A_585] {strides = array<i32>} : memref<65536xf32, #tpu.memory_space<vmem>>, vector<16xf32>,
      %parallel_loop3A_587 = arith.constant 2 : i32
      %parallel_loop3A_588 = arith.constant 4 : i32
      %parallel_loop3A_589 = arith.index_cast %parallel_loop3A_587 : i32 to index
      %parallel_loop3A_590 = arith.index_cast %parallel_loop3A_588 : i32 to index
      %parallel_loop3A_591 = arith.index_cast %parallel_loop3A_547 : i32 to index
      %parallel_loop3A_592 = tpu.vector_load %arg8[%parallel_loop3A_589, %parallel_loop3A_590, %parallel_loop3A_591] {strides = array<i32>} : memref<3x8x2048xf32, #tpu.memory_space<vmem>>, vector<16xf32>,
      tpu.vector_store %arg8[%parallel_loop3A_589, %parallel_loop3A_590, %parallel_loop3A_591], %parallel_loop3A_586 {add = true, strides = array<i32>} : memref<3x8x2048xf32, #tpu.memory_space<vmem>>, vector<16xf32>,
      %parallel_loop3A_593 = arith.addi %mul3A_281, %parallel_loop3A_547 : i32
      %parallel_loop3A_594 = arith.index_cast %parallel_loop3A_593 : i32 to index
      %parallel_loop3A_595 = tpu.vector_load %arg6[%parallel_loop3A_594] {strides = array<i32>} : memref<65536xf32, #tpu.memory_space<vmem>>, vector<16xf32>,
      %parallel_loop3A_596 = arith.constant 2 : i32
      %parallel_loop3A_597 = arith.constant 5 : i32
      %parallel_loop3A_598 = arith.index_cast %parallel_loop3A_596 : i32 to index
      %parallel_loop3A_599 = arith.index_cast %parallel_loop3A_597 : i32 to index
      %parallel_loop3A_600 = arith.index_cast %parallel_loop3A_547 : i32 to index
      %parallel_loop3A_601 = tpu.vector_load %arg8[%parallel_loop3A_598, %parallel_loop3A_599, %parallel_loop3A_600] {strides = array<i32>} : memref<3x8x2048xf32, #tpu.memory_space<vmem>>, vector<16xf32>,
      tpu.vector_store %arg8[%parallel_loop3A_598, %parallel_loop3A_599, %parallel_loop3A_600], %parallel_loop3A_595 {add = true, strides = array<i32>} : memref<3x8x2048xf32, #tpu.memory_space<vmem>>, vector<16xf32>,
      %parallel_loop3A_602 = arith.addi %mul3A_285, %parallel_loop3A_547 : i32
      %parallel_loop3A_603 = arith.index_cast %parallel_loop3A_602 : i32 to index
      %parallel_loop3A_604 = tpu.vector_load %arg6[%parallel_loop3A_603] {strides = array<i32>} : memref<65536xf32, #tpu.memory_space<vmem>>, vector<16xf32>,
      %parallel_loop3A_605 = arith.constant 2 : i32
      %parallel_loop3A_606 = arith.constant 6 : i32
      %parallel_loop3A_607 = arith.index_cast %parallel_loop3A_605 : i32 to index
      %parallel_loop3A_608 = arith.index_cast %parallel_loop3A_606 : i32 to index
      %parallel_loop3A_609 = arith.index_cast %parallel_loop3A_547 : i32 to index
      %parallel_loop3A_610 = tpu.vector_load %arg8[%parallel_loop3A_607, %parallel_loop3A_608, %parallel_loop3A_609] {strides = array<i32>} : memref<3x8x2048xf32, #tpu.memory_space<vmem>>, vector<16xf32>,
      tpu.vector_store %arg8[%parallel_loop3A_607, %parallel_loop3A_608, %parallel_loop3A_609], %parallel_loop3A_604 {add = true, strides = array<i32>} : memref<3x8x2048xf32, #tpu.memory_space<vmem>>, vector<16xf32>,
      %parallel_loop3A_611 = arith.addi %mul3A_289, %parallel_loop3A_547 : i32
      %parallel_loop3A_612 = arith.index_cast %parallel_loop3A_611 : i32 to index
      %parallel_loop3A_613 = tpu.vector_load %arg6[%parallel_loop3A_612] {strides = array<i32>} : memref<65536xf32, #tpu.memory_space<vmem>>, vector<16xf32>,
      %parallel_loop3A_614 = arith.constant 2 : i32
      %parallel_loop3A_615 = arith.constant 7 : i32
      %parallel_loop3A_616 = arith.index_cast %parallel_loop3A_614 : i32 to index
      %parallel_loop3A_617 = arith.index_cast %parallel_loop3A_615 : i32 to index
      %parallel_loop3A_618 = arith.index_cast %parallel_loop3A_547 : i32 to index
      %parallel_loop3A_619 = tpu.vector_load %arg8[%parallel_loop3A_616, %parallel_loop3A_617, %parallel_loop3A_618] {strides = array<i32>} : memref<3x8x2048xf32, #tpu.memory_space<vmem>>, vector<16xf32>,
      tpu.vector_store %arg8[%parallel_loop3A_616, %parallel_loop3A_617, %parallel_loop3A_618], %parallel_loop3A_613 {add = true, strides = array<i32>} : memref<3x8x2048xf32, #tpu.memory_space<vmem>>, vector<16xf32>,
    } {sc.loop_unroll_factor = 8 : i64, sc.parallel_access}
    %add3A_293 = arith.constant 1000 : i32
    %add3A_294 = arith.addi %mul3A_2, %add3A_293 : i32
    %dma_start3A_295 = arith.constant 2 : i32
    %dma_start3A_296 = arith.constant 2 : i32
    %dma_start3A_297 = arith.constant 0 : i32
    %dma_start3A_298 = arith.constant 0 : i32
    %dma_start3A_299 = tpu.memref_slice %arg8[%dma_start3A_295, %dma_start3A_297, %dma_start3A_298] : memref<3x8x2048xf32, #tpu.memory_space<vmem>> -> memref<1x8x2048xf32, #tpu.memory_space<vmem>>
    %dma_start3A_300 = tpu.memref_squeeze %dma_start3A_299 : memref<1x8x2048xf32, #tpu.memory_space<vmem>> -> memref<8x2048xf32, #tpu.memory_space<vmem>>
    %dma_start3A_301 = arith.constant 0 : i32
    %dma_start3A_302 = tpu.memref_slice %arg5[%add3A_294, %dma_start3A_301] : memref<32768x2048xf32, #tpu.memory_space<hbm>> -> memref<8x2048xf32, #tpu.memory_space<hbm>>
    %dma_start3A_303 = tpu.memref_slice %arg10[%dma_start3A_296] : memref<3x!tpu.dma_semaphore, #tpu.memory_space<semaphore_mem>> -> memref<1x!tpu.dma_semaphore, #tpu.memory_space<semaphore_mem>>
    %dma_start3A_304 = tpu.memref_squeeze %dma_start3A_303 : memref<1x!tpu.dma_semaphore, #tpu.memory_space<semaphore_mem>> -> memref<!tpu.dma_semaphore, #tpu.memory_space<semaphore_mem>>
    %dma_start3A_305 = arith.constant 0 : i32
    %dma_start3A_306 = tpu.memref_slice %arg5[%add3A_294, %dma_start3A_305] : memref<32768x2048xf32, #tpu.memory_space<hbm>> -> memref<8x2048xf32, #tpu.memory_space<hbm>>
    %dma_start3A_307 = arith.constant 0 : i32
    %dma_start3A_308 = arith.constant 0 : i32
    %dma_start3A_309 = tpu.memref_slice %arg8[%dma_start3A_295, %dma_start3A_307, %dma_start3A_308] : memref<3x8x2048xf32, #tpu.memory_space<vmem>> -> memref<1x8x2048xf32, #tpu.memory_space<vmem>>
    %dma_start3A_310 = tpu.memref_squeeze %dma_start3A_309 : memref<1x8x2048xf32, #tpu.memory_space<vmem>> -> memref<8x2048xf32, #tpu.memory_space<vmem>>
    tpu.enqueue_dma source(%dma_start3A_310 : memref<8x2048xf32, #tpu.memory_space<vmem>>) target(%dma_start3A_306 : memref<8x2048xf32, #tpu.memory_space<hbm>>) target_semaphore(%dma_start3A_304 : memref<!tpu.dma_semaphore, #tpu.memory_space<semaphore_mem>>)
    %add3A_311 = arith.constant 992 : i32
    %add3A_312 = arith.addi %mul3A_2, %add3A_311 : i32
    %dma_wait3A_313 = arith.constant 1 : i32
    %dma_wait3A_314 = arith.constant 1 : i32
    %dma_wait3A_315 = arith.constant 0 : i32
    %dma_wait3A_316 = arith.constant 0 : i32
    %dma_wait3A_317 = tpu.memref_slice %arg8[%dma_wait3A_313, %dma_wait3A_315, %dma_wait3A_316] : memref<3x8x2048xf32, #tpu.memory_space<vmem>> -> memref<1x8x2048xf32, #tpu.memory_space<vmem>>
    %dma_wait3A_318 = tpu.memref_squeeze %dma_wait3A_317 : memref<1x8x2048xf32, #tpu.memory_space<vmem>> -> memref<8x2048xf32, #tpu.memory_space<vmem>>
    %dma_wait3A_319 = arith.constant 0 : i32
    %dma_wait3A_320 = tpu.memref_slice %arg5[%add3A_312, %dma_wait3A_319] : memref<32768x2048xf32, #tpu.memory_space<hbm>> -> memref<8x2048xf32, #tpu.memory_space<hbm>>
    %dma_wait3A_321 = tpu.memref_slice %arg10[%dma_wait3A_314] : memref<3x!tpu.dma_semaphore, #tpu.memory_space<semaphore_mem>> -> memref<1x!tpu.dma_semaphore, #tpu.memory_space<semaphore_mem>>
    %dma_wait3A_322 = tpu.memref_squeeze %dma_wait3A_321 : memref<1x!tpu.dma_semaphore, #tpu.memory_space<semaphore_mem>> -> memref<!tpu.dma_semaphore, #tpu.memory_space<semaphore_mem>>
    %dma_wait3A_323 = arith.constant 0 : i32
    %dma_wait3A_324 = tpu.memref_slice %arg5[%add3A_312, %dma_wait3A_323] : memref<32768x2048xf32, #tpu.memory_space<hbm>> -> memref<8x2048xf32, #tpu.memory_space<hbm>>
    %dma_wait3A_325 = arith.constant 0 : i32
    %dma_wait3A_326 = arith.constant 0 : i32
    %dma_wait3A_327 = tpu.memref_slice %arg8[%dma_wait3A_313, %dma_wait3A_325, %dma_wait3A_326] : memref<3x8x2048xf32, #tpu.memory_space<vmem>> -> memref<1x8x2048xf32, #tpu.memory_space<vmem>>
    %dma_wait3A_328 = tpu.memref_squeeze %dma_wait3A_327 : memref<1x8x2048xf32, #tpu.memory_space<vmem>> -> memref<8x2048xf32, #tpu.memory_space<vmem>>
    tpu.wait_dma2 semaphore(%dma_wait3A_322 : memref<!tpu.dma_semaphore, #tpu.memory_space<semaphore_mem>>) src(%dma_wait3A_328 : memref<8x2048xf32, #tpu.memory_space<vmem>>) dst(%dma_wait3A_324 : memref<8x2048xf32, #tpu.memory_space<hbm>>)
    %add3A_329 = arith.constant 1016 : i32
    %add3A_330 = arith.addi %mul3A_2, %add3A_329 : i32
    %dma_start3A_331 = arith.constant 1 : i32
    %dma_start3A_332 = arith.constant 1 : i32
    %dma_start3A_333 = arith.constant 0 : i32
    %dma_start3A_334 = arith.constant 0 : i32
    %dma_start3A_335 = tpu.memref_slice %arg8[%dma_start3A_331, %dma_start3A_333, %dma_start3A_334] : memref<3x8x2048xf32, #tpu.memory_space<vmem>> -> memref<1x8x2048xf32, #tpu.memory_space<vmem>>
    %dma_start3A_336 = tpu.memref_squeeze %dma_start3A_335 : memref<1x8x2048xf32, #tpu.memory_space<vmem>> -> memref<8x2048xf32, #tpu.memory_space<vmem>>
    %dma_start3A_337 = arith.constant 0 : i32
    %dma_start3A_338 = tpu.memref_slice %arg2[%add3A_330, %dma_start3A_337] : memref<32768x2048xf32, #tpu.memory_space<hbm>> -> memref<8x2048xf32, #tpu.memory_space<hbm>>
    %dma_start3A_339 = tpu.memref_slice %arg9[%dma_start3A_332] : memref<3x!tpu.dma_semaphore, #tpu.memory_space<semaphore_mem>> -> memref<1x!tpu.dma_semaphore, #tpu.memory_space<semaphore_mem>>
    %dma_start3A_340 = tpu.memref_squeeze %dma_start3A_339 : memref<1x!tpu.dma_semaphore, #tpu.memory_space<semaphore_mem>> -> memref<!tpu.dma_semaphore, #tpu.memory_space<semaphore_mem>>
    %dma_start3A_341 = arith.constant 0 : i32
    %dma_start3A_342 = arith.constant 0 : i32
    %dma_start3A_343 = tpu.memref_slice %arg8[%dma_start3A_331, %dma_start3A_341, %dma_start3A_342] : memref<3x8x2048xf32, #tpu.memory_space<vmem>> -> memref<1x8x2048xf32, #tpu.memory_space<vmem>>
    %dma_start3A_344 = tpu.memref_squeeze %dma_start3A_343 : memref<1x8x2048xf32, #tpu.memory_space<vmem>> -> memref<8x2048xf32, #tpu.memory_space<vmem>>
    %dma_start3A_345 = arith.constant 0 : i32
    %dma_start3A_346 = tpu.memref_slice %arg2[%add3A_330, %dma_start3A_345] : memref<32768x2048xf32, #tpu.memory_space<hbm>> -> memref<8x2048xf32, #tpu.memory_space<hbm>>
    tpu.enqueue_dma source(%dma_start3A_346 : memref<8x2048xf32, #tpu.memory_space<hbm>>) target(%dma_start3A_344 : memref<8x2048xf32, #tpu.memory_space<vmem>>) target_semaphore(%dma_start3A_340 : memref<!tpu.dma_semaphore, #tpu.memory_space<semaphore_mem>>)
    %add3A_347 = arith.constant 1008 : i32
    %add3A_348 = arith.addi %mul3A_2, %add3A_347 : i32
    %dma_wait3A_349 = arith.constant 0 : i32
    %dma_wait3A_350 = arith.constant 0 : i32
    %dma_wait3A_351 = arith.constant 0 : i32
    %dma_wait3A_352 = arith.constant 0 : i32
    %dma_wait3A_353 = tpu.memref_slice %arg8[%dma_wait3A_349, %dma_wait3A_351, %dma_wait3A_352] : memref<3x8x2048xf32, #tpu.memory_space<vmem>> -> memref<1x8x2048xf32, #tpu.memory_space<vmem>>
    %dma_wait3A_354 = tpu.memref_squeeze %dma_wait3A_353 : memref<1x8x2048xf32, #tpu.memory_space<vmem>> -> memref<8x2048xf32, #tpu.memory_space<vmem>>
    %dma_wait3A_355 = arith.constant 0 : i32
    %dma_wait3A_356 = tpu.memref_slice %arg2[%add3A_348, %dma_wait3A_355] : memref<32768x2048xf32, #tpu.memory_space<hbm>> -> memref<8x2048xf32, #tpu.memory_space<hbm>>
    %dma_wait3A_357 = tpu.memref_slice %arg9[%dma_wait3A_350] : memref<3x!tpu.dma_semaphore, #tpu.memory_space<semaphore_mem>> -> memref<1x!tpu.dma_semaphore, #tpu.memory_space<semaphore_mem>>
    %dma_wait3A_358 = tpu.memref_squeeze %dma_wait3A_357 : memref<1x!tpu.dma_semaphore, #tpu.memory_space<semaphore_mem>> -> memref<!tpu.dma_semaphore, #tpu.memory_space<semaphore_mem>>
    %dma_wait3A_359 = arith.constant 0 : i32
    %dma_wait3A_360 = arith.constant 0 : i32
    %dma_wait3A_361 = tpu.memref_slice %arg8[%dma_wait3A_349, %dma_wait3A_359, %dma_wait3A_360] : memref<3x8x2048xf32, #tpu.memory_space<vmem>> -> memref<1x8x2048xf32, #tpu.memory_space<vmem>>
    %dma_wait3A_362 = tpu.memref_squeeze %dma_wait3A_361 : memref<1x8x2048xf32, #tpu.memory_space<vmem>> -> memref<8x2048xf32, #tpu.memory_space<vmem>>
    %dma_wait3A_363 = arith.constant 0 : i32
    %dma_wait3A_364 = tpu.memref_slice %arg2[%add3A_348, %dma_wait3A_363] : memref<32768x2048xf32, #tpu.memory_space<hbm>> -> memref<8x2048xf32, #tpu.memory_space<hbm>>
    tpu.wait_dma2 semaphore(%dma_wait3A_358 : memref<!tpu.dma_semaphore, #tpu.memory_space<semaphore_mem>>) src(%dma_wait3A_364 : memref<8x2048xf32, #tpu.memory_space<hbm>>) dst(%dma_wait3A_362 : memref<8x2048xf32, #tpu.memory_space<vmem>>)
    %get3A_365 = arith.constant 1008 : index
    %get3A_366 = tpu.vector_load %arg7[%get3A_365] {strides = array<i32>} : memref<1040xi32, #tpu.memory_space<vmem>>, vector<16xi32>,
    %slice3A_367 = vector.extract_strided_slice %get3A_366 {offsets = [0], sizes = [1], strides = [1]} : vector<16xi32> to vector<1xi32>
    %squeeze3A_368 = vector.extract %slice3A_367[0] : i32 from vector<1xi32>
    %mul3A_369 = arith.constant 2048 : i32
    %mul3A_370 = arith.muli %squeeze3A_368, %mul3A_369 : i32
    %slice3A_371 = vector.extract_strided_slice %get3A_366 {offsets = [1], sizes = [1], strides = [1]} : vector<16xi32> to vector<1xi32>
    %squeeze3A_372 = vector.extract %slice3A_371[0] : i32 from vector<1xi32>
    %mul3A_373 = arith.constant 2048 : i32
    %mul3A_374 = arith.muli %squeeze3A_372, %mul3A_373 : i32
    %slice3A_375 = vector.extract_strided_slice %get3A_366 {offsets = [2], sizes = [1], strides = [1]} : vector<16xi32> to vector<1xi32>
    %squeeze3A_376 = vector.extract %slice3A_375[0] : i32 from vector<1xi32>
    %mul3A_377 = arith.constant 2048 : i32
    %mul3A_378 = arith.muli %squeeze3A_376, %mul3A_377 : i32
    %slice3A_379 = vector.extract_strided_slice %get3A_366 {offsets = [3], sizes = [1], strides = [1]} : vector<16xi32> to vector<1xi32>
    %squeeze3A_380 = vector.extract %slice3A_379[0] : i32 from vector<1xi32>
    %mul3A_381 = arith.constant 2048 : i32
    %mul3A_382 = arith.muli %squeeze3A_380, %mul3A_381 : i32
    %slice3A_383 = vector.extract_strided_slice %get3A_366 {offsets = [4], sizes = [1], strides = [1]} : vector<16xi32> to vector<1xi32>
    %squeeze3A_384 = vector.extract %slice3A_383[0] : i32 from vector<1xi32>
    %mul3A_385 = arith.constant 2048 : i32
    %mul3A_386 = arith.muli %squeeze3A_384, %mul3A_385 : i32
    %slice3A_387 = vector.extract_strided_slice %get3A_366 {offsets = [5], sizes = [1], strides = [1]} : vector<16xi32> to vector<1xi32>
    %squeeze3A_388 = vector.extract %slice3A_387[0] : i32 from vector<1xi32>
    %mul3A_389 = arith.constant 2048 : i32
    %mul3A_390 = arith.muli %squeeze3A_388, %mul3A_389 : i32
    %slice3A_391 = vector.extract_strided_slice %get3A_366 {offsets = [6], sizes = [1], strides = [1]} : vector<16xi32> to vector<1xi32>
    %squeeze3A_392 = vector.extract %slice3A_391[0] : i32 from vector<1xi32>
    %mul3A_393 = arith.constant 2048 : i32
    %mul3A_394 = arith.muli %squeeze3A_392, %mul3A_393 : i32
    %slice3A_395 = vector.extract_strided_slice %get3A_366 {offsets = [7], sizes = [1], strides = [1]} : vector<16xi32> to vector<1xi32>
    %squeeze3A_396 = vector.extract %slice3A_395[0] : i32 from vector<1xi32>
    %mul3A_397 = arith.constant 2048 : i32
    %mul3A_398 = arith.muli %squeeze3A_396, %mul3A_397 : i32
    %parallel_loop3A_399 = arith.constant 0 : i32
    %parallel_loop3A_400 = arith.constant 2048 : i32
    %parallel_loop3A_401 = arith.constant 16 : i32
    scf.for %parallel_loop3A_547 = %parallel_loop3A_399 to %parallel_loop3A_400 step %parallel_loop3A_401  : i32 {
      %parallel_loop3A_548 = arith.addi %mul3A_370, %parallel_loop3A_547 : i32
      %parallel_loop3A_549 = arith.index_cast %parallel_loop3A_548 : i32 to index
      %parallel_loop3A_550 = tpu.vector_load %arg6[%parallel_loop3A_549] {strides = array<i32>} : memref<65536xf32, #tpu.memory_space<vmem>>, vector<16xf32>,
      %parallel_loop3A_551 = arith.constant 0 : i32
      %parallel_loop3A_552 = arith.constant 0 : i32
      %parallel_loop3A_553 = arith.index_cast %parallel_loop3A_551 : i32 to index
      %parallel_loop3A_554 = arith.index_cast %parallel_loop3A_552 : i32 to index
      %parallel_loop3A_555 = arith.index_cast %parallel_loop3A_547 : i32 to index
      %parallel_loop3A_556 = tpu.vector_load %arg8[%parallel_loop3A_553, %parallel_loop3A_554, %parallel_loop3A_555] {strides = array<i32>} : memref<3x8x2048xf32, #tpu.memory_space<vmem>>, vector<16xf32>,
      tpu.vector_store %arg8[%parallel_loop3A_553, %parallel_loop3A_554, %parallel_loop3A_555], %parallel_loop3A_550 {add = true, strides = array<i32>} : memref<3x8x2048xf32, #tpu.memory_space<vmem>>, vector<16xf32>,
      %parallel_loop3A_557 = arith.addi %mul3A_374, %parallel_loop3A_547 : i32
      %parallel_loop3A_558 = arith.index_cast %parallel_loop3A_557 : i32 to index
      %parallel_loop3A_559 = tpu.vector_load %arg6[%parallel_loop3A_558] {strides = array<i32>} : memref<65536xf32, #tpu.memory_space<vmem>>, vector<16xf32>,
      %parallel_loop3A_560 = arith.constant 0 : i32
      %parallel_loop3A_561 = arith.constant 1 : i32
      %parallel_loop3A_562 = arith.index_cast %parallel_loop3A_560 : i32 to index
      %parallel_loop3A_563 = arith.index_cast %parallel_loop3A_561 : i32 to index
      %parallel_loop3A_564 = arith.index_cast %parallel_loop3A_547 : i32 to index
      %parallel_loop3A_565 = tpu.vector_load %arg8[%parallel_loop3A_562, %parallel_loop3A_563, %parallel_loop3A_564] {strides = array<i32>} : memref<3x8x2048xf32, #tpu.memory_space<vmem>>, vector<16xf32>,
      tpu.vector_store %arg8[%parallel_loop3A_562, %parallel_loop3A_563, %parallel_loop3A_564], %parallel_loop3A_559 {add = true, strides = array<i32>} : memref<3x8x2048xf32, #tpu.memory_space<vmem>>, vector<16xf32>,
      %parallel_loop3A_566 = arith.addi %mul3A_378, %parallel_loop3A_547 : i32
      %parallel_loop3A_567 = arith.index_cast %parallel_loop3A_566 : i32 to index
      %parallel_loop3A_568 = tpu.vector_load %arg6[%parallel_loop3A_567] {strides = array<i32>} : memref<65536xf32, #tpu.memory_space<vmem>>, vector<16xf32>,
      %parallel_loop3A_569 = arith.constant 0 : i32
      %parallel_loop3A_570 = arith.constant 2 : i32
      %parallel_loop3A_571 = arith.index_cast %parallel_loop3A_569 : i32 to index
      %parallel_loop3A_572 = arith.index_cast %parallel_loop3A_570 : i32 to index
      %parallel_loop3A_573 = arith.index_cast %parallel_loop3A_547 : i32 to index
      %parallel_loop3A_574 = tpu.vector_load %arg8[%parallel_loop3A_571, %parallel_loop3A_572, %parallel_loop3A_573] {strides = array<i32>} : memref<3x8x2048xf32, #tpu.memory_space<vmem>>, vector<16xf32>,
      tpu.vector_store %arg8[%parallel_loop3A_571, %parallel_loop3A_572, %parallel_loop3A_573], %parallel_loop3A_568 {add = true, strides = array<i32>} : memref<3x8x2048xf32, #tpu.memory_space<vmem>>, vector<16xf32>,
      %parallel_loop3A_575 = arith.addi %mul3A_382, %parallel_loop3A_547 : i32
      %parallel_loop3A_576 = arith.index_cast %parallel_loop3A_575 : i32 to index
      %parallel_loop3A_577 = tpu.vector_load %arg6[%parallel_loop3A_576] {strides = array<i32>} : memref<65536xf32, #tpu.memory_space<vmem>>, vector<16xf32>,
      %parallel_loop3A_578 = arith.constant 0 : i32
      %parallel_loop3A_579 = arith.constant 3 : i32
      %parallel_loop3A_580 = arith.index_cast %parallel_loop3A_578 : i32 to index
      %parallel_loop3A_581 = arith.index_cast %parallel_loop3A_579 : i32 to index
      %parallel_loop3A_582 = arith.index_cast %parallel_loop3A_547 : i32 to index
      %parallel_loop3A_583 = tpu.vector_load %arg8[%parallel_loop3A_580, %parallel_loop3A_581, %parallel_loop3A_582] {strides = array<i32>} : memref<3x8x2048xf32, #tpu.memory_space<vmem>>, vector<16xf32>,
      tpu.vector_store %arg8[%parallel_loop3A_580, %parallel_loop3A_581, %parallel_loop3A_582], %parallel_loop3A_577 {add = true, strides = array<i32>} : memref<3x8x2048xf32, #tpu.memory_space<vmem>>, vector<16xf32>,
      %parallel_loop3A_584 = arith.addi %mul3A_386, %parallel_loop3A_547 : i32
      %parallel_loop3A_585 = arith.index_cast %parallel_loop3A_584 : i32 to index
      %parallel_loop3A_586 = tpu.vector_load %arg6[%parallel_loop3A_585] {strides = array<i32>} : memref<65536xf32, #tpu.memory_space<vmem>>, vector<16xf32>,
      %parallel_loop3A_587 = arith.constant 0 : i32
      %parallel_loop3A_588 = arith.constant 4 : i32
      %parallel_loop3A_589 = arith.index_cast %parallel_loop3A_587 : i32 to index
      %parallel_loop3A_590 = arith.index_cast %parallel_loop3A_588 : i32 to index
      %parallel_loop3A_591 = arith.index_cast %parallel_loop3A_547 : i32 to index
      %parallel_loop3A_592 = tpu.vector_load %arg8[%parallel_loop3A_589, %parallel_loop3A_590, %parallel_loop3A_591] {strides = array<i32>} : memref<3x8x2048xf32, #tpu.memory_space<vmem>>, vector<16xf32>,
      tpu.vector_store %arg8[%parallel_loop3A_589, %parallel_loop3A_590, %parallel_loop3A_591], %parallel_loop3A_586 {add = true, strides = array<i32>} : memref<3x8x2048xf32, #tpu.memory_space<vmem>>, vector<16xf32>,
      %parallel_loop3A_593 = arith.addi %mul3A_390, %parallel_loop3A_547 : i32
      %parallel_loop3A_594 = arith.index_cast %parallel_loop3A_593 : i32 to index
      %parallel_loop3A_595 = tpu.vector_load %arg6[%parallel_loop3A_594] {strides = array<i32>} : memref<65536xf32, #tpu.memory_space<vmem>>, vector<16xf32>,
      %parallel_loop3A_596 = arith.constant 0 : i32
      %parallel_loop3A_597 = arith.constant 5 : i32
      %parallel_loop3A_598 = arith.index_cast %parallel_loop3A_596 : i32 to index
      %parallel_loop3A_599 = arith.index_cast %parallel_loop3A_597 : i32 to index
      %parallel_loop3A_600 = arith.index_cast %parallel_loop3A_547 : i32 to index
      %parallel_loop3A_601 = tpu.vector_load %arg8[%parallel_loop3A_598, %parallel_loop3A_599, %parallel_loop3A_600] {strides = array<i32>} : memref<3x8x2048xf32, #tpu.memory_space<vmem>>, vector<16xf32>,
      tpu.vector_store %arg8[%parallel_loop3A_598, %parallel_loop3A_599, %parallel_loop3A_600], %parallel_loop3A_595 {add = true, strides = array<i32>} : memref<3x8x2048xf32, #tpu.memory_space<vmem>>, vector<16xf32>,
      %parallel_loop3A_602 = arith.addi %mul3A_394, %parallel_loop3A_547 : i32
      %parallel_loop3A_603 = arith.index_cast %parallel_loop3A_602 : i32 to index
      %parallel_loop3A_604 = tpu.vector_load %arg6[%parallel_loop3A_603] {strides = array<i32>} : memref<65536xf32, #tpu.memory_space<vmem>>, vector<16xf32>,
      %parallel_loop3A_605 = arith.constant 0 : i32
      %parallel_loop3A_606 = arith.constant 6 : i32
      %parallel_loop3A_607 = arith.index_cast %parallel_loop3A_605 : i32 to index
      %parallel_loop3A_608 = arith.index_cast %parallel_loop3A_606 : i32 to index
      %parallel_loop3A_609 = arith.index_cast %parallel_loop3A_547 : i32 to index
      %parallel_loop3A_610 = tpu.vector_load %arg8[%parallel_loop3A_607, %parallel_loop3A_608, %parallel_loop3A_609] {strides = array<i32>} : memref<3x8x2048xf32, #tpu.memory_space<vmem>>, vector<16xf32>,
      tpu.vector_store %arg8[%parallel_loop3A_607, %parallel_loop3A_608, %parallel_loop3A_609], %parallel_loop3A_604 {add = true, strides = array<i32>} : memref<3x8x2048xf32, #tpu.memory_space<vmem>>, vector<16xf32>,
      %parallel_loop3A_611 = arith.addi %mul3A_398, %parallel_loop3A_547 : i32
      %parallel_loop3A_612 = arith.index_cast %parallel_loop3A_611 : i32 to index
      %parallel_loop3A_613 = tpu.vector_load %arg6[%parallel_loop3A_612] {strides = array<i32>} : memref<65536xf32, #tpu.memory_space<vmem>>, vector<16xf32>,
      %parallel_loop3A_614 = arith.constant 0 : i32
      %parallel_loop3A_615 = arith.constant 7 : i32
      %parallel_loop3A_616 = arith.index_cast %parallel_loop3A_614 : i32 to index
      %parallel_loop3A_617 = arith.index_cast %parallel_loop3A_615 : i32 to index
      %parallel_loop3A_618 = arith.index_cast %parallel_loop3A_547 : i32 to index
      %parallel_loop3A_619 = tpu.vector_load %arg8[%parallel_loop3A_616, %parallel_loop3A_617, %parallel_loop3A_618] {strides = array<i32>} : memref<3x8x2048xf32, #tpu.memory_space<vmem>>, vector<16xf32>,
      tpu.vector_store %arg8[%parallel_loop3A_616, %parallel_loop3A_617, %parallel_loop3A_618], %parallel_loop3A_613 {add = true, strides = array<i32>} : memref<3x8x2048xf32, #tpu.memory_space<vmem>>, vector<16xf32>,
    } {sc.loop_unroll_factor = 8 : i64, sc.parallel_access}
    %add3A_402 = arith.constant 1008 : i32
    %add3A_403 = arith.addi %mul3A_2, %add3A_402 : i32
    %dma_start3A_404 = arith.constant 0 : i32
    %dma_start3A_405 = arith.constant 0 : i32
    %dma_start3A_406 = arith.constant 0 : i32
    %dma_start3A_407 = arith.constant 0 : i32
    %dma_start3A_408 = tpu.memref_slice %arg8[%dma_start3A_404, %dma_start3A_406, %dma_start3A_407] : memref<3x8x2048xf32, #tpu.memory_space<vmem>> -> memref<1x8x2048xf32, #tpu.memory_space<vmem>>
    %dma_start3A_409 = tpu.memref_squeeze %dma_start3A_408 : memref<1x8x2048xf32, #tpu.memory_space<vmem>> -> memref<8x2048xf32, #tpu.memory_space<vmem>>
    %dma_start3A_410 = arith.constant 0 : i32
    %dma_start3A_411 = tpu.memref_slice %arg5[%add3A_403, %dma_start3A_410] : memref<32768x2048xf32, #tpu.memory_space<hbm>> -> memref<8x2048xf32, #tpu.memory_space<hbm>>
    %dma_start3A_412 = tpu.memref_slice %arg10[%dma_start3A_405] : memref<3x!tpu.dma_semaphore, #tpu.memory_space<semaphore_mem>> -> memref<1x!tpu.dma_semaphore, #tpu.memory_space<semaphore_mem>>
    %dma_start3A_413 = tpu.memref_squeeze %dma_start3A_412 : memref<1x!tpu.dma_semaphore, #tpu.memory_space<semaphore_mem>> -> memref<!tpu.dma_semaphore, #tpu.memory_space<semaphore_mem>>
    %dma_start3A_414 = arith.constant 0 : i32
    %dma_start3A_415 = tpu.memref_slice %arg5[%add3A_403, %dma_start3A_414] : memref<32768x2048xf32, #tpu.memory_space<hbm>> -> memref<8x2048xf32, #tpu.memory_space<hbm>>
    %dma_start3A_416 = arith.constant 0 : i32
    %dma_start3A_417 = arith.constant 0 : i32
    %dma_start3A_418 = tpu.memref_slice %arg8[%dma_start3A_404, %dma_start3A_416, %dma_start3A_417] : memref<3x8x2048xf32, #tpu.memory_space<vmem>> -> memref<1x8x2048xf32, #tpu.memory_space<vmem>>
    %dma_start3A_419 = tpu.memref_squeeze %dma_start3A_418 : memref<1x8x2048xf32, #tpu.memory_space<vmem>> -> memref<8x2048xf32, #tpu.memory_space<vmem>>
    tpu.enqueue_dma source(%dma_start3A_419 : memref<8x2048xf32, #tpu.memory_space<vmem>>) target(%dma_start3A_415 : memref<8x2048xf32, #tpu.memory_space<hbm>>) target_semaphore(%dma_start3A_413 : memref<!tpu.dma_semaphore, #tpu.memory_space<semaphore_mem>>)
    %add3A_420 = arith.constant 1000 : i32
    %add3A_421 = arith.addi %mul3A_2, %add3A_420 : i32
    %dma_wait3A_422 = arith.constant 2 : i32
    %dma_wait3A_423 = arith.constant 2 : i32
    %dma_wait3A_424 = arith.constant 0 : i32
    %dma_wait3A_425 = arith.constant 0 : i32
    %dma_wait3A_426 = tpu.memref_slice %arg8[%dma_wait3A_422, %dma_wait3A_424, %dma_wait3A_425] : memref<3x8x2048xf32, #tpu.memory_space<vmem>> -> memref<1x8x2048xf32, #tpu.memory_space<vmem>>
    %dma_wait3A_427 = tpu.memref_squeeze %dma_wait3A_426 : memref<1x8x2048xf32, #tpu.memory_space<vmem>> -> memref<8x2048xf32, #tpu.memory_space<vmem>>
    %dma_wait3A_428 = arith.constant 0 : i32
    %dma_wait3A_429 = tpu.memref_slice %arg5[%add3A_421, %dma_wait3A_428] : memref<32768x2048xf32, #tpu.memory_space<hbm>> -> memref<8x2048xf32, #tpu.memory_space<hbm>>
    %dma_wait3A_430 = tpu.memref_slice %arg10[%dma_wait3A_423] : memref<3x!tpu.dma_semaphore, #tpu.memory_space<semaphore_mem>> -> memref<1x!tpu.dma_semaphore, #tpu.memory_space<semaphore_mem>>
    %dma_wait3A_431 = tpu.memref_squeeze %dma_wait3A_430 : memref<1x!tpu.dma_semaphore, #tpu.memory_space<semaphore_mem>> -> memref<!tpu.dma_semaphore, #tpu.memory_space<semaphore_mem>>
    %dma_wait3A_432 = arith.constant 0 : i32
    %dma_wait3A_433 = tpu.memref_slice %arg5[%add3A_421, %dma_wait3A_432] : memref<32768x2048xf32, #tpu.memory_space<hbm>> -> memref<8x2048xf32, #tpu.memory_space<hbm>>
    %dma_wait3A_434 = arith.constant 0 : i32
    %dma_wait3A_435 = arith.constant 0 : i32
    %dma_wait3A_436 = tpu.memref_slice %arg8[%dma_wait3A_422, %dma_wait3A_434, %dma_wait3A_435] : memref<3x8x2048xf32, #tpu.memory_space<vmem>> -> memref<1x8x2048xf32, #tpu.memory_space<vmem>>
    %dma_wait3A_437 = tpu.memref_squeeze %dma_wait3A_436 : memref<1x8x2048xf32, #tpu.memory_space<vmem>> -> memref<8x2048xf32, #tpu.memory_space<vmem>>
    tpu.wait_dma2 semaphore(%dma_wait3A_431 : memref<!tpu.dma_semaphore, #tpu.memory_space<semaphore_mem>>) src(%dma_wait3A_437 : memref<8x2048xf32, #tpu.memory_space<vmem>>) dst(%dma_wait3A_433 : memref<8x2048xf32, #tpu.memory_space<hbm>>)
    %add3A_438 = arith.constant 1016 : i32
    %add3A_439 = arith.addi %mul3A_2, %add3A_438 : i32
    %dma_wait3A_440 = arith.constant 1 : i32
    %dma_wait3A_441 = arith.constant 1 : i32
    %dma_wait3A_442 = arith.constant 0 : i32
    %dma_wait3A_443 = arith.constant 0 : i32
    %dma_wait3A_444 = tpu.memref_slice %arg8[%dma_wait3A_440, %dma_wait3A_442, %dma_wait3A_443] : memref<3x8x2048xf32, #tpu.memory_space<vmem>> -> memref<1x8x2048xf32, #tpu.memory_space<vmem>>
    %dma_wait3A_445 = tpu.memref_squeeze %dma_wait3A_444 : memref<1x8x2048xf32, #tpu.memory_space<vmem>> -> memref<8x2048xf32, #tpu.memory_space<vmem>>
    %dma_wait3A_446 = arith.constant 0 : i32
    %dma_wait3A_447 = tpu.memref_slice %arg2[%add3A_439, %dma_wait3A_446] : memref<32768x2048xf32, #tpu.memory_space<hbm>> -> memref<8x2048xf32, #tpu.memory_space<hbm>>
    %dma_wait3A_448 = tpu.memref_slice %arg9[%dma_wait3A_441] : memref<3x!tpu.dma_semaphore, #tpu.memory_space<semaphore_mem>> -> memref<1x!tpu.dma_semaphore, #tpu.memory_space<semaphore_mem>>
    %dma_wait3A_449 = tpu.memref_squeeze %dma_wait3A_448 : memref<1x!tpu.dma_semaphore, #tpu.memory_space<semaphore_mem>> -> memref<!tpu.dma_semaphore, #tpu.memory_space<semaphore_mem>>
    %dma_wait3A_450 = arith.constant 0 : i32
    %dma_wait3A_451 = arith.constant 0 : i32
    %dma_wait3A_452 = tpu.memref_slice %arg8[%dma_wait3A_440, %dma_wait3A_450, %dma_wait3A_451] : memref<3x8x2048xf32, #tpu.memory_space<vmem>> -> memref<1x8x2048xf32, #tpu.memory_space<vmem>>
    %dma_wait3A_453 = tpu.memref_squeeze %dma_wait3A_452 : memref<1x8x2048xf32, #tpu.memory_space<vmem>> -> memref<8x2048xf32, #tpu.memory_space<vmem>>
    %dma_wait3A_454 = arith.constant 0 : i32
    %dma_wait3A_455 = tpu.memref_slice %arg2[%add3A_439, %dma_wait3A_454] : memref<32768x2048xf32, #tpu.memory_space<hbm>> -> memref<8x2048xf32, #tpu.memory_space<hbm>>
    tpu.wait_dma2 semaphore(%dma_wait3A_449 : memref<!tpu.dma_semaphore, #tpu.memory_space<semaphore_mem>>) src(%dma_wait3A_455 : memref<8x2048xf32, #tpu.memory_space<hbm>>) dst(%dma_wait3A_453 : memref<8x2048xf32, #tpu.memory_space<vmem>>)
    %get3A_456 = arith.constant 1016 : index
    %get3A_457 = tpu.vector_load %arg7[%get3A_456] {strides = array<i32>} : memref<1040xi32, #tpu.memory_space<vmem>>, vector<16xi32>,
    %slice3A_458 = vector.extract_strided_slice %get3A_457 {offsets = [0], sizes = [1], strides = [1]} : vector<16xi32> to vector<1xi32>
    %squeeze3A_459 = vector.extract %slice3A_458[0] : i32 from vector<1xi32>
    %mul3A_460 = arith.constant 2048 : i32
    %mul3A_461 = arith.muli %squeeze3A_459, %mul3A_460 : i32
    %slice3A_462 = vector.extract_strided_slice %get3A_457 {offsets = [1], sizes = [1], strides = [1]} : vector<16xi32> to vector<1xi32>
    %squeeze3A_463 = vector.extract %slice3A_462[0] : i32 from vector<1xi32>
    %mul3A_464 = arith.constant 2048 : i32
    %mul3A_465 = arith.muli %squeeze3A_463, %mul3A_464 : i32
    %slice3A_466 = vector.extract_strided_slice %get3A_457 {offsets = [2], sizes = [1], strides = [1]} : vector<16xi32> to vector<1xi32>
    %squeeze3A_467 = vector.extract %slice3A_466[0] : i32 from vector<1xi32>
    %mul3A_468 = arith.constant 2048 : i32
    %mul3A_469 = arith.muli %squeeze3A_467, %mul3A_468 : i32
    %slice3A_470 = vector.extract_strided_slice %get3A_457 {offsets = [3], sizes = [1], strides = [1]} : vector<16xi32> to vector<1xi32>
    %squeeze3A_471 = vector.extract %slice3A_470[0] : i32 from vector<1xi32>
    %mul3A_472 = arith.constant 2048 : i32
    %mul3A_473 = arith.muli %squeeze3A_471, %mul3A_472 : i32
    %slice3A_474 = vector.extract_strided_slice %get3A_457 {offsets = [4], sizes = [1], strides = [1]} : vector<16xi32> to vector<1xi32>
    %squeeze3A_475 = vector.extract %slice3A_474[0] : i32 from vector<1xi32>
    %mul3A_476 = arith.constant 2048 : i32
    %mul3A_477 = arith.muli %squeeze3A_475, %mul3A_476 : i32
    %slice3A_478 = vector.extract_strided_slice %get3A_457 {offsets = [5], sizes = [1], strides = [1]} : vector<16xi32> to vector<1xi32>
    %squeeze3A_479 = vector.extract %slice3A_478[0] : i32 from vector<1xi32>
    %mul3A_480 = arith.constant 2048 : i32
    %mul3A_481 = arith.muli %squeeze3A_479, %mul3A_480 : i32
    %slice3A_482 = vector.extract_strided_slice %get3A_457 {offsets = [6], sizes = [1], strides = [1]} : vector<16xi32> to vector<1xi32>
    %squeeze3A_483 = vector.extract %slice3A_482[0] : i32 from vector<1xi32>
    %mul3A_484 = arith.constant 2048 : i32
    %mul3A_485 = arith.muli %squeeze3A_483, %mul3A_484 : i32
    %slice3A_486 = vector.extract_strided_slice %get3A_457 {offsets = [7], sizes = [1], strides = [1]} : vector<16xi32> to vector<1xi32>
    %squeeze3A_487 = vector.extract %slice3A_486[0] : i32 from vector<1xi32>
    %mul3A_488 = arith.constant 2048 : i32
    %mul3A_489 = arith.muli %squeeze3A_487, %mul3A_488 : i32
    %parallel_loop3A_490 = arith.constant 0 : i32
    %parallel_loop3A_491 = arith.constant 2048 : i32
    %parallel_loop3A_492 = arith.constant 16 : i32
    scf.for %parallel_loop3A_547 = %parallel_loop3A_490 to %parallel_loop3A_491 step %parallel_loop3A_492  : i32 {
      %parallel_loop3A_548 = arith.addi %mul3A_461, %parallel_loop3A_547 : i32
      %parallel_loop3A_549 = arith.index_cast %parallel_loop3A_548 : i32 to index
      %parallel_loop3A_550 = tpu.vector_load %arg6[%parallel_loop3A_549] {strides = array<i32>} : memref<65536xf32, #tpu.memory_space<vmem>>, vector<16xf32>,
      %parallel_loop3A_551 = arith.constant 1 : i32
      %parallel_loop3A_552 = arith.constant 0 : i32
      %parallel_loop3A_553 = arith.index_cast %parallel_loop3A_551 : i32 to index
      %parallel_loop3A_554 = arith.index_cast %parallel_loop3A_552 : i32 to index
      %parallel_loop3A_555 = arith.index_cast %parallel_loop3A_547 : i32 to index
      %parallel_loop3A_556 = tpu.vector_load %arg8[%parallel_loop3A_553, %parallel_loop3A_554, %parallel_loop3A_555] {strides = array<i32>} : memref<3x8x2048xf32, #tpu.memory_space<vmem>>, vector<16xf32>,
      tpu.vector_store %arg8[%parallel_loop3A_553, %parallel_loop3A_554, %parallel_loop3A_555], %parallel_loop3A_550 {add = true, strides = array<i32>} : memref<3x8x2048xf32, #tpu.memory_space<vmem>>, vector<16xf32>,
      %parallel_loop3A_557 = arith.addi %mul3A_465, %parallel_loop3A_547 : i32
      %parallel_loop3A_558 = arith.index_cast %parallel_loop3A_557 : i32 to index
      %parallel_loop3A_559 = tpu.vector_load %arg6[%parallel_loop3A_558] {strides = array<i32>} : memref<65536xf32, #tpu.memory_space<vmem>>, vector<16xf32>,
      %parallel_loop3A_560 = arith.constant 1 : i32
      %parallel_loop3A_561 = arith.constant 1 : i32
      %parallel_loop3A_562 = arith.index_cast %parallel_loop3A_560 : i32 to index
      %parallel_loop3A_563 = arith.index_cast %parallel_loop3A_561 : i32 to index
      %parallel_loop3A_564 = arith.index_cast %parallel_loop3A_547 : i32 to index
      %parallel_loop3A_565 = tpu.vector_load %arg8[%parallel_loop3A_562, %parallel_loop3A_563, %parallel_loop3A_564] {strides = array<i32>} : memref<3x8x2048xf32, #tpu.memory_space<vmem>>, vector<16xf32>,
      tpu.vector_store %arg8[%parallel_loop3A_562, %parallel_loop3A_563, %parallel_loop3A_564], %parallel_loop3A_559 {add = true, strides = array<i32>} : memref<3x8x2048xf32, #tpu.memory_space<vmem>>, vector<16xf32>,
      %parallel_loop3A_566 = arith.addi %mul3A_469, %parallel_loop3A_547 : i32
      %parallel_loop3A_567 = arith.index_cast %parallel_loop3A_566 : i32 to index
      %parallel_loop3A_568 = tpu.vector_load %arg6[%parallel_loop3A_567] {strides = array<i32>} : memref<65536xf32, #tpu.memory_space<vmem>>, vector<16xf32>,
      %parallel_loop3A_569 = arith.constant 1 : i32
      %parallel_loop3A_570 = arith.constant 2 : i32
      %parallel_loop3A_571 = arith.index_cast %parallel_loop3A_569 : i32 to index
      %parallel_loop3A_572 = arith.index_cast %parallel_loop3A_570 : i32 to index
      %parallel_loop3A_573 = arith.index_cast %parallel_loop3A_547 : i32 to index
      %parallel_loop3A_574 = tpu.vector_load %arg8[%parallel_loop3A_571, %parallel_loop3A_572, %parallel_loop3A_573] {strides = array<i32>} : memref<3x8x2048xf32, #tpu.memory_space<vmem>>, vector<16xf32>,
      tpu.vector_store %arg8[%parallel_loop3A_571, %parallel_loop3A_572, %parallel_loop3A_573], %parallel_loop3A_568 {add = true, strides = array<i32>} : memref<3x8x2048xf32, #tpu.memory_space<vmem>>, vector<16xf32>,
      %parallel_loop3A_575 = arith.addi %mul3A_473, %parallel_loop3A_547 : i32
      %parallel_loop3A_576 = arith.index_cast %parallel_loop3A_575 : i32 to index
      %parallel_loop3A_577 = tpu.vector_load %arg6[%parallel_loop3A_576] {strides = array<i32>} : memref<65536xf32, #tpu.memory_space<vmem>>, vector<16xf32>,
      %parallel_loop3A_578 = arith.constant 1 : i32
      %parallel_loop3A_579 = arith.constant 3 : i32
      %parallel_loop3A_580 = arith.index_cast %parallel_loop3A_578 : i32 to index
      %parallel_loop3A_581 = arith.index_cast %parallel_loop3A_579 : i32 to index
      %parallel_loop3A_582 = arith.index_cast %parallel_loop3A_547 : i32 to index
      %parallel_loop3A_583 = tpu.vector_load %arg8[%parallel_loop3A_580, %parallel_loop3A_581, %parallel_loop3A_582] {strides = array<i32>} : memref<3x8x2048xf32, #tpu.memory_space<vmem>>, vector<16xf32>,
      tpu.vector_store %arg8[%parallel_loop3A_580, %parallel_loop3A_581, %parallel_loop3A_582], %parallel_loop3A_577 {add = true, strides = array<i32>} : memref<3x8x2048xf32, #tpu.memory_space<vmem>>, vector<16xf32>,
      %parallel_loop3A_584 = arith.addi %mul3A_477, %parallel_loop3A_547 : i32
      %parallel_loop3A_585 = arith.index_cast %parallel_loop3A_584 : i32 to index
      %parallel_loop3A_586 = tpu.vector_load %arg6[%parallel_loop3A_585] {strides = array<i32>} : memref<65536xf32, #tpu.memory_space<vmem>>, vector<16xf32>,
      %parallel_loop3A_587 = arith.constant 1 : i32
      %parallel_loop3A_588 = arith.constant 4 : i32
      %parallel_loop3A_589 = arith.index_cast %parallel_loop3A_587 : i32 to index
      %parallel_loop3A_590 = arith.index_cast %parallel_loop3A_588 : i32 to index
      %parallel_loop3A_591 = arith.index_cast %parallel_loop3A_547 : i32 to index
      %parallel_loop3A_592 = tpu.vector_load %arg8[%parallel_loop3A_589, %parallel_loop3A_590, %parallel_loop3A_591] {strides = array<i32>} : memref<3x8x2048xf32, #tpu.memory_space<vmem>>, vector<16xf32>,
      tpu.vector_store %arg8[%parallel_loop3A_589, %parallel_loop3A_590, %parallel_loop3A_591], %parallel_loop3A_586 {add = true, strides = array<i32>} : memref<3x8x2048xf32, #tpu.memory_space<vmem>>, vector<16xf32>,
      %parallel_loop3A_593 = arith.addi %mul3A_481, %parallel_loop3A_547 : i32
      %parallel_loop3A_594 = arith.index_cast %parallel_loop3A_593 : i32 to index
      %parallel_loop3A_595 = tpu.vector_load %arg6[%parallel_loop3A_594] {strides = array<i32>} : memref<65536xf32, #tpu.memory_space<vmem>>, vector<16xf32>,
      %parallel_loop3A_596 = arith.constant 1 : i32
      %parallel_loop3A_597 = arith.constant 5 : i32
      %parallel_loop3A_598 = arith.index_cast %parallel_loop3A_596 : i32 to index
      %parallel_loop3A_599 = arith.index_cast %parallel_loop3A_597 : i32 to index
      %parallel_loop3A_600 = arith.index_cast %parallel_loop3A_547 : i32 to index
      %parallel_loop3A_601 = tpu.vector_load %arg8[%parallel_loop3A_598, %parallel_loop3A_599, %parallel_loop3A_600] {strides = array<i32>} : memref<3x8x2048xf32, #tpu.memory_space<vmem>>, vector<16xf32>,
      tpu.vector_store %arg8[%parallel_loop3A_598, %parallel_loop3A_599, %parallel_loop3A_600], %parallel_loop3A_595 {add = true, strides = array<i32>} : memref<3x8x2048xf32, #tpu.memory_space<vmem>>, vector<16xf32>,
      %parallel_loop3A_602 = arith.addi %mul3A_485, %parallel_loop3A_547 : i32
      %parallel_loop3A_603 = arith.index_cast %parallel_loop3A_602 : i32 to index
      %parallel_loop3A_604 = tpu.vector_load %arg6[%parallel_loop3A_603] {strides = array<i32>} : memref<65536xf32, #tpu.memory_space<vmem>>, vector<16xf32>,
      %parallel_loop3A_605 = arith.constant 1 : i32
      %parallel_loop3A_606 = arith.constant 6 : i32
      %parallel_loop3A_607 = arith.index_cast %parallel_loop3A_605 : i32 to index
      %parallel_loop3A_608 = arith.index_cast %parallel_loop3A_606 : i32 to index
      %parallel_loop3A_609 = arith.index_cast %parallel_loop3A_547 : i32 to index
      %parallel_loop3A_610 = tpu.vector_load %arg8[%parallel_loop3A_607, %parallel_loop3A_608, %parallel_loop3A_609] {strides = array<i32>} : memref<3x8x2048xf32, #tpu.memory_space<vmem>>, vector<16xf32>,
      tpu.vector_store %arg8[%parallel_loop3A_607, %parallel_loop3A_608, %parallel_loop3A_609], %parallel_loop3A_604 {add = true, strides = array<i32>} : memref<3x8x2048xf32, #tpu.memory_space<vmem>>, vector<16xf32>,
      %parallel_loop3A_611 = arith.addi %mul3A_489, %parallel_loop3A_547 : i32
      %parallel_loop3A_612 = arith.index_cast %parallel_loop3A_611 : i32 to index
      %parallel_loop3A_613 = tpu.vector_load %arg6[%parallel_loop3A_612] {strides = array<i32>} : memref<65536xf32, #tpu.memory_space<vmem>>, vector<16xf32>,
      %parallel_loop3A_614 = arith.constant 1 : i32
      %parallel_loop3A_615 = arith.constant 7 : i32
      %parallel_loop3A_616 = arith.index_cast %parallel_loop3A_614 : i32 to index
      %parallel_loop3A_617 = arith.index_cast %parallel_loop3A_615 : i32 to index
      %parallel_loop3A_618 = arith.index_cast %parallel_loop3A_547 : i32 to index
      %parallel_loop3A_619 = tpu.vector_load %arg8[%parallel_loop3A_616, %parallel_loop3A_617, %parallel_loop3A_618] {strides = array<i32>} : memref<3x8x2048xf32, #tpu.memory_space<vmem>>, vector<16xf32>,
      tpu.vector_store %arg8[%parallel_loop3A_616, %parallel_loop3A_617, %parallel_loop3A_618], %parallel_loop3A_613 {add = true, strides = array<i32>} : memref<3x8x2048xf32, #tpu.memory_space<vmem>>, vector<16xf32>,
    } {sc.loop_unroll_factor = 8 : i64, sc.parallel_access}
    %add3A_493 = arith.constant 1016 : i32
    %add3A_494 = arith.addi %mul3A_2, %add3A_493 : i32
    %dma_start3A_495 = arith.constant 1 : i32
    %dma_start3A_496 = arith.constant 1 : i32
    %dma_start3A_497 = arith.constant 0 : i32
    %dma_start3A_498 = arith.constant 0 : i32
    %dma_start3A_499 = tpu.memref_slice %arg8[%dma_start3A_495, %dma_start3A_497, %dma_start3A_498] : memref<3x8x2048xf32, #tpu.memory_space<vmem>> -> memref<1x8x2048xf32, #tpu.memory_space<vmem>>
    %dma_start3A_500 = tpu.memref_squeeze %dma_start3A_499 : memref<1x8x2048xf32, #tpu.memory_space<vmem>> -> memref<8x2048xf32, #tpu.memory_space<vmem>>
    %dma_start3A_501 = arith.constant 0 : i32
    %dma_start3A_502 = tpu.memref_slice %arg5[%add3A_494, %dma_start3A_501] : memref<32768x2048xf32, #tpu.memory_space<hbm>> -> memref<8x2048xf32, #tpu.memory_space<hbm>>
    %dma_start3A_503 = tpu.memref_slice %arg10[%dma_start3A_496] : memref<3x!tpu.dma_semaphore, #tpu.memory_space<semaphore_mem>> -> memref<1x!tpu.dma_semaphore, #tpu.memory_space<semaphore_mem>>
    %dma_start3A_504 = tpu.memref_squeeze %dma_start3A_503 : memref<1x!tpu.dma_semaphore, #tpu.memory_space<semaphore_mem>> -> memref<!tpu.dma_semaphore, #tpu.memory_space<semaphore_mem>>
    %dma_start3A_505 = arith.constant 0 : i32
    %dma_start3A_506 = tpu.memref_slice %arg5[%add3A_494, %dma_start3A_505] : memref<32768x2048xf32, #tpu.memory_space<hbm>> -> memref<8x2048xf32, #tpu.memory_space<hbm>>
    %dma_start3A_507 = arith.constant 0 : i32
    %dma_start3A_508 = arith.constant 0 : i32
    %dma_start3A_509 = tpu.memref_slice %arg8[%dma_start3A_495, %dma_start3A_507, %dma_start3A_508] : memref<3x8x2048xf32, #tpu.memory_space<vmem>> -> memref<1x8x2048xf32, #tpu.memory_space<vmem>>
    %dma_start3A_510 = tpu.memref_squeeze %dma_start3A_509 : memref<1x8x2048xf32, #tpu.memory_space<vmem>> -> memref<8x2048xf32, #tpu.memory_space<vmem>>
    tpu.enqueue_dma source(%dma_start3A_510 : memref<8x2048xf32, #tpu.memory_space<vmem>>) target(%dma_start3A_506 : memref<8x2048xf32, #tpu.memory_space<hbm>>) target_semaphore(%dma_start3A_504 : memref<!tpu.dma_semaphore, #tpu.memory_space<semaphore_mem>>)
    %add3A_511 = arith.constant 1008 : i32
    %add3A_512 = arith.addi %mul3A_2, %add3A_511 : i32
    %dma_wait3A_513 = arith.constant 0 : i32
    %dma_wait3A_514 = arith.constant 0 : i32
    %dma_wait3A_515 = arith.constant 0 : i32
    %dma_wait3A_516 = arith.constant 0 : i32
    %dma_wait3A_517 = tpu.memref_slice %arg8[%dma_wait3A_513, %dma_wait3A_515, %dma_wait3A_516] : memref<3x8x2048xf32, #tpu.memory_space<vmem>> -> memref<1x8x2048xf32, #tpu.memory_space<vmem>>
    %dma_wait3A_518 = tpu.memref_squeeze %dma_wait3A_517 : memref<1x8x2048xf32, #tpu.memory_space<vmem>> -> memref<8x2048xf32, #tpu.memory_space<vmem>>
    %dma_wait3A_519 = arith.constant 0 : i32
    %dma_wait3A_520 = tpu.memref_slice %arg5[%add3A_512, %dma_wait3A_519] : memref<32768x2048xf32, #tpu.memory_space<hbm>> -> memref<8x2048xf32, #tpu.memory_space<hbm>>
    %dma_wait3A_521 = tpu.memref_slice %arg10[%dma_wait3A_514] : memref<3x!tpu.dma_semaphore, #tpu.memory_space<semaphore_mem>> -> memref<1x!tpu.dma_semaphore, #tpu.memory_space<semaphore_mem>>
    %dma_wait3A_522 = tpu.memref_squeeze %dma_wait3A_521 : memref<1x!tpu.dma_semaphore, #tpu.memory_space<semaphore_mem>> -> memref<!tpu.dma_semaphore, #tpu.memory_space<semaphore_mem>>
    %dma_wait3A_523 = arith.constant 0 : i32
    %dma_wait3A_524 = tpu.memref_slice %arg5[%add3A_512, %dma_wait3A_523] : memref<32768x2048xf32, #tpu.memory_space<hbm>> -> memref<8x2048xf32, #tpu.memory_space<hbm>>
    %dma_wait3A_525 = arith.constant 0 : i32
    %dma_wait3A_526 = arith.constant 0 : i32
    %dma_wait3A_527 = tpu.memref_slice %arg8[%dma_wait3A_513, %dma_wait3A_525, %dma_wait3A_526] : memref<3x8x2048xf32, #tpu.memory_space<vmem>> -> memref<1x8x2048xf32, #tpu.memory_space<vmem>>
    %dma_wait3A_528 = tpu.memref_squeeze %dma_wait3A_527 : memref<1x8x2048xf32, #tpu.memory_space<vmem>> -> memref<8x2048xf32, #tpu.memory_space<vmem>>
    tpu.wait_dma2 semaphore(%dma_wait3A_522 : memref<!tpu.dma_semaphore, #tpu.memory_space<semaphore_mem>>) src(%dma_wait3A_528 : memref<8x2048xf32, #tpu.memory_space<vmem>>) dst(%dma_wait3A_524 : memref<8x2048xf32, #tpu.memory_space<hbm>>)
    %add3A_529 = arith.constant 1016 : i32
    %add3A_530 = arith.addi %mul3A_2, %add3A_529 : i32
    %dma_wait3A_531 = arith.constant 1 : i32
    %dma_wait3A_532 = arith.constant 1 : i32
    %dma_wait3A_533 = arith.constant 0 : i32
    %dma_wait3A_534 = arith.constant 0 : i32
    %dma_wait3A_535 = tpu.memref_slice %arg8[%dma_wait3A_531, %dma_wait3A_533, %dma_wait3A_534] : memref<3x8x2048xf32, #tpu.memory_space<vmem>> -> memref<1x8x2048xf32, #tpu.memory_space<vmem>>
    %dma_wait3A_536 = tpu.memref_squeeze %dma_wait3A_535 : memref<1x8x2048xf32, #tpu.memory_space<vmem>> -> memref<8x2048xf32, #tpu.memory_space<vmem>>
    %dma_wait3A_537 = arith.constant 0 : i32
    %dma_wait3A_538 = tpu.memref_slice %arg5[%add3A_530, %dma_wait3A_537] : memref<32768x2048xf32, #tpu.memory_space<hbm>> -> memref<8x2048xf32, #tpu.memory_space<hbm>>
    %dma_wait3A_539 = tpu.memref_slice %arg10[%dma_wait3A_532] : memref<3x!tpu.dma_semaphore, #tpu.memory_space<semaphore_mem>> -> memref<1x!tpu.dma_semaphore, #tpu.memory_space<semaphore_mem>>
    %dma_wait3A_540 = tpu.memref_squeeze %dma_wait3A_539 : memref<1x!tpu.dma_semaphore, #tpu.memory_space<semaphore_mem>> -> memref<!tpu.dma_semaphore, #tpu.memory_space<semaphore_mem>>
    %dma_wait3A_541 = arith.constant 0 : i32
    %dma_wait3A_542 = tpu.memref_slice %arg5[%add3A_530, %dma_wait3A_541] : memref<32768x2048xf32, #tpu.memory_space<hbm>> -> memref<8x2048xf32, #tpu.memory_space<hbm>>
    %dma_wait3A_543 = arith.constant 0 : i32
    %dma_wait3A_544 = arith.constant 0 : i32
    %dma_wait3A_545 = tpu.memref_slice %arg8[%dma_wait3A_531, %dma_wait3A_543, %dma_wait3A_544] : memref<3x8x2048xf32, #tpu.memory_space<vmem>> -> memref<1x8x2048xf32, #tpu.memory_space<vmem>>
    %dma_wait3A_546 = tpu.memref_squeeze %dma_wait3A_545 : memref<1x8x2048xf32, #tpu.memory_space<vmem>> -> memref<8x2048xf32, #tpu.memory_space<vmem>>
    tpu.wait_dma2 semaphore(%dma_wait3A_540 : memref<!tpu.dma_semaphore, #tpu.memory_space<semaphore_mem>>) src(%dma_wait3A_546 : memref<8x2048xf32, #tpu.memory_space<vmem>>) dst(%dma_wait3A_542 : memref<8x2048xf32, #tpu.memory_space<hbm>>)
    return
  }
}

</mosaic_0001>

<sc_bundles>
// kernel: kernel.3.cloned.1.call-start
scs
__scs_entry_jumppad:
0x0: {  	(pc) =	sbr.rel $0x88, $3  }
0x1: {  	(tag) =	ssettag $0x0;
	lr =	simm.s32 $0x1  }
0x2: {  	[smem:$0x3F9E] =	sst lr;
	_ =	strace $0xD0000000  }
0x3: {  	_ = 	snop  }
0x4: {  	_ = 	snop  }
0x5: {  	_ = 	snop  }
0x6: {  	_ = 	snop  }
0x7: {  	_ = 	snop  }
__scs_overlays_trampoline_lowered:
0x8: {  	[smem:$0x3FAD] =	sst s0  }
0x9: {  	[smem:$0x3FAE] =	sst s1  }
0xa: {  	[smem:$0x3FAF] =	sst s2  }
0xb: {  	[smem:$0x3FB0] =	sst s3  }
0xc: {  	[smem:$0x3FB1] =	sst s4  }
0xd: {  	[smem:$0x3FB2] =	sst s5  }
0xe: {  	[smem:$0x3FB3] =	sst s6  }
0xf: {  	[smem:$0x3FB4] =	sst s7  }
0x10: {  	[smem:$0x3FB5] =	sst s8  }
0x11: {  	[smem:$0x3FB6] =	sst s9;
	s0 =	simm.s32 @!p0 $0x0  }
0x12: {  	s1 =	sld [smem:$0x3F9C];
	s0 =	simm.s32 @p0 $0x1  }
0x13: {  	[smem:$0x3FB7] =	sst s0;
	s0 =	simm.s32 @!p1 $0x0  }
0x14: {  	s2 =	sld [smem:$0x3F9B];
	s0 =	simm.s32 @p1 $0x1  }
0x15: {  	[smem:$0x3FB8] =	sst s0;
	s0 =	simm.s32 @!p2 $0x0  }
0x16: {  	s3 =	sld [smem:$0x3FDB];
	s0 =	simm.s32 @p2 $0x1  }
0x17: {  	s4 =	simm.s32 $0x1BF5;
	[smem:$0x3FBA] =	sst s0  }
0x18: {  	s0 =	sld [smem:$0x3F9D];
	_ =	swait.ge [sflag:s4], $0x0  }
0x19: {  	s7 =	sld [smem:$0x3F9E]  }
0x1a: {  	s8 =	sadd.s32 $0xFFFFE003, lr  }
0x1b: {  	s9 =	sadd.s32 $0xFFFFFEF7, lr;
	s5 =	simm.s32 $0xFFFFFFFF;
	p2 =	slt.u32 s8, $0xFFFFF086  }
0x1c: {  	p1 =	slt.u32 s9, $0xF7A;
	s5 =	simm.s32 @!p2 $0x0  }
0x1d: {  	s5 =	simm.s32 @p1 $0x1;
	p0 =	seq.s32 s7, s2  }
0x1e: {  	s7 =	smul.u32 @!p0 $0xF7A, s2;
	p2 =	seq.s32 @!p0 s5, $0x0  }
0x1f: {  	s9 =	smul.u32 $0xF7A, s1;
	s8 =	simm.s32 @!p0 $0x1BF5;
	p2 =	por !p2, p0  }
0x20: {  	[sflag:s8] =	ssyncset.s32 @!p0 $0xFFFFF086;
	s6 =	sadd.s32 @!p0 s3, s7;
	s7 =	simm.s32 @!p0 $0x108  }
0x21: {  	s3 =	sadd.s32 s3, s9;
	s6 =	sadd.s32 @!p0 $0x88, s6;
	s7 =	simm.s32 @p2 $0x1082  }
0x22: {  	[simem:s7], [sflag:s8] =	dma.local @!p0 [hbm:s6], $0xF7A  }
0x23: {  	s9 =	sor.u32 $0xD0000000, s2;
	s6 =	simm.s32 $0x108;
	_ =	swait.ge @!p0 [sflag:s8], $0x0  }
0x24: {  	s3 =	sadd.s32 $0x88, s3;
	s6 =	simm.s32 @!p1 $0x1082;
	[sflag:s4] =	ssyncset.s32 $0xFFFFF086  }
0x25: {  	[simem:s6], [sflag:s4] =	dma.local [hbm:s3], $0xF7A  }
0x26: {  	[smem:$0x3F9E] =	sst s1;
	(tag) =	ssettag s2;
	_ =	strace s9  }
0x27: {  	s1 =	sld [smem:$0x3FAE]  }
0x28: {  	s2 =	sld [smem:$0x3FAF]  }
0x29: {  	s4 =	sld [smem:$0x3FB1]  }
0x2a: {  	p0 =	seq.s32 s5, $0x0;
	s5 =	sld [smem:$0x3FB2]  }
0x2b: {  	s6 =	sld [smem:$0x3FB3]  }
0x2c: {  	s7 =	sld [smem:$0x3FB4]  }
0x2d: {  	s3 =	simm.s32 $0x108;
	s8 =	sld [smem:$0x3FB5]  }
0x2e: {  	s3 =	simm.s32 @!p0 $0x1082;
	s9 =	sld [smem:$0x3FB6]  }
0x2f: {  	lr =	sadd.s32 s0, s3;
	s0 =	sld [smem:$0x3FAD]  }
0x30: {  	s3 =	sld [smem:$0x3FB0]  }
0x31: {  	[smem:$0x3FB9] =	sst s10  }
0x32: {  	s10 =	sld [smem:$0x3FB7];
	_ =	sdelay $0x3  }
0x33: {  	p0 =	seq.s32 s10, $0x1;
	s10 =	sld [smem:$0x3FB9];
	_ =	sdelay $0x3  }
0x34: {  	[smem:$0x3FB9] =	sst s10  }
0x35: {  	s10 =	sld [smem:$0x3FB8];
	_ =	sdelay $0x3  }
0x36: {  	p1 =	seq.s32 s10, $0x1;
	s10 =	sld [smem:$0x3FB9];
	_ =	sdelay $0x3  }
0x37: {  	[smem:$0x3FB9] =	sst s10  }
0x38: {  	s10 =	sld [smem:$0x3FBA]  }
0x39: {  	_ = 	snop;
	(pc) =	sbr.ind lr, $3  }
0x3a: {  	_ = 	snop  }
0x3b: {  	_ = 	snop  }
0x3c: {  	p2 =	seq.s32 s10, $0x1;
	s10 =	sld [smem:$0x3FB9]  }
0x3d: {  	_ =	shalt  }
0x3e: {  	_ =	shalt  }
0x3f: {  	_ =	shalt  }
0x40: {  	_ =	shalt  }
0x41: {  	_ =	shalt  }
0x42: {  	_ =	shalt  }
0x43: {  	_ =	shalt  }
0x44: {  	_ =	shalt  }
0x45: {  	_ =	shalt  }
0x46: {  	_ =	shalt  }
0x47: {  	_ =	shalt  }
0x48: {  	_ =	shalt  }
0x49: {  	_ =	shalt  }
0x4a: {  	_ =	shalt  }
0x4b: {  	_ =	shalt  }
0x4c: {  	_ =	shalt  }
0x4d: {  	_ =	shalt  }
0x4e: {  	_ =	shalt  }
0x4f: {  	_ =	shalt  }
0x50: {  	_ =	shalt  }
0x51: {  	_ =	shalt  }
0x52: {  	_ =	shalt  }
0x53: {  	_ =	shalt  }
0x54: {  	_ =	shalt  }
0x55: {  	_ =	shalt  }
0x56: {  	_ =	shalt  }
0x57: {  	_ =	shalt  }
0x58: {  	_ =	shalt  }
0x59: {  	_ =	shalt  }
0x5a: {  	_ =	shalt  }
0x5b: {  	_ =	shalt  }
0x5c: {  	_ =	shalt  }
0x5d: {  	_ =	shalt  }
0x5e: {  	_ =	shalt  }
0x5f: {  	_ =	shalt  }
0x60: {  	_ =	shalt  }
0x61: {  	_ =	shalt  }
0x62: {  	_ =	shalt  }
0x63: {  	_ =	shalt  }
0x64: {  	_ =	shalt  }
0x65: {  	_ =	shalt  }
0x66: {  	_ =	shalt  }
0x67: {  	_ =	shalt  }
0x68: {  	_ =	shalt  }
0x69: {  	_ =	shalt  }
0x6a: {  	_ =	shalt  }
0x6b: {  	_ =	shalt  }
0x6c: {  	_ =	shalt  }
0x6d: {  	_ =	shalt  }
0x6e: {  	_ =	shalt  }
0x6f: {  	_ =	shalt  }
0x70: {  	_ =	shalt  }
0x71: {  	_ =	shalt  }
0x72: {  	_ =	shalt  }
0x73: {  	_ =	shalt  }
0x74: {  	_ =	shalt  }
0x75: {  	_ =	shalt  }
0x76: {  	_ =	shalt  }
0x77: {  	_ =	shalt  }
0x78: {  	_ =	shalt  }
0x79: {  	_ =	shalt  }
0x7a: {  	_ =	shalt  }
0x7b: {  	_ =	shalt  }
0x7c: {  	_ =	shalt  }
0x7d: {  	_ =	shalt  }
0x7e: {  	_ =	shalt  }
0x7f: {  	_ =	shalt  }
0x80: {  	_ =	shalt  }
0x81: {  	_ =	shalt  }
0x82: {  	_ =	shalt  }
0x83: {  	_ =	shalt  }
0x84: {  	_ =	shalt  }
0x85: {  	_ =	shalt  }
0x86: {  	_ =	shalt  }
0x87: {  	_ =	shalt  }
.Lfunc_end0:
.L_simem_size_0:
called_computation_lowered:
.L_overlay_start_0:
0x88: {  	s2 =	sld [smem:$0x3FD9]  }
0x89: {  	s3 =	sld [smem:$0x3FFE];
	_ =	sdelay $0x1  }
0x8a: {  	s1 =	srdreg.scid  }
0x8b: {  	s0 =	sand.u32 $0x1, s1  }
0x8c: {  	s17 =	sshll.u32 s0, $0xA;
	s2 =	sadd.s32 s3, s2  }
0x8d: {  	s2 =	sadd.s32 s2, s17  }
0x8e: {  	[smem:$0x3FC5] =	sst s2  }
0x8f: {  	_ = 	snop  }
0x90: {  	s2 =	sld [smem:$0x3FC9]  }
0x91: {  	s18 =	sld [smem:$0x3FC8]  }
0x92: {  	s4 =	sld [smem:$0x3FD0];
	(tm) =	ssettm $0x1  }
0x93: {  	s5 =	sld [smem:$0x3FFB];
	_ =	sdelay $0x3  }
0x94: {  	_ =	strace s5  }
0x95: {  	s5 =	sld [smem:$0x3FFC];
	_ =	sdelay $0x3  }
0x96: {  	_ =	strace s5  }
0x97: {  	s5 =	sld [smem:$0x3FFD];
	_ =	sdelay $0x3  }
0x98: {  	_ =	strace s5  }
0x99: {  	_ =	strace $0x8FFFFFFF  }
0x9a: {  	s19 =	sld [smem:$0x3FDB];
	_ =	sdelay $0x1  }
0x9b: {  	s6 =	simm.s32 $_scs_section_size  }
0x9c: {  	s7 =	simm.s32 $_size__tile_overlayer_lowered;
	s8 =	simm.s32 $_tile_overlayer_lowered  }
0x9d: {  	s22 =	simm.s32 $0x1BFF;
	s21 =	sshll.u32 s8, $0x1;
	s5 =	sadd.s32 s6, s19  }
0x9e: {  	s9 =	simm.s32 $0x0;
	s20 =	sshll.u32 s7, $0x1;
	s7 =	sadd.s32 s21, s5  }
0x9f: {  	[timem:s9], [sflag:s22] =	dma.local [hbm:s7], s20  }
0xa0: {  	_ =	swait.ge [sflag:s22], s20  }
0xa1: {  	s6 =	ssub.s32 $0x0, s20;
	[sflag:s22] =	ssyncset.done $0x0  }
0xa2: {  	[sflag:s22] =	ssyncadd.s32 s6;
	_ =	sdelay $0x1  }
0xa3: {  	s23 =	simm.s32 $0x1B8B  }
0xa4: {  	_ =	swait.ge [sflag:s23], $0x1  }
0xa5: {  	[sflag:s23] =	ssyncset.done $0x0  }
0xa6: {  	s25 =	simm.s32 $0x1B8E;
	s24 =	sld [smem:$0x3FFE];
	[sflag:s23] =	ssyncadd.s32 $0xFFFFFFFF  }
0xa7: {  	s26 =	simm.s32 $execute0_lowered;
	[smem:$0x3FD2] =	sst s25  }
0xa8: {  	s7 =	sshll.u32 s26, $0x1;
	_ =	strace $0x80000046;
	[dreg:$0x1] =	wrdreg $0xFFFFFFFF  }
0xa9: {  	s28 =	simm.s32 $_size_execute0_lowered;
	s5 =	sadd.s32 s5, s7;
	[dreg:$0x0] =	wrdreg $0x0  }
0xaa: {  	s7 =	sshll.u32 s28, $0x1;
	[dreg:$0x2] =	wrdreg s5  }
0xab: {  	[dreg:$0x3] =	wrdreg s7  }
0xac: {  	[dreg:$0x4] =	wrdreg $0xC0  }
0xad: {  	_ =	task [dreg:s9], $0x5FFFF  }
0xae: {  	[dreg:$0x1] =	wrdreg $0xFFFFFFFF  }
0xaf: {  	[dreg:$0x0] =	wrdreg $0x60  }
0xb0: {  	[dreg:$0x2] =	wrdreg s2  }
0xb1: {  	[dreg:$0x3] =	wrdreg s18  }
0xb2: {  	[dreg:$0x4] =	wrdreg s24  }
0xb3: {  	[dreg:$0x5] =	wrdreg s4  }
0xb4: {  	[dreg:$0x6] =	wrdreg $0x9  }
0xb5: {  	_ =	task.clear_ibuf [dreg:s9], $0x7FFFF;
	_ =	strace $0x90000046  }
0xb6: {  	s29 =	simm.s32 $0x9;
	_ =	strace $0x80000048  }
0xb7: {  	_ =	swait.ge [sflag:s29], $0x1  }
0xb8: {  	[sflag:s29] =	ssyncadd.s32 $0xFFFFFFFF  }
0xb9: {  	_ =	strace $0x90000048  }
0xba: {  	_ =	sfence  }
0xbb: {  	s30 =	sld [smem:$0x0];
	_ =	sdelay $0x2  }
0xbc: {  	s31 =	sshll.u32 s1, $0xD;
	s1 =	sshrl.u32 s1, $0x2  }
0xbd: {  	s3 =	sand.u32 $0x4000, s31;
	s1 =	sadd.s32 s1, s30  }
0xbe: {  	s0 =	sor.u32 s3, s0;
	s1 =	sshll.u32 s1, $0x11  }
0xbf: {  	s0 =	sor.u32 s1, s0  }
0xc0: {  	s0 =	sadd.s32 $0x8F2B, s0  }
0xc1: {  	[sflag:s0] =	ssyncadd.remote.s32 $0x1  }
0xc2: {  	_ =	sfence.sel $0xFFFF  }
0xc3: {  	[dreg:$0x0] =	wrdreg $0xFFFFFFFF;
	(pc) =	sbr.abs _section_cstart, $3  }
0xc4: {  	[dreg:$0x1] =	wrdreg $0xFFFFFFFF  }
0xc5: {  	_ =	task.clear_ibuf [dreg:s9], $0x2FFFF;
	_ =	strace $0x9FFFFFFF  }
0xc6: {  	(tm) =	ssettm $0x7FFFFFFF  }
0xc7: {  	_ =	shalt  }
tec
execute0_lowered:
.L_overlay_start_1:
0x0: {  	(tag) =	ssettag $0x1  }
0x1: {  	s1 =	rddreg [dreg:$0x0]  }
0x2: {  	s0 =	rddreg [dreg:$0x1]  }
0x3: {  	s2 =	rddreg [dreg:$0x2]  }
0x4: {  	s3 =	rddreg [dreg:$0x3];
	s5 =	srdreg.scid  }
0x5: {  	s4 =	simm.s32 $0x0;
	s6 =	stileid.u32;
	s28 =	simm.s32 $0x4  }
0x6: {  	s29 =	simm.s32 $0x3;
	s30 =	simm.s32 $0x5;
	s31 =	simm.s32 $0x6  }
0x7: {  	s5 =	sand.u32 $0x1, s5;
	[smem:$0x7FF] =	sst s4;
	s6 =	sshll.u32 s6, $0xB  }
0x8: {  	s2 =	sadd.s32 $0x400, s2;
	s7 =	sshll.u32 s5, $0xA;
	s8 =	ssub.s32 $0x2, s5  }
0x9: {  	_ =	strace $0x80000047;
	s5 =	sor.u32 s7, s6;
	s20 =	sshrl.u32 s8, $0x1  }
0xa: {  	[dreg:$0x5] =	wrdreg s2;
	s6 =	sshll.u32 s5, $0x8;
	s2 =	ssub.s32 s8, s20  }
0xb: {  	s7 =	sshrl.u32 s5, $0x3;
	s13 =	sor.u32 $0x28, s5;
	s20 =	simm.s32 $0x7  }
0xc: {  	s9 =	sor.u32 $0x800, s6;
	s0 =	sadd.s32 s0, s7;
	s8 =	sadd.s32 s1, s6  }
0xd: {  	s10 =	sadd.s32 s3, s6;
	s24 =	sor.u32 $0x3F000, s6;
	s6 =	sor.u32 $0x3F800, s6  }
0xe: {  	s19 =	smax.u32 s2, $0x1;
	[dreg:$0x6] =	wrdreg s0;
	s21 =	sadd.s32 s1, s9  }
0xf: {  	s22 =	sadd.s32 $0x1000, s8;
	s23 =	sadd.s32 s3, s9;
	[dreg:$0x7] =	wrdreg s21  }
0x10: {  	s25 =	sadd.s32 s1, s24;
	s26 =	sadd.s32 $0x3E800, s10;
	[dreg:$0x8] =	wrdreg s22  }
0x11: {  	s16 =	sadd.s32 s1, s6;
	s17 =	sadd.s32 s3, s24;
	[dreg:$0x9] =	wrdreg s23  }
0x12: {  	s18 =	sadd.s32 s3, s6;
	s24 =	simm.s32 $0x10480;
	[dreg:$0xa] =	wrdreg s25  }
0x13: {  	s0 =	simm.s32 $0x0;
	[dreg:$0xb] =	wrdreg s26;
	s22 =	simm.s32 $0x14480  }
0x14: {  	s23 =	simm.s32 $0x1;
	s25 =	simm.s32 $0x18480;
	s26 =	simm.s32 $0x2  }
.LBB2_1:
0x15: {  	s2 =	rddreg [dreg:$0x5]  }
0x16: {  	[tilespmem:s4], [sflag:$0x7] =	stream.linear.gather [hbm4b:s2+s4], $0x10000, $0x38;
	[tilespmem:$0x1C480] =	vst v63  }
0x17: {  	_ =	swait.ge [sflag:s20], $0x10000  }
0x18: {  	[sflag:s20] =	ssyncset.done $0x0  }
0x19: {  	s6 =	simm.s32 $0x10000;
	s15 =	rddreg [dreg:$0x6];
	[sflag:s20] =	ssyncadd.s32 $0xFFFF0000  }
0x1a: {  	[tilespmem:s6], [sflag:$0x7] =	stream.linear.gather [hbm4b:s15+s4], $0x400, $0x38;
	[tilespmem:$0x1C480] =	vst v63  }
0x1b: {  	_ =	swait.ge [sflag:s20], $0x400  }
0x1c: {  	[sflag:s20] =	ssyncset.done $0x0  }
0x1d: {  	[sflag:s20] =	ssyncadd.s32 $0xFFFFFC00  }
0x1e: {  	[tilespmem:s24], [sflag:$0x1] =	stream.linear.gather [hbm4b:s8+s4], $0x4000, $0x38;
	[tilespmem:$0x1C480] =	vst v63  }
0x1f: {  	s21 =	rddreg [dreg:$0x7]  }
0x20: {  	[tilespmem:s22], [sflag:$0x2] =	stream.linear.gather [hbm4b:s21+s4], $0x4000, $0x38;
	[tilespmem:$0x1C480] =	vst v63  }
0x21: {  	_ =	swait.ge [sflag:s23], $0x4000  }
0x22: {  	[sflag:s23] =	ssyncset.done $0x0  }
0x23: {  	[sflag:s23] =	ssyncadd.s32 $0xFFFFC000  }
0x24: {  	v0 =	vld [tilespmem:$0x10000];
	_ =	sdelay $0x4  }
0x25: {  	v5 =	vshll.u32 v0, $0xD  }
0x26: {  	(v2sf) =	vpush v5, $0x0;
	_ =	sdelay $0xe  }
0x27: {  	s6 =	spop (v2sf)  }
0x28: {  	(v2sf) =	vpush v5, $0x1;
	s2 =	sshra.s32 s6, $0x2  }
0x29: {  	v0 =	vmov s2;
	_ =	sdelay $0x4  }
0x2a: {  	v2 =	vld.idx.msk [tilespmem:v0+s4+$0x70 ss:$0x1], $0xffff  }
0x2b: {  	v3 =	vld.idx.msk [tilespmem:v0+s4+$0x10 ss:$0x1], $0xffff  }
0x2c: {  	v4 =	vld.idx.msk [tilespmem:v0+s4+$0x20 ss:$0x1], $0xffff  }
0x2d: {  	v6 =	vld.idx.msk [tilespmem:v0+s4+$0x30 ss:$0x1], $0xffff  }
0x2e: {  	v7 =	vld.idx.msk [tilespmem:v0+s4+$0x40 ss:$0x1], $0xffff  }
0x2f: {  	v8 =	vld.idx.msk [tilespmem:v0+s4+$0x50 ss:$0x1], $0xffff  }
0x30: {  	v10 =	vld.idx.msk [tilespmem:v0+s4+$0x60 ss:$0x1], $0xffff  }
0x31: {  	v11 =	vld.idx.msk [tilespmem:v0+s4+$0x0 ss:$0x1], $0xffff  }
0x32: {  	[tilespmem:s24+$0x70] =	vst.add.f32.msk $0xffff, v2  }
0x33: {  	s7 =	spop (v2sf);
	[tilespmem:s24+$0x10] =	vst.add.f32.msk $0xffff, v3  }
0x34: {  	(v2sf) =	vpush v5, $0x2;
	s2 =	sshra.s32 s7, $0x2;
	[tilespmem:s24+$0x20] =	vst.add.f32.msk $0xffff, v4  }
0x35: {  	v1 =	vmov s2;
	[tilespmem:s24+$0x30] =	vst.add.f32.msk $0xffff, v6  }
0x36: {  	[tilespmem:s24+$0x0] =	vst.add.f32.msk $0xffff, v11  }
0x37: {  	[tilespmem:s24+$0x40] =	vst.add.f32.msk $0xffff, v7  }
0x38: {  	[tilespmem:s24+$0x50] =	vst.add.f32.msk $0xffff, v8  }
0x39: {  	[tilespmem:s24+$0x60] =	vst.add.f32.msk $0xffff, v10  }
0x3a: {  	v9 =	vld.idx.msk [tilespmem:v1+s4+$0x70 ss:$0x1], $0xffff  }
0x3b: {  	v6 =	vld.idx.msk [tilespmem:v1+s4+$0x0 ss:$0x1], $0xffff  }
0x3c: {  	v8 =	vld.idx.msk [tilespmem:v1+s4+$0x10 ss:$0x1], $0xffff  }
0x3d: {  	v51 =	vld.idx.msk [tilespmem:v1+s4+$0x20 ss:$0x1], $0xffff  }
0x3e: {  	v52 =	vld.idx.msk [tilespmem:v1+s4+$0x30 ss:$0x1], $0xffff  }
0x3f: {  	v53 =	vld.idx.msk [tilespmem:v1+s4+$0x40 ss:$0x1], $0xffff  }
0x40: {  	v12 =	vld.idx.msk [tilespmem:v1+s4+$0x50 ss:$0x1], $0xffff  }
0x41: {  	v13 =	vld.idx.msk [tilespmem:v1+s4+$0x60 ss:$0x1], $0xffff  }
0x42: {  	[tilespmem:s24+$0xF0] =	vst.add.f32.msk $0xffff, v9  }
0x43: {  	s9 =	spop (v2sf);
	[tilespmem:s24+$0x80] =	vst.add.f32.msk $0xffff, v6  }
0x44: {  	(v2sf) =	vpush v5, $0x3;
	s2 =	sshra.s32 s9, $0x2;
	[tilespmem:s24+$0x90] =	vst.add.f32.msk $0xffff, v8  }
0x45: {  	v2 =	vmov s2;
	[tilespmem:s24+$0xA0] =	vst.add.f32.msk $0xffff, v51  }
0x46: {  	[tilespmem:s24+$0xB0] =	vst.add.f32.msk $0xffff, v52  }
0x47: {  	[tilespmem:s24+$0xC0] =	vst.add.f32.msk $0xffff, v53  }
0x48: {  	[tilespmem:s24+$0xD0] =	vst.add.f32.msk $0xffff, v12  }
0x49: {  	[tilespmem:s24+$0xE0] =	vst.add.f32.msk $0xffff, v13  }
0x4a: {  	v4 =	vld.idx.msk [tilespmem:v2+s4+$0x70 ss:$0x1], $0xffff  }
0x4b: {  	v8 =	vld.idx.msk [tilespmem:v2+s4+$0x0 ss:$0x1], $0xffff  }
0x4c: {  	v54 =	vld.idx.msk [tilespmem:v2+s4+$0x10 ss:$0x1], $0xffff  }
0x4d: {  	v56 =	vld.idx.msk [tilespmem:v2+s4+$0x20 ss:$0x1], $0xffff  }
0x4e: {  	v57 =	vld.idx.msk [tilespmem:v2+s4+$0x30 ss:$0x1], $0xffff  }
0x4f: {  	v58 =	vld.idx.msk [tilespmem:v2+s4+$0x40 ss:$0x1], $0xffff  }
0x50: {  	v14 =	vld.idx.msk [tilespmem:v2+s4+$0x50 ss:$0x1], $0xffff  }
0x51: {  	v15 =	vld.idx.msk [tilespmem:v2+s4+$0x60 ss:$0x1], $0xffff  }
0x52: {  	[tilespmem:s24+$0x170] =	vst.add.f32.msk $0xffff, v4  }
0x53: {  	s11 =	spop (v2sf);
	[tilespmem:s24+$0x100] =	vst.add.f32.msk $0xffff, v8  }
0x54: {  	(v2sf) =	vpush v5, $0x4;
	s2 =	sshra.s32 s11, $0x2;
	[tilespmem:s24+$0x110] =	vst.add.f32.msk $0xffff, v54  }
0x55: {  	v3 =	vmov s2;
	[tilespmem:s24+$0x120] =	vst.add.f32.msk $0xffff, v56  }
0x56: {  	[tilespmem:s24+$0x130] =	vst.add.f32.msk $0xffff, v57  }
0x57: {  	[tilespmem:s24+$0x140] =	vst.add.f32.msk $0xffff, v58  }
0x58: {  	[tilespmem:s24+$0x150] =	vst.add.f32.msk $0xffff, v14  }
0x59: {  	[tilespmem:s24+$0x160] =	vst.add.f32.msk $0xffff, v15  }
0x5a: {  	v7 =	vld.idx.msk [tilespmem:v3+s4+$0x70 ss:$0x1], $0xffff  }
0x5b: {  	v8 =	vld.idx.msk [tilespmem:v3+s4+$0x0 ss:$0x1], $0xffff  }
0x5c: {  	v9 =	vld.idx.msk [tilespmem:v3+s4+$0x10 ss:$0x1], $0xffff  }
0x5d: {  	v59 =	vld.idx.msk [tilespmem:v3+s4+$0x20 ss:$0x1], $0xffff  }
0x5e: {  	v60 =	vld.idx.msk [tilespmem:v3+s4+$0x30 ss:$0x1], $0xffff  }
0x5f: {  	v61 =	vld.idx.msk [tilespmem:v3+s4+$0x40 ss:$0x1], $0xffff  }
0x60: {  	v62 =	vld.idx.msk [tilespmem:v3+s4+$0x50 ss:$0x1], $0xffff  }
0x61: {  	v63 =	vld.idx.msk [tilespmem:v3+s4+$0x60 ss:$0x1], $0xffff  }
0x62: {  	(v2sf) =	vpush v5, $0x5;
	[tilespmem:s24+$0x1F0] =	vst.add.f32.msk $0xffff, v7  }
0x63: {  	s12 =	spop (v2sf);
	[tilespmem:s24+$0x180] =	vst.add.f32.msk $0xffff, v8  }
0x64: {  	s2 =	sshra.s32 s12, $0x2;
	[tilespmem:s24+$0x190] =	vst.add.f32.msk $0xffff, v9  }
0x65: {  	v4 =	vmov s2;
	[tilespmem:s24+$0x1A0] =	vst.add.f32.msk $0xffff, v59  }
0x66: {  	[tilespmem:s24+$0x1B0] =	vst.add.f32.msk $0xffff, v60  }
0x67: {  	[tilespmem:s24+$0x1C0] =	vst.add.f32.msk $0xffff, v61  }
0x68: {  	[tilespmem:s24+$0x1D0] =	vst.add.f32.msk $0xffff, v62  }
0x69: {  	[tilespmem:s24+$0x1E0] =	vst.add.f32.msk $0xffff, v63  }
0x6a: {  	v7 =	vld.idx.msk [tilespmem:v4+s4+$0x70 ss:$0x1], $0xffff  }
0x6b: {  	v8 =	vld.idx.msk [tilespmem:v4+s4+$0x0 ss:$0x1], $0xffff  }
0x6c: {  	v9 =	vld.idx.msk [tilespmem:v4+s4+$0x10 ss:$0x1], $0xffff  }
0x6d: {  	v11 =	vld.idx.msk [tilespmem:v4+s4+$0x30 ss:$0x1], $0xffff  }
0x6e: {  	v12 =	vld.idx.msk [tilespmem:v4+s4+$0x40 ss:$0x1], $0xffff  }
0x6f: {  	v13 =	vld.idx.msk [tilespmem:v4+s4+$0x50 ss:$0x1], $0xffff  }
0x70: {  	(v2sf) =	vpush v5, $0x6;
	v14 =	vld.idx.msk [tilespmem:v4+s4+$0x60 ss:$0x1], $0xffff  }
0x71: {  	s14 =	spop (v2sf);
	[tilespmem:s24+$0x270] =	vst.add.f32.msk $0xffff, v7  }
0x72: {  	s2 =	sshra.s32 s14, $0x2;
	[tilespmem:s24+$0x200] =	vst.add.f32.msk $0xffff, v8  }
0x73: {  	(v2sf) =	vpush v5, $0x7;
	v5 =	vmov s2;
	[tilespmem:s24+$0x210] =	vst.add.f32.msk $0xffff, v9  }
0x74: {  	[tilespmem:s24+$0x230] =	vst.add.f32.msk $0xffff, v11  }
0x75: {  	[tilespmem:s24+$0x240] =	vst.add.f32.msk $0xffff, v12  }
0x76: {  	[tilespmem:s24+$0x250] =	vst.add.f32.msk $0xffff, v13  }
0x77: {  	[tilespmem:s24+$0x260] =	vst.add.f32.msk $0xffff, v14  }
0x78: {  	v7 =	vld.idx.msk [tilespmem:v5+s4+$0x70 ss:$0x1], $0xffff  }
0x79: {  	v8 =	vld.idx.msk [tilespmem:v5+s4+$0x0 ss:$0x1], $0xffff  }
0x7a: {  	v9 =	vld.idx.msk [tilespmem:v5+s4+$0x10 ss:$0x1], $0xffff  }
0x7b: {  	v11 =	vld.idx.msk [tilespmem:v5+s4+$0x30 ss:$0x1], $0xffff  }
0x7c: {  	v12 =	vld.idx.msk [tilespmem:v5+s4+$0x40 ss:$0x1], $0xffff  }
0x7d: {  	v13 =	vld.idx.msk [tilespmem:v5+s4+$0x50 ss:$0x1], $0xffff  }
0x7e: {  	v14 =	vld.idx.msk [tilespmem:v5+s4+$0x60 ss:$0x1], $0xffff  }
0x7f: {  	s15 =	spop (v2sf);
	[tilespmem:s24+$0x2F0] =	vst.add.f32.msk $0xffff, v7  }
0x80: {  	s2 =	sshra.s32 s15, $0x2;
	[tilespmem:s24+$0x280] =	vst.add.f32.msk $0xffff, v8  }
0x81: {  	v6 =	vmov s2;
	[tilespmem:s24+$0x290] =	vst.add.f32.msk $0xffff, v9  }
0x82: {  	[tilespmem:s24+$0x2B0] =	vst.add.f32.msk $0xffff, v11  }
0x83: {  	[tilespmem:s24+$0x2C0] =	vst.add.f32.msk $0xffff, v12  }
0x84: {  	[tilespmem:s24+$0x2D0] =	vst.add.f32.msk $0xffff, v13  }
0x85: {  	s21 =	spop (v2sf);
	[tilespmem:s24+$0x2E0] =	vst.add.f32.msk $0xffff, v14  }
0x86: {  	s2 =	sshra.s32 s21, $0x2;
	v55 =	vld.idx.msk [tilespmem:v6+s4+$0x70 ss:$0x1], $0xffff  }
0x87: {  	v7 =	vmov s2;
	v8 =	vld.idx.msk [tilespmem:v6+s4+$0x0 ss:$0x1], $0xffff  }
0x88: {  	v9 =	vld.idx.msk [tilespmem:v6+s4+$0x10 ss:$0x1], $0xffff  }
0x89: {  	v11 =	vld.idx.msk [tilespmem:v6+s4+$0x30 ss:$0x1], $0xffff  }
0x8a: {  	v12 =	vld.idx.msk [tilespmem:v6+s4+$0x40 ss:$0x1], $0xffff  }
0x8b: {  	[tilespmem:s24+$0x370] =	vst.add.f32.msk $0xffff, v55  }
0x8c: {  	v10 =	vld.idx.msk [tilespmem:v7+s4+$0x70 ss:$0x1], $0xffff  }
0x8d: {  	v13 =	vld.idx.msk [tilespmem:v6+s4+$0x50 ss:$0x1], $0xffff  }
0x8e: {  	v14 =	vld.idx.msk [tilespmem:v6+s4+$0x60 ss:$0x1], $0xffff  }
0x8f: {  	[tilespmem:s24+$0x300] =	vst.add.f32.msk $0xffff, v8  }
0x90: {  	[tilespmem:s24+$0x310] =	vst.add.f32.msk $0xffff, v9  }
0x91: {  	[tilespmem:s24+$0x3F0] =	vst.add.f32.msk $0xffff, v10  }
0x92: {  	v10 =	vld.idx.msk [tilespmem:v4+s4+$0x20 ss:$0x1], $0xffff  }
0x93: {  	[tilespmem:s24+$0x330] =	vst.add.f32.msk $0xffff, v11  }
0x94: {  	[tilespmem:s24+$0x340] =	vst.add.f32.msk $0xffff, v12  }
0x95: {  	[tilespmem:s24+$0x350] =	vst.add.f32.msk $0xffff, v13  }
0x96: {  	[tilespmem:s24+$0x360] =	vst.add.f32.msk $0xffff, v14  }
0x97: {  	[tilespmem:s24+$0x220] =	vst.add.f32.msk $0xffff, v10  }
0x98: {  	v10 =	vld.idx.msk [tilespmem:v5+s4+$0x20 ss:$0x1], $0xffff  }
0x99: {  	v8 =	vld.idx.msk [tilespmem:v7+s4+$0x0 ss:$0x1], $0xffff  }
0x9a: {  	v9 =	vld.idx.msk [tilespmem:v7+s4+$0x10 ss:$0x1], $0xffff  }
0x9b: {  	v11 =	vld.idx.msk [tilespmem:v7+s4+$0x30 ss:$0x1], $0xffff  }
0x9c: {  	v12 =	vld.idx.msk [tilespmem:v7+s4+$0x40 ss:$0x1], $0xffff  }
0x9d: {  	[tilespmem:s24+$0x2A0] =	vst.add.f32.msk $0xffff, v10  }
0x9e: {  	v10 =	vld.idx.msk [tilespmem:v6+s4+$0x20 ss:$0x1], $0xffff  }
0x9f: {  	v13 =	vld.idx.msk [tilespmem:v7+s4+$0x50 ss:$0x1], $0xffff  }
0xa0: {  	v14 =	vld.idx.msk [tilespmem:v7+s4+$0x60 ss:$0x1], $0xffff  }
0xa1: {  	[tilespmem:s24+$0x380] =	vst.add.f32.msk $0xffff, v8  }
0xa2: {  	[tilespmem:s24+$0x390] =	vst.add.f32.msk $0xffff, v9  }
0xa3: {  	[tilespmem:s24+$0x320] =	vst.add.f32.msk $0xffff, v10  }
0xa4: {  	v10 =	vld.idx.msk [tilespmem:v7+s4+$0x20 ss:$0x1], $0xffff  }
0xa5: {  	[tilespmem:s24+$0x3B0] =	vst.add.f32.msk $0xffff, v11  }
0xa6: {  	[tilespmem:s24+$0x3C0] =	vst.add.f32.msk $0xffff, v12  }
0xa7: {  	[tilespmem:s24+$0x3D0] =	vst.add.f32.msk $0xffff, v13  }
0xa8: {  	[tilespmem:s24+$0x3E0] =	vst.add.f32.msk $0xffff, v14  }
0xa9: {  	s6 =	simm.s32 $0x80;
	s7 =	simm.s32 $0x10480;
	s2 =	simm.s32 $0x0;
	[tilespmem:s24+$0x3A0] =	vst.add.f32.msk $0xffff, v10  }
.LBB2_2:
0xaa: {  	v8 =	vld.idx.msk [tilespmem:v0+s6+$0x70 ss:$0x1], $0xffff;
	s2 =	sadd.s32 $0x80, s2  }
0xab: {  	v9 =	vld.idx.msk [tilespmem:v0+s6+$0x10 ss:$0x1], $0xffff;
	p0 =	slt.u32 s2, $0x780  }
0xac: {  	v10 =	vld.idx.msk [tilespmem:v0+s6+$0x20 ss:$0x1], $0xffff  }
0xad: {  	v11 =	vld.idx.msk [tilespmem:v0+s6+$0x30 ss:$0x1], $0xffff  }
0xae: {  	v12 =	vld.idx.msk [tilespmem:v0+s6+$0x40 ss:$0x1], $0xffff  }
0xaf: {  	s7 =	sadd.s32 $0x400, s7;
	v13 =	vld.idx.msk [tilespmem:v0+s6+$0x50 ss:$0x1], $0xffff  }
0xb0: {  	[tilespmem:s7+$0x70] =	vst.add.f32.msk $0xffff, v8  }
0xb1: {  	v8 =	vld.idx.msk [tilespmem:v1+s6+$0x70 ss:$0x1], $0xffff  }
0xb2: {  	v14 =	vld.idx.msk [tilespmem:v0+s6+$0x60 ss:$0x1], $0xffff  }
0xb3: {  	v15 =	vld.idx.msk [tilespmem:v0+s6+$0x0 ss:$0x1], $0xffff  }
0xb4: {  	[tilespmem:s7+$0x10] =	vst.add.f32.msk $0xffff, v9  }
0xb5: {  	[tilespmem:s7+$0x20] =	vst.add.f32.msk $0xffff, v10  }
0xb6: {  	[tilespmem:s7+$0x30] =	vst.add.f32.msk $0xffff, v11  }
0xb7: {  	[tilespmem:s7+$0xF0] =	vst.add.f32.msk $0xffff, v8  }
0xb8: {  	v8 =	vld.idx.msk [tilespmem:v2+s6+$0x70 ss:$0x1], $0xffff  }
0xb9: {  	[tilespmem:s7+$0x0] =	vst.add.f32.msk $0xffff, v15  }
0xba: {  	[tilespmem:s7+$0x40] =	vst.add.f32.msk $0xffff, v12  }
0xbb: {  	[tilespmem:s7+$0x50] =	vst.add.f32.msk $0xffff, v13  }
0xbc: {  	[tilespmem:s7+$0x60] =	vst.add.f32.msk $0xffff, v14  }
0xbd: {  	v9 =	vld.idx.msk [tilespmem:v1+s6+$0x0 ss:$0x1], $0xffff  }
0xbe: {  	[tilespmem:s7+$0x170] =	vst.add.f32.msk $0xffff, v8  }
0xbf: {  	v8 =	vld.idx.msk [tilespmem:v3+s6+$0x70 ss:$0x1], $0xffff  }
0xc0: {  	v10 =	vld.idx.msk [tilespmem:v1+s6+$0x10 ss:$0x1], $0xffff  }
0xc1: {  	v11 =	vld.idx.msk [tilespmem:v1+s6+$0x20 ss:$0x1], $0xffff  }
0xc2: {  	v12 =	vld.idx.msk [tilespmem:v1+s6+$0x30 ss:$0x1], $0xffff  }
0xc3: {  	v13 =	vld.idx.msk [tilespmem:v1+s6+$0x40 ss:$0x1], $0xffff  }
0xc4: {  	v14 =	vld.idx.msk [tilespmem:v1+s6+$0x50 ss:$0x1], $0xffff  }
0xc5: {  	[tilespmem:s7+$0x1F0] =	vst.add.f32.msk $0xffff, v8  }
0xc6: {  	v8 =	vld.idx.msk [tilespmem:v4+s6+$0x70 ss:$0x1], $0xffff  }
0xc7: {  	v15 =	vld.idx.msk [tilespmem:v1+s6+$0x60 ss:$0x1], $0xffff  }
0xc8: {  	[tilespmem:s7+$0x80] =	vst.add.f32.msk $0xffff, v9  }
0xc9: {  	[tilespmem:s7+$0x90] =	vst.add.f32.msk $0xffff, v10  }
0xca: {  	[tilespmem:s7+$0xA0] =	vst.add.f32.msk $0xffff, v11  }
0xcb: {  	[tilespmem:s7+$0xB0] =	vst.add.f32.msk $0xffff, v12  }
0xcc: {  	[tilespmem:s7+$0x270] =	vst.add.f32.msk $0xffff, v8  }
0xcd: {  	v8 =	vld.idx.msk [tilespmem:v5+s6+$0x70 ss:$0x1], $0xffff  }
0xce: {  	[tilespmem:s7+$0xC0] =	vst.add.f32.msk $0xffff, v13  }
0xcf: {  	[tilespmem:s7+$0xD0] =	vst.add.f32.msk $0xffff, v14  }
0xd0: {  	[tilespmem:s7+$0xE0] =	vst.add.f32.msk $0xffff, v15  }
0xd1: {  	v9 =	vld.idx.msk [tilespmem:v2+s6+$0x0 ss:$0x1], $0xffff  }
0xd2: {  	v10 =	vld.idx.msk [tilespmem:v2+s6+$0x10 ss:$0x1], $0xffff  }
0xd3: {  	[tilespmem:s7+$0x2F0] =	vst.add.f32.msk $0xffff, v8  }
0xd4: {  	v8 =	vld.idx.msk [tilespmem:v6+s6+$0x70 ss:$0x1], $0xffff  }
0xd5: {  	v11 =	vld.idx.msk [tilespmem:v2+s6+$0x20 ss:$0x1], $0xffff  }
0xd6: {  	v12 =	vld.idx.msk [tilespmem:v2+s6+$0x30 ss:$0x1], $0xffff  }
0xd7: {  	v13 =	vld.idx.msk [tilespmem:v2+s6+$0x40 ss:$0x1], $0xffff  }
0xd8: {  	v14 =	vld.idx.msk [tilespmem:v2+s6+$0x50 ss:$0x1], $0xffff  }
0xd9: {  	v15 =	vld.idx.msk [tilespmem:v2+s6+$0x60 ss:$0x1], $0xffff  }
0xda: {  	[tilespmem:s7+$0x370] =	vst.add.f32.msk $0xffff, v8  }
0xdb: {  	v8 =	vld.idx.msk [tilespmem:v7+s6+$0x70 ss:$0x1], $0xffff  }
0xdc: {  	[tilespmem:s7+$0x100] =	vst.add.f32.msk $0xffff, v9  }
0xdd: {  	[tilespmem:s7+$0x110] =	vst.add.f32.msk $0xffff, v10  }
0xde: {  	[tilespmem:s7+$0x120] =	vst.add.f32.msk $0xffff, v11  }
0xdf: {  	[tilespmem:s7+$0x130] =	vst.add.f32.msk $0xffff, v12  }
0xe0: {  	[tilespmem:s7+$0x140] =	vst.add.f32.msk $0xffff, v13  }
0xe1: {  	[tilespmem:s7+$0x3F0] =	vst.add.f32.msk $0xffff, v8  }
0xe2: {  	[tilespmem:s7+$0x150] =	vst.add.f32.msk $0xffff, v14  }
0xe3: {  	[tilespmem:s7+$0x160] =	vst.add.f32.msk $0xffff, v15  }
0xe4: {  	v8 =	vld.idx.msk [tilespmem:v3+s6+$0x0 ss:$0x1], $0xffff  }
0xe5: {  	v9 =	vld.idx.msk [tilespmem:v3+s6+$0x10 ss:$0x1], $0xffff  }
0xe6: {  	v10 =	vld.idx.msk [tilespmem:v3+s6+$0x20 ss:$0x1], $0xffff  }
0xe7: {  	v11 =	vld.idx.msk [tilespmem:v3+s6+$0x30 ss:$0x1], $0xffff  }
0xe8: {  	v12 =	vld.idx.msk [tilespmem:v3+s6+$0x40 ss:$0x1], $0xffff  }
0xe9: {  	v13 =	vld.idx.msk [tilespmem:v3+s6+$0x50 ss:$0x1], $0xffff  }
0xea: {  	v14 =	vld.idx.msk [tilespmem:v3+s6+$0x60 ss:$0x1], $0xffff  }
0xeb: {  	[tilespmem:s7+$0x180] =	vst.add.f32.msk $0xffff, v8  }
0xec: {  	[tilespmem:s7+$0x190] =	vst.add.f32.msk $0xffff, v9  }
0xed: {  	[tilespmem:s7+$0x1A0] =	vst.add.f32.msk $0xffff, v10  }
0xee: {  	[tilespmem:s7+$0x1B0] =	vst.add.f32.msk $0xffff, v11  }
0xef: {  	[tilespmem:s7+$0x1C0] =	vst.add.f32.msk $0xffff, v12  }
0xf0: {  	[tilespmem:s7+$0x1D0] =	vst.add.f32.msk $0xffff, v13  }
0xf1: {  	[tilespmem:s7+$0x1E0] =	vst.add.f32.msk $0xffff, v14  }
0xf2: {  	v8 =	vld.idx.msk [tilespmem:v4+s6+$0x0 ss:$0x1], $0xffff  }
0xf3: {  	v9 =	vld.idx.msk [tilespmem:v4+s6+$0x10 ss:$0x1], $0xffff  }
0xf4: {  	v10 =	vld.idx.msk [tilespmem:v4+s6+$0x20 ss:$0x1], $0xffff  }
0xf5: {  	v11 =	vld.idx.msk [tilespmem:v4+s6+$0x30 ss:$0x1], $0xffff  }
0xf6: {  	v12 =	vld.idx.msk [tilespmem:v4+s6+$0x40 ss:$0x1], $0xffff  }
0xf7: {  	v13 =	vld.idx.msk [tilespmem:v4+s6+$0x50 ss:$0x1], $0xffff  }
0xf8: {  	v14 =	vld.idx.msk [tilespmem:v4+s6+$0x60 ss:$0x1], $0xffff  }
0xf9: {  	[tilespmem:s7+$0x200] =	vst.add.f32.msk $0xffff, v8  }
0xfa: {  	[tilespmem:s7+$0x210] =	vst.add.f32.msk $0xffff, v9  }
0xfb: {  	[tilespmem:s7+$0x220] =	vst.add.f32.msk $0xffff, v10  }
0xfc: {  	[tilespmem:s7+$0x230] =	vst.add.f32.msk $0xffff, v11  }
0xfd: {  	[tilespmem:s7+$0x240] =	vst.add.f32.msk $0xffff, v12  }
0xfe: {  	[tilespmem:s7+$0x250] =	vst.add.f32.msk $0xffff, v13  }
0xff: {  	[tilespmem:s7+$0x260] =	vst.add.f32.msk $0xffff, v14  }
0x100: {  	v8 =	vld.idx.msk [tilespmem:v5+s6+$0x0 ss:$0x1], $0xffff  }
0x101: {  	v9 =	vld.idx.msk [tilespmem:v5+s6+$0x10 ss:$0x1], $0xffff  }
0x102: {  	v10 =	vld.idx.msk [tilespmem:v5+s6+$0x20 ss:$0x1], $0xffff  }
0x103: {  	v11 =	vld.idx.msk [tilespmem:v5+s6+$0x30 ss:$0x1], $0xffff  }
0x104: {  	v12 =	vld.idx.msk [tilespmem:v5+s6+$0x40 ss:$0x1], $0xffff  }
0x105: {  	v13 =	vld.idx.msk [tilespmem:v5+s6+$0x50 ss:$0x1], $0xffff  }
0x106: {  	v14 =	vld.idx.msk [tilespmem:v5+s6+$0x60 ss:$0x1], $0xffff  }
0x107: {  	[tilespmem:s7+$0x280] =	vst.add.f32.msk $0xffff, v8  }
0x108: {  	[tilespmem:s7+$0x290] =	vst.add.f32.msk $0xffff, v9  }
0x109: {  	[tilespmem:s7+$0x2A0] =	vst.add.f32.msk $0xffff, v10  }
0x10a: {  	[tilespmem:s7+$0x2B0] =	vst.add.f32.msk $0xffff, v11  }
0x10b: {  	[tilespmem:s7+$0x2C0] =	vst.add.f32.msk $0xffff, v12  }
0x10c: {  	[tilespmem:s7+$0x2D0] =	vst.add.f32.msk $0xffff, v13  }
0x10d: {  	[tilespmem:s7+$0x2E0] =	vst.add.f32.msk $0xffff, v14  }
0x10e: {  	v8 =	vld.idx.msk [tilespmem:v6+s6+$0x0 ss:$0x1], $0xffff  }
0x10f: {  	v9 =	vld.idx.msk [tilespmem:v6+s6+$0x10 ss:$0x1], $0xffff  }
0x110: {  	v10 =	vld.idx.msk [tilespmem:v6+s6+$0x20 ss:$0x1], $0xffff  }
0x111: {  	v11 =	vld.idx.msk [tilespmem:v6+s6+$0x30 ss:$0x1], $0xffff  }
0x112: {  	v12 =	vld.idx.msk [tilespmem:v6+s6+$0x40 ss:$0x1], $0xffff  }
0x113: {  	v13 =	vld.idx.msk [tilespmem:v6+s6+$0x50 ss:$0x1], $0xffff  }
0x114: {  	v14 =	vld.idx.msk [tilespmem:v6+s6+$0x60 ss:$0x1], $0xffff  }
0x115: {  	[tilespmem:s7+$0x300] =	vst.add.f32.msk $0xffff, v8  }
0x116: {  	[tilespmem:s7+$0x310] =	vst.add.f32.msk $0xffff, v9  }
0x117: {  	[tilespmem:s7+$0x320] =	vst.add.f32.msk $0xffff, v10  }
0x118: {  	[tilespmem:s7+$0x330] =	vst.add.f32.msk $0xffff, v11  }
0x119: {  	[tilespmem:s7+$0x340] =	vst.add.f32.msk $0xffff, v12  }
0x11a: {  	[tilespmem:s7+$0x350] =	vst.add.f32.msk $0xffff, v13  }
0x11b: {  	[tilespmem:s7+$0x360] =	vst.add.f32.msk $0xffff, v14  }
0x11c: {  	v8 =	vld.idx.msk [tilespmem:v7+s6+$0x0 ss:$0x1], $0xffff  }
0x11d: {  	v9 =	vld.idx.msk [tilespmem:v7+s6+$0x10 ss:$0x1], $0xffff  }
0x11e: {  	v10 =	vld.idx.msk [tilespmem:v7+s6+$0x20 ss:$0x1], $0xffff  }
0x11f: {  	v11 =	vld.idx.msk [tilespmem:v7+s6+$0x30 ss:$0x1], $0xffff  }
0x120: {  	v12 =	vld.idx.msk [tilespmem:v7+s6+$0x40 ss:$0x1], $0xffff  }
0x121: {  	v13 =	vld.idx.msk [tilespmem:v7+s6+$0x50 ss:$0x1], $0xffff  }
0x122: {  	v14 =	vld.idx.msk [tilespmem:v7+s6+$0x60 ss:$0x1], $0xffff  }
0x123: {  	[tilespmem:s7+$0x380] =	vst.add.f32.msk $0xffff, v8  }
0x124: {  	[tilespmem:s7+$0x390] =	vst.add.f32.msk $0xffff, v9  }
.Ltmp0:
0x125: {  	[tilespmem:s7+$0x3A0] =	vst.add.f32.msk $0xffff, v10;
	(pc) =	sbr.rel @p0 .LBB2_2-.Ltmp0, $4  }
0x126: {  	[tilespmem:s7+$0x3B0] =	vst.add.f32.msk $0xffff, v11  }
0x127: {  	[tilespmem:s7+$0x3C0] =	vst.add.f32.msk $0xffff, v12  }
0x128: {  	[tilespmem:s7+$0x3D0] =	vst.add.f32.msk $0xffff, v13  }
0x129: {  	s6 =	sadd.s32 $0x80, s6;
	[tilespmem:s7+$0x3E0] =	vst.add.f32.msk $0xffff, v14  }
0x12a: {  	s6 =	simm.s32 $0x0  }
0x12b: {  	[hbm4b:s10+s6] =	stream.linear.scatter [tilespmem:s24], [sflag:$0x4], $0x4000, $0x38;
	[tilespmem:$0x1C480] =	vst v63  }
0x12c: {  	s2 =	rddreg [dreg:$0x8]  }
0x12d: {  	[tilespmem:s25], [sflag:$0x3] =	stream.linear.gather [hbm4b:s2+s6], $0x4000, $0x38;
	[tilespmem:$0x1C480] =	vst v63  }
0x12e: {  	_ =	swait.ge [sflag:s26], $0x4000  }
0x12f: {  	[sflag:s26] =	ssyncset.done $0x0  }
0x130: {  	[sflag:s26] =	ssyncadd.s32 $0xFFFFC000  }
0x131: {  	v0 =	vld [tilespmem:$0x10008];
	_ =	sdelay $0x4  }
0x132: {  	v5 =	vshll.u32 v0, $0xD  }
0x133: {  	(v2sf) =	vpush v5, $0x0;
	_ =	sdelay $0xb  }
0x134: {  	(v2sf) =	vpush v5, $0x1;
	_ =	sdelay $0x2  }
0x135: {  	s7 =	spop (v2sf)  }
0x136: {  	s2 =	sshra.s32 s7, $0x2  }
0x137: {  	v0 =	vmov s2;
	_ =	sdelay $0x4  }
0x138: {  	v2 =	vld.idx.msk [tilespmem:v0+s6+$0x70 ss:$0x1], $0xffff  }
0x139: {  	v3 =	vld.idx.msk [tilespmem:v0+s6+$0x10 ss:$0x1], $0xffff  }
0x13a: {  	v4 =	vld.idx.msk [tilespmem:v0+s6+$0x20 ss:$0x1], $0xffff  }
0x13b: {  	v6 =	vld.idx.msk [tilespmem:v0+s6+$0x30 ss:$0x1], $0xffff  }
0x13c: {  	v7 =	vld.idx.msk [tilespmem:v0+s6+$0x40 ss:$0x1], $0xffff  }
0x13d: {  	s9 =	spop (v2sf);
	v8 =	vld.idx.msk [tilespmem:v0+s6+$0x50 ss:$0x1], $0xffff  }
0x13e: {  	s2 =	sshra.s32 s9, $0x2;
	v10 =	vld.idx.msk [tilespmem:v0+s6+$0x60 ss:$0x1], $0xffff  }
0x13f: {  	v1 =	vmov s2;
	s2 =	simm.s32 $0x14480;
	v11 =	vld.idx.msk [tilespmem:v0+s6+$0x0 ss:$0x1], $0xffff  }
0x140: {  	[tilespmem:s2+$0x70] =	vst.add.f32.msk $0xffff, v2  }
0x141: {  	[tilespmem:s2+$0x10] =	vst.add.f32.msk $0xffff, v3  }
0x142: {  	(v2sf) =	vpush v5, $0x2;
	[tilespmem:s2+$0x20] =	vst.add.f32.msk $0xffff, v4  }
0x143: {  	[tilespmem:s2+$0x30] =	vst.add.f32.msk $0xffff, v6  }
0x144: {  	[tilespmem:s2+$0x0] =	vst.add.f32.msk $0xffff, v11  }
0x145: {  	[tilespmem:s2+$0x40] =	vst.add.f32.msk $0xffff, v7  }
0x146: {  	[tilespmem:s2+$0x50] =	vst.add.f32.msk $0xffff, v8  }
0x147: {  	[tilespmem:s2+$0x60] =	vst.add.f32.msk $0xffff, v10  }
0x148: {  	v9 =	vld.idx.msk [tilespmem:v1+s6+$0x70 ss:$0x1], $0xffff  }
0x149: {  	v6 =	vld.idx.msk [tilespmem:v1+s6+$0x0 ss:$0x1], $0xffff  }
0x14a: {  	v8 =	vld.idx.msk [tilespmem:v1+s6+$0x10 ss:$0x1], $0xffff  }
0x14b: {  	v51 =	vld.idx.msk [tilespmem:v1+s6+$0x20 ss:$0x1], $0xffff  }
0x14c: {  	v52 =	vld.idx.msk [tilespmem:v1+s6+$0x30 ss:$0x1], $0xffff  }
0x14d: {  	v53 =	vld.idx.msk [tilespmem:v1+s6+$0x40 ss:$0x1], $0xffff  }
0x14e: {  	v12 =	vld.idx.msk [tilespmem:v1+s6+$0x50 ss:$0x1], $0xffff  }
0x14f: {  	v13 =	vld.idx.msk [tilespmem:v1+s6+$0x60 ss:$0x1], $0xffff  }
0x150: {  	[tilespmem:s2+$0xF0] =	vst.add.f32.msk $0xffff, v9  }
0x151: {  	s7 =	spop (v2sf);
	[tilespmem:s2+$0x80] =	vst.add.f32.msk $0xffff, v6  }
0x152: {  	(v2sf) =	vpush v5, $0x3;
	s7 =	sshra.s32 s7, $0x2;
	[tilespmem:s2+$0x90] =	vst.add.f32.msk $0xffff, v8  }
0x153: {  	v2 =	vmov s7;
	[tilespmem:s2+$0xA0] =	vst.add.f32.msk $0xffff, v51  }
0x154: {  	[tilespmem:s2+$0xB0] =	vst.add.f32.msk $0xffff, v52  }
0x155: {  	[tilespmem:s2+$0xC0] =	vst.add.f32.msk $0xffff, v53  }
0x156: {  	[tilespmem:s2+$0xD0] =	vst.add.f32.msk $0xffff, v12  }
0x157: {  	[tilespmem:s2+$0xE0] =	vst.add.f32.msk $0xffff, v13  }
0x158: {  	v4 =	vld.idx.msk [tilespmem:v2+s6+$0x70 ss:$0x1], $0xffff  }
0x159: {  	v8 =	vld.idx.msk [tilespmem:v2+s6+$0x0 ss:$0x1], $0xffff  }
0x15a: {  	v54 =	vld.idx.msk [tilespmem:v2+s6+$0x10 ss:$0x1], $0xffff  }
0x15b: {  	v56 =	vld.idx.msk [tilespmem:v2+s6+$0x20 ss:$0x1], $0xffff  }
0x15c: {  	v57 =	vld.idx.msk [tilespmem:v2+s6+$0x30 ss:$0x1], $0xffff  }
0x15d: {  	v58 =	vld.idx.msk [tilespmem:v2+s6+$0x40 ss:$0x1], $0xffff  }
0x15e: {  	v14 =	vld.idx.msk [tilespmem:v2+s6+$0x50 ss:$0x1], $0xffff  }
0x15f: {  	v15 =	vld.idx.msk [tilespmem:v2+s6+$0x60 ss:$0x1], $0xffff  }
0x160: {  	[tilespmem:s2+$0x170] =	vst.add.f32.msk $0xffff, v4  }
0x161: {  	s11 =	spop (v2sf);
	[tilespmem:s2+$0x100] =	vst.add.f32.msk $0xffff, v8  }
0x162: {  	(v2sf) =	vpush v5, $0x4;
	s7 =	sshra.s32 s11, $0x2;
	[tilespmem:s2+$0x110] =	vst.add.f32.msk $0xffff, v54  }
0x163: {  	v3 =	vmov s7;
	[tilespmem:s2+$0x120] =	vst.add.f32.msk $0xffff, v56  }
0x164: {  	[tilespmem:s2+$0x130] =	vst.add.f32.msk $0xffff, v57  }
0x165: {  	[tilespmem:s2+$0x140] =	vst.add.f32.msk $0xffff, v58  }
0x166: {  	[tilespmem:s2+$0x150] =	vst.add.f32.msk $0xffff, v14  }
0x167: {  	[tilespmem:s2+$0x160] =	vst.add.f32.msk $0xffff, v15  }
0x168: {  	v7 =	vld.idx.msk [tilespmem:v3+s6+$0x70 ss:$0x1], $0xffff  }
0x169: {  	v8 =	vld.idx.msk [tilespmem:v3+s6+$0x0 ss:$0x1], $0xffff  }
0x16a: {  	v9 =	vld.idx.msk [tilespmem:v3+s6+$0x10 ss:$0x1], $0xffff  }
0x16b: {  	v59 =	vld.idx.msk [tilespmem:v3+s6+$0x20 ss:$0x1], $0xffff  }
0x16c: {  	v60 =	vld.idx.msk [tilespmem:v3+s6+$0x30 ss:$0x1], $0xffff  }
0x16d: {  	v61 =	vld.idx.msk [tilespmem:v3+s6+$0x40 ss:$0x1], $0xffff  }
0x16e: {  	v62 =	vld.idx.msk [tilespmem:v3+s6+$0x50 ss:$0x1], $0xffff  }
0x16f: {  	v63 =	vld.idx.msk [tilespmem:v3+s6+$0x60 ss:$0x1], $0xffff  }
0x170: {  	(v2sf) =	vpush v5, $0x5;
	[tilespmem:s2+$0x1F0] =	vst.add.f32.msk $0xffff, v7  }
0x171: {  	s12 =	spop (v2sf);
	[tilespmem:s2+$0x180] =	vst.add.f32.msk $0xffff, v8  }
0x172: {  	s7 =	sshra.s32 s12, $0x2;
	[tilespmem:s2+$0x190] =	vst.add.f32.msk $0xffff, v9  }
0x173: {  	v4 =	vmov s7;
	[tilespmem:s2+$0x1A0] =	vst.add.f32.msk $0xffff, v59  }
0x174: {  	[tilespmem:s2+$0x1B0] =	vst.add.f32.msk $0xffff, v60  }
0x175: {  	[tilespmem:s2+$0x1C0] =	vst.add.f32.msk $0xffff, v61  }
0x176: {  	[tilespmem:s2+$0x1D0] =	vst.add.f32.msk $0xffff, v62  }
0x177: {  	[tilespmem:s2+$0x1E0] =	vst.add.f32.msk $0xffff, v63  }
0x178: {  	v7 =	vld.idx.msk [tilespmem:v4+s6+$0x70 ss:$0x1], $0xffff  }
0x179: {  	v8 =	vld.idx.msk [tilespmem:v4+s6+$0x0 ss:$0x1], $0xffff  }
0x17a: {  	v9 =	vld.idx.msk [tilespmem:v4+s6+$0x10 ss:$0x1], $0xffff  }
0x17b: {  	v11 =	vld.idx.msk [tilespmem:v4+s6+$0x30 ss:$0x1], $0xffff  }
0x17c: {  	v12 =	vld.idx.msk [tilespmem:v4+s6+$0x40 ss:$0x1], $0xffff  }
0x17d: {  	v13 =	vld.idx.msk [tilespmem:v4+s6+$0x50 ss:$0x1], $0xffff  }
0x17e: {  	(v2sf) =	vpush v5, $0x6;
	v14 =	vld.idx.msk [tilespmem:v4+s6+$0x60 ss:$0x1], $0xffff  }
0x17f: {  	s14 =	spop (v2sf);
	[tilespmem:s2+$0x270] =	vst.add.f32.msk $0xffff, v7  }
0x180: {  	s7 =	sshra.s32 s14, $0x2;
	[tilespmem:s2+$0x200] =	vst.add.f32.msk $0xffff, v8  }
0x181: {  	(v2sf) =	vpush v5, $0x7;
	v5 =	vmov s7;
	[tilespmem:s2+$0x210] =	vst.add.f32.msk $0xffff, v9  }
0x182: {  	[tilespmem:s2+$0x230] =	vst.add.f32.msk $0xffff, v11  }
0x183: {  	[tilespmem:s2+$0x240] =	vst.add.f32.msk $0xffff, v12  }
0x184: {  	[tilespmem:s2+$0x250] =	vst.add.f32.msk $0xffff, v13  }
0x185: {  	[tilespmem:s2+$0x260] =	vst.add.f32.msk $0xffff, v14  }
0x186: {  	v7 =	vld.idx.msk [tilespmem:v5+s6+$0x70 ss:$0x1], $0xffff  }
0x187: {  	v8 =	vld.idx.msk [tilespmem:v5+s6+$0x0 ss:$0x1], $0xffff  }
0x188: {  	v9 =	vld.idx.msk [tilespmem:v5+s6+$0x10 ss:$0x1], $0xffff  }
0x189: {  	v11 =	vld.idx.msk [tilespmem:v5+s6+$0x30 ss:$0x1], $0xffff  }
0x18a: {  	v12 =	vld.idx.msk [tilespmem:v5+s6+$0x40 ss:$0x1], $0xffff  }
0x18b: {  	v13 =	vld.idx.msk [tilespmem:v5+s6+$0x50 ss:$0x1], $0xffff  }
0x18c: {  	v14 =	vld.idx.msk [tilespmem:v5+s6+$0x60 ss:$0x1], $0xffff  }
0x18d: {  	s15 =	spop (v2sf);
	[tilespmem:s2+$0x2F0] =	vst.add.f32.msk $0xffff, v7  }
0x18e: {  	s7 =	sshra.s32 s15, $0x2;
	[tilespmem:s2+$0x280] =	vst.add.f32.msk $0xffff, v8  }
0x18f: {  	v6 =	vmov s7;
	[tilespmem:s2+$0x290] =	vst.add.f32.msk $0xffff, v9  }
0x190: {  	[tilespmem:s2+$0x2B0] =	vst.add.f32.msk $0xffff, v11  }
0x191: {  	[tilespmem:s2+$0x2C0] =	vst.add.f32.msk $0xffff, v12  }
0x192: {  	[tilespmem:s2+$0x2D0] =	vst.add.f32.msk $0xffff, v13  }
0x193: {  	s21 =	spop (v2sf);
	[tilespmem:s2+$0x2E0] =	vst.add.f32.msk $0xffff, v14  }
0x194: {  	s7 =	sshra.s32 s21, $0x2;
	v55 =	vld.idx.msk [tilespmem:v6+s6+$0x70 ss:$0x1], $0xffff  }
0x195: {  	v7 =	vmov s7;
	v8 =	vld.idx.msk [tilespmem:v6+s6+$0x0 ss:$0x1], $0xffff  }
0x196: {  	v9 =	vld.idx.msk [tilespmem:v6+s6+$0x10 ss:$0x1], $0xffff  }
0x197: {  	v11 =	vld.idx.msk [tilespmem:v6+s6+$0x30 ss:$0x1], $0xffff  }
0x198: {  	v12 =	vld.idx.msk [tilespmem:v6+s6+$0x40 ss:$0x1], $0xffff  }
0x199: {  	[tilespmem:s2+$0x370] =	vst.add.f32.msk $0xffff, v55  }
0x19a: {  	v10 =	vld.idx.msk [tilespmem:v7+s6+$0x70 ss:$0x1], $0xffff  }
0x19b: {  	v13 =	vld.idx.msk [tilespmem:v6+s6+$0x50 ss:$0x1], $0xffff  }
0x19c: {  	v14 =	vld.idx.msk [tilespmem:v6+s6+$0x60 ss:$0x1], $0xffff  }
0x19d: {  	[tilespmem:s2+$0x300] =	vst.add.f32.msk $0xffff, v8  }
0x19e: {  	[tilespmem:s2+$0x310] =	vst.add.f32.msk $0xffff, v9  }
0x19f: {  	[tilespmem:s2+$0x3F0] =	vst.add.f32.msk $0xffff, v10  }
0x1a0: {  	v10 =	vld.idx.msk [tilespmem:v4+s6+$0x20 ss:$0x1], $0xffff  }
0x1a1: {  	[tilespmem:s2+$0x330] =	vst.add.f32.msk $0xffff, v11  }
0x1a2: {  	[tilespmem:s2+$0x340] =	vst.add.f32.msk $0xffff, v12  }
0x1a3: {  	[tilespmem:s2+$0x350] =	vst.add.f32.msk $0xffff, v13  }
0x1a4: {  	[tilespmem:s2+$0x360] =	vst.add.f32.msk $0xffff, v14  }
0x1a5: {  	[tilespmem:s2+$0x220] =	vst.add.f32.msk $0xffff, v10  }
0x1a6: {  	v10 =	vld.idx.msk [tilespmem:v5+s6+$0x20 ss:$0x1], $0xffff  }
0x1a7: {  	v8 =	vld.idx.msk [tilespmem:v7+s6+$0x0 ss:$0x1], $0xffff  }
0x1a8: {  	v9 =	vld.idx.msk [tilespmem:v7+s6+$0x10 ss:$0x1], $0xffff  }
0x1a9: {  	v11 =	vld.idx.msk [tilespmem:v7+s6+$0x30 ss:$0x1], $0xffff  }
0x1aa: {  	v12 =	vld.idx.msk [tilespmem:v7+s6+$0x40 ss:$0x1], $0xffff  }
0x1ab: {  	[tilespmem:s2+$0x2A0] =	vst.add.f32.msk $0xffff, v10  }
0x1ac: {  	v10 =	vld.idx.msk [tilespmem:v6+s6+$0x20 ss:$0x1], $0xffff  }
0x1ad: {  	v13 =	vld.idx.msk [tilespmem:v7+s6+$0x50 ss:$0x1], $0xffff  }
0x1ae: {  	v14 =	vld.idx.msk [tilespmem:v7+s6+$0x60 ss:$0x1], $0xffff  }
0x1af: {  	[tilespmem:s2+$0x380] =	vst.add.f32.msk $0xffff, v8  }
0x1b0: {  	[tilespmem:s2+$0x390] =	vst.add.f32.msk $0xffff, v9  }
0x1b1: {  	[tilespmem:s2+$0x320] =	vst.add.f32.msk $0xffff, v10  }
0x1b2: {  	v10 =	vld.idx.msk [tilespmem:v7+s6+$0x20 ss:$0x1], $0xffff  }
0x1b3: {  	[tilespmem:s2+$0x3B0] =	vst.add.f32.msk $0xffff, v11  }
0x1b4: {  	[tilespmem:s2+$0x3C0] =	vst.add.f32.msk $0xffff, v12  }
0x1b5: {  	[tilespmem:s2+$0x3D0] =	vst.add.f32.msk $0xffff, v13  }
0x1b6: {  	[tilespmem:s2+$0x3E0] =	vst.add.f32.msk $0xffff, v14  }
0x1b7: {  	s7 =	simm.s32 $0x80;
	s6 =	simm.s32 $0x0;
	[tilespmem:s2+$0x3A0] =	vst.add.f32.msk $0xffff, v10  }
.LBB2_4:
0x1b8: {  	v8 =	vld.idx.msk [tilespmem:v0+s7+$0x70 ss:$0x1], $0xffff;
	s6 =	sadd.s32 $0x80, s6  }
0x1b9: {  	v9 =	vld.idx.msk [tilespmem:v0+s7+$0x10 ss:$0x1], $0xffff;
	p0 =	slt.u32 s6, $0x780  }
0x1ba: {  	v10 =	vld.idx.msk [tilespmem:v0+s7+$0x20 ss:$0x1], $0xffff  }
0x1bb: {  	v11 =	vld.idx.msk [tilespmem:v0+s7+$0x30 ss:$0x1], $0xffff  }
0x1bc: {  	v12 =	vld.idx.msk [tilespmem:v0+s7+$0x40 ss:$0x1], $0xffff  }
0x1bd: {  	s2 =	sadd.s32 $0x400, s2;
	v13 =	vld.idx.msk [tilespmem:v0+s7+$0x50 ss:$0x1], $0xffff  }
0x1be: {  	[tilespmem:s2+$0x70] =	vst.add.f32.msk $0xffff, v8  }
0x1bf: {  	v8 =	vld.idx.msk [tilespmem:v1+s7+$0x70 ss:$0x1], $0xffff  }
0x1c0: {  	v14 =	vld.idx.msk [tilespmem:v0+s7+$0x60 ss:$0x1], $0xffff  }
0x1c1: {  	v15 =	vld.idx.msk [tilespmem:v0+s7+$0x0 ss:$0x1], $0xffff  }
0x1c2: {  	[tilespmem:s2+$0x10] =	vst.add.f32.msk $0xffff, v9  }
0x1c3: {  	[tilespmem:s2+$0x20] =	vst.add.f32.msk $0xffff, v10  }
0x1c4: {  	[tilespmem:s2+$0x30] =	vst.add.f32.msk $0xffff, v11  }
0x1c5: {  	[tilespmem:s2+$0xF0] =	vst.add.f32.msk $0xffff, v8  }
0x1c6: {  	v8 =	vld.idx.msk [tilespmem:v2+s7+$0x70 ss:$0x1], $0xffff  }
0x1c7: {  	[tilespmem:s2+$0x0] =	vst.add.f32.msk $0xffff, v15  }
0x1c8: {  	[tilespmem:s2+$0x40] =	vst.add.f32.msk $0xffff, v12  }
0x1c9: {  	[tilespmem:s2+$0x50] =	vst.add.f32.msk $0xffff, v13  }
0x1ca: {  	[tilespmem:s2+$0x60] =	vst.add.f32.msk $0xffff, v14  }
0x1cb: {  	v9 =	vld.idx.msk [tilespmem:v1+s7+$0x0 ss:$0x1], $0xffff  }
0x1cc: {  	[tilespmem:s2+$0x170] =	vst.add.f32.msk $0xffff, v8  }
0x1cd: {  	v8 =	vld.idx.msk [tilespmem:v3+s7+$0x70 ss:$0x1], $0xffff  }
0x1ce: {  	v10 =	vld.idx.msk [tilespmem:v1+s7+$0x10 ss:$0x1], $0xffff  }
0x1cf: {  	v11 =	vld.idx.msk [tilespmem:v1+s7+$0x20 ss:$0x1], $0xffff  }
0x1d0: {  	v12 =	vld.idx.msk [tilespmem:v1+s7+$0x30 ss:$0x1], $0xffff  }
0x1d1: {  	v13 =	vld.idx.msk [tilespmem:v1+s7+$0x40 ss:$0x1], $0xffff  }
0x1d2: {  	v14 =	vld.idx.msk [tilespmem:v1+s7+$0x50 ss:$0x1], $0xffff  }
0x1d3: {  	[tilespmem:s2+$0x1F0] =	vst.add.f32.msk $0xffff, v8  }
0x1d4: {  	v8 =	vld.idx.msk [tilespmem:v4+s7+$0x70 ss:$0x1], $0xffff  }
0x1d5: {  	v15 =	vld.idx.msk [tilespmem:v1+s7+$0x60 ss:$0x1], $0xffff  }
0x1d6: {  	[tilespmem:s2+$0x80] =	vst.add.f32.msk $0xffff, v9  }
0x1d7: {  	[tilespmem:s2+$0x90] =	vst.add.f32.msk $0xffff, v10  }
0x1d8: {  	[tilespmem:s2+$0xA0] =	vst.add.f32.msk $0xffff, v11  }
0x1d9: {  	[tilespmem:s2+$0xB0] =	vst.add.f32.msk $0xffff, v12  }
0x1da: {  	[tilespmem:s2+$0x270] =	vst.add.f32.msk $0xffff, v8  }
0x1db: {  	v8 =	vld.idx.msk [tilespmem:v5+s7+$0x70 ss:$0x1], $0xffff  }
0x1dc: {  	[tilespmem:s2+$0xC0] =	vst.add.f32.msk $0xffff, v13  }
0x1dd: {  	[tilespmem:s2+$0xD0] =	vst.add.f32.msk $0xffff, v14  }
0x1de: {  	[tilespmem:s2+$0xE0] =	vst.add.f32.msk $0xffff, v15  }
0x1df: {  	v9 =	vld.idx.msk [tilespmem:v2+s7+$0x0 ss:$0x1], $0xffff  }
0x1e0: {  	v10 =	vld.idx.msk [tilespmem:v2+s7+$0x10 ss:$0x1], $0xffff  }
0x1e1: {  	[tilespmem:s2+$0x2F0] =	vst.add.f32.msk $0xffff, v8  }
0x1e2: {  	v8 =	vld.idx.msk [tilespmem:v6+s7+$0x70 ss:$0x1], $0xffff  }
0x1e3: {  	v11 =	vld.idx.msk [tilespmem:v2+s7+$0x20 ss:$0x1], $0xffff  }
0x1e4: {  	v12 =	vld.idx.msk [tilespmem:v2+s7+$0x30 ss:$0x1], $0xffff  }
0x1e5: {  	v13 =	vld.idx.msk [tilespmem:v2+s7+$0x40 ss:$0x1], $0xffff  }
0x1e6: {  	v14 =	vld.idx.msk [tilespmem:v2+s7+$0x50 ss:$0x1], $0xffff  }
0x1e7: {  	v15 =	vld.idx.msk [tilespmem:v2+s7+$0x60 ss:$0x1], $0xffff  }
0x1e8: {  	[tilespmem:s2+$0x370] =	vst.add.f32.msk $0xffff, v8  }
0x1e9: {  	v8 =	vld.idx.msk [tilespmem:v7+s7+$0x70 ss:$0x1], $0xffff  }
0x1ea: {  	[tilespmem:s2+$0x100] =	vst.add.f32.msk $0xffff, v9  }
0x1eb: {  	[tilespmem:s2+$0x110] =	vst.add.f32.msk $0xffff, v10  }
0x1ec: {  	[tilespmem:s2+$0x120] =	vst.add.f32.msk $0xffff, v11  }
0x1ed: {  	[tilespmem:s2+$0x130] =	vst.add.f32.msk $0xffff, v12  }
0x1ee: {  	[tilespmem:s2+$0x140] =	vst.add.f32.msk $0xffff, v13  }
0x1ef: {  	[tilespmem:s2+$0x3F0] =	vst.add.f32.msk $0xffff, v8  }
0x1f0: {  	[tilespmem:s2+$0x150] =	vst.add.f32.msk $0xffff, v14  }
0x1f1: {  	[tilespmem:s2+$0x160] =	vst.add.f32.msk $0xffff, v15  }
0x1f2: {  	v8 =	vld.idx.msk [tilespmem:v3+s7+$0x0 ss:$0x1], $0xffff  }
0x1f3: {  	v9 =	vld.idx.msk [tilespmem:v3+s7+$0x10 ss:$0x1], $0xffff  }
0x1f4: {  	v10 =	vld.idx.msk [tilespmem:v3+s7+$0x20 ss:$0x1], $0xffff  }
0x1f5: {  	v11 =	vld.idx.msk [tilespmem:v3+s7+$0x30 ss:$0x1], $0xffff  }
0x1f6: {  	v12 =	vld.idx.msk [tilespmem:v3+s7+$0x40 ss:$0x1], $0xffff  }
0x1f7: {  	v13 =	vld.idx.msk [tilespmem:v3+s7+$0x50 ss:$0x1], $0xffff  }
0x1f8: {  	v14 =	vld.idx.msk [tilespmem:v3+s7+$0x60 ss:$0x1], $0xffff  }
0x1f9: {  	[tilespmem:s2+$0x180] =	vst.add.f32.msk $0xffff, v8  }
0x1fa: {  	[tilespmem:s2+$0x190] =	vst.add.f32.msk $0xffff, v9  }
0x1fb: {  	[tilespmem:s2+$0x1A0] =	vst.add.f32.msk $0xffff, v10  }
0x1fc: {  	[tilespmem:s2+$0x1B0] =	vst.add.f32.msk $0xffff, v11  }
0x1fd: {  	[tilespmem:s2+$0x1C0] =	vst.add.f32.msk $0xffff, v12  }
0x1fe: {  	[tilespmem:s2+$0x1D0] =	vst.add.f32.msk $0xffff, v13  }
0x1ff: {  	[tilespmem:s2+$0x1E0] =	vst.add.f32.msk $0xffff, v14  }
0x200: {  	v8 =	vld.idx.msk [tilespmem:v4+s7+$0x0 ss:$0x1], $0xffff  }
0x201: {  	v9 =	vld.idx.msk [tilespmem:v4+s7+$0x10 ss:$0x1], $0xffff  }
0x202: {  	v10 =	vld.idx.msk [tilespmem:v4+s7+$0x20 ss:$0x1], $0xffff  }
0x203: {  	v11 =	vld.idx.msk [tilespmem:v4+s7+$0x30 ss:$0x1], $0xffff  }
0x204: {  	v12 =	vld.idx.msk [tilespmem:v4+s7+$0x40 ss:$0x1], $0xffff  }
0x205: {  	v13 =	vld.idx.msk [tilespmem:v4+s7+$0x50 ss:$0x1], $0xffff  }
0x206: {  	v14 =	vld.idx.msk [tilespmem:v4+s7+$0x60 ss:$0x1], $0xffff  }
0x207: {  	[tilespmem:s2+$0x200] =	vst.add.f32.msk $0xffff, v8  }
0x208: {  	[tilespmem:s2+$0x210] =	vst.add.f32.msk $0xffff, v9  }
0x209: {  	[tilespmem:s2+$0x220] =	vst.add.f32.msk $0xffff, v10  }
0x20a: {  	[tilespmem:s2+$0x230] =	vst.add.f32.msk $0xffff, v11  }
0x20b: {  	[tilespmem:s2+$0x240] =	vst.add.f32.msk $0xffff, v12  }
0x20c: {  	[tilespmem:s2+$0x250] =	vst.add.f32.msk $0xffff, v13  }
0x20d: {  	[tilespmem:s2+$0x260] =	vst.add.f32.msk $0xffff, v14  }
0x20e: {  	v8 =	vld.idx.msk [tilespmem:v5+s7+$0x0 ss:$0x1], $0xffff  }
0x20f: {  	v9 =	vld.idx.msk [tilespmem:v5+s7+$0x10 ss:$0x1], $0xffff  }
0x210: {  	v10 =	vld.idx.msk [tilespmem:v5+s7+$0x20 ss:$0x1], $0xffff  }
0x211: {  	v11 =	vld.idx.msk [tilespmem:v5+s7+$0x30 ss:$0x1], $0xffff  }
0x212: {  	v12 =	vld.idx.msk [tilespmem:v5+s7+$0x40 ss:$0x1], $0xffff  }
0x213: {  	v13 =	vld.idx.msk [tilespmem:v5+s7+$0x50 ss:$0x1], $0xffff  }
0x214: {  	v14 =	vld.idx.msk [tilespmem:v5+s7+$0x60 ss:$0x1], $0xffff  }
0x215: {  	[tilespmem:s2+$0x280] =	vst.add.f32.msk $0xffff, v8  }
0x216: {  	[tilespmem:s2+$0x290] =	vst.add.f32.msk $0xffff, v9  }
0x217: {  	[tilespmem:s2+$0x2A0] =	vst.add.f32.msk $0xffff, v10  }
0x218: {  	[tilespmem:s2+$0x2B0] =	vst.add.f32.msk $0xffff, v11  }
0x219: {  	[tilespmem:s2+$0x2C0] =	vst.add.f32.msk $0xffff, v12  }
0x21a: {  	[tilespmem:s2+$0x2D0] =	vst.add.f32.msk $0xffff, v13  }
0x21b: {  	[tilespmem:s2+$0x2E0] =	vst.add.f32.msk $0xffff, v14  }
0x21c: {  	v8 =	vld.idx.msk [tilespmem:v6+s7+$0x0 ss:$0x1], $0xffff  }
0x21d: {  	v9 =	vld.idx.msk [tilespmem:v6+s7+$0x10 ss:$0x1], $0xffff  }
0x21e: {  	v10 =	vld.idx.msk [tilespmem:v6+s7+$0x20 ss:$0x1], $0xffff  }
0x21f: {  	v11 =	vld.idx.msk [tilespmem:v6+s7+$0x30 ss:$0x1], $0xffff  }
0x220: {  	v12 =	vld.idx.msk [tilespmem:v6+s7+$0x40 ss:$0x1], $0xffff  }
0x221: {  	v13 =	vld.idx.msk [tilespmem:v6+s7+$0x50 ss:$0x1], $0xffff  }
0x222: {  	v14 =	vld.idx.msk [tilespmem:v6+s7+$0x60 ss:$0x1], $0xffff  }
0x223: {  	[tilespmem:s2+$0x300] =	vst.add.f32.msk $0xffff, v8  }
0x224: {  	[tilespmem:s2+$0x310] =	vst.add.f32.msk $0xffff, v9  }
0x225: {  	[tilespmem:s2+$0x320] =	vst.add.f32.msk $0xffff, v10  }
0x226: {  	[tilespmem:s2+$0x330] =	vst.add.f32.msk $0xffff, v11  }
0x227: {  	[tilespmem:s2+$0x340] =	vst.add.f32.msk $0xffff, v12  }
0x228: {  	[tilespmem:s2+$0x350] =	vst.add.f32.msk $0xffff, v13  }
0x229: {  	[tilespmem:s2+$0x360] =	vst.add.f32.msk $0xffff, v14  }
0x22a: {  	v8 =	vld.idx.msk [tilespmem:v7+s7+$0x0 ss:$0x1], $0xffff  }
0x22b: {  	v9 =	vld.idx.msk [tilespmem:v7+s7+$0x10 ss:$0x1], $0xffff  }
0x22c: {  	v10 =	vld.idx.msk [tilespmem:v7+s7+$0x20 ss:$0x1], $0xffff  }
0x22d: {  	v11 =	vld.idx.msk [tilespmem:v7+s7+$0x30 ss:$0x1], $0xffff  }
0x22e: {  	v12 =	vld.idx.msk [tilespmem:v7+s7+$0x40 ss:$0x1], $0xffff  }
0x22f: {  	v13 =	vld.idx.msk [tilespmem:v7+s7+$0x50 ss:$0x1], $0xffff  }
0x230: {  	v14 =	vld.idx.msk [tilespmem:v7+s7+$0x60 ss:$0x1], $0xffff  }
0x231: {  	[tilespmem:s2+$0x380] =	vst.add.f32.msk $0xffff, v8  }
0x232: {  	[tilespmem:s2+$0x390] =	vst.add.f32.msk $0xffff, v9  }
.Ltmp1:
0x233: {  	[tilespmem:s2+$0x3A0] =	vst.add.f32.msk $0xffff, v10;
	(pc) =	sbr.rel @p0 .LBB2_4-.Ltmp1, $4  }
0x234: {  	[tilespmem:s2+$0x3B0] =	vst.add.f32.msk $0xffff, v11  }
0x235: {  	[tilespmem:s2+$0x3C0] =	vst.add.f32.msk $0xffff, v12  }
0x236: {  	[tilespmem:s2+$0x3D0] =	vst.add.f32.msk $0xffff, v13  }
0x237: {  	s7 =	sadd.s32 $0x80, s7;
	[tilespmem:s2+$0x3E0] =	vst.add.f32.msk $0xffff, v14  }
0x238: {  	s2 =	simm.s32 $0x0;
	s6 =	rddreg [dreg:$0x9];
	s21 =	simm.s32 $0x0  }
0x239: {  	[hbm4b:s6+s2] =	stream.linear.scatter [tilespmem:s22], [sflag:$0x5], $0x4000, $0x38;
	[tilespmem:$0x1C480] =	vst v63  }
.LBB2_6:
0x23a: {  	s6 =	smul.u32 $0x18, s21;
	_ =	sdelay $0x1  }
0x23b: {  	s11 =	sadd.s32 $0x18, s6  }
0x23c: {  	_ =	swait.ge [sflag:s28], $0x4000;
	s7 =	sadd.s32 s5, s11  }
0x23d: {  	[sflag:s28] =	ssyncset.done $0x0;
	s7 =	sshll.u32 s7, $0x8  }
0x23e: {  	[sflag:s28] =	ssyncadd.s32 $0xFFFFC000;
	s9 =	sadd.s32 s1, s7  }
0x23f: {  	[tilespmem:s24], [sflag:$0x1] =	stream.linear.gather [hbm4b:s9+s2], $0x4000, $0x38;
	[tilespmem:$0x1C480] =	vst v63  }
0x240: {  	_ =	swait.ge [sflag:s29], $0x4000  }
0x241: {  	[sflag:s29] =	ssyncset.done $0x0  }
0x242: {  	[sflag:s29] =	ssyncadd.s32 $0xFFFFC000  }
0x243: {  	v0 =	vld [tilespmem:s6+$0x10010];
	_ =	sdelay $0x4  }
0x244: {  	v5 =	vshll.u32 v0, $0xD  }
0x245: {  	(v2sf) =	vpush v5, $0x0;
	_ =	sdelay $0xb  }
0x246: {  	(v2sf) =	vpush v5, $0x1;
	_ =	sdelay $0x2  }
0x247: {  	s12 =	spop (v2sf)  }
0x248: {  	s9 =	sshra.s32 s12, $0x2  }
0x249: {  	v0 =	vmov s9;
	_ =	sdelay $0x4  }
0x24a: {  	v2 =	vld.idx.msk [tilespmem:v0+s2+$0x70 ss:$0x1], $0xffff  }
0x24b: {  	v3 =	vld.idx.msk [tilespmem:v0+s2+$0x10 ss:$0x1], $0xffff  }
0x24c: {  	v4 =	vld.idx.msk [tilespmem:v0+s2+$0x20 ss:$0x1], $0xffff  }
0x24d: {  	v6 =	vld.idx.msk [tilespmem:v0+s2+$0x30 ss:$0x1], $0xffff  }
0x24e: {  	v7 =	vld.idx.msk [tilespmem:v0+s2+$0x40 ss:$0x1], $0xffff  }
0x24f: {  	s14 =	spop (v2sf);
	v8 =	vld.idx.msk [tilespmem:v0+s2+$0x50 ss:$0x1], $0xffff  }
0x250: {  	s9 =	sshra.s32 s14, $0x2;
	v10 =	vld.idx.msk [tilespmem:v0+s2+$0x60 ss:$0x1], $0xffff  }
0x251: {  	v1 =	vmov s9;
	s9 =	simm.s32 $0x18480;
	v11 =	vld.idx.msk [tilespmem:v0+s2+$0x0 ss:$0x1], $0xffff  }
0x252: {  	[tilespmem:s9+$0x70] =	vst.add.f32.msk $0xffff, v2  }
0x253: {  	[tilespmem:s9+$0x10] =	vst.add.f32.msk $0xffff, v3  }
0x254: {  	(v2sf) =	vpush v5, $0x2;
	[tilespmem:s9+$0x20] =	vst.add.f32.msk $0xffff, v4  }
0x255: {  	[tilespmem:s9+$0x30] =	vst.add.f32.msk $0xffff, v6  }
0x256: {  	[tilespmem:s9+$0x0] =	vst.add.f32.msk $0xffff, v11  }
0x257: {  	[tilespmem:s9+$0x40] =	vst.add.f32.msk $0xffff, v7  }
0x258: {  	[tilespmem:s9+$0x50] =	vst.add.f32.msk $0xffff, v8  }
0x259: {  	[tilespmem:s9+$0x60] =	vst.add.f32.msk $0xffff, v10  }
0x25a: {  	v9 =	vld.idx.msk [tilespmem:v1+s2+$0x70 ss:$0x1], $0xffff  }
0x25b: {  	v6 =	vld.idx.msk [tilespmem:v1+s2+$0x0 ss:$0x1], $0xffff  }
0x25c: {  	v8 =	vld.idx.msk [tilespmem:v1+s2+$0x10 ss:$0x1], $0xffff  }
0x25d: {  	v51 =	vld.idx.msk [tilespmem:v1+s2+$0x20 ss:$0x1], $0xffff  }
0x25e: {  	v52 =	vld.idx.msk [tilespmem:v1+s2+$0x30 ss:$0x1], $0xffff  }
0x25f: {  	v53 =	vld.idx.msk [tilespmem:v1+s2+$0x40 ss:$0x1], $0xffff  }
0x260: {  	v12 =	vld.idx.msk [tilespmem:v1+s2+$0x50 ss:$0x1], $0xffff  }
0x261: {  	v13 =	vld.idx.msk [tilespmem:v1+s2+$0x60 ss:$0x1], $0xffff  }
0x262: {  	[tilespmem:s9+$0xF0] =	vst.add.f32.msk $0xffff, v9  }
0x263: {  	s12 =	spop (v2sf);
	[tilespmem:s9+$0x80] =	vst.add.f32.msk $0xffff, v6  }
0x264: {  	(v2sf) =	vpush v5, $0x3;
	s12 =	sshra.s32 s12, $0x2;
	[tilespmem:s9+$0x90] =	vst.add.f32.msk $0xffff, v8  }
0x265: {  	v2 =	vmov s12;
	[tilespmem:s9+$0xA0] =	vst.add.f32.msk $0xffff, v51  }
0x266: {  	[tilespmem:s9+$0xB0] =	vst.add.f32.msk $0xffff, v52  }
0x267: {  	[tilespmem:s9+$0xC0] =	vst.add.f32.msk $0xffff, v53  }
0x268: {  	[tilespmem:s9+$0xD0] =	vst.add.f32.msk $0xffff, v12  }
0x269: {  	[tilespmem:s9+$0xE0] =	vst.add.f32.msk $0xffff, v13  }
0x26a: {  	v4 =	vld.idx.msk [tilespmem:v2+s2+$0x70 ss:$0x1], $0xffff  }
0x26b: {  	v8 =	vld.idx.msk [tilespmem:v2+s2+$0x0 ss:$0x1], $0xffff  }
0x26c: {  	v54 =	vld.idx.msk [tilespmem:v2+s2+$0x10 ss:$0x1], $0xffff  }
0x26d: {  	v56 =	vld.idx.msk [tilespmem:v2+s2+$0x20 ss:$0x1], $0xffff  }
0x26e: {  	v57 =	vld.idx.msk [tilespmem:v2+s2+$0x30 ss:$0x1], $0xffff  }
0x26f: {  	v58 =	vld.idx.msk [tilespmem:v2+s2+$0x40 ss:$0x1], $0xffff  }
0x270: {  	v14 =	vld.idx.msk [tilespmem:v2+s2+$0x50 ss:$0x1], $0xffff  }
0x271: {  	v15 =	vld.idx.msk [tilespmem:v2+s2+$0x60 ss:$0x1], $0xffff  }
0x272: {  	[tilespmem:s9+$0x170] =	vst.add.f32.msk $0xffff, v4  }
0x273: {  	s15 =	spop (v2sf);
	[tilespmem:s9+$0x100] =	vst.add.f32.msk $0xffff, v8  }
0x274: {  	(v2sf) =	vpush v5, $0x4;
	s12 =	sshra.s32 s15, $0x2;
	[tilespmem:s9+$0x110] =	vst.add.f32.msk $0xffff, v54  }
0x275: {  	v3 =	vmov s12;
	[tilespmem:s9+$0x120] =	vst.add.f32.msk $0xffff, v56  }
0x276: {  	[tilespmem:s9+$0x130] =	vst.add.f32.msk $0xffff, v57  }
0x277: {  	[tilespmem:s9+$0x140] =	vst.add.f32.msk $0xffff, v58  }
0x278: {  	[tilespmem:s9+$0x150] =	vst.add.f32.msk $0xffff, v14  }
0x279: {  	[tilespmem:s9+$0x160] =	vst.add.f32.msk $0xffff, v15  }
0x27a: {  	v7 =	vld.idx.msk [tilespmem:v3+s2+$0x70 ss:$0x1], $0xffff  }
0x27b: {  	v8 =	vld.idx.msk [tilespmem:v3+s2+$0x0 ss:$0x1], $0xffff  }
0x27c: {  	v9 =	vld.idx.msk [tilespmem:v3+s2+$0x10 ss:$0x1], $0xffff  }
0x27d: {  	v59 =	vld.idx.msk [tilespmem:v3+s2+$0x20 ss:$0x1], $0xffff  }
0x27e: {  	v60 =	vld.idx.msk [tilespmem:v3+s2+$0x30 ss:$0x1], $0xffff  }
0x27f: {  	v61 =	vld.idx.msk [tilespmem:v3+s2+$0x40 ss:$0x1], $0xffff  }
0x280: {  	v62 =	vld.idx.msk [tilespmem:v3+s2+$0x50 ss:$0x1], $0xffff  }
0x281: {  	v63 =	vld.idx.msk [tilespmem:v3+s2+$0x60 ss:$0x1], $0xffff  }
0x282: {  	(v2sf) =	vpush v5, $0x5;
	[tilespmem:s9+$0x1F0] =	vst.add.f32.msk $0xffff, v7  }
0x283: {  	s14 =	spop (v2sf);
	[tilespmem:s9+$0x180] =	vst.add.f32.msk $0xffff, v8  }
0x284: {  	s12 =	sshra.s32 s14, $0x2;
	[tilespmem:s9+$0x190] =	vst.add.f32.msk $0xffff, v9  }
0x285: {  	v4 =	vmov s12;
	[tilespmem:s9+$0x1A0] =	vst.add.f32.msk $0xffff, v59  }
0x286: {  	[tilespmem:s9+$0x1B0] =	vst.add.f32.msk $0xffff, v60  }
0x287: {  	[tilespmem:s9+$0x1C0] =	vst.add.f32.msk $0xffff, v61  }
0x288: {  	[tilespmem:s9+$0x1D0] =	vst.add.f32.msk $0xffff, v62  }
0x289: {  	[tilespmem:s9+$0x1E0] =	vst.add.f32.msk $0xffff, v63  }
0x28a: {  	v7 =	vld.idx.msk [tilespmem:v4+s2+$0x70 ss:$0x1], $0xffff  }
0x28b: {  	v8 =	vld.idx.msk [tilespmem:v4+s2+$0x0 ss:$0x1], $0xffff  }
0x28c: {  	v9 =	vld.idx.msk [tilespmem:v4+s2+$0x10 ss:$0x1], $0xffff  }
0x28d: {  	v11 =	vld.idx.msk [tilespmem:v4+s2+$0x30 ss:$0x1], $0xffff  }
0x28e: {  	v12 =	vld.idx.msk [tilespmem:v4+s2+$0x40 ss:$0x1], $0xffff  }
0x28f: {  	v13 =	vld.idx.msk [tilespmem:v4+s2+$0x50 ss:$0x1], $0xffff  }
0x290: {  	(v2sf) =	vpush v5, $0x6;
	v14 =	vld.idx.msk [tilespmem:v4+s2+$0x60 ss:$0x1], $0xffff  }
0x291: {  	s15 =	spop (v2sf);
	[tilespmem:s9+$0x270] =	vst.add.f32.msk $0xffff, v7  }
0x292: {  	s12 =	sshra.s32 s15, $0x2;
	[tilespmem:s9+$0x200] =	vst.add.f32.msk $0xffff, v8  }
0x293: {  	(v2sf) =	vpush v5, $0x7;
	v5 =	vmov s12;
	[tilespmem:s9+$0x210] =	vst.add.f32.msk $0xffff, v9  }
0x294: {  	[tilespmem:s9+$0x230] =	vst.add.f32.msk $0xffff, v11  }
0x295: {  	[tilespmem:s9+$0x240] =	vst.add.f32.msk $0xffff, v12  }
0x296: {  	[tilespmem:s9+$0x250] =	vst.add.f32.msk $0xffff, v13  }
0x297: {  	[tilespmem:s9+$0x260] =	vst.add.f32.msk $0xffff, v14  }
0x298: {  	v7 =	vld.idx.msk [tilespmem:v5+s2+$0x70 ss:$0x1], $0xffff  }
0x299: {  	v8 =	vld.idx.msk [tilespmem:v5+s2+$0x0 ss:$0x1], $0xffff  }
0x29a: {  	v9 =	vld.idx.msk [tilespmem:v5+s2+$0x10 ss:$0x1], $0xffff  }
0x29b: {  	v11 =	vld.idx.msk [tilespmem:v5+s2+$0x30 ss:$0x1], $0xffff  }
0x29c: {  	v12 =	vld.idx.msk [tilespmem:v5+s2+$0x40 ss:$0x1], $0xffff  }
0x29d: {  	v13 =	vld.idx.msk [tilespmem:v5+s2+$0x50 ss:$0x1], $0xffff  }
0x29e: {  	v14 =	vld.idx.msk [tilespmem:v5+s2+$0x60 ss:$0x1], $0xffff  }
0x29f: {  	s14 =	spop (v2sf);
	[tilespmem:s9+$0x2F0] =	vst.add.f32.msk $0xffff, v7  }
0x2a0: {  	s12 =	sshra.s32 s14, $0x2;
	[tilespmem:s9+$0x280] =	vst.add.f32.msk $0xffff, v8  }
0x2a1: {  	v6 =	vmov s12;
	[tilespmem:s9+$0x290] =	vst.add.f32.msk $0xffff, v9  }
0x2a2: {  	[tilespmem:s9+$0x2B0] =	vst.add.f32.msk $0xffff, v11  }
0x2a3: {  	[tilespmem:s9+$0x2C0] =	vst.add.f32.msk $0xffff, v12  }
0x2a4: {  	[tilespmem:s9+$0x2D0] =	vst.add.f32.msk $0xffff, v13  }
0x2a5: {  	s15 =	spop (v2sf);
	[tilespmem:s9+$0x2E0] =	vst.add.f32.msk $0xffff, v14  }
0x2a6: {  	s12 =	sshra.s32 s15, $0x2;
	v55 =	vld.idx.msk [tilespmem:v6+s2+$0x70 ss:$0x1], $0xffff  }
0x2a7: {  	v7 =	vmov s12;
	v8 =	vld.idx.msk [tilespmem:v6+s2+$0x0 ss:$0x1], $0xffff  }
0x2a8: {  	v9 =	vld.idx.msk [tilespmem:v6+s2+$0x10 ss:$0x1], $0xffff  }
0x2a9: {  	v11 =	vld.idx.msk [tilespmem:v6+s2+$0x30 ss:$0x1], $0xffff  }
0x2aa: {  	v12 =	vld.idx.msk [tilespmem:v6+s2+$0x40 ss:$0x1], $0xffff  }
0x2ab: {  	[tilespmem:s9+$0x370] =	vst.add.f32.msk $0xffff, v55  }
0x2ac: {  	v10 =	vld.idx.msk [tilespmem:v7+s2+$0x70 ss:$0x1], $0xffff  }
0x2ad: {  	v13 =	vld.idx.msk [tilespmem:v6+s2+$0x50 ss:$0x1], $0xffff  }
0x2ae: {  	v14 =	vld.idx.msk [tilespmem:v6+s2+$0x60 ss:$0x1], $0xffff  }
0x2af: {  	[tilespmem:s9+$0x300] =	vst.add.f32.msk $0xffff, v8  }
0x2b0: {  	[tilespmem:s9+$0x310] =	vst.add.f32.msk $0xffff, v9  }
0x2b1: {  	[tilespmem:s9+$0x3F0] =	vst.add.f32.msk $0xffff, v10  }
0x2b2: {  	v10 =	vld.idx.msk [tilespmem:v4+s2+$0x20 ss:$0x1], $0xffff  }
0x2b3: {  	[tilespmem:s9+$0x330] =	vst.add.f32.msk $0xffff, v11  }
0x2b4: {  	[tilespmem:s9+$0x340] =	vst.add.f32.msk $0xffff, v12  }
0x2b5: {  	[tilespmem:s9+$0x350] =	vst.add.f32.msk $0xffff, v13  }
0x2b6: {  	[tilespmem:s9+$0x360] =	vst.add.f32.msk $0xffff, v14  }
0x2b7: {  	[tilespmem:s9+$0x220] =	vst.add.f32.msk $0xffff, v10  }
0x2b8: {  	v10 =	vld.idx.msk [tilespmem:v5+s2+$0x20 ss:$0x1], $0xffff  }
0x2b9: {  	v8 =	vld.idx.msk [tilespmem:v7+s2+$0x0 ss:$0x1], $0xffff  }
0x2ba: {  	v9 =	vld.idx.msk [tilespmem:v7+s2+$0x10 ss:$0x1], $0xffff  }
0x2bb: {  	v11 =	vld.idx.msk [tilespmem:v7+s2+$0x30 ss:$0x1], $0xffff  }
0x2bc: {  	v12 =	vld.idx.msk [tilespmem:v7+s2+$0x40 ss:$0x1], $0xffff  }
0x2bd: {  	[tilespmem:s9+$0x2A0] =	vst.add.f32.msk $0xffff, v10  }
0x2be: {  	v10 =	vld.idx.msk [tilespmem:v6+s2+$0x20 ss:$0x1], $0xffff  }
0x2bf: {  	v13 =	vld.idx.msk [tilespmem:v7+s2+$0x50 ss:$0x1], $0xffff  }
0x2c0: {  	v14 =	vld.idx.msk [tilespmem:v7+s2+$0x60 ss:$0x1], $0xffff  }
0x2c1: {  	[tilespmem:s9+$0x380] =	vst.add.f32.msk $0xffff, v8  }
0x2c2: {  	[tilespmem:s9+$0x390] =	vst.add.f32.msk $0xffff, v9  }
0x2c3: {  	[tilespmem:s9+$0x320] =	vst.add.f32.msk $0xffff, v10  }
0x2c4: {  	v10 =	vld.idx.msk [tilespmem:v7+s2+$0x20 ss:$0x1], $0xffff  }
0x2c5: {  	[tilespmem:s9+$0x3B0] =	vst.add.f32.msk $0xffff, v11  }
0x2c6: {  	[tilespmem:s9+$0x3C0] =	vst.add.f32.msk $0xffff, v12  }
0x2c7: {  	[tilespmem:s9+$0x3D0] =	vst.add.f32.msk $0xffff, v13  }
0x2c8: {  	[tilespmem:s9+$0x3E0] =	vst.add.f32.msk $0xffff, v14  }
0x2c9: {  	s14 =	simm.s32 $0x0;
	s15 =	simm.s32 $0x80;
	s12 =	sadd.s32 $0x10, s6;
	[tilespmem:s9+$0x3A0] =	vst.add.f32.msk $0xffff, v10  }
.LBB2_7:
0x2ca: {  	v8 =	vld.idx.msk [tilespmem:v0+s15+$0x70 ss:$0x1], $0xffff;
	s14 =	sadd.s32 $0x80, s14  }
0x2cb: {  	v9 =	vld.idx.msk [tilespmem:v0+s15+$0x10 ss:$0x1], $0xffff;
	p0 =	slt.u32 s14, $0x780  }
0x2cc: {  	v10 =	vld.idx.msk [tilespmem:v0+s15+$0x20 ss:$0x1], $0xffff  }
0x2cd: {  	v11 =	vld.idx.msk [tilespmem:v0+s15+$0x30 ss:$0x1], $0xffff  }
0x2ce: {  	v12 =	vld.idx.msk [tilespmem:v0+s15+$0x40 ss:$0x1], $0xffff  }
0x2cf: {  	s9 =	sadd.s32 $0x400, s9;
	v13 =	vld.idx.msk [tilespmem:v0+s15+$0x50 ss:$0x1], $0xffff  }
0x2d0: {  	[tilespmem:s9+$0x70] =	vst.add.f32.msk $0xffff, v8  }
0x2d1: {  	v8 =	vld.idx.msk [tilespmem:v1+s15+$0x70 ss:$0x1], $0xffff  }
0x2d2: {  	v14 =	vld.idx.msk [tilespmem:v0+s15+$0x60 ss:$0x1], $0xffff  }
0x2d3: {  	v15 =	vld.idx.msk [tilespmem:v0+s15+$0x0 ss:$0x1], $0xffff  }
0x2d4: {  	[tilespmem:s9+$0x10] =	vst.add.f32.msk $0xffff, v9  }
0x2d5: {  	[tilespmem:s9+$0x20] =	vst.add.f32.msk $0xffff, v10  }
0x2d6: {  	[tilespmem:s9+$0x30] =	vst.add.f32.msk $0xffff, v11  }
0x2d7: {  	[tilespmem:s9+$0xF0] =	vst.add.f32.msk $0xffff, v8  }
0x2d8: {  	v8 =	vld.idx.msk [tilespmem:v2+s15+$0x70 ss:$0x1], $0xffff  }
0x2d9: {  	[tilespmem:s9+$0x0] =	vst.add.f32.msk $0xffff, v15  }
0x2da: {  	[tilespmem:s9+$0x40] =	vst.add.f32.msk $0xffff, v12  }
0x2db: {  	[tilespmem:s9+$0x50] =	vst.add.f32.msk $0xffff, v13  }
0x2dc: {  	[tilespmem:s9+$0x60] =	vst.add.f32.msk $0xffff, v14  }
0x2dd: {  	v9 =	vld.idx.msk [tilespmem:v1+s15+$0x0 ss:$0x1], $0xffff  }
0x2de: {  	[tilespmem:s9+$0x170] =	vst.add.f32.msk $0xffff, v8  }
0x2df: {  	v8 =	vld.idx.msk [tilespmem:v3+s15+$0x70 ss:$0x1], $0xffff  }
0x2e0: {  	v10 =	vld.idx.msk [tilespmem:v1+s15+$0x10 ss:$0x1], $0xffff  }
0x2e1: {  	v11 =	vld.idx.msk [tilespmem:v1+s15+$0x20 ss:$0x1], $0xffff  }
0x2e2: {  	v12 =	vld.idx.msk [tilespmem:v1+s15+$0x30 ss:$0x1], $0xffff  }
0x2e3: {  	v13 =	vld.idx.msk [tilespmem:v1+s15+$0x40 ss:$0x1], $0xffff  }
0x2e4: {  	v14 =	vld.idx.msk [tilespmem:v1+s15+$0x50 ss:$0x1], $0xffff  }
0x2e5: {  	[tilespmem:s9+$0x1F0] =	vst.add.f32.msk $0xffff, v8  }
0x2e6: {  	v8 =	vld.idx.msk [tilespmem:v4+s15+$0x70 ss:$0x1], $0xffff  }
0x2e7: {  	v15 =	vld.idx.msk [tilespmem:v1+s15+$0x60 ss:$0x1], $0xffff  }
0x2e8: {  	[tilespmem:s9+$0x80] =	vst.add.f32.msk $0xffff, v9  }
0x2e9: {  	[tilespmem:s9+$0x90] =	vst.add.f32.msk $0xffff, v10  }
0x2ea: {  	[tilespmem:s9+$0xA0] =	vst.add.f32.msk $0xffff, v11  }
0x2eb: {  	[tilespmem:s9+$0xB0] =	vst.add.f32.msk $0xffff, v12  }
0x2ec: {  	[tilespmem:s9+$0x270] =	vst.add.f32.msk $0xffff, v8  }
0x2ed: {  	v8 =	vld.idx.msk [tilespmem:v5+s15+$0x70 ss:$0x1], $0xffff  }
0x2ee: {  	[tilespmem:s9+$0xC0] =	vst.add.f32.msk $0xffff, v13  }
0x2ef: {  	[tilespmem:s9+$0xD0] =	vst.add.f32.msk $0xffff, v14  }
0x2f0: {  	[tilespmem:s9+$0xE0] =	vst.add.f32.msk $0xffff, v15  }
0x2f1: {  	v9 =	vld.idx.msk [tilespmem:v2+s15+$0x0 ss:$0x1], $0xffff  }
0x2f2: {  	v10 =	vld.idx.msk [tilespmem:v2+s15+$0x10 ss:$0x1], $0xffff  }
0x2f3: {  	[tilespmem:s9+$0x2F0] =	vst.add.f32.msk $0xffff, v8  }
0x2f4: {  	v8 =	vld.idx.msk [tilespmem:v6+s15+$0x70 ss:$0x1], $0xffff  }
0x2f5: {  	v11 =	vld.idx.msk [tilespmem:v2+s15+$0x20 ss:$0x1], $0xffff  }
0x2f6: {  	v12 =	vld.idx.msk [tilespmem:v2+s15+$0x30 ss:$0x1], $0xffff  }
0x2f7: {  	v13 =	vld.idx.msk [tilespmem:v2+s15+$0x40 ss:$0x1], $0xffff  }
0x2f8: {  	v14 =	vld.idx.msk [tilespmem:v2+s15+$0x50 ss:$0x1], $0xffff  }
0x2f9: {  	v15 =	vld.idx.msk [tilespmem:v2+s15+$0x60 ss:$0x1], $0xffff  }
0x2fa: {  	[tilespmem:s9+$0x370] =	vst.add.f32.msk $0xffff, v8  }
0x2fb: {  	v8 =	vld.idx.msk [tilespmem:v7+s15+$0x70 ss:$0x1], $0xffff  }
0x2fc: {  	[tilespmem:s9+$0x100] =	vst.add.f32.msk $0xffff, v9  }
0x2fd: {  	[tilespmem:s9+$0x110] =	vst.add.f32.msk $0xffff, v10  }
0x2fe: {  	[tilespmem:s9+$0x120] =	vst.add.f32.msk $0xffff, v11  }
0x2ff: {  	[tilespmem:s9+$0x130] =	vst.add.f32.msk $0xffff, v12  }
0x300: {  	[tilespmem:s9+$0x140] =	vst.add.f32.msk $0xffff, v13  }
0x301: {  	[tilespmem:s9+$0x3F0] =	vst.add.f32.msk $0xffff, v8  }
0x302: {  	[tilespmem:s9+$0x150] =	vst.add.f32.msk $0xffff, v14  }
0x303: {  	[tilespmem:s9+$0x160] =	vst.add.f32.msk $0xffff, v15  }
0x304: {  	v8 =	vld.idx.msk [tilespmem:v3+s15+$0x0 ss:$0x1], $0xffff  }
0x305: {  	v9 =	vld.idx.msk [tilespmem:v3+s15+$0x10 ss:$0x1], $0xffff  }
0x306: {  	v10 =	vld.idx.msk [tilespmem:v3+s15+$0x20 ss:$0x1], $0xffff  }
0x307: {  	v11 =	vld.idx.msk [tilespmem:v3+s15+$0x30 ss:$0x1], $0xffff  }
0x308: {  	v12 =	vld.idx.msk [tilespmem:v3+s15+$0x40 ss:$0x1], $0xffff  }
0x309: {  	v13 =	vld.idx.msk [tilespmem:v3+s15+$0x50 ss:$0x1], $0xffff  }
0x30a: {  	v14 =	vld.idx.msk [tilespmem:v3+s15+$0x60 ss:$0x1], $0xffff  }
0x30b: {  	[tilespmem:s9+$0x180] =	vst.add.f32.msk $0xffff, v8  }
0x30c: {  	[tilespmem:s9+$0x190] =	vst.add.f32.msk $0xffff, v9  }
0x30d: {  	[tilespmem:s9+$0x1A0] =	vst.add.f32.msk $0xffff, v10  }
0x30e: {  	[tilespmem:s9+$0x1B0] =	vst.add.f32.msk $0xffff, v11  }
0x30f: {  	[tilespmem:s9+$0x1C0] =	vst.add.f32.msk $0xffff, v12  }
0x310: {  	[tilespmem:s9+$0x1D0] =	vst.add.f32.msk $0xffff, v13  }
0x311: {  	[tilespmem:s9+$0x1E0] =	vst.add.f32.msk $0xffff, v14  }
0x312: {  	v8 =	vld.idx.msk [tilespmem:v4+s15+$0x0 ss:$0x1], $0xffff  }
0x313: {  	v9 =	vld.idx.msk [tilespmem:v4+s15+$0x10 ss:$0x1], $0xffff  }
0x314: {  	v10 =	vld.idx.msk [tilespmem:v4+s15+$0x20 ss:$0x1], $0xffff  }
0x315: {  	v11 =	vld.idx.msk [tilespmem:v4+s15+$0x30 ss:$0x1], $0xffff  }
0x316: {  	v12 =	vld.idx.msk [tilespmem:v4+s15+$0x40 ss:$0x1], $0xffff  }
0x317: {  	v13 =	vld.idx.msk [tilespmem:v4+s15+$0x50 ss:$0x1], $0xffff  }
0x318: {  	v14 =	vld.idx.msk [tilespmem:v4+s15+$0x60 ss:$0x1], $0xffff  }
0x319: {  	[tilespmem:s9+$0x200] =	vst.add.f32.msk $0xffff, v8  }
0x31a: {  	[tilespmem:s9+$0x210] =	vst.add.f32.msk $0xffff, v9  }
0x31b: {  	[tilespmem:s9+$0x220] =	vst.add.f32.msk $0xffff, v10  }
0x31c: {  	[tilespmem:s9+$0x230] =	vst.add.f32.msk $0xffff, v11  }
0x31d: {  	[tilespmem:s9+$0x240] =	vst.add.f32.msk $0xffff, v12  }
0x31e: {  	[tilespmem:s9+$0x250] =	vst.add.f32.msk $0xffff, v13  }
0x31f: {  	[tilespmem:s9+$0x260] =	vst.add.f32.msk $0xffff, v14  }
0x320: {  	v8 =	vld.idx.msk [tilespmem:v5+s15+$0x0 ss:$0x1], $0xffff  }
0x321: {  	v9 =	vld.idx.msk [tilespmem:v5+s15+$0x10 ss:$0x1], $0xffff  }
0x322: {  	v10 =	vld.idx.msk [tilespmem:v5+s15+$0x20 ss:$0x1], $0xffff  }
0x323: {  	v11 =	vld.idx.msk [tilespmem:v5+s15+$0x30 ss:$0x1], $0xffff  }
0x324: {  	v12 =	vld.idx.msk [tilespmem:v5+s15+$0x40 ss:$0x1], $0xffff  }
0x325: {  	v13 =	vld.idx.msk [tilespmem:v5+s15+$0x50 ss:$0x1], $0xffff  }
0x326: {  	v14 =	vld.idx.msk [tilespmem:v5+s15+$0x60 ss:$0x1], $0xffff  }
0x327: {  	[tilespmem:s9+$0x280] =	vst.add.f32.msk $0xffff, v8  }
0x328: {  	[tilespmem:s9+$0x290] =	vst.add.f32.msk $0xffff, v9  }
0x329: {  	[tilespmem:s9+$0x2A0] =	vst.add.f32.msk $0xffff, v10  }
0x32a: {  	[tilespmem:s9+$0x2B0] =	vst.add.f32.msk $0xffff, v11  }
0x32b: {  	[tilespmem:s9+$0x2C0] =	vst.add.f32.msk $0xffff, v12  }
0x32c: {  	[tilespmem:s9+$0x2D0] =	vst.add.f32.msk $0xffff, v13  }
0x32d: {  	[tilespmem:s9+$0x2E0] =	vst.add.f32.msk $0xffff, v14  }
0x32e: {  	v8 =	vld.idx.msk [tilespmem:v6+s15+$0x0 ss:$0x1], $0xffff  }
0x32f: {  	v9 =	vld.idx.msk [tilespmem:v6+s15+$0x10 ss:$0x1], $0xffff  }
0x330: {  	v10 =	vld.idx.msk [tilespmem:v6+s15+$0x20 ss:$0x1], $0xffff  }
0x331: {  	v11 =	vld.idx.msk [tilespmem:v6+s15+$0x30 ss:$0x1], $0xffff  }
0x332: {  	v12 =	vld.idx.msk [tilespmem:v6+s15+$0x40 ss:$0x1], $0xffff  }
0x333: {  	v13 =	vld.idx.msk [tilespmem:v6+s15+$0x50 ss:$0x1], $0xffff  }
0x334: {  	v14 =	vld.idx.msk [tilespmem:v6+s15+$0x60 ss:$0x1], $0xffff  }
0x335: {  	[tilespmem:s9+$0x300] =	vst.add.f32.msk $0xffff, v8  }
0x336: {  	[tilespmem:s9+$0x310] =	vst.add.f32.msk $0xffff, v9  }
0x337: {  	[tilespmem:s9+$0x320] =	vst.add.f32.msk $0xffff, v10  }
0x338: {  	[tilespmem:s9+$0x330] =	vst.add.f32.msk $0xffff, v11  }
0x339: {  	[tilespmem:s9+$0x340] =	vst.add.f32.msk $0xffff, v12  }
0x33a: {  	[tilespmem:s9+$0x350] =	vst.add.f32.msk $0xffff, v13  }
0x33b: {  	[tilespmem:s9+$0x360] =	vst.add.f32.msk $0xffff, v14  }
0x33c: {  	v8 =	vld.idx.msk [tilespmem:v7+s15+$0x0 ss:$0x1], $0xffff  }
0x33d: {  	v9 =	vld.idx.msk [tilespmem:v7+s15+$0x10 ss:$0x1], $0xffff  }
0x33e: {  	v10 =	vld.idx.msk [tilespmem:v7+s15+$0x20 ss:$0x1], $0xffff  }
0x33f: {  	v11 =	vld.idx.msk [tilespmem:v7+s15+$0x30 ss:$0x1], $0xffff  }
0x340: {  	v12 =	vld.idx.msk [tilespmem:v7+s15+$0x40 ss:$0x1], $0xffff  }
0x341: {  	v13 =	vld.idx.msk [tilespmem:v7+s15+$0x50 ss:$0x1], $0xffff  }
0x342: {  	v14 =	vld.idx.msk [tilespmem:v7+s15+$0x60 ss:$0x1], $0xffff  }
0x343: {  	[tilespmem:s9+$0x380] =	vst.add.f32.msk $0xffff, v8  }
0x344: {  	[tilespmem:s9+$0x390] =	vst.add.f32.msk $0xffff, v9  }
.Ltmp2:
0x345: {  	[tilespmem:s9+$0x3A0] =	vst.add.f32.msk $0xffff, v10;
	(pc) =	sbr.rel @p0 .LBB2_7-.Ltmp2, $4  }
0x346: {  	[tilespmem:s9+$0x3B0] =	vst.add.f32.msk $0xffff, v11  }
0x347: {  	[tilespmem:s9+$0x3C0] =	vst.add.f32.msk $0xffff, v12  }
0x348: {  	[tilespmem:s9+$0x3D0] =	vst.add.f32.msk $0xffff, v13  }
0x349: {  	s15 =	sadd.s32 $0x80, s15;
	[tilespmem:s9+$0x3E0] =	vst.add.f32.msk $0xffff, v14  }
0x34a: {  	s9 =	sadd.s32 s5, s12  }
0x34b: {  	s9 =	sshll.u32 s9, $0x8  }
0x34c: {  	s14 =	simm.s32 $0x0;
	s12 =	sadd.s32 $0x20, s6;
	s9 =	sadd.s32 s3, s9  }
0x34d: {  	[hbm4b:s9+s14] =	stream.linear.scatter [tilespmem:s25], [sflag:$0x6], $0x4000, $0x38;
	[tilespmem:$0x1C480] =	vst v63  }
0x34e: {  	s15 =	sadd.s32 s5, s12;
	_ =	swait.ge [sflag:s30], $0x4000  }
0x34f: {  	s9 =	sshll.u32 s15, $0x8;
	[sflag:s30] =	ssyncset.done $0x0  }
0x350: {  	s15 =	sadd.s32 s1, s9;
	[sflag:s30] =	ssyncadd.s32 $0xFFFFC000  }
0x351: {  	[tilespmem:s22], [sflag:$0x2] =	stream.linear.gather [hbm4b:s15+s14], $0x4000, $0x38;
	[tilespmem:$0x1C480] =	vst v63  }
0x352: {  	_ =	swait.ge [sflag:s23], $0x4000  }
0x353: {  	[sflag:s23] =	ssyncset.done $0x0  }
0x354: {  	[sflag:s23] =	ssyncadd.s32 $0xFFFFC000  }
0x355: {  	v0 =	vld [tilespmem:s11+$0x10000];
	_ =	sdelay $0x4  }
0x356: {  	v5 =	vshll.u32 v0, $0xD  }
0x357: {  	(v2sf) =	vpush v5, $0x0;
	_ =	sdelay $0xb  }
0x358: {  	(v2sf) =	vpush v5, $0x1;
	_ =	sdelay $0x2  }
0x359: {  	s15 =	spop (v2sf)  }
0x35a: {  	s11 =	sshra.s32 s15, $0x2  }
0x35b: {  	v0 =	vmov s11;
	_ =	sdelay $0x4  }
0x35c: {  	v2 =	vld.idx.msk [tilespmem:v0+s14+$0x70 ss:$0x1], $0xffff  }
0x35d: {  	v3 =	vld.idx.msk [tilespmem:v0+s14+$0x10 ss:$0x1], $0xffff  }
0x35e: {  	v4 =	vld.idx.msk [tilespmem:v0+s14+$0x20 ss:$0x1], $0xffff  }
0x35f: {  	v6 =	vld.idx.msk [tilespmem:v0+s14+$0x30 ss:$0x1], $0xffff  }
0x360: {  	v7 =	vld.idx.msk [tilespmem:v0+s14+$0x40 ss:$0x1], $0xffff  }
0x361: {  	s15 =	spop (v2sf);
	v8 =	vld.idx.msk [tilespmem:v0+s14+$0x50 ss:$0x1], $0xffff  }
0x362: {  	s11 =	sshra.s32 s15, $0x2;
	v10 =	vld.idx.msk [tilespmem:v0+s14+$0x60 ss:$0x1], $0xffff  }
0x363: {  	v1 =	vmov s11;
	s11 =	simm.s32 $0x10480;
	v11 =	vld.idx.msk [tilespmem:v0+s14+$0x0 ss:$0x1], $0xffff  }
0x364: {  	[tilespmem:s11+$0x70] =	vst.add.f32.msk $0xffff, v2  }
0x365: {  	[tilespmem:s11+$0x10] =	vst.add.f32.msk $0xffff, v3  }
0x366: {  	(v2sf) =	vpush v5, $0x2;
	[tilespmem:s11+$0x20] =	vst.add.f32.msk $0xffff, v4  }
0x367: {  	[tilespmem:s11+$0x30] =	vst.add.f32.msk $0xffff, v6  }
0x368: {  	[tilespmem:s11+$0x0] =	vst.add.f32.msk $0xffff, v11  }
0x369: {  	[tilespmem:s11+$0x40] =	vst.add.f32.msk $0xffff, v7  }
0x36a: {  	[tilespmem:s11+$0x50] =	vst.add.f32.msk $0xffff, v8  }
0x36b: {  	[tilespmem:s11+$0x60] =	vst.add.f32.msk $0xffff, v10  }
0x36c: {  	v9 =	vld.idx.msk [tilespmem:v1+s14+$0x70 ss:$0x1], $0xffff  }
0x36d: {  	v6 =	vld.idx.msk [tilespmem:v1+s14+$0x0 ss:$0x1], $0xffff  }
0x36e: {  	v8 =	vld.idx.msk [tilespmem:v1+s14+$0x10 ss:$0x1], $0xffff  }
0x36f: {  	v51 =	vld.idx.msk [tilespmem:v1+s14+$0x20 ss:$0x1], $0xffff  }
0x370: {  	v52 =	vld.idx.msk [tilespmem:v1+s14+$0x30 ss:$0x1], $0xffff  }
0x371: {  	v53 =	vld.idx.msk [tilespmem:v1+s14+$0x40 ss:$0x1], $0xffff  }
0x372: {  	v12 =	vld.idx.msk [tilespmem:v1+s14+$0x50 ss:$0x1], $0xffff  }
0x373: {  	v13 =	vld.idx.msk [tilespmem:v1+s14+$0x60 ss:$0x1], $0xffff  }
0x374: {  	[tilespmem:s11+$0xF0] =	vst.add.f32.msk $0xffff, v9  }
0x375: {  	s15 =	spop (v2sf);
	[tilespmem:s11+$0x80] =	vst.add.f32.msk $0xffff, v6  }
0x376: {  	(v2sf) =	vpush v5, $0x3;
	s15 =	sshra.s32 s15, $0x2;
	[tilespmem:s11+$0x90] =	vst.add.f32.msk $0xffff, v8  }
0x377: {  	v2 =	vmov s15;
	[tilespmem:s11+$0xA0] =	vst.add.f32.msk $0xffff, v51  }
0x378: {  	[tilespmem:s11+$0xB0] =	vst.add.f32.msk $0xffff, v52  }
0x379: {  	[tilespmem:s11+$0xC0] =	vst.add.f32.msk $0xffff, v53  }
0x37a: {  	[tilespmem:s11+$0xD0] =	vst.add.f32.msk $0xffff, v12  }
0x37b: {  	[tilespmem:s11+$0xE0] =	vst.add.f32.msk $0xffff, v13  }
0x37c: {  	v4 =	vld.idx.msk [tilespmem:v2+s14+$0x70 ss:$0x1], $0xffff  }
0x37d: {  	v8 =	vld.idx.msk [tilespmem:v2+s14+$0x0 ss:$0x1], $0xffff  }
0x37e: {  	v54 =	vld.idx.msk [tilespmem:v2+s14+$0x10 ss:$0x1], $0xffff  }
0x37f: {  	v56 =	vld.idx.msk [tilespmem:v2+s14+$0x20 ss:$0x1], $0xffff  }
0x380: {  	v57 =	vld.idx.msk [tilespmem:v2+s14+$0x30 ss:$0x1], $0xffff  }
0x381: {  	v58 =	vld.idx.msk [tilespmem:v2+s14+$0x40 ss:$0x1], $0xffff  }
0x382: {  	v14 =	vld.idx.msk [tilespmem:v2+s14+$0x50 ss:$0x1], $0xffff  }
0x383: {  	v15 =	vld.idx.msk [tilespmem:v2+s14+$0x60 ss:$0x1], $0xffff  }
0x384: {  	[tilespmem:s11+$0x170] =	vst.add.f32.msk $0xffff, v4  }
0x385: {  	s15 =	spop (v2sf);
	[tilespmem:s11+$0x100] =	vst.add.f32.msk $0xffff, v8  }
0x386: {  	(v2sf) =	vpush v5, $0x4;
	s15 =	sshra.s32 s15, $0x2;
	[tilespmem:s11+$0x110] =	vst.add.f32.msk $0xffff, v54  }
0x387: {  	v3 =	vmov s15;
	[tilespmem:s11+$0x120] =	vst.add.f32.msk $0xffff, v56  }
0x388: {  	[tilespmem:s11+$0x130] =	vst.add.f32.msk $0xffff, v57  }
0x389: {  	[tilespmem:s11+$0x140] =	vst.add.f32.msk $0xffff, v58  }
0x38a: {  	[tilespmem:s11+$0x150] =	vst.add.f32.msk $0xffff, v14  }
0x38b: {  	[tilespmem:s11+$0x160] =	vst.add.f32.msk $0xffff, v15  }
0x38c: {  	v7 =	vld.idx.msk [tilespmem:v3+s14+$0x70 ss:$0x1], $0xffff  }
0x38d: {  	v8 =	vld.idx.msk [tilespmem:v3+s14+$0x0 ss:$0x1], $0xffff  }
0x38e: {  	v9 =	vld.idx.msk [tilespmem:v3+s14+$0x10 ss:$0x1], $0xffff  }
0x38f: {  	v59 =	vld.idx.msk [tilespmem:v3+s14+$0x20 ss:$0x1], $0xffff  }
0x390: {  	v60 =	vld.idx.msk [tilespmem:v3+s14+$0x30 ss:$0x1], $0xffff  }
0x391: {  	v61 =	vld.idx.msk [tilespmem:v3+s14+$0x40 ss:$0x1], $0xffff  }
0x392: {  	v62 =	vld.idx.msk [tilespmem:v3+s14+$0x50 ss:$0x1], $0xffff  }
0x393: {  	v63 =	vld.idx.msk [tilespmem:v3+s14+$0x60 ss:$0x1], $0xffff  }
0x394: {  	(v2sf) =	vpush v5, $0x5;
	[tilespmem:s11+$0x1F0] =	vst.add.f32.msk $0xffff, v7  }
0x395: {  	s15 =	spop (v2sf);
	[tilespmem:s11+$0x180] =	vst.add.f32.msk $0xffff, v8  }
0x396: {  	s15 =	sshra.s32 s15, $0x2;
	[tilespmem:s11+$0x190] =	vst.add.f32.msk $0xffff, v9  }
0x397: {  	v4 =	vmov s15;
	[tilespmem:s11+$0x1A0] =	vst.add.f32.msk $0xffff, v59  }
0x398: {  	[tilespmem:s11+$0x1B0] =	vst.add.f32.msk $0xffff, v60  }
0x399: {  	[tilespmem:s11+$0x1C0] =	vst.add.f32.msk $0xffff, v61  }
0x39a: {  	[tilespmem:s11+$0x1D0] =	vst.add.f32.msk $0xffff, v62  }
0x39b: {  	[tilespmem:s11+$0x1E0] =	vst.add.f32.msk $0xffff, v63  }
0x39c: {  	v7 =	vld.idx.msk [tilespmem:v4+s14+$0x70 ss:$0x1], $0xffff  }
0x39d: {  	v8 =	vld.idx.msk [tilespmem:v4+s14+$0x0 ss:$0x1], $0xffff  }
0x39e: {  	v9 =	vld.idx.msk [tilespmem:v4+s14+$0x10 ss:$0x1], $0xffff  }
0x39f: {  	v11 =	vld.idx.msk [tilespmem:v4+s14+$0x30 ss:$0x1], $0xffff  }
0x3a0: {  	v12 =	vld.idx.msk [tilespmem:v4+s14+$0x40 ss:$0x1], $0xffff  }
0x3a1: {  	v13 =	vld.idx.msk [tilespmem:v4+s14+$0x50 ss:$0x1], $0xffff  }
0x3a2: {  	(v2sf) =	vpush v5, $0x6;
	v14 =	vld.idx.msk [tilespmem:v4+s14+$0x60 ss:$0x1], $0xffff  }
0x3a3: {  	s15 =	spop (v2sf);
	[tilespmem:s11+$0x270] =	vst.add.f32.msk $0xffff, v7  }
0x3a4: {  	s15 =	sshra.s32 s15, $0x2;
	[tilespmem:s11+$0x200] =	vst.add.f32.msk $0xffff, v8  }
0x3a5: {  	(v2sf) =	vpush v5, $0x7;
	v5 =	vmov s15;
	[tilespmem:s11+$0x210] =	vst.add.f32.msk $0xffff, v9  }
0x3a6: {  	[tilespmem:s11+$0x230] =	vst.add.f32.msk $0xffff, v11  }
0x3a7: {  	[tilespmem:s11+$0x240] =	vst.add.f32.msk $0xffff, v12  }
0x3a8: {  	[tilespmem:s11+$0x250] =	vst.add.f32.msk $0xffff, v13  }
0x3a9: {  	[tilespmem:s11+$0x260] =	vst.add.f32.msk $0xffff, v14  }
0x3aa: {  	v7 =	vld.idx.msk [tilespmem:v5+s14+$0x70 ss:$0x1], $0xffff  }
0x3ab: {  	v8 =	vld.idx.msk [tilespmem:v5+s14+$0x0 ss:$0x1], $0xffff  }
0x3ac: {  	v9 =	vld.idx.msk [tilespmem:v5+s14+$0x10 ss:$0x1], $0xffff  }
0x3ad: {  	v11 =	vld.idx.msk [tilespmem:v5+s14+$0x30 ss:$0x1], $0xffff  }
0x3ae: {  	v12 =	vld.idx.msk [tilespmem:v5+s14+$0x40 ss:$0x1], $0xffff  }
0x3af: {  	v13 =	vld.idx.msk [tilespmem:v5+s14+$0x50 ss:$0x1], $0xffff  }
0x3b0: {  	v14 =	vld.idx.msk [tilespmem:v5+s14+$0x60 ss:$0x1], $0xffff  }
0x3b1: {  	s15 =	spop (v2sf);
	[tilespmem:s11+$0x2F0] =	vst.add.f32.msk $0xffff, v7  }
0x3b2: {  	s15 =	sshra.s32 s15, $0x2;
	[tilespmem:s11+$0x280] =	vst.add.f32.msk $0xffff, v8  }
0x3b3: {  	v6 =	vmov s15;
	[tilespmem:s11+$0x290] =	vst.add.f32.msk $0xffff, v9  }
0x3b4: {  	[tilespmem:s11+$0x2B0] =	vst.add.f32.msk $0xffff, v11  }
0x3b5: {  	[tilespmem:s11+$0x2C0] =	vst.add.f32.msk $0xffff, v12  }
0x3b6: {  	[tilespmem:s11+$0x2D0] =	vst.add.f32.msk $0xffff, v13  }
0x3b7: {  	s15 =	spop (v2sf);
	[tilespmem:s11+$0x2E0] =	vst.add.f32.msk $0xffff, v14  }
0x3b8: {  	s15 =	sshra.s32 s15, $0x2;
	v55 =	vld.idx.msk [tilespmem:v6+s14+$0x70 ss:$0x1], $0xffff  }
0x3b9: {  	v7 =	vmov s15;
	v8 =	vld.idx.msk [tilespmem:v6+s14+$0x0 ss:$0x1], $0xffff  }
0x3ba: {  	v9 =	vld.idx.msk [tilespmem:v6+s14+$0x10 ss:$0x1], $0xffff  }
0x3bb: {  	v11 =	vld.idx.msk [tilespmem:v6+s14+$0x30 ss:$0x1], $0xffff  }
0x3bc: {  	v12 =	vld.idx.msk [tilespmem:v6+s14+$0x40 ss:$0x1], $0xffff  }
0x3bd: {  	[tilespmem:s11+$0x370] =	vst.add.f32.msk $0xffff, v55  }
0x3be: {  	v10 =	vld.idx.msk [tilespmem:v7+s14+$0x70 ss:$0x1], $0xffff  }
0x3bf: {  	v13 =	vld.idx.msk [tilespmem:v6+s14+$0x50 ss:$0x1], $0xffff  }
0x3c0: {  	v14 =	vld.idx.msk [tilespmem:v6+s14+$0x60 ss:$0x1], $0xffff  }
0x3c1: {  	[tilespmem:s11+$0x300] =	vst.add.f32.msk $0xffff, v8  }
0x3c2: {  	[tilespmem:s11+$0x310] =	vst.add.f32.msk $0xffff, v9  }
0x3c3: {  	[tilespmem:s11+$0x3F0] =	vst.add.f32.msk $0xffff, v10  }
0x3c4: {  	v10 =	vld.idx.msk [tilespmem:v4+s14+$0x20 ss:$0x1], $0xffff  }
0x3c5: {  	[tilespmem:s11+$0x330] =	vst.add.f32.msk $0xffff, v11  }
0x3c6: {  	[tilespmem:s11+$0x340] =	vst.add.f32.msk $0xffff, v12  }
0x3c7: {  	[tilespmem:s11+$0x350] =	vst.add.f32.msk $0xffff, v13  }
0x3c8: {  	[tilespmem:s11+$0x360] =	vst.add.f32.msk $0xffff, v14  }
0x3c9: {  	[tilespmem:s11+$0x220] =	vst.add.f32.msk $0xffff, v10  }
0x3ca: {  	v10 =	vld.idx.msk [tilespmem:v5+s14+$0x20 ss:$0x1], $0xffff  }
0x3cb: {  	v8 =	vld.idx.msk [tilespmem:v7+s14+$0x0 ss:$0x1], $0xffff  }
0x3cc: {  	v9 =	vld.idx.msk [tilespmem:v7+s14+$0x10 ss:$0x1], $0xffff  }
0x3cd: {  	v11 =	vld.idx.msk [tilespmem:v7+s14+$0x30 ss:$0x1], $0xffff  }
0x3ce: {  	v12 =	vld.idx.msk [tilespmem:v7+s14+$0x40 ss:$0x1], $0xffff  }
0x3cf: {  	[tilespmem:s11+$0x2A0] =	vst.add.f32.msk $0xffff, v10  }
0x3d0: {  	v10 =	vld.idx.msk [tilespmem:v6+s14+$0x20 ss:$0x1], $0xffff  }
0x3d1: {  	v13 =	vld.idx.msk [tilespmem:v7+s14+$0x50 ss:$0x1], $0xffff  }
0x3d2: {  	v14 =	vld.idx.msk [tilespmem:v7+s14+$0x60 ss:$0x1], $0xffff  }
0x3d3: {  	[tilespmem:s11+$0x380] =	vst.add.f32.msk $0xffff, v8  }
0x3d4: {  	[tilespmem:s11+$0x390] =	vst.add.f32.msk $0xffff, v9  }
0x3d5: {  	[tilespmem:s11+$0x320] =	vst.add.f32.msk $0xffff, v10  }
0x3d6: {  	v10 =	vld.idx.msk [tilespmem:v7+s14+$0x20 ss:$0x1], $0xffff  }
0x3d7: {  	[tilespmem:s11+$0x3B0] =	vst.add.f32.msk $0xffff, v11  }
0x3d8: {  	[tilespmem:s11+$0x3C0] =	vst.add.f32.msk $0xffff, v12  }
0x3d9: {  	[tilespmem:s11+$0x3D0] =	vst.add.f32.msk $0xffff, v13  }
0x3da: {  	[tilespmem:s11+$0x3E0] =	vst.add.f32.msk $0xffff, v14  }
0x3db: {  	s15 =	simm.s32 $0x80;
	s14 =	simm.s32 $0x0;
	[tilespmem:s11+$0x3A0] =	vst.add.f32.msk $0xffff, v10  }
.LBB2_9:
0x3dc: {  	v8 =	vld.idx.msk [tilespmem:v0+s15+$0x70 ss:$0x1], $0xffff;
	s14 =	sadd.s32 $0x80, s14  }
0x3dd: {  	v9 =	vld.idx.msk [tilespmem:v0+s15+$0x10 ss:$0x1], $0xffff;
	p0 =	slt.u32 s14, $0x780  }
0x3de: {  	v10 =	vld.idx.msk [tilespmem:v0+s15+$0x20 ss:$0x1], $0xffff  }
0x3df: {  	v11 =	vld.idx.msk [tilespmem:v0+s15+$0x30 ss:$0x1], $0xffff  }
0x3e0: {  	v12 =	vld.idx.msk [tilespmem:v0+s15+$0x40 ss:$0x1], $0xffff  }
0x3e1: {  	s11 =	sadd.s32 $0x400, s11;
	v13 =	vld.idx.msk [tilespmem:v0+s15+$0x50 ss:$0x1], $0xffff  }
0x3e2: {  	[tilespmem:s11+$0x70] =	vst.add.f32.msk $0xffff, v8  }
0x3e3: {  	v8 =	vld.idx.msk [tilespmem:v1+s15+$0x70 ss:$0x1], $0xffff  }
0x3e4: {  	v14 =	vld.idx.msk [tilespmem:v0+s15+$0x60 ss:$0x1], $0xffff  }
0x3e5: {  	v15 =	vld.idx.msk [tilespmem:v0+s15+$0x0 ss:$0x1], $0xffff  }
0x3e6: {  	[tilespmem:s11+$0x10] =	vst.add.f32.msk $0xffff, v9  }
0x3e7: {  	[tilespmem:s11+$0x20] =	vst.add.f32.msk $0xffff, v10  }
0x3e8: {  	[tilespmem:s11+$0x30] =	vst.add.f32.msk $0xffff, v11  }
0x3e9: {  	[tilespmem:s11+$0xF0] =	vst.add.f32.msk $0xffff, v8  }
0x3ea: {  	v8 =	vld.idx.msk [tilespmem:v2+s15+$0x70 ss:$0x1], $0xffff  }
0x3eb: {  	[tilespmem:s11+$0x0] =	vst.add.f32.msk $0xffff, v15  }
0x3ec: {  	[tilespmem:s11+$0x40] =	vst.add.f32.msk $0xffff, v12  }
0x3ed: {  	[tilespmem:s11+$0x50] =	vst.add.f32.msk $0xffff, v13  }
0x3ee: {  	[tilespmem:s11+$0x60] =	vst.add.f32.msk $0xffff, v14  }
0x3ef: {  	v9 =	vld.idx.msk [tilespmem:v1+s15+$0x0 ss:$0x1], $0xffff  }
0x3f0: {  	[tilespmem:s11+$0x170] =	vst.add.f32.msk $0xffff, v8  }
0x3f1: {  	v8 =	vld.idx.msk [tilespmem:v3+s15+$0x70 ss:$0x1], $0xffff  }
0x3f2: {  	v10 =	vld.idx.msk [tilespmem:v1+s15+$0x10 ss:$0x1], $0xffff  }
0x3f3: {  	v11 =	vld.idx.msk [tilespmem:v1+s15+$0x20 ss:$0x1], $0xffff  }
0x3f4: {  	v12 =	vld.idx.msk [tilespmem:v1+s15+$0x30 ss:$0x1], $0xffff  }
0x3f5: {  	v13 =	vld.idx.msk [tilespmem:v1+s15+$0x40 ss:$0x1], $0xffff  }
0x3f6: {  	v14 =	vld.idx.msk [tilespmem:v1+s15+$0x50 ss:$0x1], $0xffff  }
0x3f7: {  	[tilespmem:s11+$0x1F0] =	vst.add.f32.msk $0xffff, v8  }
0x3f8: {  	v8 =	vld.idx.msk [tilespmem:v4+s15+$0x70 ss:$0x1], $0xffff  }
0x3f9: {  	v15 =	vld.idx.msk [tilespmem:v1+s15+$0x60 ss:$0x1], $0xffff  }
0x3fa: {  	[tilespmem:s11+$0x80] =	vst.add.f32.msk $0xffff, v9  }
0x3fb: {  	[tilespmem:s11+$0x90] =	vst.add.f32.msk $0xffff, v10  }
0x3fc: {  	[tilespmem:s11+$0xA0] =	vst.add.f32.msk $0xffff, v11  }
0x3fd: {  	[tilespmem:s11+$0xB0] =	vst.add.f32.msk $0xffff, v12  }
0x3fe: {  	[tilespmem:s11+$0x270] =	vst.add.f32.msk $0xffff, v8  }
0x3ff: {  	v8 =	vld.idx.msk [tilespmem:v5+s15+$0x70 ss:$0x1], $0xffff  }
0x400: {  	[tilespmem:s11+$0xC0] =	vst.add.f32.msk $0xffff, v13  }
0x401: {  	[tilespmem:s11+$0xD0] =	vst.add.f32.msk $0xffff, v14  }
0x402: {  	[tilespmem:s11+$0xE0] =	vst.add.f32.msk $0xffff, v15  }
0x403: {  	v9 =	vld.idx.msk [tilespmem:v2+s15+$0x0 ss:$0x1], $0xffff  }
0x404: {  	v10 =	vld.idx.msk [tilespmem:v2+s15+$0x10 ss:$0x1], $0xffff  }
0x405: {  	[tilespmem:s11+$0x2F0] =	vst.add.f32.msk $0xffff, v8  }
0x406: {  	v8 =	vld.idx.msk [tilespmem:v6+s15+$0x70 ss:$0x1], $0xffff  }
0x407: {  	v11 =	vld.idx.msk [tilespmem:v2+s15+$0x20 ss:$0x1], $0xffff  }
0x408: {  	v12 =	vld.idx.msk [tilespmem:v2+s15+$0x30 ss:$0x1], $0xffff  }
0x409: {  	v13 =	vld.idx.msk [tilespmem:v2+s15+$0x40 ss:$0x1], $0xffff  }
0x40a: {  	v14 =	vld.idx.msk [tilespmem:v2+s15+$0x50 ss:$0x1], $0xffff  }
0x40b: {  	v15 =	vld.idx.msk [tilespmem:v2+s15+$0x60 ss:$0x1], $0xffff  }
0x40c: {  	[tilespmem:s11+$0x370] =	vst.add.f32.msk $0xffff, v8  }
0x40d: {  	v8 =	vld.idx.msk [tilespmem:v7+s15+$0x70 ss:$0x1], $0xffff  }
0x40e: {  	[tilespmem:s11+$0x100] =	vst.add.f32.msk $0xffff, v9  }
0x40f: {  	[tilespmem:s11+$0x110] =	vst.add.f32.msk $0xffff, v10  }
0x410: {  	[tilespmem:s11+$0x120] =	vst.add.f32.msk $0xffff, v11  }
0x411: {  	[tilespmem:s11+$0x130] =	vst.add.f32.msk $0xffff, v12  }
0x412: {  	[tilespmem:s11+$0x140] =	vst.add.f32.msk $0xffff, v13  }
0x413: {  	[tilespmem:s11+$0x3F0] =	vst.add.f32.msk $0xffff, v8  }
0x414: {  	[tilespmem:s11+$0x150] =	vst.add.f32.msk $0xffff, v14  }
0x415: {  	[tilespmem:s11+$0x160] =	vst.add.f32.msk $0xffff, v15  }
0x416: {  	v8 =	vld.idx.msk [tilespmem:v3+s15+$0x0 ss:$0x1], $0xffff  }
0x417: {  	v9 =	vld.idx.msk [tilespmem:v3+s15+$0x10 ss:$0x1], $0xffff  }
0x418: {  	v10 =	vld.idx.msk [tilespmem:v3+s15+$0x20 ss:$0x1], $0xffff  }
0x419: {  	v11 =	vld.idx.msk [tilespmem:v3+s15+$0x30 ss:$0x1], $0xffff  }
0x41a: {  	v12 =	vld.idx.msk [tilespmem:v3+s15+$0x40 ss:$0x1], $0xffff  }
0x41b: {  	v13 =	vld.idx.msk [tilespmem:v3+s15+$0x50 ss:$0x1], $0xffff  }
0x41c: {  	v14 =	vld.idx.msk [tilespmem:v3+s15+$0x60 ss:$0x1], $0xffff  }
0x41d: {  	[tilespmem:s11+$0x180] =	vst.add.f32.msk $0xffff, v8  }
0x41e: {  	[tilespmem:s11+$0x190] =	vst.add.f32.msk $0xffff, v9  }
0x41f: {  	[tilespmem:s11+$0x1A0] =	vst.add.f32.msk $0xffff, v10  }
0x420: {  	[tilespmem:s11+$0x1B0] =	vst.add.f32.msk $0xffff, v11  }
0x421: {  	[tilespmem:s11+$0x1C0] =	vst.add.f32.msk $0xffff, v12  }
0x422: {  	[tilespmem:s11+$0x1D0] =	vst.add.f32.msk $0xffff, v13  }
0x423: {  	[tilespmem:s11+$0x1E0] =	vst.add.f32.msk $0xffff, v14  }
0x424: {  	v8 =	vld.idx.msk [tilespmem:v4+s15+$0x0 ss:$0x1], $0xffff  }
0x425: {  	v9 =	vld.idx.msk [tilespmem:v4+s15+$0x10 ss:$0x1], $0xffff  }
0x426: {  	v10 =	vld.idx.msk [tilespmem:v4+s15+$0x20 ss:$0x1], $0xffff  }
0x427: {  	v11 =	vld.idx.msk [tilespmem:v4+s15+$0x30 ss:$0x1], $0xffff  }
0x428: {  	v12 =	vld.idx.msk [tilespmem:v4+s15+$0x40 ss:$0x1], $0xffff  }
0x429: {  	v13 =	vld.idx.msk [tilespmem:v4+s15+$0x50 ss:$0x1], $0xffff  }
0x42a: {  	v14 =	vld.idx.msk [tilespmem:v4+s15+$0x60 ss:$0x1], $0xffff  }
0x42b: {  	[tilespmem:s11+$0x200] =	vst.add.f32.msk $0xffff, v8  }
0x42c: {  	[tilespmem:s11+$0x210] =	vst.add.f32.msk $0xffff, v9  }
0x42d: {  	[tilespmem:s11+$0x220] =	vst.add.f32.msk $0xffff, v10  }
0x42e: {  	[tilespmem:s11+$0x230] =	vst.add.f32.msk $0xffff, v11  }
0x42f: {  	[tilespmem:s11+$0x240] =	vst.add.f32.msk $0xffff, v12  }
0x430: {  	[tilespmem:s11+$0x250] =	vst.add.f32.msk $0xffff, v13  }
0x431: {  	[tilespmem:s11+$0x260] =	vst.add.f32.msk $0xffff, v14  }
0x432: {  	v8 =	vld.idx.msk [tilespmem:v5+s15+$0x0 ss:$0x1], $0xffff  }
0x433: {  	v9 =	vld.idx.msk [tilespmem:v5+s15+$0x10 ss:$0x1], $0xffff  }
0x434: {  	v10 =	vld.idx.msk [tilespmem:v5+s15+$0x20 ss:$0x1], $0xffff  }
0x435: {  	v11 =	vld.idx.msk [tilespmem:v5+s15+$0x30 ss:$0x1], $0xffff  }
0x436: {  	v12 =	vld.idx.msk [tilespmem:v5+s15+$0x40 ss:$0x1], $0xffff  }
0x437: {  	v13 =	vld.idx.msk [tilespmem:v5+s15+$0x50 ss:$0x1], $0xffff  }
0x438: {  	v14 =	vld.idx.msk [tilespmem:v5+s15+$0x60 ss:$0x1], $0xffff  }
0x439: {  	[tilespmem:s11+$0x280] =	vst.add.f32.msk $0xffff, v8  }
0x43a: {  	[tilespmem:s11+$0x290] =	vst.add.f32.msk $0xffff, v9  }
0x43b: {  	[tilespmem:s11+$0x2A0] =	vst.add.f32.msk $0xffff, v10  }
0x43c: {  	[tilespmem:s11+$0x2B0] =	vst.add.f32.msk $0xffff, v11  }
0x43d: {  	[tilespmem:s11+$0x2C0] =	vst.add.f32.msk $0xffff, v12  }
0x43e: {  	[tilespmem:s11+$0x2D0] =	vst.add.f32.msk $0xffff, v13  }
0x43f: {  	[tilespmem:s11+$0x2E0] =	vst.add.f32.msk $0xffff, v14  }
0x440: {  	v8 =	vld.idx.msk [tilespmem:v6+s15+$0x0 ss:$0x1], $0xffff  }
0x441: {  	v9 =	vld.idx.msk [tilespmem:v6+s15+$0x10 ss:$0x1], $0xffff  }
0x442: {  	v10 =	vld.idx.msk [tilespmem:v6+s15+$0x20 ss:$0x1], $0xffff  }
0x443: {  	v11 =	vld.idx.msk [tilespmem:v6+s15+$0x30 ss:$0x1], $0xffff  }
0x444: {  	v12 =	vld.idx.msk [tilespmem:v6+s15+$0x40 ss:$0x1], $0xffff  }
0x445: {  	v13 =	vld.idx.msk [tilespmem:v6+s15+$0x50 ss:$0x1], $0xffff  }
0x446: {  	v14 =	vld.idx.msk [tilespmem:v6+s15+$0x60 ss:$0x1], $0xffff  }
0x447: {  	[tilespmem:s11+$0x300] =	vst.add.f32.msk $0xffff, v8  }
0x448: {  	[tilespmem:s11+$0x310] =	vst.add.f32.msk $0xffff, v9  }
0x449: {  	[tilespmem:s11+$0x320] =	vst.add.f32.msk $0xffff, v10  }
0x44a: {  	[tilespmem:s11+$0x330] =	vst.add.f32.msk $0xffff, v11  }
0x44b: {  	[tilespmem:s11+$0x340] =	vst.add.f32.msk $0xffff, v12  }
0x44c: {  	[tilespmem:s11+$0x350] =	vst.add.f32.msk $0xffff, v13  }
0x44d: {  	[tilespmem:s11+$0x360] =	vst.add.f32.msk $0xffff, v14  }
0x44e: {  	v8 =	vld.idx.msk [tilespmem:v7+s15+$0x0 ss:$0x1], $0xffff  }
0x44f: {  	v9 =	vld.idx.msk [tilespmem:v7+s15+$0x10 ss:$0x1], $0xffff  }
0x450: {  	v10 =	vld.idx.msk [tilespmem:v7+s15+$0x20 ss:$0x1], $0xffff  }
0x451: {  	v11 =	vld.idx.msk [tilespmem:v7+s15+$0x30 ss:$0x1], $0xffff  }
0x452: {  	v12 =	vld.idx.msk [tilespmem:v7+s15+$0x40 ss:$0x1], $0xffff  }
0x453: {  	v13 =	vld.idx.msk [tilespmem:v7+s15+$0x50 ss:$0x1], $0xffff  }
0x454: {  	v14 =	vld.idx.msk [tilespmem:v7+s15+$0x60 ss:$0x1], $0xffff  }
0x455: {  	[tilespmem:s11+$0x380] =	vst.add.f32.msk $0xffff, v8  }
0x456: {  	[tilespmem:s11+$0x390] =	vst.add.f32.msk $0xffff, v9  }
.Ltmp3:
0x457: {  	[tilespmem:s11+$0x3A0] =	vst.add.f32.msk $0xffff, v10;
	(pc) =	sbr.rel @p0 .LBB2_9-.Ltmp3, $4  }
0x458: {  	[tilespmem:s11+$0x3B0] =	vst.add.f32.msk $0xffff, v11  }
0x459: {  	[tilespmem:s11+$0x3C0] =	vst.add.f32.msk $0xffff, v12  }
0x45a: {  	[tilespmem:s11+$0x3D0] =	vst.add.f32.msk $0xffff, v13  }
0x45b: {  	s15 =	sadd.s32 $0x80, s15;
	[tilespmem:s11+$0x3E0] =	vst.add.f32.msk $0xffff, v14  }
0x45c: {  	s11 =	sadd.s32 s3, s7;
	s7 =	simm.s32 $0x0  }
0x45d: {  	[hbm4b:s11+s7] =	stream.linear.scatter [tilespmem:s24], [sflag:$0x4], $0x4000, $0x38;
	[tilespmem:$0x1C480] =	vst v63  }
0x45e: {  	s6 =	sadd.s32 s6, s13;
	_ =	swait.ge [sflag:s31], $0x4000  }
0x45f: {  	s6 =	sshll.u32 s6, $0x8;
	[sflag:s31] =	ssyncset.done $0x0  }
0x460: {  	s6 =	sadd.s32 s1, s6;
	[sflag:s31] =	ssyncadd.s32 $0xFFFFC000  }
0x461: {  	[tilespmem:s25], [sflag:$0x3] =	stream.linear.gather [hbm4b:s6+s7], $0x4000, $0x38;
	[tilespmem:$0x1C480] =	vst v63  }
0x462: {  	_ =	swait.ge [sflag:s26], $0x4000  }
0x463: {  	[sflag:s26] =	ssyncset.done $0x0  }
0x464: {  	[sflag:s26] =	ssyncadd.s32 $0xFFFFC000  }
0x465: {  	v0 =	vld [tilespmem:s12+$0x10000];
	_ =	sdelay $0x4  }
0x466: {  	v5 =	vshll.u32 v0, $0xD  }
0x467: {  	(v2sf) =	vpush v5, $0x0;
	_ =	sdelay $0xb  }
0x468: {  	(v2sf) =	vpush v5, $0x1;
	_ =	sdelay $0x2  }
0x469: {  	s15 =	spop (v2sf)  }
0x46a: {  	s6 =	sshra.s32 s15, $0x2  }
0x46b: {  	v0 =	vmov s6;
	_ =	sdelay $0x4  }
0x46c: {  	v2 =	vld.idx.msk [tilespmem:v0+s7+$0x70 ss:$0x1], $0xffff  }
0x46d: {  	v3 =	vld.idx.msk [tilespmem:v0+s7+$0x10 ss:$0x1], $0xffff  }
0x46e: {  	v4 =	vld.idx.msk [tilespmem:v0+s7+$0x20 ss:$0x1], $0xffff  }
0x46f: {  	v6 =	vld.idx.msk [tilespmem:v0+s7+$0x30 ss:$0x1], $0xffff  }
0x470: {  	v7 =	vld.idx.msk [tilespmem:v0+s7+$0x40 ss:$0x1], $0xffff  }
0x471: {  	s11 =	spop (v2sf);
	v8 =	vld.idx.msk [tilespmem:v0+s7+$0x50 ss:$0x1], $0xffff  }
0x472: {  	s6 =	sshra.s32 s11, $0x2;
	v10 =	vld.idx.msk [tilespmem:v0+s7+$0x60 ss:$0x1], $0xffff  }
0x473: {  	v1 =	vmov s6;
	s6 =	simm.s32 $0x14480;
	v11 =	vld.idx.msk [tilespmem:v0+s7+$0x0 ss:$0x1], $0xffff  }
0x474: {  	[tilespmem:s6+$0x70] =	vst.add.f32.msk $0xffff, v2  }
0x475: {  	[tilespmem:s6+$0x10] =	vst.add.f32.msk $0xffff, v3  }
0x476: {  	(v2sf) =	vpush v5, $0x2;
	[tilespmem:s6+$0x20] =	vst.add.f32.msk $0xffff, v4  }
0x477: {  	[tilespmem:s6+$0x30] =	vst.add.f32.msk $0xffff, v6  }
0x478: {  	[tilespmem:s6+$0x0] =	vst.add.f32.msk $0xffff, v11  }
0x479: {  	[tilespmem:s6+$0x40] =	vst.add.f32.msk $0xffff, v7  }
0x47a: {  	[tilespmem:s6+$0x50] =	vst.add.f32.msk $0xffff, v8  }
0x47b: {  	[tilespmem:s6+$0x60] =	vst.add.f32.msk $0xffff, v10  }
0x47c: {  	v9 =	vld.idx.msk [tilespmem:v1+s7+$0x70 ss:$0x1], $0xffff  }
0x47d: {  	v6 =	vld.idx.msk [tilespmem:v1+s7+$0x0 ss:$0x1], $0xffff  }
0x47e: {  	v8 =	vld.idx.msk [tilespmem:v1+s7+$0x10 ss:$0x1], $0xffff  }
0x47f: {  	v51 =	vld.idx.msk [tilespmem:v1+s7+$0x20 ss:$0x1], $0xffff  }
0x480: {  	v52 =	vld.idx.msk [tilespmem:v1+s7+$0x30 ss:$0x1], $0xffff  }
0x481: {  	v53 =	vld.idx.msk [tilespmem:v1+s7+$0x40 ss:$0x1], $0xffff  }
0x482: {  	v12 =	vld.idx.msk [tilespmem:v1+s7+$0x50 ss:$0x1], $0xffff  }
0x483: {  	v13 =	vld.idx.msk [tilespmem:v1+s7+$0x60 ss:$0x1], $0xffff  }
0x484: {  	[tilespmem:s6+$0xF0] =	vst.add.f32.msk $0xffff, v9  }
0x485: {  	s12 =	spop (v2sf);
	[tilespmem:s6+$0x80] =	vst.add.f32.msk $0xffff, v6  }
0x486: {  	(v2sf) =	vpush v5, $0x3;
	s11 =	sshra.s32 s12, $0x2;
	[tilespmem:s6+$0x90] =	vst.add.f32.msk $0xffff, v8  }
0x487: {  	v2 =	vmov s11;
	[tilespmem:s6+$0xA0] =	vst.add.f32.msk $0xffff, v51  }
0x488: {  	[tilespmem:s6+$0xB0] =	vst.add.f32.msk $0xffff, v52  }
0x489: {  	[tilespmem:s6+$0xC0] =	vst.add.f32.msk $0xffff, v53  }
0x48a: {  	[tilespmem:s6+$0xD0] =	vst.add.f32.msk $0xffff, v12  }
0x48b: {  	[tilespmem:s6+$0xE0] =	vst.add.f32.msk $0xffff, v13  }
0x48c: {  	v4 =	vld.idx.msk [tilespmem:v2+s7+$0x70 ss:$0x1], $0xffff  }
0x48d: {  	v8 =	vld.idx.msk [tilespmem:v2+s7+$0x0 ss:$0x1], $0xffff  }
0x48e: {  	v54 =	vld.idx.msk [tilespmem:v2+s7+$0x10 ss:$0x1], $0xffff  }
0x48f: {  	v56 =	vld.idx.msk [tilespmem:v2+s7+$0x20 ss:$0x1], $0xffff  }
0x490: {  	v57 =	vld.idx.msk [tilespmem:v2+s7+$0x30 ss:$0x1], $0xffff  }
0x491: {  	v58 =	vld.idx.msk [tilespmem:v2+s7+$0x40 ss:$0x1], $0xffff  }
0x492: {  	v14 =	vld.idx.msk [tilespmem:v2+s7+$0x50 ss:$0x1], $0xffff  }
0x493: {  	v15 =	vld.idx.msk [tilespmem:v2+s7+$0x60 ss:$0x1], $0xffff  }
0x494: {  	[tilespmem:s6+$0x170] =	vst.add.f32.msk $0xffff, v4  }
0x495: {  	s14 =	spop (v2sf);
	[tilespmem:s6+$0x100] =	vst.add.f32.msk $0xffff, v8  }
0x496: {  	(v2sf) =	vpush v5, $0x4;
	s11 =	sshra.s32 s14, $0x2;
	[tilespmem:s6+$0x110] =	vst.add.f32.msk $0xffff, v54  }
0x497: {  	v3 =	vmov s11;
	[tilespmem:s6+$0x120] =	vst.add.f32.msk $0xffff, v56  }
0x498: {  	[tilespmem:s6+$0x130] =	vst.add.f32.msk $0xffff, v57  }
0x499: {  	[tilespmem:s6+$0x140] =	vst.add.f32.msk $0xffff, v58  }
0x49a: {  	[tilespmem:s6+$0x150] =	vst.add.f32.msk $0xffff, v14  }
0x49b: {  	[tilespmem:s6+$0x160] =	vst.add.f32.msk $0xffff, v15  }
0x49c: {  	v7 =	vld.idx.msk [tilespmem:v3+s7+$0x70 ss:$0x1], $0xffff  }
0x49d: {  	v8 =	vld.idx.msk [tilespmem:v3+s7+$0x0 ss:$0x1], $0xffff  }
0x49e: {  	v9 =	vld.idx.msk [tilespmem:v3+s7+$0x10 ss:$0x1], $0xffff  }
0x49f: {  	v59 =	vld.idx.msk [tilespmem:v3+s7+$0x20 ss:$0x1], $0xffff  }
0x4a0: {  	v60 =	vld.idx.msk [tilespmem:v3+s7+$0x30 ss:$0x1], $0xffff  }
0x4a1: {  	v61 =	vld.idx.msk [tilespmem:v3+s7+$0x40 ss:$0x1], $0xffff  }
0x4a2: {  	v62 =	vld.idx.msk [tilespmem:v3+s7+$0x50 ss:$0x1], $0xffff  }
0x4a3: {  	v63 =	vld.idx.msk [tilespmem:v3+s7+$0x60 ss:$0x1], $0xffff  }
0x4a4: {  	(v2sf) =	vpush v5, $0x5;
	[tilespmem:s6+$0x1F0] =	vst.add.f32.msk $0xffff, v7  }
0x4a5: {  	s15 =	spop (v2sf);
	[tilespmem:s6+$0x180] =	vst.add.f32.msk $0xffff, v8  }
0x4a6: {  	s11 =	sshra.s32 s15, $0x2;
	[tilespmem:s6+$0x190] =	vst.add.f32.msk $0xffff, v9  }
0x4a7: {  	v4 =	vmov s11;
	[tilespmem:s6+$0x1A0] =	vst.add.f32.msk $0xffff, v59  }
0x4a8: {  	[tilespmem:s6+$0x1B0] =	vst.add.f32.msk $0xffff, v60  }
0x4a9: {  	[tilespmem:s6+$0x1C0] =	vst.add.f32.msk $0xffff, v61  }
0x4aa: {  	[tilespmem:s6+$0x1D0] =	vst.add.f32.msk $0xffff, v62  }
0x4ab: {  	[tilespmem:s6+$0x1E0] =	vst.add.f32.msk $0xffff, v63  }
0x4ac: {  	v7 =	vld.idx.msk [tilespmem:v4+s7+$0x70 ss:$0x1], $0xffff  }
0x4ad: {  	v8 =	vld.idx.msk [tilespmem:v4+s7+$0x0 ss:$0x1], $0xffff  }
0x4ae: {  	v9 =	vld.idx.msk [tilespmem:v4+s7+$0x10 ss:$0x1], $0xffff  }
0x4af: {  	v11 =	vld.idx.msk [tilespmem:v4+s7+$0x30 ss:$0x1], $0xffff  }
0x4b0: {  	v12 =	vld.idx.msk [tilespmem:v4+s7+$0x40 ss:$0x1], $0xffff  }
0x4b1: {  	v13 =	vld.idx.msk [tilespmem:v4+s7+$0x50 ss:$0x1], $0xffff  }
0x4b2: {  	(v2sf) =	vpush v5, $0x6;
	v14 =	vld.idx.msk [tilespmem:v4+s7+$0x60 ss:$0x1], $0xffff  }
0x4b3: {  	s12 =	spop (v2sf);
	[tilespmem:s6+$0x270] =	vst.add.f32.msk $0xffff, v7  }
0x4b4: {  	s11 =	sshra.s32 s12, $0x2;
	[tilespmem:s6+$0x200] =	vst.add.f32.msk $0xffff, v8  }
0x4b5: {  	(v2sf) =	vpush v5, $0x7;
	v5 =	vmov s11;
	[tilespmem:s6+$0x210] =	vst.add.f32.msk $0xffff, v9  }
0x4b6: {  	[tilespmem:s6+$0x230] =	vst.add.f32.msk $0xffff, v11  }
0x4b7: {  	[tilespmem:s6+$0x240] =	vst.add.f32.msk $0xffff, v12  }
0x4b8: {  	[tilespmem:s6+$0x250] =	vst.add.f32.msk $0xffff, v13  }
0x4b9: {  	[tilespmem:s6+$0x260] =	vst.add.f32.msk $0xffff, v14  }
0x4ba: {  	v7 =	vld.idx.msk [tilespmem:v5+s7+$0x70 ss:$0x1], $0xffff  }
0x4bb: {  	v8 =	vld.idx.msk [tilespmem:v5+s7+$0x0 ss:$0x1], $0xffff  }
0x4bc: {  	v9 =	vld.idx.msk [tilespmem:v5+s7+$0x10 ss:$0x1], $0xffff  }
0x4bd: {  	v11 =	vld.idx.msk [tilespmem:v5+s7+$0x30 ss:$0x1], $0xffff  }
0x4be: {  	v12 =	vld.idx.msk [tilespmem:v5+s7+$0x40 ss:$0x1], $0xffff  }
0x4bf: {  	v13 =	vld.idx.msk [tilespmem:v5+s7+$0x50 ss:$0x1], $0xffff  }
0x4c0: {  	v14 =	vld.idx.msk [tilespmem:v5+s7+$0x60 ss:$0x1], $0xffff  }
0x4c1: {  	s14 =	spop (v2sf);
	[tilespmem:s6+$0x2F0] =	vst.add.f32.msk $0xffff, v7  }
0x4c2: {  	s11 =	sshra.s32 s14, $0x2;
	[tilespmem:s6+$0x280] =	vst.add.f32.msk $0xffff, v8  }
0x4c3: {  	v6 =	vmov s11;
	[tilespmem:s6+$0x290] =	vst.add.f32.msk $0xffff, v9  }
0x4c4: {  	[tilespmem:s6+$0x2B0] =	vst.add.f32.msk $0xffff, v11  }
0x4c5: {  	[tilespmem:s6+$0x2C0] =	vst.add.f32.msk $0xffff, v12  }
0x4c6: {  	[tilespmem:s6+$0x2D0] =	vst.add.f32.msk $0xffff, v13  }
0x4c7: {  	s15 =	spop (v2sf);
	[tilespmem:s6+$0x2E0] =	vst.add.f32.msk $0xffff, v14  }
0x4c8: {  	s11 =	sshra.s32 s15, $0x2;
	v55 =	vld.idx.msk [tilespmem:v6+s7+$0x70 ss:$0x1], $0xffff  }
0x4c9: {  	v7 =	vmov s11;
	v8 =	vld.idx.msk [tilespmem:v6+s7+$0x0 ss:$0x1], $0xffff  }
0x4ca: {  	v9 =	vld.idx.msk [tilespmem:v6+s7+$0x10 ss:$0x1], $0xffff  }
0x4cb: {  	v11 =	vld.idx.msk [tilespmem:v6+s7+$0x30 ss:$0x1], $0xffff  }
0x4cc: {  	v12 =	vld.idx.msk [tilespmem:v6+s7+$0x40 ss:$0x1], $0xffff  }
0x4cd: {  	[tilespmem:s6+$0x370] =	vst.add.f32.msk $0xffff, v55  }
0x4ce: {  	v10 =	vld.idx.msk [tilespmem:v7+s7+$0x70 ss:$0x1], $0xffff  }
0x4cf: {  	v13 =	vld.idx.msk [tilespmem:v6+s7+$0x50 ss:$0x1], $0xffff  }
0x4d0: {  	v14 =	vld.idx.msk [tilespmem:v6+s7+$0x60 ss:$0x1], $0xffff  }
0x4d1: {  	[tilespmem:s6+$0x300] =	vst.add.f32.msk $0xffff, v8  }
0x4d2: {  	[tilespmem:s6+$0x310] =	vst.add.f32.msk $0xffff, v9  }
0x4d3: {  	[tilespmem:s6+$0x3F0] =	vst.add.f32.msk $0xffff, v10  }
0x4d4: {  	v10 =	vld.idx.msk [tilespmem:v4+s7+$0x20 ss:$0x1], $0xffff  }
0x4d5: {  	[tilespmem:s6+$0x330] =	vst.add.f32.msk $0xffff, v11  }
0x4d6: {  	[tilespmem:s6+$0x340] =	vst.add.f32.msk $0xffff, v12  }
0x4d7: {  	[tilespmem:s6+$0x350] =	vst.add.f32.msk $0xffff, v13  }
0x4d8: {  	[tilespmem:s6+$0x360] =	vst.add.f32.msk $0xffff, v14  }
0x4d9: {  	[tilespmem:s6+$0x220] =	vst.add.f32.msk $0xffff, v10  }
0x4da: {  	v10 =	vld.idx.msk [tilespmem:v5+s7+$0x20 ss:$0x1], $0xffff  }
0x4db: {  	v8 =	vld.idx.msk [tilespmem:v7+s7+$0x0 ss:$0x1], $0xffff  }
0x4dc: {  	v9 =	vld.idx.msk [tilespmem:v7+s7+$0x10 ss:$0x1], $0xffff  }
0x4dd: {  	v11 =	vld.idx.msk [tilespmem:v7+s7+$0x30 ss:$0x1], $0xffff  }
0x4de: {  	v12 =	vld.idx.msk [tilespmem:v7+s7+$0x40 ss:$0x1], $0xffff  }
0x4df: {  	[tilespmem:s6+$0x2A0] =	vst.add.f32.msk $0xffff, v10  }
0x4e0: {  	v10 =	vld.idx.msk [tilespmem:v6+s7+$0x20 ss:$0x1], $0xffff  }
0x4e1: {  	v13 =	vld.idx.msk [tilespmem:v7+s7+$0x50 ss:$0x1], $0xffff  }
0x4e2: {  	v14 =	vld.idx.msk [tilespmem:v7+s7+$0x60 ss:$0x1], $0xffff  }
0x4e3: {  	[tilespmem:s6+$0x380] =	vst.add.f32.msk $0xffff, v8  }
0x4e4: {  	[tilespmem:s6+$0x390] =	vst.add.f32.msk $0xffff, v9  }
0x4e5: {  	[tilespmem:s6+$0x320] =	vst.add.f32.msk $0xffff, v10  }
0x4e6: {  	v10 =	vld.idx.msk [tilespmem:v7+s7+$0x20 ss:$0x1], $0xffff  }
0x4e7: {  	[tilespmem:s6+$0x3B0] =	vst.add.f32.msk $0xffff, v11  }
0x4e8: {  	[tilespmem:s6+$0x3C0] =	vst.add.f32.msk $0xffff, v12  }
0x4e9: {  	[tilespmem:s6+$0x3D0] =	vst.add.f32.msk $0xffff, v13  }
0x4ea: {  	[tilespmem:s6+$0x3E0] =	vst.add.f32.msk $0xffff, v14  }
0x4eb: {  	s11 =	simm.s32 $0x80;
	s7 =	simm.s32 $0x0;
	[tilespmem:s6+$0x3A0] =	vst.add.f32.msk $0xffff, v10  }
.LBB2_11:
0x4ec: {  	v8 =	vld.idx.msk [tilespmem:v0+s11+$0x70 ss:$0x1], $0xffff;
	s7 =	sadd.s32 $0x80, s7  }
0x4ed: {  	v9 =	vld.idx.msk [tilespmem:v0+s11+$0x10 ss:$0x1], $0xffff;
	p0 =	slt.u32 s7, $0x780  }
0x4ee: {  	v10 =	vld.idx.msk [tilespmem:v0+s11+$0x20 ss:$0x1], $0xffff  }
0x4ef: {  	v11 =	vld.idx.msk [tilespmem:v0+s11+$0x30 ss:$0x1], $0xffff  }
0x4f0: {  	v12 =	vld.idx.msk [tilespmem:v0+s11+$0x40 ss:$0x1], $0xffff  }
0x4f1: {  	s6 =	sadd.s32 $0x400, s6;
	v13 =	vld.idx.msk [tilespmem:v0+s11+$0x50 ss:$0x1], $0xffff  }
0x4f2: {  	[tilespmem:s6+$0x70] =	vst.add.f32.msk $0xffff, v8  }
0x4f3: {  	v8 =	vld.idx.msk [tilespmem:v1+s11+$0x70 ss:$0x1], $0xffff  }
0x4f4: {  	v14 =	vld.idx.msk [tilespmem:v0+s11+$0x60 ss:$0x1], $0xffff  }
0x4f5: {  	v15 =	vld.idx.msk [tilespmem:v0+s11+$0x0 ss:$0x1], $0xffff  }
0x4f6: {  	[tilespmem:s6+$0x10] =	vst.add.f32.msk $0xffff, v9  }
0x4f7: {  	[tilespmem:s6+$0x20] =	vst.add.f32.msk $0xffff, v10  }
0x4f8: {  	[tilespmem:s6+$0x30] =	vst.add.f32.msk $0xffff, v11  }
0x4f9: {  	[tilespmem:s6+$0xF0] =	vst.add.f32.msk $0xffff, v8  }
0x4fa: {  	v8 =	vld.idx.msk [tilespmem:v2+s11+$0x70 ss:$0x1], $0xffff  }
0x4fb: {  	[tilespmem:s6+$0x0] =	vst.add.f32.msk $0xffff, v15  }
0x4fc: {  	[tilespmem:s6+$0x40] =	vst.add.f32.msk $0xffff, v12  }
0x4fd: {  	[tilespmem:s6+$0x50] =	vst.add.f32.msk $0xffff, v13  }
0x4fe: {  	[tilespmem:s6+$0x60] =	vst.add.f32.msk $0xffff, v14  }
0x4ff: {  	v9 =	vld.idx.msk [tilespmem:v1+s11+$0x0 ss:$0x1], $0xffff  }
0x500: {  	[tilespmem:s6+$0x170] =	vst.add.f32.msk $0xffff, v8  }
0x501: {  	v8 =	vld.idx.msk [tilespmem:v3+s11+$0x70 ss:$0x1], $0xffff  }
0x502: {  	v10 =	vld.idx.msk [tilespmem:v1+s11+$0x10 ss:$0x1], $0xffff  }
0x503: {  	v11 =	vld.idx.msk [tilespmem:v1+s11+$0x20 ss:$0x1], $0xffff  }
0x504: {  	v12 =	vld.idx.msk [tilespmem:v1+s11+$0x30 ss:$0x1], $0xffff  }
0x505: {  	v13 =	vld.idx.msk [tilespmem:v1+s11+$0x40 ss:$0x1], $0xffff  }
0x506: {  	v14 =	vld.idx.msk [tilespmem:v1+s11+$0x50 ss:$0x1], $0xffff  }
0x507: {  	[tilespmem:s6+$0x1F0] =	vst.add.f32.msk $0xffff, v8  }
0x508: {  	v8 =	vld.idx.msk [tilespmem:v4+s11+$0x70 ss:$0x1], $0xffff  }
0x509: {  	v15 =	vld.idx.msk [tilespmem:v1+s11+$0x60 ss:$0x1], $0xffff  }
0x50a: {  	[tilespmem:s6+$0x80] =	vst.add.f32.msk $0xffff, v9  }
0x50b: {  	[tilespmem:s6+$0x90] =	vst.add.f32.msk $0xffff, v10  }
0x50c: {  	[tilespmem:s6+$0xA0] =	vst.add.f32.msk $0xffff, v11  }
0x50d: {  	[tilespmem:s6+$0xB0] =	vst.add.f32.msk $0xffff, v12  }
0x50e: {  	[tilespmem:s6+$0x270] =	vst.add.f32.msk $0xffff, v8  }
0x50f: {  	v8 =	vld.idx.msk [tilespmem:v5+s11+$0x70 ss:$0x1], $0xffff  }
0x510: {  	[tilespmem:s6+$0xC0] =	vst.add.f32.msk $0xffff, v13  }
0x511: {  	[tilespmem:s6+$0xD0] =	vst.add.f32.msk $0xffff, v14  }
0x512: {  	[tilespmem:s6+$0xE0] =	vst.add.f32.msk $0xffff, v15  }
0x513: {  	v9 =	vld.idx.msk [tilespmem:v2+s11+$0x0 ss:$0x1], $0xffff  }
0x514: {  	v10 =	vld.idx.msk [tilespmem:v2+s11+$0x10 ss:$0x1], $0xffff  }
0x515: {  	[tilespmem:s6+$0x2F0] =	vst.add.f32.msk $0xffff, v8  }
0x516: {  	v8 =	vld.idx.msk [tilespmem:v6+s11+$0x70 ss:$0x1], $0xffff  }
0x517: {  	v11 =	vld.idx.msk [tilespmem:v2+s11+$0x20 ss:$0x1], $0xffff  }
0x518: {  	v12 =	vld.idx.msk [tilespmem:v2+s11+$0x30 ss:$0x1], $0xffff  }
0x519: {  	v13 =	vld.idx.msk [tilespmem:v2+s11+$0x40 ss:$0x1], $0xffff  }
0x51a: {  	v14 =	vld.idx.msk [tilespmem:v2+s11+$0x50 ss:$0x1], $0xffff  }
0x51b: {  	v15 =	vld.idx.msk [tilespmem:v2+s11+$0x60 ss:$0x1], $0xffff  }
0x51c: {  	[tilespmem:s6+$0x370] =	vst.add.f32.msk $0xffff, v8  }
0x51d: {  	v8 =	vld.idx.msk [tilespmem:v7+s11+$0x70 ss:$0x1], $0xffff  }
0x51e: {  	[tilespmem:s6+$0x100] =	vst.add.f32.msk $0xffff, v9  }
0x51f: {  	[tilespmem:s6+$0x110] =	vst.add.f32.msk $0xffff, v10  }
0x520: {  	[tilespmem:s6+$0x120] =	vst.add.f32.msk $0xffff, v11  }
0x521: {  	[tilespmem:s6+$0x130] =	vst.add.f32.msk $0xffff, v12  }
0x522: {  	[tilespmem:s6+$0x140] =	vst.add.f32.msk $0xffff, v13  }
0x523: {  	[tilespmem:s6+$0x3F0] =	vst.add.f32.msk $0xffff, v8  }
0x524: {  	[tilespmem:s6+$0x150] =	vst.add.f32.msk $0xffff, v14  }
0x525: {  	[tilespmem:s6+$0x160] =	vst.add.f32.msk $0xffff, v15  }
0x526: {  	v8 =	vld.idx.msk [tilespmem:v3+s11+$0x0 ss:$0x1], $0xffff  }
0x527: {  	v9 =	vld.idx.msk [tilespmem:v3+s11+$0x10 ss:$0x1], $0xffff  }
0x528: {  	v10 =	vld.idx.msk [tilespmem:v3+s11+$0x20 ss:$0x1], $0xffff  }
0x529: {  	v11 =	vld.idx.msk [tilespmem:v3+s11+$0x30 ss:$0x1], $0xffff  }
0x52a: {  	v12 =	vld.idx.msk [tilespmem:v3+s11+$0x40 ss:$0x1], $0xffff  }
0x52b: {  	v13 =	vld.idx.msk [tilespmem:v3+s11+$0x50 ss:$0x1], $0xffff  }
0x52c: {  	v14 =	vld.idx.msk [tilespmem:v3+s11+$0x60 ss:$0x1], $0xffff  }
0x52d: {  	[tilespmem:s6+$0x180] =	vst.add.f32.msk $0xffff, v8  }
0x52e: {  	[tilespmem:s6+$0x190] =	vst.add.f32.msk $0xffff, v9  }
0x52f: {  	[tilespmem:s6+$0x1A0] =	vst.add.f32.msk $0xffff, v10  }
0x530: {  	[tilespmem:s6+$0x1B0] =	vst.add.f32.msk $0xffff, v11  }
0x531: {  	[tilespmem:s6+$0x1C0] =	vst.add.f32.msk $0xffff, v12  }
0x532: {  	[tilespmem:s6+$0x1D0] =	vst.add.f32.msk $0xffff, v13  }
0x533: {  	[tilespmem:s6+$0x1E0] =	vst.add.f32.msk $0xffff, v14  }
0x534: {  	v8 =	vld.idx.msk [tilespmem:v4+s11+$0x0 ss:$0x1], $0xffff  }
0x535: {  	v9 =	vld.idx.msk [tilespmem:v4+s11+$0x10 ss:$0x1], $0xffff  }
0x536: {  	v10 =	vld.idx.msk [tilespmem:v4+s11+$0x20 ss:$0x1], $0xffff  }
0x537: {  	v11 =	vld.idx.msk [tilespmem:v4+s11+$0x30 ss:$0x1], $0xffff  }
0x538: {  	v12 =	vld.idx.msk [tilespmem:v4+s11+$0x40 ss:$0x1], $0xffff  }
0x539: {  	v13 =	vld.idx.msk [tilespmem:v4+s11+$0x50 ss:$0x1], $0xffff  }
0x53a: {  	v14 =	vld.idx.msk [tilespmem:v4+s11+$0x60 ss:$0x1], $0xffff  }
0x53b: {  	[tilespmem:s6+$0x200] =	vst.add.f32.msk $0xffff, v8  }
0x53c: {  	[tilespmem:s6+$0x210] =	vst.add.f32.msk $0xffff, v9  }
0x53d: {  	[tilespmem:s6+$0x220] =	vst.add.f32.msk $0xffff, v10  }
0x53e: {  	[tilespmem:s6+$0x230] =	vst.add.f32.msk $0xffff, v11  }
0x53f: {  	[tilespmem:s6+$0x240] =	vst.add.f32.msk $0xffff, v12  }
0x540: {  	[tilespmem:s6+$0x250] =	vst.add.f32.msk $0xffff, v13  }
0x541: {  	[tilespmem:s6+$0x260] =	vst.add.f32.msk $0xffff, v14  }
0x542: {  	v8 =	vld.idx.msk [tilespmem:v5+s11+$0x0 ss:$0x1], $0xffff  }
0x543: {  	v9 =	vld.idx.msk [tilespmem:v5+s11+$0x10 ss:$0x1], $0xffff  }
0x544: {  	v10 =	vld.idx.msk [tilespmem:v5+s11+$0x20 ss:$0x1], $0xffff  }
0x545: {  	v11 =	vld.idx.msk [tilespmem:v5+s11+$0x30 ss:$0x1], $0xffff  }
0x546: {  	v12 =	vld.idx.msk [tilespmem:v5+s11+$0x40 ss:$0x1], $0xffff  }
0x547: {  	v13 =	vld.idx.msk [tilespmem:v5+s11+$0x50 ss:$0x1], $0xffff  }
0x548: {  	v14 =	vld.idx.msk [tilespmem:v5+s11+$0x60 ss:$0x1], $0xffff  }
0x549: {  	[tilespmem:s6+$0x280] =	vst.add.f32.msk $0xffff, v8  }
0x54a: {  	[tilespmem:s6+$0x290] =	vst.add.f32.msk $0xffff, v9  }
0x54b: {  	[tilespmem:s6+$0x2A0] =	vst.add.f32.msk $0xffff, v10  }
0x54c: {  	[tilespmem:s6+$0x2B0] =	vst.add.f32.msk $0xffff, v11  }
0x54d: {  	[tilespmem:s6+$0x2C0] =	vst.add.f32.msk $0xffff, v12  }
0x54e: {  	[tilespmem:s6+$0x2D0] =	vst.add.f32.msk $0xffff, v13  }
0x54f: {  	[tilespmem:s6+$0x2E0] =	vst.add.f32.msk $0xffff, v14  }
0x550: {  	v8 =	vld.idx.msk [tilespmem:v6+s11+$0x0 ss:$0x1], $0xffff  }
0x551: {  	v9 =	vld.idx.msk [tilespmem:v6+s11+$0x10 ss:$0x1], $0xffff  }
0x552: {  	v10 =	vld.idx.msk [tilespmem:v6+s11+$0x20 ss:$0x1], $0xffff  }
0x553: {  	v11 =	vld.idx.msk [tilespmem:v6+s11+$0x30 ss:$0x1], $0xffff  }
0x554: {  	v12 =	vld.idx.msk [tilespmem:v6+s11+$0x40 ss:$0x1], $0xffff  }
0x555: {  	v13 =	vld.idx.msk [tilespmem:v6+s11+$0x50 ss:$0x1], $0xffff  }
0x556: {  	v14 =	vld.idx.msk [tilespmem:v6+s11+$0x60 ss:$0x1], $0xffff  }
0x557: {  	[tilespmem:s6+$0x300] =	vst.add.f32.msk $0xffff, v8  }
0x558: {  	[tilespmem:s6+$0x310] =	vst.add.f32.msk $0xffff, v9  }
0x559: {  	[tilespmem:s6+$0x320] =	vst.add.f32.msk $0xffff, v10  }
0x55a: {  	[tilespmem:s6+$0x330] =	vst.add.f32.msk $0xffff, v11  }
0x55b: {  	[tilespmem:s6+$0x340] =	vst.add.f32.msk $0xffff, v12  }
0x55c: {  	[tilespmem:s6+$0x350] =	vst.add.f32.msk $0xffff, v13  }
0x55d: {  	[tilespmem:s6+$0x360] =	vst.add.f32.msk $0xffff, v14  }
0x55e: {  	v8 =	vld.idx.msk [tilespmem:v7+s11+$0x0 ss:$0x1], $0xffff  }
0x55f: {  	v9 =	vld.idx.msk [tilespmem:v7+s11+$0x10 ss:$0x1], $0xffff  }
0x560: {  	v10 =	vld.idx.msk [tilespmem:v7+s11+$0x20 ss:$0x1], $0xffff  }
0x561: {  	v11 =	vld.idx.msk [tilespmem:v7+s11+$0x30 ss:$0x1], $0xffff  }
0x562: {  	v12 =	vld.idx.msk [tilespmem:v7+s11+$0x40 ss:$0x1], $0xffff  }
0x563: {  	v13 =	vld.idx.msk [tilespmem:v7+s11+$0x50 ss:$0x1], $0xffff  }
0x564: {  	v14 =	vld.idx.msk [tilespmem:v7+s11+$0x60 ss:$0x1], $0xffff  }
0x565: {  	[tilespmem:s6+$0x380] =	vst.add.f32.msk $0xffff, v8  }
0x566: {  	[tilespmem:s6+$0x390] =	vst.add.f32.msk $0xffff, v9  }
.Ltmp4:
0x567: {  	[tilespmem:s6+$0x3A0] =	vst.add.f32.msk $0xffff, v10;
	(pc) =	sbr.rel @p0 .LBB2_11-.Ltmp4, $4  }
0x568: {  	[tilespmem:s6+$0x3B0] =	vst.add.f32.msk $0xffff, v11  }
0x569: {  	[tilespmem:s6+$0x3C0] =	vst.add.f32.msk $0xffff, v12  }
0x56a: {  	[tilespmem:s6+$0x3D0] =	vst.add.f32.msk $0xffff, v13  }
0x56b: {  	s11 =	sadd.s32 $0x80, s11;
	[tilespmem:s6+$0x3E0] =	vst.add.f32.msk $0xffff, v14  }
0x56c: {  	s21 =	sadd.s32 $0x1, s21  }
0x56d: {  	p0 =	sne.s32 s21, $0x29  }
.Ltmp5:
0x56e: {  	_ = 	snop;
	(pc) =	sbr.rel @p0 .LBB2_6-.Ltmp5, $3  }
0x56f: {  	_ =	sdelay $0x1  }
0x570: {  	s6 =	sadd.s32 s3, s9  }
0x571: {  	[hbm4b:s6+s4] =	stream.linear.scatter [tilespmem:s22], [sflag:$0x5], $0x4000, $0x38;
	[tilespmem:$0x1C480] =	vst v63  }
0x572: {  	_ =	swait.ge [sflag:s28], $0x4000  }
0x573: {  	[sflag:s28] =	ssyncset.done $0x0  }
0x574: {  	s6 =	simm.s32 $0x0;
	s2 =	rddreg [dreg:$0xa];
	[sflag:s28] =	ssyncadd.s32 $0xFFFFC000  }
0x575: {  	[tilespmem:s24], [sflag:$0x1] =	stream.linear.gather [hbm4b:s2+s6], $0x4000, $0x38;
	[tilespmem:$0x1C480] =	vst v63  }
0x576: {  	_ =	swait.ge [sflag:s29], $0x4000  }
0x577: {  	[sflag:s29] =	ssyncset.done $0x0  }
0x578: {  	[sflag:s29] =	ssyncadd.s32 $0xFFFFC000  }
0x579: {  	v0 =	vld [tilespmem:$0x103E8];
	_ =	sdelay $0x4  }
0x57a: {  	v5 =	vshll.u32 v0, $0xD  }
0x57b: {  	(v2sf) =	vpush v5, $0x0;
	_ =	sdelay $0xb  }
0x57c: {  	(v2sf) =	vpush v5, $0x1;
	_ =	sdelay $0x2  }
0x57d: {  	s7 =	spop (v2sf)  }
0x57e: {  	s2 =	sshra.s32 s7, $0x2  }
0x57f: {  	v0 =	vmov s2;
	_ =	sdelay $0x4  }
0x580: {  	v2 =	vld.idx.msk [tilespmem:v0+s6+$0x70 ss:$0x1], $0xffff  }
0x581: {  	v3 =	vld.idx.msk [tilespmem:v0+s6+$0x10 ss:$0x1], $0xffff  }
0x582: {  	v4 =	vld.idx.msk [tilespmem:v0+s6+$0x20 ss:$0x1], $0xffff  }
0x583: {  	v6 =	vld.idx.msk [tilespmem:v0+s6+$0x30 ss:$0x1], $0xffff  }
0x584: {  	v7 =	vld.idx.msk [tilespmem:v0+s6+$0x40 ss:$0x1], $0xffff  }
0x585: {  	s9 =	spop (v2sf);
	v8 =	vld.idx.msk [tilespmem:v0+s6+$0x50 ss:$0x1], $0xffff  }
0x586: {  	s2 =	sshra.s32 s9, $0x2;
	v10 =	vld.idx.msk [tilespmem:v0+s6+$0x60 ss:$0x1], $0xffff  }
0x587: {  	v1 =	vmov s2;
	s2 =	simm.s32 $0x18480;
	v11 =	vld.idx.msk [tilespmem:v0+s6+$0x0 ss:$0x1], $0xffff  }
0x588: {  	[tilespmem:s2+$0x70] =	vst.add.f32.msk $0xffff, v2  }
0x589: {  	[tilespmem:s2+$0x10] =	vst.add.f32.msk $0xffff, v3  }
0x58a: {  	(v2sf) =	vpush v5, $0x2;
	[tilespmem:s2+$0x20] =	vst.add.f32.msk $0xffff, v4  }
0x58b: {  	[tilespmem:s2+$0x30] =	vst.add.f32.msk $0xffff, v6  }
0x58c: {  	[tilespmem:s2+$0x0] =	vst.add.f32.msk $0xffff, v11  }
0x58d: {  	[tilespmem:s2+$0x40] =	vst.add.f32.msk $0xffff, v7  }
0x58e: {  	[tilespmem:s2+$0x50] =	vst.add.f32.msk $0xffff, v8  }
0x58f: {  	[tilespmem:s2+$0x60] =	vst.add.f32.msk $0xffff, v10  }
0x590: {  	v9 =	vld.idx.msk [tilespmem:v1+s6+$0x70 ss:$0x1], $0xffff  }
0x591: {  	v6 =	vld.idx.msk [tilespmem:v1+s6+$0x0 ss:$0x1], $0xffff  }
0x592: {  	v8 =	vld.idx.msk [tilespmem:v1+s6+$0x10 ss:$0x1], $0xffff  }
0x593: {  	v51 =	vld.idx.msk [tilespmem:v1+s6+$0x20 ss:$0x1], $0xffff  }
0x594: {  	v52 =	vld.idx.msk [tilespmem:v1+s6+$0x30 ss:$0x1], $0xffff  }
0x595: {  	v53 =	vld.idx.msk [tilespmem:v1+s6+$0x40 ss:$0x1], $0xffff  }
0x596: {  	v12 =	vld.idx.msk [tilespmem:v1+s6+$0x50 ss:$0x1], $0xffff  }
0x597: {  	v13 =	vld.idx.msk [tilespmem:v1+s6+$0x60 ss:$0x1], $0xffff  }
0x598: {  	[tilespmem:s2+$0xF0] =	vst.add.f32.msk $0xffff, v9  }
0x599: {  	s7 =	spop (v2sf);
	[tilespmem:s2+$0x80] =	vst.add.f32.msk $0xffff, v6  }
0x59a: {  	(v2sf) =	vpush v5, $0x3;
	s7 =	sshra.s32 s7, $0x2;
	[tilespmem:s2+$0x90] =	vst.add.f32.msk $0xffff, v8  }
0x59b: {  	v2 =	vmov s7;
	[tilespmem:s2+$0xA0] =	vst.add.f32.msk $0xffff, v51  }
0x59c: {  	[tilespmem:s2+$0xB0] =	vst.add.f32.msk $0xffff, v52  }
0x59d: {  	[tilespmem:s2+$0xC0] =	vst.add.f32.msk $0xffff, v53  }
0x59e: {  	[tilespmem:s2+$0xD0] =	vst.add.f32.msk $0xffff, v12  }
0x59f: {  	[tilespmem:s2+$0xE0] =	vst.add.f32.msk $0xffff, v13  }
0x5a0: {  	v4 =	vld.idx.msk [tilespmem:v2+s6+$0x70 ss:$0x1], $0xffff  }
0x5a1: {  	v8 =	vld.idx.msk [tilespmem:v2+s6+$0x0 ss:$0x1], $0xffff  }
0x5a2: {  	v54 =	vld.idx.msk [tilespmem:v2+s6+$0x10 ss:$0x1], $0xffff  }
0x5a3: {  	v56 =	vld.idx.msk [tilespmem:v2+s6+$0x20 ss:$0x1], $0xffff  }
0x5a4: {  	v57 =	vld.idx.msk [tilespmem:v2+s6+$0x30 ss:$0x1], $0xffff  }
0x5a5: {  	v58 =	vld.idx.msk [tilespmem:v2+s6+$0x40 ss:$0x1], $0xffff  }
0x5a6: {  	v14 =	vld.idx.msk [tilespmem:v2+s6+$0x50 ss:$0x1], $0xffff  }
0x5a7: {  	v15 =	vld.idx.msk [tilespmem:v2+s6+$0x60 ss:$0x1], $0xffff  }
0x5a8: {  	[tilespmem:s2+$0x170] =	vst.add.f32.msk $0xffff, v4  }
0x5a9: {  	s11 =	spop (v2sf);
	[tilespmem:s2+$0x100] =	vst.add.f32.msk $0xffff, v8  }
0x5aa: {  	(v2sf) =	vpush v5, $0x4;
	s7 =	sshra.s32 s11, $0x2;
	[tilespmem:s2+$0x110] =	vst.add.f32.msk $0xffff, v54  }
0x5ab: {  	v3 =	vmov s7;
	[tilespmem:s2+$0x120] =	vst.add.f32.msk $0xffff, v56  }
0x5ac: {  	[tilespmem:s2+$0x130] =	vst.add.f32.msk $0xffff, v57  }
0x5ad: {  	[tilespmem:s2+$0x140] =	vst.add.f32.msk $0xffff, v58  }
0x5ae: {  	[tilespmem:s2+$0x150] =	vst.add.f32.msk $0xffff, v14  }
0x5af: {  	[tilespmem:s2+$0x160] =	vst.add.f32.msk $0xffff, v15  }
0x5b0: {  	v7 =	vld.idx.msk [tilespmem:v3+s6+$0x70 ss:$0x1], $0xffff  }
0x5b1: {  	v8 =	vld.idx.msk [tilespmem:v3+s6+$0x0 ss:$0x1], $0xffff  }
0x5b2: {  	v9 =	vld.idx.msk [tilespmem:v3+s6+$0x10 ss:$0x1], $0xffff  }
0x5b3: {  	v59 =	vld.idx.msk [tilespmem:v3+s6+$0x20 ss:$0x1], $0xffff  }
0x5b4: {  	v60 =	vld.idx.msk [tilespmem:v3+s6+$0x30 ss:$0x1], $0xffff  }
0x5b5: {  	v61 =	vld.idx.msk [tilespmem:v3+s6+$0x40 ss:$0x1], $0xffff  }
0x5b6: {  	v62 =	vld.idx.msk [tilespmem:v3+s6+$0x50 ss:$0x1], $0xffff  }
0x5b7: {  	v63 =	vld.idx.msk [tilespmem:v3+s6+$0x60 ss:$0x1], $0xffff  }
0x5b8: {  	(v2sf) =	vpush v5, $0x5;
	[tilespmem:s2+$0x1F0] =	vst.add.f32.msk $0xffff, v7  }
0x5b9: {  	s12 =	spop (v2sf);
	[tilespmem:s2+$0x180] =	vst.add.f32.msk $0xffff, v8  }
0x5ba: {  	s7 =	sshra.s32 s12, $0x2;
	[tilespmem:s2+$0x190] =	vst.add.f32.msk $0xffff, v9  }
0x5bb: {  	v4 =	vmov s7;
	[tilespmem:s2+$0x1A0] =	vst.add.f32.msk $0xffff, v59  }
0x5bc: {  	[tilespmem:s2+$0x1B0] =	vst.add.f32.msk $0xffff, v60  }
0x5bd: {  	[tilespmem:s2+$0x1C0] =	vst.add.f32.msk $0xffff, v61  }
0x5be: {  	[tilespmem:s2+$0x1D0] =	vst.add.f32.msk $0xffff, v62  }
0x5bf: {  	[tilespmem:s2+$0x1E0] =	vst.add.f32.msk $0xffff, v63  }
0x5c0: {  	v7 =	vld.idx.msk [tilespmem:v4+s6+$0x70 ss:$0x1], $0xffff  }
0x5c1: {  	v8 =	vld.idx.msk [tilespmem:v4+s6+$0x0 ss:$0x1], $0xffff  }
0x5c2: {  	v9 =	vld.idx.msk [tilespmem:v4+s6+$0x10 ss:$0x1], $0xffff  }
0x5c3: {  	v11 =	vld.idx.msk [tilespmem:v4+s6+$0x30 ss:$0x1], $0xffff  }
0x5c4: {  	v12 =	vld.idx.msk [tilespmem:v4+s6+$0x40 ss:$0x1], $0xffff  }
0x5c5: {  	v13 =	vld.idx.msk [tilespmem:v4+s6+$0x50 ss:$0x1], $0xffff  }
0x5c6: {  	(v2sf) =	vpush v5, $0x6;
	v14 =	vld.idx.msk [tilespmem:v4+s6+$0x60 ss:$0x1], $0xffff  }
0x5c7: {  	s14 =	spop (v2sf);
	[tilespmem:s2+$0x270] =	vst.add.f32.msk $0xffff, v7  }
0x5c8: {  	s7 =	sshra.s32 s14, $0x2;
	[tilespmem:s2+$0x200] =	vst.add.f32.msk $0xffff, v8  }
0x5c9: {  	(v2sf) =	vpush v5, $0x7;
	v5 =	vmov s7;
	[tilespmem:s2+$0x210] =	vst.add.f32.msk $0xffff, v9  }
0x5ca: {  	[tilespmem:s2+$0x230] =	vst.add.f32.msk $0xffff, v11  }
0x5cb: {  	[tilespmem:s2+$0x240] =	vst.add.f32.msk $0xffff, v12  }
0x5cc: {  	[tilespmem:s2+$0x250] =	vst.add.f32.msk $0xffff, v13  }
0x5cd: {  	[tilespmem:s2+$0x260] =	vst.add.f32.msk $0xffff, v14  }
0x5ce: {  	v7 =	vld.idx.msk [tilespmem:v5+s6+$0x70 ss:$0x1], $0xffff  }
0x5cf: {  	v8 =	vld.idx.msk [tilespmem:v5+s6+$0x0 ss:$0x1], $0xffff  }
0x5d0: {  	v9 =	vld.idx.msk [tilespmem:v5+s6+$0x10 ss:$0x1], $0xffff  }
0x5d1: {  	v11 =	vld.idx.msk [tilespmem:v5+s6+$0x30 ss:$0x1], $0xffff  }
0x5d2: {  	v12 =	vld.idx.msk [tilespmem:v5+s6+$0x40 ss:$0x1], $0xffff  }
0x5d3: {  	v13 =	vld.idx.msk [tilespmem:v5+s6+$0x50 ss:$0x1], $0xffff  }
0x5d4: {  	v14 =	vld.idx.msk [tilespmem:v5+s6+$0x60 ss:$0x1], $0xffff  }
0x5d5: {  	s15 =	spop (v2sf);
	[tilespmem:s2+$0x2F0] =	vst.add.f32.msk $0xffff, v7  }
0x5d6: {  	s7 =	sshra.s32 s15, $0x2;
	[tilespmem:s2+$0x280] =	vst.add.f32.msk $0xffff, v8  }
0x5d7: {  	v6 =	vmov s7;
	[tilespmem:s2+$0x290] =	vst.add.f32.msk $0xffff, v9  }
0x5d8: {  	[tilespmem:s2+$0x2B0] =	vst.add.f32.msk $0xffff, v11  }
0x5d9: {  	[tilespmem:s2+$0x2C0] =	vst.add.f32.msk $0xffff, v12  }
0x5da: {  	[tilespmem:s2+$0x2D0] =	vst.add.f32.msk $0xffff, v13  }
0x5db: {  	s21 =	spop (v2sf);
	[tilespmem:s2+$0x2E0] =	vst.add.f32.msk $0xffff, v14  }
0x5dc: {  	s7 =	sshra.s32 s21, $0x2;
	v55 =	vld.idx.msk [tilespmem:v6+s6+$0x70 ss:$0x1], $0xffff  }
0x5dd: {  	v7 =	vmov s7;
	v8 =	vld.idx.msk [tilespmem:v6+s6+$0x0 ss:$0x1], $0xffff  }
0x5de: {  	v9 =	vld.idx.msk [tilespmem:v6+s6+$0x10 ss:$0x1], $0xffff  }
0x5df: {  	v11 =	vld.idx.msk [tilespmem:v6+s6+$0x30 ss:$0x1], $0xffff  }
0x5e0: {  	v12 =	vld.idx.msk [tilespmem:v6+s6+$0x40 ss:$0x1], $0xffff  }
0x5e1: {  	[tilespmem:s2+$0x370] =	vst.add.f32.msk $0xffff, v55  }
0x5e2: {  	v10 =	vld.idx.msk [tilespmem:v7+s6+$0x70 ss:$0x1], $0xffff  }
0x5e3: {  	v13 =	vld.idx.msk [tilespmem:v6+s6+$0x50 ss:$0x1], $0xffff  }
0x5e4: {  	v14 =	vld.idx.msk [tilespmem:v6+s6+$0x60 ss:$0x1], $0xffff  }
0x5e5: {  	[tilespmem:s2+$0x300] =	vst.add.f32.msk $0xffff, v8  }
0x5e6: {  	[tilespmem:s2+$0x310] =	vst.add.f32.msk $0xffff, v9  }
0x5e7: {  	[tilespmem:s2+$0x3F0] =	vst.add.f32.msk $0xffff, v10  }
0x5e8: {  	v10 =	vld.idx.msk [tilespmem:v4+s6+$0x20 ss:$0x1], $0xffff  }
0x5e9: {  	[tilespmem:s2+$0x330] =	vst.add.f32.msk $0xffff, v11  }
0x5ea: {  	[tilespmem:s2+$0x340] =	vst.add.f32.msk $0xffff, v12  }
0x5eb: {  	[tilespmem:s2+$0x350] =	vst.add.f32.msk $0xffff, v13  }
0x5ec: {  	[tilespmem:s2+$0x360] =	vst.add.f32.msk $0xffff, v14  }
0x5ed: {  	[tilespmem:s2+$0x220] =	vst.add.f32.msk $0xffff, v10  }
0x5ee: {  	v10 =	vld.idx.msk [tilespmem:v5+s6+$0x20 ss:$0x1], $0xffff  }
0x5ef: {  	v8 =	vld.idx.msk [tilespmem:v7+s6+$0x0 ss:$0x1], $0xffff  }
0x5f0: {  	v9 =	vld.idx.msk [tilespmem:v7+s6+$0x10 ss:$0x1], $0xffff  }
0x5f1: {  	v11 =	vld.idx.msk [tilespmem:v7+s6+$0x30 ss:$0x1], $0xffff  }
0x5f2: {  	v12 =	vld.idx.msk [tilespmem:v7+s6+$0x40 ss:$0x1], $0xffff  }
0x5f3: {  	[tilespmem:s2+$0x2A0] =	vst.add.f32.msk $0xffff, v10  }
0x5f4: {  	v10 =	vld.idx.msk [tilespmem:v6+s6+$0x20 ss:$0x1], $0xffff  }
0x5f5: {  	v13 =	vld.idx.msk [tilespmem:v7+s6+$0x50 ss:$0x1], $0xffff  }
0x5f6: {  	v14 =	vld.idx.msk [tilespmem:v7+s6+$0x60 ss:$0x1], $0xffff  }
0x5f7: {  	[tilespmem:s2+$0x380] =	vst.add.f32.msk $0xffff, v8  }
0x5f8: {  	[tilespmem:s2+$0x390] =	vst.add.f32.msk $0xffff, v9  }
0x5f9: {  	[tilespmem:s2+$0x320] =	vst.add.f32.msk $0xffff, v10  }
0x5fa: {  	v10 =	vld.idx.msk [tilespmem:v7+s6+$0x20 ss:$0x1], $0xffff  }
0x5fb: {  	[tilespmem:s2+$0x3B0] =	vst.add.f32.msk $0xffff, v11  }
0x5fc: {  	[tilespmem:s2+$0x3C0] =	vst.add.f32.msk $0xffff, v12  }
0x5fd: {  	[tilespmem:s2+$0x3D0] =	vst.add.f32.msk $0xffff, v13  }
0x5fe: {  	[tilespmem:s2+$0x3E0] =	vst.add.f32.msk $0xffff, v14  }
0x5ff: {  	s7 =	simm.s32 $0x80;
	s6 =	simm.s32 $0x0;
	[tilespmem:s2+$0x3A0] =	vst.add.f32.msk $0xffff, v10  }
.LBB2_14:
0x600: {  	v8 =	vld.idx.msk [tilespmem:v0+s7+$0x70 ss:$0x1], $0xffff;
	s6 =	sadd.s32 $0x80, s6  }
0x601: {  	v9 =	vld.idx.msk [tilespmem:v0+s7+$0x10 ss:$0x1], $0xffff;
	p0 =	slt.u32 s6, $0x780  }
0x602: {  	v10 =	vld.idx.msk [tilespmem:v0+s7+$0x20 ss:$0x1], $0xffff  }
0x603: {  	v11 =	vld.idx.msk [tilespmem:v0+s7+$0x30 ss:$0x1], $0xffff  }
0x604: {  	v12 =	vld.idx.msk [tilespmem:v0+s7+$0x40 ss:$0x1], $0xffff  }
0x605: {  	s2 =	sadd.s32 $0x400, s2;
	v13 =	vld.idx.msk [tilespmem:v0+s7+$0x50 ss:$0x1], $0xffff  }
0x606: {  	[tilespmem:s2+$0x70] =	vst.add.f32.msk $0xffff, v8  }
0x607: {  	v8 =	vld.idx.msk [tilespmem:v1+s7+$0x70 ss:$0x1], $0xffff  }
0x608: {  	v14 =	vld.idx.msk [tilespmem:v0+s7+$0x60 ss:$0x1], $0xffff  }
0x609: {  	v15 =	vld.idx.msk [tilespmem:v0+s7+$0x0 ss:$0x1], $0xffff  }
0x60a: {  	[tilespmem:s2+$0x10] =	vst.add.f32.msk $0xffff, v9  }
0x60b: {  	[tilespmem:s2+$0x20] =	vst.add.f32.msk $0xffff, v10  }
0x60c: {  	[tilespmem:s2+$0x30] =	vst.add.f32.msk $0xffff, v11  }
0x60d: {  	[tilespmem:s2+$0xF0] =	vst.add.f32.msk $0xffff, v8  }
0x60e: {  	v8 =	vld.idx.msk [tilespmem:v2+s7+$0x70 ss:$0x1], $0xffff  }
0x60f: {  	[tilespmem:s2+$0x0] =	vst.add.f32.msk $0xffff, v15  }
0x610: {  	[tilespmem:s2+$0x40] =	vst.add.f32.msk $0xffff, v12  }
0x611: {  	[tilespmem:s2+$0x50] =	vst.add.f32.msk $0xffff, v13  }
0x612: {  	[tilespmem:s2+$0x60] =	vst.add.f32.msk $0xffff, v14  }
0x613: {  	v9 =	vld.idx.msk [tilespmem:v1+s7+$0x0 ss:$0x1], $0xffff  }
0x614: {  	[tilespmem:s2+$0x170] =	vst.add.f32.msk $0xffff, v8  }
0x615: {  	v8 =	vld.idx.msk [tilespmem:v3+s7+$0x70 ss:$0x1], $0xffff  }
0x616: {  	v10 =	vld.idx.msk [tilespmem:v1+s7+$0x10 ss:$0x1], $0xffff  }
0x617: {  	v11 =	vld.idx.msk [tilespmem:v1+s7+$0x20 ss:$0x1], $0xffff  }
0x618: {  	v12 =	vld.idx.msk [tilespmem:v1+s7+$0x30 ss:$0x1], $0xffff  }
0x619: {  	v13 =	vld.idx.msk [tilespmem:v1+s7+$0x40 ss:$0x1], $0xffff  }
0x61a: {  	v14 =	vld.idx.msk [tilespmem:v1+s7+$0x50 ss:$0x1], $0xffff  }
0x61b: {  	[tilespmem:s2+$0x1F0] =	vst.add.f32.msk $0xffff, v8  }
0x61c: {  	v8 =	vld.idx.msk [tilespmem:v4+s7+$0x70 ss:$0x1], $0xffff  }
0x61d: {  	v15 =	vld.idx.msk [tilespmem:v1+s7+$0x60 ss:$0x1], $0xffff  }
0x61e: {  	[tilespmem:s2+$0x80] =	vst.add.f32.msk $0xffff, v9  }
0x61f: {  	[tilespmem:s2+$0x90] =	vst.add.f32.msk $0xffff, v10  }
0x620: {  	[tilespmem:s2+$0xA0] =	vst.add.f32.msk $0xffff, v11  }
0x621: {  	[tilespmem:s2+$0xB0] =	vst.add.f32.msk $0xffff, v12  }
0x622: {  	[tilespmem:s2+$0x270] =	vst.add.f32.msk $0xffff, v8  }
0x623: {  	v8 =	vld.idx.msk [tilespmem:v5+s7+$0x70 ss:$0x1], $0xffff  }
0x624: {  	[tilespmem:s2+$0xC0] =	vst.add.f32.msk $0xffff, v13  }
0x625: {  	[tilespmem:s2+$0xD0] =	vst.add.f32.msk $0xffff, v14  }
0x626: {  	[tilespmem:s2+$0xE0] =	vst.add.f32.msk $0xffff, v15  }
0x627: {  	v9 =	vld.idx.msk [tilespmem:v2+s7+$0x0 ss:$0x1], $0xffff  }
0x628: {  	v10 =	vld.idx.msk [tilespmem:v2+s7+$0x10 ss:$0x1], $0xffff  }
0x629: {  	[tilespmem:s2+$0x2F0] =	vst.add.f32.msk $0xffff, v8  }
0x62a: {  	v8 =	vld.idx.msk [tilespmem:v6+s7+$0x70 ss:$0x1], $0xffff  }
0x62b: {  	v11 =	vld.idx.msk [tilespmem:v2+s7+$0x20 ss:$0x1], $0xffff  }
0x62c: {  	v12 =	vld.idx.msk [tilespmem:v2+s7+$0x30 ss:$0x1], $0xffff  }
0x62d: {  	v13 =	vld.idx.msk [tilespmem:v2+s7+$0x40 ss:$0x1], $0xffff  }
0x62e: {  	v14 =	vld.idx.msk [tilespmem:v2+s7+$0x50 ss:$0x1], $0xffff  }
0x62f: {  	v15 =	vld.idx.msk [tilespmem:v2+s7+$0x60 ss:$0x1], $0xffff  }
0x630: {  	[tilespmem:s2+$0x370] =	vst.add.f32.msk $0xffff, v8  }
0x631: {  	v8 =	vld.idx.msk [tilespmem:v7+s7+$0x70 ss:$0x1], $0xffff  }
0x632: {  	[tilespmem:s2+$0x100] =	vst.add.f32.msk $0xffff, v9  }
0x633: {  	[tilespmem:s2+$0x110] =	vst.add.f32.msk $0xffff, v10  }
0x634: {  	[tilespmem:s2+$0x120] =	vst.add.f32.msk $0xffff, v11  }
0x635: {  	[tilespmem:s2+$0x130] =	vst.add.f32.msk $0xffff, v12  }
0x636: {  	[tilespmem:s2+$0x140] =	vst.add.f32.msk $0xffff, v13  }
0x637: {  	[tilespmem:s2+$0x3F0] =	vst.add.f32.msk $0xffff, v8  }
0x638: {  	[tilespmem:s2+$0x150] =	vst.add.f32.msk $0xffff, v14  }
0x639: {  	[tilespmem:s2+$0x160] =	vst.add.f32.msk $0xffff, v15  }
0x63a: {  	v8 =	vld.idx.msk [tilespmem:v3+s7+$0x0 ss:$0x1], $0xffff  }
0x63b: {  	v9 =	vld.idx.msk [tilespmem:v3+s7+$0x10 ss:$0x1], $0xffff  }
0x63c: {  	v10 =	vld.idx.msk [tilespmem:v3+s7+$0x20 ss:$0x1], $0xffff  }
0x63d: {  	v11 =	vld.idx.msk [tilespmem:v3+s7+$0x30 ss:$0x1], $0xffff  }
0x63e: {  	v12 =	vld.idx.msk [tilespmem:v3+s7+$0x40 ss:$0x1], $0xffff  }
0x63f: {  	v13 =	vld.idx.msk [tilespmem:v3+s7+$0x50 ss:$0x1], $0xffff  }
0x640: {  	v14 =	vld.idx.msk [tilespmem:v3+s7+$0x60 ss:$0x1], $0xffff  }
0x641: {  	[tilespmem:s2+$0x180] =	vst.add.f32.msk $0xffff, v8  }
0x642: {  	[tilespmem:s2+$0x190] =	vst.add.f32.msk $0xffff, v9  }
0x643: {  	[tilespmem:s2+$0x1A0] =	vst.add.f32.msk $0xffff, v10  }
0x644: {  	[tilespmem:s2+$0x1B0] =	vst.add.f32.msk $0xffff, v11  }
0x645: {  	[tilespmem:s2+$0x1C0] =	vst.add.f32.msk $0xffff, v12  }
0x646: {  	[tilespmem:s2+$0x1D0] =	vst.add.f32.msk $0xffff, v13  }
0x647: {  	[tilespmem:s2+$0x1E0] =	vst.add.f32.msk $0xffff, v14  }
0x648: {  	v8 =	vld.idx.msk [tilespmem:v4+s7+$0x0 ss:$0x1], $0xffff  }
0x649: {  	v9 =	vld.idx.msk [tilespmem:v4+s7+$0x10 ss:$0x1], $0xffff  }
0x64a: {  	v10 =	vld.idx.msk [tilespmem:v4+s7+$0x20 ss:$0x1], $0xffff  }
0x64b: {  	v11 =	vld.idx.msk [tilespmem:v4+s7+$0x30 ss:$0x1], $0xffff  }
0x64c: {  	v12 =	vld.idx.msk [tilespmem:v4+s7+$0x40 ss:$0x1], $0xffff  }
0x64d: {  	v13 =	vld.idx.msk [tilespmem:v4+s7+$0x50 ss:$0x1], $0xffff  }
0x64e: {  	v14 =	vld.idx.msk [tilespmem:v4+s7+$0x60 ss:$0x1], $0xffff  }
0x64f: {  	[tilespmem:s2+$0x200] =	vst.add.f32.msk $0xffff, v8  }
0x650: {  	[tilespmem:s2+$0x210] =	vst.add.f32.msk $0xffff, v9  }
0x651: {  	[tilespmem:s2+$0x220] =	vst.add.f32.msk $0xffff, v10  }
0x652: {  	[tilespmem:s2+$0x230] =	vst.add.f32.msk $0xffff, v11  }
0x653: {  	[tilespmem:s2+$0x240] =	vst.add.f32.msk $0xffff, v12  }
0x654: {  	[tilespmem:s2+$0x250] =	vst.add.f32.msk $0xffff, v13  }
0x655: {  	[tilespmem:s2+$0x260] =	vst.add.f32.msk $0xffff, v14  }
0x656: {  	v8 =	vld.idx.msk [tilespmem:v5+s7+$0x0 ss:$0x1], $0xffff  }
0x657: {  	v9 =	vld.idx.msk [tilespmem:v5+s7+$0x10 ss:$0x1], $0xffff  }
0x658: {  	v10 =	vld.idx.msk [tilespmem:v5+s7+$0x20 ss:$0x1], $0xffff  }
0x659: {  	v11 =	vld.idx.msk [tilespmem:v5+s7+$0x30 ss:$0x1], $0xffff  }
0x65a: {  	v12 =	vld.idx.msk [tilespmem:v5+s7+$0x40 ss:$0x1], $0xffff  }
0x65b: {  	v13 =	vld.idx.msk [tilespmem:v5+s7+$0x50 ss:$0x1], $0xffff  }
0x65c: {  	v14 =	vld.idx.msk [tilespmem:v5+s7+$0x60 ss:$0x1], $0xffff  }
0x65d: {  	[tilespmem:s2+$0x280] =	vst.add.f32.msk $0xffff, v8  }
0x65e: {  	[tilespmem:s2+$0x290] =	vst.add.f32.msk $0xffff, v9  }
0x65f: {  	[tilespmem:s2+$0x2A0] =	vst.add.f32.msk $0xffff, v10  }
0x660: {  	[tilespmem:s2+$0x2B0] =	vst.add.f32.msk $0xffff, v11  }
0x661: {  	[tilespmem:s2+$0x2C0] =	vst.add.f32.msk $0xffff, v12  }
0x662: {  	[tilespmem:s2+$0x2D0] =	vst.add.f32.msk $0xffff, v13  }
0x663: {  	[tilespmem:s2+$0x2E0] =	vst.add.f32.msk $0xffff, v14  }
0x664: {  	v8 =	vld.idx.msk [tilespmem:v6+s7+$0x0 ss:$0x1], $0xffff  }
0x665: {  	v9 =	vld.idx.msk [tilespmem:v6+s7+$0x10 ss:$0x1], $0xffff  }
0x666: {  	v10 =	vld.idx.msk [tilespmem:v6+s7+$0x20 ss:$0x1], $0xffff  }
0x667: {  	v11 =	vld.idx.msk [tilespmem:v6+s7+$0x30 ss:$0x1], $0xffff  }
0x668: {  	v12 =	vld.idx.msk [tilespmem:v6+s7+$0x40 ss:$0x1], $0xffff  }
0x669: {  	v13 =	vld.idx.msk [tilespmem:v6+s7+$0x50 ss:$0x1], $0xffff  }
0x66a: {  	v14 =	vld.idx.msk [tilespmem:v6+s7+$0x60 ss:$0x1], $0xffff  }
0x66b: {  	[tilespmem:s2+$0x300] =	vst.add.f32.msk $0xffff, v8  }
0x66c: {  	[tilespmem:s2+$0x310] =	vst.add.f32.msk $0xffff, v9  }
0x66d: {  	[tilespmem:s2+$0x320] =	vst.add.f32.msk $0xffff, v10  }
0x66e: {  	[tilespmem:s2+$0x330] =	vst.add.f32.msk $0xffff, v11  }
0x66f: {  	[tilespmem:s2+$0x340] =	vst.add.f32.msk $0xffff, v12  }
0x670: {  	[tilespmem:s2+$0x350] =	vst.add.f32.msk $0xffff, v13  }
0x671: {  	[tilespmem:s2+$0x360] =	vst.add.f32.msk $0xffff, v14  }
0x672: {  	v8 =	vld.idx.msk [tilespmem:v7+s7+$0x0 ss:$0x1], $0xffff  }
0x673: {  	v9 =	vld.idx.msk [tilespmem:v7+s7+$0x10 ss:$0x1], $0xffff  }
0x674: {  	v10 =	vld.idx.msk [tilespmem:v7+s7+$0x20 ss:$0x1], $0xffff  }
0x675: {  	v11 =	vld.idx.msk [tilespmem:v7+s7+$0x30 ss:$0x1], $0xffff  }
0x676: {  	v12 =	vld.idx.msk [tilespmem:v7+s7+$0x40 ss:$0x1], $0xffff  }
0x677: {  	v13 =	vld.idx.msk [tilespmem:v7+s7+$0x50 ss:$0x1], $0xffff  }
0x678: {  	v14 =	vld.idx.msk [tilespmem:v7+s7+$0x60 ss:$0x1], $0xffff  }
0x679: {  	[tilespmem:s2+$0x380] =	vst.add.f32.msk $0xffff, v8  }
0x67a: {  	[tilespmem:s2+$0x390] =	vst.add.f32.msk $0xffff, v9  }
.Ltmp6:
0x67b: {  	[tilespmem:s2+$0x3A0] =	vst.add.f32.msk $0xffff, v10;
	(pc) =	sbr.rel @p0 .LBB2_14-.Ltmp6, $4  }
0x67c: {  	[tilespmem:s2+$0x3B0] =	vst.add.f32.msk $0xffff, v11  }
0x67d: {  	[tilespmem:s2+$0x3C0] =	vst.add.f32.msk $0xffff, v12  }
0x67e: {  	[tilespmem:s2+$0x3D0] =	vst.add.f32.msk $0xffff, v13  }
0x67f: {  	s7 =	sadd.s32 $0x80, s7;
	[tilespmem:s2+$0x3E0] =	vst.add.f32.msk $0xffff, v14  }
0x680: {  	s6 =	simm.s32 $0x0;
	s2 =	rddreg [dreg:$0xb]  }
0x681: {  	[hbm4b:s2+s6] =	stream.linear.scatter [tilespmem:s25], [sflag:$0x6], $0x4000, $0x38;
	[tilespmem:$0x1C480] =	vst v63  }
0x682: {  	_ =	swait.ge [sflag:s30], $0x4000  }
0x683: {  	[sflag:s30] =	ssyncset.done $0x0  }
0x684: {  	[sflag:s30] =	ssyncadd.s32 $0xFFFFC000  }
0x685: {  	[tilespmem:s22], [sflag:$0x2] =	stream.linear.gather [hbm4b:s16+s6], $0x4000, $0x38;
	[tilespmem:$0x1C480] =	vst v63  }
0x686: {  	_ =	swait.ge [sflag:s23], $0x4000  }
0x687: {  	[sflag:s23] =	ssyncset.done $0x0  }
0x688: {  	[sflag:s23] =	ssyncadd.s32 $0xFFFFC000  }
0x689: {  	v0 =	vld [tilespmem:$0x103F0];
	_ =	sdelay $0x4  }
0x68a: {  	v5 =	vshll.u32 v0, $0xD  }
0x68b: {  	(v2sf) =	vpush v5, $0x0;
	_ =	sdelay $0xb  }
0x68c: {  	(v2sf) =	vpush v5, $0x1;
	_ =	sdelay $0x2  }
0x68d: {  	s7 =	spop (v2sf)  }
0x68e: {  	s2 =	sshra.s32 s7, $0x2  }
0x68f: {  	v0 =	vmov s2;
	_ =	sdelay $0x4  }
0x690: {  	v2 =	vld.idx.msk [tilespmem:v0+s6+$0x70 ss:$0x1], $0xffff  }
0x691: {  	v3 =	vld.idx.msk [tilespmem:v0+s6+$0x10 ss:$0x1], $0xffff  }
0x692: {  	v4 =	vld.idx.msk [tilespmem:v0+s6+$0x20 ss:$0x1], $0xffff  }
0x693: {  	v6 =	vld.idx.msk [tilespmem:v0+s6+$0x30 ss:$0x1], $0xffff  }
0x694: {  	v7 =	vld.idx.msk [tilespmem:v0+s6+$0x40 ss:$0x1], $0xffff  }
0x695: {  	s9 =	spop (v2sf);
	v8 =	vld.idx.msk [tilespmem:v0+s6+$0x50 ss:$0x1], $0xffff  }
0x696: {  	s2 =	sshra.s32 s9, $0x2;
	v10 =	vld.idx.msk [tilespmem:v0+s6+$0x60 ss:$0x1], $0xffff  }
0x697: {  	v1 =	vmov s2;
	s2 =	simm.s32 $0x10480;
	v11 =	vld.idx.msk [tilespmem:v0+s6+$0x0 ss:$0x1], $0xffff  }
0x698: {  	[tilespmem:s2+$0x70] =	vst.add.f32.msk $0xffff, v2  }
0x699: {  	[tilespmem:s2+$0x10] =	vst.add.f32.msk $0xffff, v3  }
0x69a: {  	(v2sf) =	vpush v5, $0x2;
	[tilespmem:s2+$0x20] =	vst.add.f32.msk $0xffff, v4  }
0x69b: {  	[tilespmem:s2+$0x30] =	vst.add.f32.msk $0xffff, v6  }
0x69c: {  	[tilespmem:s2+$0x0] =	vst.add.f32.msk $0xffff, v11  }
0x69d: {  	[tilespmem:s2+$0x40] =	vst.add.f32.msk $0xffff, v7  }
0x69e: {  	[tilespmem:s2+$0x50] =	vst.add.f32.msk $0xffff, v8  }
0x69f: {  	[tilespmem:s2+$0x60] =	vst.add.f32.msk $0xffff, v10  }
0x6a0: {  	v9 =	vld.idx.msk [tilespmem:v1+s6+$0x70 ss:$0x1], $0xffff  }
0x6a1: {  	v6 =	vld.idx.msk [tilespmem:v1+s6+$0x0 ss:$0x1], $0xffff  }
0x6a2: {  	v8 =	vld.idx.msk [tilespmem:v1+s6+$0x10 ss:$0x1], $0xffff  }
0x6a3: {  	v51 =	vld.idx.msk [tilespmem:v1+s6+$0x20 ss:$0x1], $0xffff  }
0x6a4: {  	v52 =	vld.idx.msk [tilespmem:v1+s6+$0x30 ss:$0x1], $0xffff  }
0x6a5: {  	v53 =	vld.idx.msk [tilespmem:v1+s6+$0x40 ss:$0x1], $0xffff  }
0x6a6: {  	v12 =	vld.idx.msk [tilespmem:v1+s6+$0x50 ss:$0x1], $0xffff  }
0x6a7: {  	v13 =	vld.idx.msk [tilespmem:v1+s6+$0x60 ss:$0x1], $0xffff  }
0x6a8: {  	[tilespmem:s2+$0xF0] =	vst.add.f32.msk $0xffff, v9  }
0x6a9: {  	s7 =	spop (v2sf);
	[tilespmem:s2+$0x80] =	vst.add.f32.msk $0xffff, v6  }
0x6aa: {  	(v2sf) =	vpush v5, $0x3;
	s7 =	sshra.s32 s7, $0x2;
	[tilespmem:s2+$0x90] =	vst.add.f32.msk $0xffff, v8  }
0x6ab: {  	v2 =	vmov s7;
	[tilespmem:s2+$0xA0] =	vst.add.f32.msk $0xffff, v51  }
0x6ac: {  	[tilespmem:s2+$0xB0] =	vst.add.f32.msk $0xffff, v52  }
0x6ad: {  	[tilespmem:s2+$0xC0] =	vst.add.f32.msk $0xffff, v53  }
0x6ae: {  	[tilespmem:s2+$0xD0] =	vst.add.f32.msk $0xffff, v12  }
0x6af: {  	[tilespmem:s2+$0xE0] =	vst.add.f32.msk $0xffff, v13  }
0x6b0: {  	v4 =	vld.idx.msk [tilespmem:v2+s6+$0x70 ss:$0x1], $0xffff  }
0x6b1: {  	v8 =	vld.idx.msk [tilespmem:v2+s6+$0x0 ss:$0x1], $0xffff  }
0x6b2: {  	v54 =	vld.idx.msk [tilespmem:v2+s6+$0x10 ss:$0x1], $0xffff  }
0x6b3: {  	v56 =	vld.idx.msk [tilespmem:v2+s6+$0x20 ss:$0x1], $0xffff  }
0x6b4: {  	v57 =	vld.idx.msk [tilespmem:v2+s6+$0x30 ss:$0x1], $0xffff  }
0x6b5: {  	v58 =	vld.idx.msk [tilespmem:v2+s6+$0x40 ss:$0x1], $0xffff  }
0x6b6: {  	v14 =	vld.idx.msk [tilespmem:v2+s6+$0x50 ss:$0x1], $0xffff  }
0x6b7: {  	v15 =	vld.idx.msk [tilespmem:v2+s6+$0x60 ss:$0x1], $0xffff  }
0x6b8: {  	[tilespmem:s2+$0x170] =	vst.add.f32.msk $0xffff, v4  }
0x6b9: {  	s11 =	spop (v2sf);
	[tilespmem:s2+$0x100] =	vst.add.f32.msk $0xffff, v8  }
0x6ba: {  	(v2sf) =	vpush v5, $0x4;
	s7 =	sshra.s32 s11, $0x2;
	[tilespmem:s2+$0x110] =	vst.add.f32.msk $0xffff, v54  }
0x6bb: {  	v3 =	vmov s7;
	[tilespmem:s2+$0x120] =	vst.add.f32.msk $0xffff, v56  }
0x6bc: {  	[tilespmem:s2+$0x130] =	vst.add.f32.msk $0xffff, v57  }
0x6bd: {  	[tilespmem:s2+$0x140] =	vst.add.f32.msk $0xffff, v58  }
0x6be: {  	[tilespmem:s2+$0x150] =	vst.add.f32.msk $0xffff, v14  }
0x6bf: {  	[tilespmem:s2+$0x160] =	vst.add.f32.msk $0xffff, v15  }
0x6c0: {  	v7 =	vld.idx.msk [tilespmem:v3+s6+$0x70 ss:$0x1], $0xffff  }
0x6c1: {  	v8 =	vld.idx.msk [tilespmem:v3+s6+$0x0 ss:$0x1], $0xffff  }
0x6c2: {  	v9 =	vld.idx.msk [tilespmem:v3+s6+$0x10 ss:$0x1], $0xffff  }
0x6c3: {  	v59 =	vld.idx.msk [tilespmem:v3+s6+$0x20 ss:$0x1], $0xffff  }
0x6c4: {  	v60 =	vld.idx.msk [tilespmem:v3+s6+$0x30 ss:$0x1], $0xffff  }
0x6c5: {  	v61 =	vld.idx.msk [tilespmem:v3+s6+$0x40 ss:$0x1], $0xffff  }
0x6c6: {  	v62 =	vld.idx.msk [tilespmem:v3+s6+$0x50 ss:$0x1], $0xffff  }
0x6c7: {  	v63 =	vld.idx.msk [tilespmem:v3+s6+$0x60 ss:$0x1], $0xffff  }
0x6c8: {  	(v2sf) =	vpush v5, $0x5;
	[tilespmem:s2+$0x1F0] =	vst.add.f32.msk $0xffff, v7  }
0x6c9: {  	s12 =	spop (v2sf);
	[tilespmem:s2+$0x180] =	vst.add.f32.msk $0xffff, v8  }
0x6ca: {  	s7 =	sshra.s32 s12, $0x2;
	[tilespmem:s2+$0x190] =	vst.add.f32.msk $0xffff, v9  }
0x6cb: {  	v4 =	vmov s7;
	[tilespmem:s2+$0x1A0] =	vst.add.f32.msk $0xffff, v59  }
0x6cc: {  	[tilespmem:s2+$0x1B0] =	vst.add.f32.msk $0xffff, v60  }
0x6cd: {  	[tilespmem:s2+$0x1C0] =	vst.add.f32.msk $0xffff, v61  }
0x6ce: {  	[tilespmem:s2+$0x1D0] =	vst.add.f32.msk $0xffff, v62  }
0x6cf: {  	[tilespmem:s2+$0x1E0] =	vst.add.f32.msk $0xffff, v63  }
0x6d0: {  	v7 =	vld.idx.msk [tilespmem:v4+s6+$0x70 ss:$0x1], $0xffff  }
0x6d1: {  	v8 =	vld.idx.msk [tilespmem:v4+s6+$0x0 ss:$0x1], $0xffff  }
0x6d2: {  	v9 =	vld.idx.msk [tilespmem:v4+s6+$0x10 ss:$0x1], $0xffff  }
0x6d3: {  	v11 =	vld.idx.msk [tilespmem:v4+s6+$0x30 ss:$0x1], $0xffff  }
0x6d4: {  	v12 =	vld.idx.msk [tilespmem:v4+s6+$0x40 ss:$0x1], $0xffff  }
0x6d5: {  	v13 =	vld.idx.msk [tilespmem:v4+s6+$0x50 ss:$0x1], $0xffff  }
0x6d6: {  	(v2sf) =	vpush v5, $0x6;
	v14 =	vld.idx.msk [tilespmem:v4+s6+$0x60 ss:$0x1], $0xffff  }
0x6d7: {  	s14 =	spop (v2sf);
	[tilespmem:s2+$0x270] =	vst.add.f32.msk $0xffff, v7  }
0x6d8: {  	s7 =	sshra.s32 s14, $0x2;
	[tilespmem:s2+$0x200] =	vst.add.f32.msk $0xffff, v8  }
0x6d9: {  	(v2sf) =	vpush v5, $0x7;
	v5 =	vmov s7;
	[tilespmem:s2+$0x210] =	vst.add.f32.msk $0xffff, v9  }
0x6da: {  	[tilespmem:s2+$0x230] =	vst.add.f32.msk $0xffff, v11  }
0x6db: {  	[tilespmem:s2+$0x240] =	vst.add.f32.msk $0xffff, v12  }
0x6dc: {  	[tilespmem:s2+$0x250] =	vst.add.f32.msk $0xffff, v13  }
0x6dd: {  	[tilespmem:s2+$0x260] =	vst.add.f32.msk $0xffff, v14  }
0x6de: {  	v7 =	vld.idx.msk [tilespmem:v5+s6+$0x70 ss:$0x1], $0xffff  }
0x6df: {  	v8 =	vld.idx.msk [tilespmem:v5+s6+$0x0 ss:$0x1], $0xffff  }
0x6e0: {  	v9 =	vld.idx.msk [tilespmem:v5+s6+$0x10 ss:$0x1], $0xffff  }
0x6e1: {  	v11 =	vld.idx.msk [tilespmem:v5+s6+$0x30 ss:$0x1], $0xffff  }
0x6e2: {  	v12 =	vld.idx.msk [tilespmem:v5+s6+$0x40 ss:$0x1], $0xffff  }
0x6e3: {  	v13 =	vld.idx.msk [tilespmem:v5+s6+$0x50 ss:$0x1], $0xffff  }
0x6e4: {  	v14 =	vld.idx.msk [tilespmem:v5+s6+$0x60 ss:$0x1], $0xffff  }
0x6e5: {  	s15 =	spop (v2sf);
	[tilespmem:s2+$0x2F0] =	vst.add.f32.msk $0xffff, v7  }
0x6e6: {  	s7 =	sshra.s32 s15, $0x2;
	[tilespmem:s2+$0x280] =	vst.add.f32.msk $0xffff, v8  }
0x6e7: {  	v6 =	vmov s7;
	[tilespmem:s2+$0x290] =	vst.add.f32.msk $0xffff, v9  }
0x6e8: {  	[tilespmem:s2+$0x2B0] =	vst.add.f32.msk $0xffff, v11  }
0x6e9: {  	[tilespmem:s2+$0x2C0] =	vst.add.f32.msk $0xffff, v12  }
0x6ea: {  	[tilespmem:s2+$0x2D0] =	vst.add.f32.msk $0xffff, v13  }
0x6eb: {  	s21 =	spop (v2sf);
	[tilespmem:s2+$0x2E0] =	vst.add.f32.msk $0xffff, v14  }
0x6ec: {  	s7 =	sshra.s32 s21, $0x2;
	v55 =	vld.idx.msk [tilespmem:v6+s6+$0x70 ss:$0x1], $0xffff  }
0x6ed: {  	v7 =	vmov s7;
	v8 =	vld.idx.msk [tilespmem:v6+s6+$0x0 ss:$0x1], $0xffff  }
0x6ee: {  	v9 =	vld.idx.msk [tilespmem:v6+s6+$0x10 ss:$0x1], $0xffff  }
0x6ef: {  	v11 =	vld.idx.msk [tilespmem:v6+s6+$0x30 ss:$0x1], $0xffff  }
0x6f0: {  	v12 =	vld.idx.msk [tilespmem:v6+s6+$0x40 ss:$0x1], $0xffff  }
0x6f1: {  	[tilespmem:s2+$0x370] =	vst.add.f32.msk $0xffff, v55  }
0x6f2: {  	v10 =	vld.idx.msk [tilespmem:v7+s6+$0x70 ss:$0x1], $0xffff  }
0x6f3: {  	v13 =	vld.idx.msk [tilespmem:v6+s6+$0x50 ss:$0x1], $0xffff  }
0x6f4: {  	v14 =	vld.idx.msk [tilespmem:v6+s6+$0x60 ss:$0x1], $0xffff  }
0x6f5: {  	[tilespmem:s2+$0x300] =	vst.add.f32.msk $0xffff, v8  }
0x6f6: {  	[tilespmem:s2+$0x310] =	vst.add.f32.msk $0xffff, v9  }
0x6f7: {  	[tilespmem:s2+$0x3F0] =	vst.add.f32.msk $0xffff, v10  }
0x6f8: {  	v10 =	vld.idx.msk [tilespmem:v4+s6+$0x20 ss:$0x1], $0xffff  }
0x6f9: {  	[tilespmem:s2+$0x330] =	vst.add.f32.msk $0xffff, v11  }
0x6fa: {  	[tilespmem:s2+$0x340] =	vst.add.f32.msk $0xffff, v12  }
0x6fb: {  	[tilespmem:s2+$0x350] =	vst.add.f32.msk $0xffff, v13  }
0x6fc: {  	[tilespmem:s2+$0x360] =	vst.add.f32.msk $0xffff, v14  }
0x6fd: {  	[tilespmem:s2+$0x220] =	vst.add.f32.msk $0xffff, v10  }
0x6fe: {  	v10 =	vld.idx.msk [tilespmem:v5+s6+$0x20 ss:$0x1], $0xffff  }
0x6ff: {  	v8 =	vld.idx.msk [tilespmem:v7+s6+$0x0 ss:$0x1], $0xffff  }
0x700: {  	v9 =	vld.idx.msk [tilespmem:v7+s6+$0x10 ss:$0x1], $0xffff  }
0x701: {  	v11 =	vld.idx.msk [tilespmem:v7+s6+$0x30 ss:$0x1], $0xffff  }
0x702: {  	v12 =	vld.idx.msk [tilespmem:v7+s6+$0x40 ss:$0x1], $0xffff  }
0x703: {  	[tilespmem:s2+$0x2A0] =	vst.add.f32.msk $0xffff, v10  }
0x704: {  	v10 =	vld.idx.msk [tilespmem:v6+s6+$0x20 ss:$0x1], $0xffff  }
0x705: {  	v13 =	vld.idx.msk [tilespmem:v7+s6+$0x50 ss:$0x1], $0xffff  }
0x706: {  	v14 =	vld.idx.msk [tilespmem:v7+s6+$0x60 ss:$0x1], $0xffff  }
0x707: {  	[tilespmem:s2+$0x380] =	vst.add.f32.msk $0xffff, v8  }
0x708: {  	[tilespmem:s2+$0x390] =	vst.add.f32.msk $0xffff, v9  }
0x709: {  	[tilespmem:s2+$0x320] =	vst.add.f32.msk $0xffff, v10  }
0x70a: {  	v10 =	vld.idx.msk [tilespmem:v7+s6+$0x20 ss:$0x1], $0xffff  }
0x70b: {  	[tilespmem:s2+$0x3B0] =	vst.add.f32.msk $0xffff, v11  }
0x70c: {  	[tilespmem:s2+$0x3C0] =	vst.add.f32.msk $0xffff, v12  }
0x70d: {  	[tilespmem:s2+$0x3D0] =	vst.add.f32.msk $0xffff, v13  }
0x70e: {  	[tilespmem:s2+$0x3E0] =	vst.add.f32.msk $0xffff, v14  }
0x70f: {  	s7 =	simm.s32 $0x80;
	s6 =	simm.s32 $0x0;
	[tilespmem:s2+$0x3A0] =	vst.add.f32.msk $0xffff, v10  }
.LBB2_16:
0x710: {  	v8 =	vld.idx.msk [tilespmem:v0+s7+$0x70 ss:$0x1], $0xffff;
	s6 =	sadd.s32 $0x80, s6  }
0x711: {  	v9 =	vld.idx.msk [tilespmem:v0+s7+$0x10 ss:$0x1], $0xffff;
	p0 =	slt.u32 s6, $0x780  }
0x712: {  	v10 =	vld.idx.msk [tilespmem:v0+s7+$0x20 ss:$0x1], $0xffff  }
0x713: {  	v11 =	vld.idx.msk [tilespmem:v0+s7+$0x30 ss:$0x1], $0xffff  }
0x714: {  	v12 =	vld.idx.msk [tilespmem:v0+s7+$0x40 ss:$0x1], $0xffff  }
0x715: {  	s2 =	sadd.s32 $0x400, s2;
	v13 =	vld.idx.msk [tilespmem:v0+s7+$0x50 ss:$0x1], $0xffff  }
0x716: {  	[tilespmem:s2+$0x70] =	vst.add.f32.msk $0xffff, v8  }
0x717: {  	v8 =	vld.idx.msk [tilespmem:v1+s7+$0x70 ss:$0x1], $0xffff  }
0x718: {  	v14 =	vld.idx.msk [tilespmem:v0+s7+$0x60 ss:$0x1], $0xffff  }
0x719: {  	v15 =	vld.idx.msk [tilespmem:v0+s7+$0x0 ss:$0x1], $0xffff  }
0x71a: {  	[tilespmem:s2+$0x10] =	vst.add.f32.msk $0xffff, v9  }
0x71b: {  	[tilespmem:s2+$0x20] =	vst.add.f32.msk $0xffff, v10  }
0x71c: {  	[tilespmem:s2+$0x30] =	vst.add.f32.msk $0xffff, v11  }
0x71d: {  	[tilespmem:s2+$0xF0] =	vst.add.f32.msk $0xffff, v8  }
0x71e: {  	v8 =	vld.idx.msk [tilespmem:v2+s7+$0x70 ss:$0x1], $0xffff  }
0x71f: {  	[tilespmem:s2+$0x0] =	vst.add.f32.msk $0xffff, v15  }
0x720: {  	[tilespmem:s2+$0x40] =	vst.add.f32.msk $0xffff, v12  }
0x721: {  	[tilespmem:s2+$0x50] =	vst.add.f32.msk $0xffff, v13  }
0x722: {  	[tilespmem:s2+$0x60] =	vst.add.f32.msk $0xffff, v14  }
0x723: {  	v9 =	vld.idx.msk [tilespmem:v1+s7+$0x0 ss:$0x1], $0xffff  }
0x724: {  	[tilespmem:s2+$0x170] =	vst.add.f32.msk $0xffff, v8  }
0x725: {  	v8 =	vld.idx.msk [tilespmem:v3+s7+$0x70 ss:$0x1], $0xffff  }
0x726: {  	v10 =	vld.idx.msk [tilespmem:v1+s7+$0x10 ss:$0x1], $0xffff  }
0x727: {  	v11 =	vld.idx.msk [tilespmem:v1+s7+$0x20 ss:$0x1], $0xffff  }
0x728: {  	v12 =	vld.idx.msk [tilespmem:v1+s7+$0x30 ss:$0x1], $0xffff  }
0x729: {  	v13 =	vld.idx.msk [tilespmem:v1+s7+$0x40 ss:$0x1], $0xffff  }
0x72a: {  	v14 =	vld.idx.msk [tilespmem:v1+s7+$0x50 ss:$0x1], $0xffff  }
0x72b: {  	[tilespmem:s2+$0x1F0] =	vst.add.f32.msk $0xffff, v8  }
0x72c: {  	v8 =	vld.idx.msk [tilespmem:v4+s7+$0x70 ss:$0x1], $0xffff  }
0x72d: {  	v15 =	vld.idx.msk [tilespmem:v1+s7+$0x60 ss:$0x1], $0xffff  }
0x72e: {  	[tilespmem:s2+$0x80] =	vst.add.f32.msk $0xffff, v9  }
0x72f: {  	[tilespmem:s2+$0x90] =	vst.add.f32.msk $0xffff, v10  }
0x730: {  	[tilespmem:s2+$0xA0] =	vst.add.f32.msk $0xffff, v11  }
0x731: {  	[tilespmem:s2+$0xB0] =	vst.add.f32.msk $0xffff, v12  }
0x732: {  	[tilespmem:s2+$0x270] =	vst.add.f32.msk $0xffff, v8  }
0x733: {  	v8 =	vld.idx.msk [tilespmem:v5+s7+$0x70 ss:$0x1], $0xffff  }
0x734: {  	[tilespmem:s2+$0xC0] =	vst.add.f32.msk $0xffff, v13  }
0x735: {  	[tilespmem:s2+$0xD0] =	vst.add.f32.msk $0xffff, v14  }
0x736: {  	[tilespmem:s2+$0xE0] =	vst.add.f32.msk $0xffff, v15  }
0x737: {  	v9 =	vld.idx.msk [tilespmem:v2+s7+$0x0 ss:$0x1], $0xffff  }
0x738: {  	v10 =	vld.idx.msk [tilespmem:v2+s7+$0x10 ss:$0x1], $0xffff  }
0x739: {  	[tilespmem:s2+$0x2F0] =	vst.add.f32.msk $0xffff, v8  }
0x73a: {  	v8 =	vld.idx.msk [tilespmem:v6+s7+$0x70 ss:$0x1], $0xffff  }
0x73b: {  	v11 =	vld.idx.msk [tilespmem:v2+s7+$0x20 ss:$0x1], $0xffff  }
0x73c: {  	v12 =	vld.idx.msk [tilespmem:v2+s7+$0x30 ss:$0x1], $0xffff  }
0x73d: {  	v13 =	vld.idx.msk [tilespmem:v2+s7+$0x40 ss:$0x1], $0xffff  }
0x73e: {  	v14 =	vld.idx.msk [tilespmem:v2+s7+$0x50 ss:$0x1], $0xffff  }
0x73f: {  	v15 =	vld.idx.msk [tilespmem:v2+s7+$0x60 ss:$0x1], $0xffff  }
0x740: {  	[tilespmem:s2+$0x370] =	vst.add.f32.msk $0xffff, v8  }
0x741: {  	v8 =	vld.idx.msk [tilespmem:v7+s7+$0x70 ss:$0x1], $0xffff  }
0x742: {  	[tilespmem:s2+$0x100] =	vst.add.f32.msk $0xffff, v9  }
0x743: {  	[tilespmem:s2+$0x110] =	vst.add.f32.msk $0xffff, v10  }
0x744: {  	[tilespmem:s2+$0x120] =	vst.add.f32.msk $0xffff, v11  }
0x745: {  	[tilespmem:s2+$0x130] =	vst.add.f32.msk $0xffff, v12  }
0x746: {  	[tilespmem:s2+$0x140] =	vst.add.f32.msk $0xffff, v13  }
0x747: {  	[tilespmem:s2+$0x3F0] =	vst.add.f32.msk $0xffff, v8  }
0x748: {  	[tilespmem:s2+$0x150] =	vst.add.f32.msk $0xffff, v14  }
0x749: {  	[tilespmem:s2+$0x160] =	vst.add.f32.msk $0xffff, v15  }
0x74a: {  	v8 =	vld.idx.msk [tilespmem:v3+s7+$0x0 ss:$0x1], $0xffff  }
0x74b: {  	v9 =	vld.idx.msk [tilespmem:v3+s7+$0x10 ss:$0x1], $0xffff  }
0x74c: {  	v10 =	vld.idx.msk [tilespmem:v3+s7+$0x20 ss:$0x1], $0xffff  }
0x74d: {  	v11 =	vld.idx.msk [tilespmem:v3+s7+$0x30 ss:$0x1], $0xffff  }
0x74e: {  	v12 =	vld.idx.msk [tilespmem:v3+s7+$0x40 ss:$0x1], $0xffff  }
0x74f: {  	v13 =	vld.idx.msk [tilespmem:v3+s7+$0x50 ss:$0x1], $0xffff  }
0x750: {  	v14 =	vld.idx.msk [tilespmem:v3+s7+$0x60 ss:$0x1], $0xffff  }
0x751: {  	[tilespmem:s2+$0x180] =	vst.add.f32.msk $0xffff, v8  }
0x752: {  	[tilespmem:s2+$0x190] =	vst.add.f32.msk $0xffff, v9  }
0x753: {  	[tilespmem:s2+$0x1A0] =	vst.add.f32.msk $0xffff, v10  }
0x754: {  	[tilespmem:s2+$0x1B0] =	vst.add.f32.msk $0xffff, v11  }
0x755: {  	[tilespmem:s2+$0x1C0] =	vst.add.f32.msk $0xffff, v12  }
0x756: {  	[tilespmem:s2+$0x1D0] =	vst.add.f32.msk $0xffff, v13  }
0x757: {  	[tilespmem:s2+$0x1E0] =	vst.add.f32.msk $0xffff, v14  }
0x758: {  	v8 =	vld.idx.msk [tilespmem:v4+s7+$0x0 ss:$0x1], $0xffff  }
0x759: {  	v9 =	vld.idx.msk [tilespmem:v4+s7+$0x10 ss:$0x1], $0xffff  }
0x75a: {  	v10 =	vld.idx.msk [tilespmem:v4+s7+$0x20 ss:$0x1], $0xffff  }
0x75b: {  	v11 =	vld.idx.msk [tilespmem:v4+s7+$0x30 ss:$0x1], $0xffff  }
0x75c: {  	v12 =	vld.idx.msk [tilespmem:v4+s7+$0x40 ss:$0x1], $0xffff  }
0x75d: {  	v13 =	vld.idx.msk [tilespmem:v4+s7+$0x50 ss:$0x1], $0xffff  }
0x75e: {  	v14 =	vld.idx.msk [tilespmem:v4+s7+$0x60 ss:$0x1], $0xffff  }
0x75f: {  	[tilespmem:s2+$0x200] =	vst.add.f32.msk $0xffff, v8  }
0x760: {  	[tilespmem:s2+$0x210] =	vst.add.f32.msk $0xffff, v9  }
0x761: {  	[tilespmem:s2+$0x220] =	vst.add.f32.msk $0xffff, v10  }
0x762: {  	[tilespmem:s2+$0x230] =	vst.add.f32.msk $0xffff, v11  }
0x763: {  	[tilespmem:s2+$0x240] =	vst.add.f32.msk $0xffff, v12  }
0x764: {  	[tilespmem:s2+$0x250] =	vst.add.f32.msk $0xffff, v13  }
0x765: {  	[tilespmem:s2+$0x260] =	vst.add.f32.msk $0xffff, v14  }
0x766: {  	v8 =	vld.idx.msk [tilespmem:v5+s7+$0x0 ss:$0x1], $0xffff  }
0x767: {  	v9 =	vld.idx.msk [tilespmem:v5+s7+$0x10 ss:$0x1], $0xffff  }
0x768: {  	v10 =	vld.idx.msk [tilespmem:v5+s7+$0x20 ss:$0x1], $0xffff  }
0x769: {  	v11 =	vld.idx.msk [tilespmem:v5+s7+$0x30 ss:$0x1], $0xffff  }
0x76a: {  	v12 =	vld.idx.msk [tilespmem:v5+s7+$0x40 ss:$0x1], $0xffff  }
0x76b: {  	v13 =	vld.idx.msk [tilespmem:v5+s7+$0x50 ss:$0x1], $0xffff  }
0x76c: {  	v14 =	vld.idx.msk [tilespmem:v5+s7+$0x60 ss:$0x1], $0xffff  }
0x76d: {  	[tilespmem:s2+$0x280] =	vst.add.f32.msk $0xffff, v8  }
0x76e: {  	[tilespmem:s2+$0x290] =	vst.add.f32.msk $0xffff, v9  }
0x76f: {  	[tilespmem:s2+$0x2A0] =	vst.add.f32.msk $0xffff, v10  }
0x770: {  	[tilespmem:s2+$0x2B0] =	vst.add.f32.msk $0xffff, v11  }
0x771: {  	[tilespmem:s2+$0x2C0] =	vst.add.f32.msk $0xffff, v12  }
0x772: {  	[tilespmem:s2+$0x2D0] =	vst.add.f32.msk $0xffff, v13  }
0x773: {  	[tilespmem:s2+$0x2E0] =	vst.add.f32.msk $0xffff, v14  }
0x774: {  	v8 =	vld.idx.msk [tilespmem:v6+s7+$0x0 ss:$0x1], $0xffff  }
0x775: {  	v9 =	vld.idx.msk [tilespmem:v6+s7+$0x10 ss:$0x1], $0xffff  }
0x776: {  	v10 =	vld.idx.msk [tilespmem:v6+s7+$0x20 ss:$0x1], $0xffff  }
0x777: {  	v11 =	vld.idx.msk [tilespmem:v6+s7+$0x30 ss:$0x1], $0xffff  }
0x778: {  	v12 =	vld.idx.msk [tilespmem:v6+s7+$0x40 ss:$0x1], $0xffff  }
0x779: {  	v13 =	vld.idx.msk [tilespmem:v6+s7+$0x50 ss:$0x1], $0xffff  }
0x77a: {  	v14 =	vld.idx.msk [tilespmem:v6+s7+$0x60 ss:$0x1], $0xffff  }
0x77b: {  	[tilespmem:s2+$0x300] =	vst.add.f32.msk $0xffff, v8  }
0x77c: {  	[tilespmem:s2+$0x310] =	vst.add.f32.msk $0xffff, v9  }
0x77d: {  	[tilespmem:s2+$0x320] =	vst.add.f32.msk $0xffff, v10  }
0x77e: {  	[tilespmem:s2+$0x330] =	vst.add.f32.msk $0xffff, v11  }
0x77f: {  	[tilespmem:s2+$0x340] =	vst.add.f32.msk $0xffff, v12  }
0x780: {  	[tilespmem:s2+$0x350] =	vst.add.f32.msk $0xffff, v13  }
0x781: {  	[tilespmem:s2+$0x360] =	vst.add.f32.msk $0xffff, v14  }
0x782: {  	v8 =	vld.idx.msk [tilespmem:v7+s7+$0x0 ss:$0x1], $0xffff  }
0x783: {  	v9 =	vld.idx.msk [tilespmem:v7+s7+$0x10 ss:$0x1], $0xffff  }
0x784: {  	v10 =	vld.idx.msk [tilespmem:v7+s7+$0x20 ss:$0x1], $0xffff  }
0x785: {  	v11 =	vld.idx.msk [tilespmem:v7+s7+$0x30 ss:$0x1], $0xffff  }
0x786: {  	v12 =	vld.idx.msk [tilespmem:v7+s7+$0x40 ss:$0x1], $0xffff  }
0x787: {  	v13 =	vld.idx.msk [tilespmem:v7+s7+$0x50 ss:$0x1], $0xffff  }
0x788: {  	v14 =	vld.idx.msk [tilespmem:v7+s7+$0x60 ss:$0x1], $0xffff  }
0x789: {  	[tilespmem:s2+$0x380] =	vst.add.f32.msk $0xffff, v8  }
0x78a: {  	[tilespmem:s2+$0x390] =	vst.add.f32.msk $0xffff, v9  }
.Ltmp7:
0x78b: {  	[tilespmem:s2+$0x3A0] =	vst.add.f32.msk $0xffff, v10;
	(pc) =	sbr.rel @p0 .LBB2_16-.Ltmp7, $4  }
0x78c: {  	[tilespmem:s2+$0x3B0] =	vst.add.f32.msk $0xffff, v11  }
0x78d: {  	[tilespmem:s2+$0x3C0] =	vst.add.f32.msk $0xffff, v12  }
0x78e: {  	[tilespmem:s2+$0x3D0] =	vst.add.f32.msk $0xffff, v13  }
0x78f: {  	s7 =	sadd.s32 $0x80, s7;
	[tilespmem:s2+$0x3E0] =	vst.add.f32.msk $0xffff, v14  }
0x790: {  	s6 =	simm.s32 $0x0  }
0x791: {  	[hbm4b:s17+s6] =	stream.linear.scatter [tilespmem:s24], [sflag:$0x4], $0x4000, $0x38;
	[tilespmem:$0x1C480] =	vst v63  }
0x792: {  	_ =	swait.ge [sflag:s31], $0x4000  }
0x793: {  	[sflag:s31] =	ssyncset.done $0x0  }
0x794: {  	[sflag:s31] =	ssyncadd.s32 $0xFFFFC000  }
0x795: {  	_ =	swait.ge [sflag:s26], $0x4000  }
0x796: {  	[sflag:s26] =	ssyncset.done $0x0  }
0x797: {  	[sflag:s26] =	ssyncadd.s32 $0xFFFFC000  }
0x798: {  	v0 =	vld [tilespmem:$0x103F8];
	_ =	sdelay $0x4  }
0x799: {  	v5 =	vshll.u32 v0, $0xD  }
0x79a: {  	(v2sf) =	vpush v5, $0x0;
	_ =	sdelay $0xb  }
0x79b: {  	(v2sf) =	vpush v5, $0x1;
	_ =	sdelay $0x2  }
0x79c: {  	s2 =	spop (v2sf)  }
0x79d: {  	s2 =	sshra.s32 s2, $0x2  }
0x79e: {  	v0 =	vmov s2;
	_ =	sdelay $0x4  }
0x79f: {  	v2 =	vld.idx.msk [tilespmem:v0+s6+$0x70 ss:$0x1], $0xffff  }
0x7a0: {  	v3 =	vld.idx.msk [tilespmem:v0+s6+$0x10 ss:$0x1], $0xffff  }
0x7a1: {  	v4 =	vld.idx.msk [tilespmem:v0+s6+$0x20 ss:$0x1], $0xffff  }
0x7a2: {  	v6 =	vld.idx.msk [tilespmem:v0+s6+$0x30 ss:$0x1], $0xffff  }
0x7a3: {  	v7 =	vld.idx.msk [tilespmem:v0+s6+$0x40 ss:$0x1], $0xffff  }
0x7a4: {  	s9 =	spop (v2sf);
	v8 =	vld.idx.msk [tilespmem:v0+s6+$0x50 ss:$0x1], $0xffff  }
0x7a5: {  	s2 =	sshra.s32 s9, $0x2;
	v10 =	vld.idx.msk [tilespmem:v0+s6+$0x60 ss:$0x1], $0xffff  }
0x7a6: {  	v1 =	vmov s2;
	s2 =	simm.s32 $0x14480;
	v11 =	vld.idx.msk [tilespmem:v0+s6+$0x0 ss:$0x1], $0xffff  }
0x7a7: {  	[tilespmem:s2+$0x70] =	vst.add.f32.msk $0xffff, v2  }
0x7a8: {  	[tilespmem:s2+$0x10] =	vst.add.f32.msk $0xffff, v3  }
0x7a9: {  	(v2sf) =	vpush v5, $0x2;
	[tilespmem:s2+$0x20] =	vst.add.f32.msk $0xffff, v4  }
0x7aa: {  	[tilespmem:s2+$0x30] =	vst.add.f32.msk $0xffff, v6  }
0x7ab: {  	[tilespmem:s2+$0x0] =	vst.add.f32.msk $0xffff, v11  }
0x7ac: {  	[tilespmem:s2+$0x40] =	vst.add.f32.msk $0xffff, v7  }
0x7ad: {  	[tilespmem:s2+$0x50] =	vst.add.f32.msk $0xffff, v8  }
0x7ae: {  	[tilespmem:s2+$0x60] =	vst.add.f32.msk $0xffff, v10  }
0x7af: {  	v9 =	vld.idx.msk [tilespmem:v1+s6+$0x70 ss:$0x1], $0xffff  }
0x7b0: {  	v6 =	vld.idx.msk [tilespmem:v1+s6+$0x0 ss:$0x1], $0xffff  }
0x7b1: {  	v8 =	vld.idx.msk [tilespmem:v1+s6+$0x10 ss:$0x1], $0xffff  }
0x7b2: {  	v51 =	vld.idx.msk [tilespmem:v1+s6+$0x20 ss:$0x1], $0xffff  }
0x7b3: {  	v52 =	vld.idx.msk [tilespmem:v1+s6+$0x30 ss:$0x1], $0xffff  }
0x7b4: {  	v53 =	vld.idx.msk [tilespmem:v1+s6+$0x40 ss:$0x1], $0xffff  }
0x7b5: {  	v12 =	vld.idx.msk [tilespmem:v1+s6+$0x50 ss:$0x1], $0xffff  }
0x7b6: {  	v13 =	vld.idx.msk [tilespmem:v1+s6+$0x60 ss:$0x1], $0xffff  }
0x7b7: {  	[tilespmem:s2+$0xF0] =	vst.add.f32.msk $0xffff, v9  }
0x7b8: {  	s7 =	spop (v2sf);
	[tilespmem:s2+$0x80] =	vst.add.f32.msk $0xffff, v6  }
0x7b9: {  	(v2sf) =	vpush v5, $0x3;
	s7 =	sshra.s32 s7, $0x2;
	[tilespmem:s2+$0x90] =	vst.add.f32.msk $0xffff, v8  }
0x7ba: {  	v2 =	vmov s7;
	[tilespmem:s2+$0xA0] =	vst.add.f32.msk $0xffff, v51  }
0x7bb: {  	[tilespmem:s2+$0xB0] =	vst.add.f32.msk $0xffff, v52  }
0x7bc: {  	[tilespmem:s2+$0xC0] =	vst.add.f32.msk $0xffff, v53  }
0x7bd: {  	[tilespmem:s2+$0xD0] =	vst.add.f32.msk $0xffff, v12  }
0x7be: {  	[tilespmem:s2+$0xE0] =	vst.add.f32.msk $0xffff, v13  }
0x7bf: {  	v4 =	vld.idx.msk [tilespmem:v2+s6+$0x70 ss:$0x1], $0xffff  }
0x7c0: {  	v8 =	vld.idx.msk [tilespmem:v2+s6+$0x0 ss:$0x1], $0xffff  }
0x7c1: {  	v54 =	vld.idx.msk [tilespmem:v2+s6+$0x10 ss:$0x1], $0xffff  }
0x7c2: {  	v56 =	vld.idx.msk [tilespmem:v2+s6+$0x20 ss:$0x1], $0xffff  }
0x7c3: {  	v57 =	vld.idx.msk [tilespmem:v2+s6+$0x30 ss:$0x1], $0xffff  }
0x7c4: {  	v58 =	vld.idx.msk [tilespmem:v2+s6+$0x40 ss:$0x1], $0xffff  }
0x7c5: {  	v14 =	vld.idx.msk [tilespmem:v2+s6+$0x50 ss:$0x1], $0xffff  }
0x7c6: {  	v15 =	vld.idx.msk [tilespmem:v2+s6+$0x60 ss:$0x1], $0xffff  }
0x7c7: {  	[tilespmem:s2+$0x170] =	vst.add.f32.msk $0xffff, v4  }
0x7c8: {  	s11 =	spop (v2sf);
	[tilespmem:s2+$0x100] =	vst.add.f32.msk $0xffff, v8  }
0x7c9: {  	(v2sf) =	vpush v5, $0x4;
	s7 =	sshra.s32 s11, $0x2;
	[tilespmem:s2+$0x110] =	vst.add.f32.msk $0xffff, v54  }
0x7ca: {  	v3 =	vmov s7;
	[tilespmem:s2+$0x120] =	vst.add.f32.msk $0xffff, v56  }
0x7cb: {  	[tilespmem:s2+$0x130] =	vst.add.f32.msk $0xffff, v57  }
0x7cc: {  	[tilespmem:s2+$0x140] =	vst.add.f32.msk $0xffff, v58  }
0x7cd: {  	[tilespmem:s2+$0x150] =	vst.add.f32.msk $0xffff, v14  }
0x7ce: {  	[tilespmem:s2+$0x160] =	vst.add.f32.msk $0xffff, v15  }
0x7cf: {  	v7 =	vld.idx.msk [tilespmem:v3+s6+$0x70 ss:$0x1], $0xffff  }
0x7d0: {  	v8 =	vld.idx.msk [tilespmem:v3+s6+$0x0 ss:$0x1], $0xffff  }
0x7d1: {  	v9 =	vld.idx.msk [tilespmem:v3+s6+$0x10 ss:$0x1], $0xffff  }
0x7d2: {  	v59 =	vld.idx.msk [tilespmem:v3+s6+$0x20 ss:$0x1], $0xffff  }
0x7d3: {  	v60 =	vld.idx.msk [tilespmem:v3+s6+$0x30 ss:$0x1], $0xffff  }
0x7d4: {  	v61 =	vld.idx.msk [tilespmem:v3+s6+$0x40 ss:$0x1], $0xffff  }
0x7d5: {  	v62 =	vld.idx.msk [tilespmem:v3+s6+$0x50 ss:$0x1], $0xffff  }
0x7d6: {  	v63 =	vld.idx.msk [tilespmem:v3+s6+$0x60 ss:$0x1], $0xffff  }
0x7d7: {  	(v2sf) =	vpush v5, $0x5;
	[tilespmem:s2+$0x1F0] =	vst.add.f32.msk $0xffff, v7  }
0x7d8: {  	s12 =	spop (v2sf);
	[tilespmem:s2+$0x180] =	vst.add.f32.msk $0xffff, v8  }
0x7d9: {  	s7 =	sshra.s32 s12, $0x2;
	[tilespmem:s2+$0x190] =	vst.add.f32.msk $0xffff, v9  }
0x7da: {  	v4 =	vmov s7;
	[tilespmem:s2+$0x1A0] =	vst.add.f32.msk $0xffff, v59  }
0x7db: {  	[tilespmem:s2+$0x1B0] =	vst.add.f32.msk $0xffff, v60  }
0x7dc: {  	[tilespmem:s2+$0x1C0] =	vst.add.f32.msk $0xffff, v61  }
0x7dd: {  	[tilespmem:s2+$0x1D0] =	vst.add.f32.msk $0xffff, v62  }
0x7de: {  	[tilespmem:s2+$0x1E0] =	vst.add.f32.msk $0xffff, v63  }
0x7df: {  	v7 =	vld.idx.msk [tilespmem:v4+s6+$0x70 ss:$0x1], $0xffff  }
0x7e0: {  	v8 =	vld.idx.msk [tilespmem:v4+s6+$0x0 ss:$0x1], $0xffff  }
0x7e1: {  	v9 =	vld.idx.msk [tilespmem:v4+s6+$0x10 ss:$0x1], $0xffff  }
0x7e2: {  	v11 =	vld.idx.msk [tilespmem:v4+s6+$0x30 ss:$0x1], $0xffff  }
0x7e3: {  	v12 =	vld.idx.msk [tilespmem:v4+s6+$0x40 ss:$0x1], $0xffff  }
0x7e4: {  	v13 =	vld.idx.msk [tilespmem:v4+s6+$0x50 ss:$0x1], $0xffff  }
0x7e5: {  	(v2sf) =	vpush v5, $0x6;
	v14 =	vld.idx.msk [tilespmem:v4+s6+$0x60 ss:$0x1], $0xffff  }
0x7e6: {  	s14 =	spop (v2sf);
	[tilespmem:s2+$0x270] =	vst.add.f32.msk $0xffff, v7  }
0x7e7: {  	s7 =	sshra.s32 s14, $0x2;
	[tilespmem:s2+$0x200] =	vst.add.f32.msk $0xffff, v8  }
0x7e8: {  	(v2sf) =	vpush v5, $0x7;
	v5 =	vmov s7;
	[tilespmem:s2+$0x210] =	vst.add.f32.msk $0xffff, v9  }
0x7e9: {  	[tilespmem:s2+$0x230] =	vst.add.f32.msk $0xffff, v11  }
0x7ea: {  	[tilespmem:s2+$0x240] =	vst.add.f32.msk $0xffff, v12  }
0x7eb: {  	[tilespmem:s2+$0x250] =	vst.add.f32.msk $0xffff, v13  }
0x7ec: {  	[tilespmem:s2+$0x260] =	vst.add.f32.msk $0xffff, v14  }
0x7ed: {  	v7 =	vld.idx.msk [tilespmem:v5+s6+$0x70 ss:$0x1], $0xffff  }
0x7ee: {  	v8 =	vld.idx.msk [tilespmem:v5+s6+$0x0 ss:$0x1], $0xffff  }
0x7ef: {  	v9 =	vld.idx.msk [tilespmem:v5+s6+$0x10 ss:$0x1], $0xffff  }
0x7f0: {  	v11 =	vld.idx.msk [tilespmem:v5+s6+$0x30 ss:$0x1], $0xffff  }
0x7f1: {  	v12 =	vld.idx.msk [tilespmem:v5+s6+$0x40 ss:$0x1], $0xffff  }
0x7f2: {  	v13 =	vld.idx.msk [tilespmem:v5+s6+$0x50 ss:$0x1], $0xffff  }
0x7f3: {  	v14 =	vld.idx.msk [tilespmem:v5+s6+$0x60 ss:$0x1], $0xffff  }
0x7f4: {  	s15 =	spop (v2sf);
	[tilespmem:s2+$0x2F0] =	vst.add.f32.msk $0xffff, v7  }
0x7f5: {  	s7 =	sshra.s32 s15, $0x2;
	[tilespmem:s2+$0x280] =	vst.add.f32.msk $0xffff, v8  }
0x7f6: {  	v6 =	vmov s7;
	[tilespmem:s2+$0x290] =	vst.add.f32.msk $0xffff, v9  }
0x7f7: {  	[tilespmem:s2+$0x2B0] =	vst.add.f32.msk $0xffff, v11  }
0x7f8: {  	[tilespmem:s2+$0x2C0] =	vst.add.f32.msk $0xffff, v12  }
0x7f9: {  	[tilespmem:s2+$0x2D0] =	vst.add.f32.msk $0xffff, v13  }
0x7fa: {  	s21 =	spop (v2sf);
	[tilespmem:s2+$0x2E0] =	vst.add.f32.msk $0xffff, v14  }
0x7fb: {  	s7 =	sshra.s32 s21, $0x2;
	v55 =	vld.idx.msk [tilespmem:v6+s6+$0x70 ss:$0x1], $0xffff  }
0x7fc: {  	v7 =	vmov s7;
	v8 =	vld.idx.msk [tilespmem:v6+s6+$0x0 ss:$0x1], $0xffff  }
0x7fd: {  	v9 =	vld.idx.msk [tilespmem:v6+s6+$0x10 ss:$0x1], $0xffff  }
0x7fe: {  	v11 =	vld.idx.msk [tilespmem:v6+s6+$0x30 ss:$0x1], $0xffff  }
0x7ff: {  	v12 =	vld.idx.msk [tilespmem:v6+s6+$0x40 ss:$0x1], $0xffff  }
0x800: {  	[tilespmem:s2+$0x370] =	vst.add.f32.msk $0xffff, v55  }
0x801: {  	v10 =	vld.idx.msk [tilespmem:v7+s6+$0x70 ss:$0x1], $0xffff  }
0x802: {  	v13 =	vld.idx.msk [tilespmem:v6+s6+$0x50 ss:$0x1], $0xffff  }
0x803: {  	v14 =	vld.idx.msk [tilespmem:v6+s6+$0x60 ss:$0x1], $0xffff  }
0x804: {  	[tilespmem:s2+$0x300] =	vst.add.f32.msk $0xffff, v8  }
0x805: {  	[tilespmem:s2+$0x310] =	vst.add.f32.msk $0xffff, v9  }
0x806: {  	[tilespmem:s2+$0x3F0] =	vst.add.f32.msk $0xffff, v10  }
0x807: {  	v10 =	vld.idx.msk [tilespmem:v4+s6+$0x20 ss:$0x1], $0xffff  }
0x808: {  	[tilespmem:s2+$0x330] =	vst.add.f32.msk $0xffff, v11  }
0x809: {  	[tilespmem:s2+$0x340] =	vst.add.f32.msk $0xffff, v12  }
0x80a: {  	[tilespmem:s2+$0x350] =	vst.add.f32.msk $0xffff, v13  }
0x80b: {  	[tilespmem:s2+$0x360] =	vst.add.f32.msk $0xffff, v14  }
0x80c: {  	[tilespmem:s2+$0x220] =	vst.add.f32.msk $0xffff, v10  }
0x80d: {  	v10 =	vld.idx.msk [tilespmem:v5+s6+$0x20 ss:$0x1], $0xffff  }
0x80e: {  	v8 =	vld.idx.msk [tilespmem:v7+s6+$0x0 ss:$0x1], $0xffff  }
0x80f: {  	v9 =	vld.idx.msk [tilespmem:v7+s6+$0x10 ss:$0x1], $0xffff  }
0x810: {  	v11 =	vld.idx.msk [tilespmem:v7+s6+$0x30 ss:$0x1], $0xffff  }
0x811: {  	v12 =	vld.idx.msk [tilespmem:v7+s6+$0x40 ss:$0x1], $0xffff  }
0x812: {  	[tilespmem:s2+$0x2A0] =	vst.add.f32.msk $0xffff, v10  }
0x813: {  	v10 =	vld.idx.msk [tilespmem:v6+s6+$0x20 ss:$0x1], $0xffff  }
0x814: {  	v13 =	vld.idx.msk [tilespmem:v7+s6+$0x50 ss:$0x1], $0xffff  }
0x815: {  	v14 =	vld.idx.msk [tilespmem:v7+s6+$0x60 ss:$0x1], $0xffff  }
0x816: {  	[tilespmem:s2+$0x380] =	vst.add.f32.msk $0xffff, v8  }
0x817: {  	[tilespmem:s2+$0x390] =	vst.add.f32.msk $0xffff, v9  }
0x818: {  	[tilespmem:s2+$0x320] =	vst.add.f32.msk $0xffff, v10  }
0x819: {  	v10 =	vld.idx.msk [tilespmem:v7+s6+$0x20 ss:$0x1], $0xffff  }
0x81a: {  	[tilespmem:s2+$0x3B0] =	vst.add.f32.msk $0xffff, v11  }
0x81b: {  	[tilespmem:s2+$0x3C0] =	vst.add.f32.msk $0xffff, v12  }
0x81c: {  	[tilespmem:s2+$0x3D0] =	vst.add.f32.msk $0xffff, v13  }
0x81d: {  	[tilespmem:s2+$0x3E0] =	vst.add.f32.msk $0xffff, v14  }
0x81e: {  	s7 =	simm.s32 $0x80;
	s6 =	simm.s32 $0x0;
	[tilespmem:s2+$0x3A0] =	vst.add.f32.msk $0xffff, v10  }
.LBB2_18:
0x81f: {  	v8 =	vld.idx.msk [tilespmem:v0+s7+$0x70 ss:$0x1], $0xffff;
	s6 =	sadd.s32 $0x80, s6  }
0x820: {  	v9 =	vld.idx.msk [tilespmem:v0+s7+$0x10 ss:$0x1], $0xffff;
	p0 =	slt.u32 s6, $0x780  }
0x821: {  	v10 =	vld.idx.msk [tilespmem:v0+s7+$0x20 ss:$0x1], $0xffff  }
0x822: {  	v11 =	vld.idx.msk [tilespmem:v0+s7+$0x30 ss:$0x1], $0xffff  }
0x823: {  	v12 =	vld.idx.msk [tilespmem:v0+s7+$0x40 ss:$0x1], $0xffff  }
0x824: {  	s2 =	sadd.s32 $0x400, s2;
	v13 =	vld.idx.msk [tilespmem:v0+s7+$0x50 ss:$0x1], $0xffff  }
0x825: {  	[tilespmem:s2+$0x70] =	vst.add.f32.msk $0xffff, v8  }
0x826: {  	v8 =	vld.idx.msk [tilespmem:v1+s7+$0x70 ss:$0x1], $0xffff  }
0x827: {  	v14 =	vld.idx.msk [tilespmem:v0+s7+$0x60 ss:$0x1], $0xffff  }
0x828: {  	v15 =	vld.idx.msk [tilespmem:v0+s7+$0x0 ss:$0x1], $0xffff  }
0x829: {  	[tilespmem:s2+$0x10] =	vst.add.f32.msk $0xffff, v9  }
0x82a: {  	[tilespmem:s2+$0x20] =	vst.add.f32.msk $0xffff, v10  }
0x82b: {  	[tilespmem:s2+$0x30] =	vst.add.f32.msk $0xffff, v11  }
0x82c: {  	[tilespmem:s2+$0xF0] =	vst.add.f32.msk $0xffff, v8  }
0x82d: {  	v8 =	vld.idx.msk [tilespmem:v2+s7+$0x70 ss:$0x1], $0xffff  }
0x82e: {  	[tilespmem:s2+$0x0] =	vst.add.f32.msk $0xffff, v15  }
0x82f: {  	[tilespmem:s2+$0x40] =	vst.add.f32.msk $0xffff, v12  }
0x830: {  	[tilespmem:s2+$0x50] =	vst.add.f32.msk $0xffff, v13  }
0x831: {  	[tilespmem:s2+$0x60] =	vst.add.f32.msk $0xffff, v14  }
0x832: {  	v9 =	vld.idx.msk [tilespmem:v1+s7+$0x0 ss:$0x1], $0xffff  }
0x833: {  	[tilespmem:s2+$0x170] =	vst.add.f32.msk $0xffff, v8  }
0x834: {  	v8 =	vld.idx.msk [tilespmem:v3+s7+$0x70 ss:$0x1], $0xffff  }
0x835: {  	v10 =	vld.idx.msk [tilespmem:v1+s7+$0x10 ss:$0x1], $0xffff  }
0x836: {  	v11 =	vld.idx.msk [tilespmem:v1+s7+$0x20 ss:$0x1], $0xffff  }
0x837: {  	v12 =	vld.idx.msk [tilespmem:v1+s7+$0x30 ss:$0x1], $0xffff  }
0x838: {  	v13 =	vld.idx.msk [tilespmem:v1+s7+$0x40 ss:$0x1], $0xffff  }
0x839: {  	v14 =	vld.idx.msk [tilespmem:v1+s7+$0x50 ss:$0x1], $0xffff  }
0x83a: {  	[tilespmem:s2+$0x1F0] =	vst.add.f32.msk $0xffff, v8  }
0x83b: {  	v8 =	vld.idx.msk [tilespmem:v4+s7+$0x70 ss:$0x1], $0xffff  }
0x83c: {  	v15 =	vld.idx.msk [tilespmem:v1+s7+$0x60 ss:$0x1], $0xffff  }
0x83d: {  	[tilespmem:s2+$0x80] =	vst.add.f32.msk $0xffff, v9  }
0x83e: {  	[tilespmem:s2+$0x90] =	vst.add.f32.msk $0xffff, v10  }
0x83f: {  	[tilespmem:s2+$0xA0] =	vst.add.f32.msk $0xffff, v11  }
0x840: {  	[tilespmem:s2+$0xB0] =	vst.add.f32.msk $0xffff, v12  }
0x841: {  	[tilespmem:s2+$0x270] =	vst.add.f32.msk $0xffff, v8  }
0x842: {  	v8 =	vld.idx.msk [tilespmem:v5+s7+$0x70 ss:$0x1], $0xffff  }
0x843: {  	[tilespmem:s2+$0xC0] =	vst.add.f32.msk $0xffff, v13  }
0x844: {  	[tilespmem:s2+$0xD0] =	vst.add.f32.msk $0xffff, v14  }
0x845: {  	[tilespmem:s2+$0xE0] =	vst.add.f32.msk $0xffff, v15  }
0x846: {  	v9 =	vld.idx.msk [tilespmem:v2+s7+$0x0 ss:$0x1], $0xffff  }
0x847: {  	v10 =	vld.idx.msk [tilespmem:v2+s7+$0x10 ss:$0x1], $0xffff  }
0x848: {  	[tilespmem:s2+$0x2F0] =	vst.add.f32.msk $0xffff, v8  }
0x849: {  	v8 =	vld.idx.msk [tilespmem:v6+s7+$0x70 ss:$0x1], $0xffff  }
0x84a: {  	v11 =	vld.idx.msk [tilespmem:v2+s7+$0x20 ss:$0x1], $0xffff  }
0x84b: {  	v12 =	vld.idx.msk [tilespmem:v2+s7+$0x30 ss:$0x1], $0xffff  }
0x84c: {  	v13 =	vld.idx.msk [tilespmem:v2+s7+$0x40 ss:$0x1], $0xffff  }
0x84d: {  	v14 =	vld.idx.msk [tilespmem:v2+s7+$0x50 ss:$0x1], $0xffff  }
0x84e: {  	v15 =	vld.idx.msk [tilespmem:v2+s7+$0x60 ss:$0x1], $0xffff  }
0x84f: {  	[tilespmem:s2+$0x370] =	vst.add.f32.msk $0xffff, v8  }
0x850: {  	v8 =	vld.idx.msk [tilespmem:v7+s7+$0x70 ss:$0x1], $0xffff  }
0x851: {  	[tilespmem:s2+$0x100] =	vst.add.f32.msk $0xffff, v9  }
0x852: {  	[tilespmem:s2+$0x110] =	vst.add.f32.msk $0xffff, v10  }
0x853: {  	[tilespmem:s2+$0x120] =	vst.add.f32.msk $0xffff, v11  }
0x854: {  	[tilespmem:s2+$0x130] =	vst.add.f32.msk $0xffff, v12  }
0x855: {  	[tilespmem:s2+$0x140] =	vst.add.f32.msk $0xffff, v13  }
0x856: {  	[tilespmem:s2+$0x3F0] =	vst.add.f32.msk $0xffff, v8  }
0x857: {  	[tilespmem:s2+$0x150] =	vst.add.f32.msk $0xffff, v14  }
0x858: {  	[tilespmem:s2+$0x160] =	vst.add.f32.msk $0xffff, v15  }
0x859: {  	v8 =	vld.idx.msk [tilespmem:v3+s7+$0x0 ss:$0x1], $0xffff  }
0x85a: {  	v9 =	vld.idx.msk [tilespmem:v3+s7+$0x10 ss:$0x1], $0xffff  }
0x85b: {  	v10 =	vld.idx.msk [tilespmem:v3+s7+$0x20 ss:$0x1], $0xffff  }
0x85c: {  	v11 =	vld.idx.msk [tilespmem:v3+s7+$0x30 ss:$0x1], $0xffff  }
0x85d: {  	v12 =	vld.idx.msk [tilespmem:v3+s7+$0x40 ss:$0x1], $0xffff  }
0x85e: {  	v13 =	vld.idx.msk [tilespmem:v3+s7+$0x50 ss:$0x1], $0xffff  }
0x85f: {  	v14 =	vld.idx.msk [tilespmem:v3+s7+$0x60 ss:$0x1], $0xffff  }
0x860: {  	[tilespmem:s2+$0x180] =	vst.add.f32.msk $0xffff, v8  }
0x861: {  	[tilespmem:s2+$0x190] =	vst.add.f32.msk $0xffff, v9  }
0x862: {  	[tilespmem:s2+$0x1A0] =	vst.add.f32.msk $0xffff, v10  }
0x863: {  	[tilespmem:s2+$0x1B0] =	vst.add.f32.msk $0xffff, v11  }
0x864: {  	[tilespmem:s2+$0x1C0] =	vst.add.f32.msk $0xffff, v12  }
0x865: {  	[tilespmem:s2+$0x1D0] =	vst.add.f32.msk $0xffff, v13  }
0x866: {  	[tilespmem:s2+$0x1E0] =	vst.add.f32.msk $0xffff, v14  }
0x867: {  	v8 =	vld.idx.msk [tilespmem:v4+s7+$0x0 ss:$0x1], $0xffff  }
0x868: {  	v9 =	vld.idx.msk [tilespmem:v4+s7+$0x10 ss:$0x1], $0xffff  }
0x869: {  	v10 =	vld.idx.msk [tilespmem:v4+s7+$0x20 ss:$0x1], $0xffff  }
0x86a: {  	v11 =	vld.idx.msk [tilespmem:v4+s7+$0x30 ss:$0x1], $0xffff  }
0x86b: {  	v12 =	vld.idx.msk [tilespmem:v4+s7+$0x40 ss:$0x1], $0xffff  }
0x86c: {  	v13 =	vld.idx.msk [tilespmem:v4+s7+$0x50 ss:$0x1], $0xffff  }
0x86d: {  	v14 =	vld.idx.msk [tilespmem:v4+s7+$0x60 ss:$0x1], $0xffff  }
0x86e: {  	[tilespmem:s2+$0x200] =	vst.add.f32.msk $0xffff, v8  }
0x86f: {  	[tilespmem:s2+$0x210] =	vst.add.f32.msk $0xffff, v9  }
0x870: {  	[tilespmem:s2+$0x220] =	vst.add.f32.msk $0xffff, v10  }
0x871: {  	[tilespmem:s2+$0x230] =	vst.add.f32.msk $0xffff, v11  }
0x872: {  	[tilespmem:s2+$0x240] =	vst.add.f32.msk $0xffff, v12  }
0x873: {  	[tilespmem:s2+$0x250] =	vst.add.f32.msk $0xffff, v13  }
0x874: {  	[tilespmem:s2+$0x260] =	vst.add.f32.msk $0xffff, v14  }
0x875: {  	v8 =	vld.idx.msk [tilespmem:v5+s7+$0x0 ss:$0x1], $0xffff  }
0x876: {  	v9 =	vld.idx.msk [tilespmem:v5+s7+$0x10 ss:$0x1], $0xffff  }
0x877: {  	v10 =	vld.idx.msk [tilespmem:v5+s7+$0x20 ss:$0x1], $0xffff  }
0x878: {  	v11 =	vld.idx.msk [tilespmem:v5+s7+$0x30 ss:$0x1], $0xffff  }
0x879: {  	v12 =	vld.idx.msk [tilespmem:v5+s7+$0x40 ss:$0x1], $0xffff  }
0x87a: {  	v13 =	vld.idx.msk [tilespmem:v5+s7+$0x50 ss:$0x1], $0xffff  }
0x87b: {  	v14 =	vld.idx.msk [tilespmem:v5+s7+$0x60 ss:$0x1], $0xffff  }
0x87c: {  	[tilespmem:s2+$0x280] =	vst.add.f32.msk $0xffff, v8  }
0x87d: {  	[tilespmem:s2+$0x290] =	vst.add.f32.msk $0xffff, v9  }
0x87e: {  	[tilespmem:s2+$0x2A0] =	vst.add.f32.msk $0xffff, v10  }
0x87f: {  	[tilespmem:s2+$0x2B0] =	vst.add.f32.msk $0xffff, v11  }
0x880: {  	[tilespmem:s2+$0x2C0] =	vst.add.f32.msk $0xffff, v12  }
0x881: {  	[tilespmem:s2+$0x2D0] =	vst.add.f32.msk $0xffff, v13  }
0x882: {  	[tilespmem:s2+$0x2E0] =	vst.add.f32.msk $0xffff, v14  }
0x883: {  	v8 =	vld.idx.msk [tilespmem:v6+s7+$0x0 ss:$0x1], $0xffff  }
0x884: {  	v9 =	vld.idx.msk [tilespmem:v6+s7+$0x10 ss:$0x1], $0xffff  }
0x885: {  	v10 =	vld.idx.msk [tilespmem:v6+s7+$0x20 ss:$0x1], $0xffff  }
0x886: {  	v11 =	vld.idx.msk [tilespmem:v6+s7+$0x30 ss:$0x1], $0xffff  }
0x887: {  	v12 =	vld.idx.msk [tilespmem:v6+s7+$0x40 ss:$0x1], $0xffff  }
0x888: {  	v13 =	vld.idx.msk [tilespmem:v6+s7+$0x50 ss:$0x1], $0xffff  }
0x889: {  	v14 =	vld.idx.msk [tilespmem:v6+s7+$0x60 ss:$0x1], $0xffff  }
0x88a: {  	[tilespmem:s2+$0x300] =	vst.add.f32.msk $0xffff, v8  }
0x88b: {  	[tilespmem:s2+$0x310] =	vst.add.f32.msk $0xffff, v9  }
0x88c: {  	[tilespmem:s2+$0x320] =	vst.add.f32.msk $0xffff, v10  }
0x88d: {  	[tilespmem:s2+$0x330] =	vst.add.f32.msk $0xffff, v11  }
0x88e: {  	[tilespmem:s2+$0x340] =	vst.add.f32.msk $0xffff, v12  }
0x88f: {  	[tilespmem:s2+$0x350] =	vst.add.f32.msk $0xffff, v13  }
0x890: {  	[tilespmem:s2+$0x360] =	vst.add.f32.msk $0xffff, v14  }
0x891: {  	v8 =	vld.idx.msk [tilespmem:v7+s7+$0x0 ss:$0x1], $0xffff  }
0x892: {  	v9 =	vld.idx.msk [tilespmem:v7+s7+$0x10 ss:$0x1], $0xffff  }
0x893: {  	v10 =	vld.idx.msk [tilespmem:v7+s7+$0x20 ss:$0x1], $0xffff  }
0x894: {  	v11 =	vld.idx.msk [tilespmem:v7+s7+$0x30 ss:$0x1], $0xffff  }
0x895: {  	v12 =	vld.idx.msk [tilespmem:v7+s7+$0x40 ss:$0x1], $0xffff  }
0x896: {  	v13 =	vld.idx.msk [tilespmem:v7+s7+$0x50 ss:$0x1], $0xffff  }
0x897: {  	v14 =	vld.idx.msk [tilespmem:v7+s7+$0x60 ss:$0x1], $0xffff  }
0x898: {  	[tilespmem:s2+$0x380] =	vst.add.f32.msk $0xffff, v8  }
0x899: {  	[tilespmem:s2+$0x390] =	vst.add.f32.msk $0xffff, v9  }
.Ltmp8:
0x89a: {  	[tilespmem:s2+$0x3A0] =	vst.add.f32.msk $0xffff, v10;
	(pc) =	sbr.rel @p0 .LBB2_18-.Ltmp8, $4  }
0x89b: {  	[tilespmem:s2+$0x3B0] =	vst.add.f32.msk $0xffff, v11  }
0x89c: {  	[tilespmem:s2+$0x3C0] =	vst.add.f32.msk $0xffff, v12  }
0x89d: {  	[tilespmem:s2+$0x3D0] =	vst.add.f32.msk $0xffff, v13  }
0x89e: {  	s7 =	sadd.s32 $0x80, s7;
	[tilespmem:s2+$0x3E0] =	vst.add.f32.msk $0xffff, v14  }
0x89f: {  	[hbm4b:s18+s4] =	stream.linear.scatter [tilespmem:s22], [sflag:$0x5], $0x4000, $0x38;
	[tilespmem:$0x1C480] =	vst v63  }
0x8a0: {  	s0 =	sadd.s32 $0x1, s0  }
0x8a1: {  	_ =	swait.ge [sflag:s28], $0x4000;
	p0 =	sne.s32 s0, s19  }
.Ltmp9:
0x8a2: {  	[sflag:s28] =	ssyncset.done $0x0;
	(pc) =	sbr.rel @p0 .LBB2_1-.Ltmp9, $4  }
0x8a3: {  	[sflag:s28] =	ssyncadd.s32 $0xFFFFC000  }
0x8a4: {  	_ =	swait.ge [sflag:s30], $0x4000  }
0x8a5: {  	[sflag:s30] =	ssyncset.done $0x0  }
0x8a6: {  	[sflag:s30] =	ssyncadd.s32 $0xFFFFC000  }
0x8a7: {  	_ =	sfence.sel $0x180000  }
0x8a8: {  	[bflag:$0x0] =	sbarrier.arrive $0xFFFF  }
0x8a9: {  	_ =	strace $0x90000047  }
0x8aa: {  	s0 =	stileid.u32;
	[bflag:$0x2] =	sbarrier.arrive $0xFFFF  }
0x8ab: {  	p0 =	sne.s32 s0, $0x0;
	s0 =	rddreg [dreg:$0x4]  }
0x8ac: {  	s0 =	sadd.s32 @!p0 $0x100000, s0  }
0x8ad: {  	[sflag:s0] =	ssyncadd.tile.s32 @!p0 $0x1;
	_ =	shalt  }
.Lfunc_end2:
_tile_overlayer_lowered:
.L_overlay_start_2:
0x8ae: {  	(tag) =	ssettag $0x2  }
0x8af: {  	s0 =	rddreg [dreg:$0x0];
	s2 =	stileid.u32  }
0x8b0: {  	s1 =	rddreg [dreg:$0x1];
	p0 =	sne.s32 s2, $0x0  }
0x8b1: {  	s3 =	rddreg [dreg:$0x2];
	[bflag:$0x3] =	sbarrier.arrive $0xFFFF;
	s2 =	simm.s32 @!p0 $0x1C07  }
0x8b2: {  	[timem:s3], [sflag:s2] =	dma.local @!p0 [hbm:s0], s1  }
0x8b3: {  	s0 =	simm.s32 @!p0 $0x7  }
0x8b4: {  	_ =	swait.ge @!p0 [sflag:s0], s1  }
0x8b5: {  	s1 =	ssub.s32 @!p0 $0x0, s1;
	[sflag:s0] =	ssyncset.done @!p0 $0x0  }
0x8b6: {  	[sflag:s0] =	ssyncadd.s32 @!p0 s1  }
0x8b7: {  	[bflag:$0x3] =	sbarrier.arrive $0xFFFF  }
0x8b8: {  	_ =	shalt  }

</sc_bundles>
